<compile_context>
chip_gen: v7x
topology: tpu7x:2x2x1
jax: 0.10.2.dev20260603
libtpu: 0.0.44.dev20260713+nightly
codegen_flags: <defaults>
</compile_context>

<pallas_src>
import functools

import jax
import jax.numpy as jnp
from jax import lax
from jax.experimental import pallas as pl
from jax.experimental.pallas import tpu as pltpu
from jax.experimental.pallas import tpu_sc as plsc

N = 10000
H = 128
EIN = 16
E = 320000
PADE = 7680
EG = E + PADE
E2 = 2 * EG
N2 = 2 * N
NPAD = 10240
NG = 256
NW = 32
CH = 128



NB = 5
LAG = NB - 2


def _sc_gather(h2, idx):
    mesh = plsc.VectorSubcoreMesh(core_axis_name="c", subcore_axis_name="s")
    epw = E2 // NW
    nch = epw // CH

    dt = h2.dtype
    kw = h2.shape[1]

    def body(h_hbm, idx_hbm, out_hbm, idx_all, rows, gsem, osem):
        wid = lax.axis_index("s") * 2 + lax.axis_index("c")
        base = wid * epw
        pltpu.sync_copy(idx_hbm.at[pl.ds(base, epw)], idx_all)

        def gstart(p):
            b = lax.rem(p, NB)
            pltpu.async_copy(h_hbm.at[idx_all.at[pl.ds(p * CH, CH)]],
                             rows.at[b], gsem.at[b])

        def gwait(p):
            b = lax.rem(p, NB)
            pltpu.make_async_copy(h_hbm.at[pl.ds(0, CH)], rows.at[b],
                                  gsem.at[b]).wait()

        def ostart(p):
            b = lax.rem(p, NB)
            pltpu.async_copy(rows.at[b],
                             out_hbm.at[pl.ds(base + p * CH, CH)],
                             osem.at[b])

        def owait(p):
            b = lax.rem(p, NB)
            pltpu.make_async_copy(rows.at[b],
                                  out_hbm.at[pl.ds(base + p * CH, CH)],
                                  osem.at[b]).wait()

        def step(p, carry):
            @pl.when(p < nch)
            def _():
                @pl.when(p >= NB)
                def _():
                    owait(p - NB)
                gstart(p)

            @pl.when(p >= LAG)
            def _():
                gwait(p - LAG)
                ostart(p - LAG)
            return carry

        lax.fori_loop(0, nch + LAG, step, 0)
        for q in range(nch - NB, nch):
            owait(q)

    f = pl.kernel(
        body,
        out_type=jax.ShapeDtypeStruct((E2, kw), dt),
        mesh=mesh,
        scratch_types=[
            pltpu.VMEM((epw,), jnp.int32),
            pltpu.VMEM((NB, CH, kw), dt),
            pltpu.SemaphoreType.DMA((NB,)),
            pltpu.SemaphoreType.DMA((NB,)),
        ],
    )
    return f(h2, idx)


def _sc_scatter(m, dst):
    mesh = plsc.VectorSubcoreMesh(core_axis_name="c", subcore_axis_name="s")
    ept = EG // 16
    nch = ept // CH
    rpt = NPAD // 16

    nb = 2

    def body(m_hbm, dst_hbm, out_hbm, idxb, mbuf, zbuf, acc,
             isem, lsem, ssem):
        c = lax.axis_index("c")
        s = lax.axis_index("s")

        def zb(i, carry):
            zbuf[i // 8, pl.ds((i % 8) * 16, 16)] = jnp.zeros((16,), jnp.float32)
            return carry

        lax.fori_loop(0, 32 * 8, zb, 0)

        def za(i, carry):
            pltpu.sync_copy(zbuf, acc.at[pl.ds(s * rpt + i * 32, 32)])
            return carry

        lax.fori_loop(0, rpt // 32, za, 0)
        plsc.subcore_barrier()

        base = c * EG + s * ept

        def istart(p):
            b = lax.rem(p, nb)
            pltpu.async_copy(dst_hbm.at[c, s, p], idxb.at[b], isem.at[b])

        def iwait(p):
            b = lax.rem(p, nb)
            pltpu.make_async_copy(dst_hbm.at[c, s, p], idxb.at[b],
                                  isem.at[b]).wait()

        def lstart(p):
            b = lax.rem(p, nb)
            pltpu.async_copy(m_hbm.at[pl.ds(base + p * CH, CH)],
                             mbuf.at[b], lsem.at[b])

        def lwait(p):
            b = lax.rem(p, nb)
            pltpu.make_async_copy(m_hbm.at[pl.ds(base + p * CH, CH)],
                                  mbuf.at[b], lsem.at[b]).wait()

        def sstart(p):
            b = lax.rem(p, nb)
            pltpu.async_copy(mbuf.at[b], acc.at[idxb.at[b]],
                             ssem.at[b], add=True)

        def swait(p):
            b = lax.rem(p, nb)
            pltpu.make_async_copy(mbuf.at[b], acc.at[pl.ds(0, CH)],
                                  ssem.at[b]).wait()

        def step(p, carry):
            @pl.when(p < nch)
            def _():
                @pl.when(p >= nb)
                def _():
                    swait(p - nb)
                istart(p)
                lstart(p)

            @pl.when(p >= 1)
            def _():
                iwait(p - 1)
                lwait(p - 1)
                sstart(p - 1)
            return carry

        lax.fori_loop(0, nch + 1, step, 0)
        swait(nch - 2)
        swait(nch - 1)
        plsc.subcore_barrier()

        pltpu.sync_copy(acc.at[pl.ds(s * rpt, rpt)],
                        out_hbm.at[c, pl.ds(s * rpt, rpt)])

    f = pl.kernel(
        body,
        out_type=jax.ShapeDtypeStruct((2, NPAD, H), jnp.float32),
        mesh=mesh,
        scratch_types=[
            pltpu.VMEM((nb, CH), jnp.int32),
            pltpu.VMEM((nb, CH, H), jnp.float32),
            pltpu.VMEM((32, H), jnp.float32),
            pltpu.VMEM_SHARED((NPAD, H), jnp.float32),
            pltpu.SemaphoreType.DMA((nb,)),
            pltpu.SemaphoreType.DMA((nb,)),
            pltpu.SemaphoreType.DMA((nb,)),
        ],
    )
    return f(m, dst)



def _tc_linear_relu(x, wt, b):
    bm = 2000
    grid = x.shape[0] // bm

    def body(x_ref, w_ref, b_ref, o_ref):
        o_ref[...] = jnp.maximum(
            jnp.dot(x_ref[...], w_ref[...], preferred_element_type=jnp.float32)
            + b_ref[...], 0.0)

    return pl.pallas_call(
        body,
        grid=(grid,),
        in_specs=[
            pl.BlockSpec((bm, x.shape[1]), lambda i: (i, 0)),
            pl.BlockSpec(wt.shape, lambda i: (0, 0)),
            pl.BlockSpec((1, wt.shape[1]), lambda i: (0, 0)),
        ],
        out_specs=pl.BlockSpec((bm, wt.shape[1]), lambda i: (i, 0)),
        out_shape=jax.ShapeDtypeStruct((x.shape[0], wt.shape[1]), jnp.float32),
    )(x, wt, b.reshape(1, -1))


def _tc_msg_mlp(hs, ea, w1h, w1e, b1, w2, b2):
    bm = 4096
    grid = E2 // bm

    def body(hs_ref, ea_ref, w1h_ref, w1e_ref, b1_ref, w2_ref,
             b2_ref, o_ref):
        m1 = jnp.dot(hs_ref[...], w1h_ref[...],
                     preferred_element_type=jnp.float32)
        m1 = m1 + jnp.dot(ea_ref[...], w1e_ref[...],
                          preferred_element_type=jnp.float32)
        m1 = jnp.maximum(m1 + b1_ref[...], 0.0)
        o_ref[...] = (jnp.dot(m1, w2_ref[...], preferred_element_type=jnp.float32)
                      + b2_ref[...])

    return pl.pallas_call(
        body,
        grid=(grid,),
        in_specs=[
            pl.BlockSpec((bm, H), lambda i: (i, 0)),
            pl.BlockSpec((bm, EIN), lambda i: (i, 0)),
            pl.BlockSpec((H, H), lambda i: (0, 0)),
            pl.BlockSpec((EIN, H), lambda i: (0, 0)),
            pl.BlockSpec((1, H), lambda i: (0, 0)),
            pl.BlockSpec((H, H), lambda i: (0, 0)),
            pl.BlockSpec((1, H), lambda i: (0, 0)),
        ],
        out_specs=pl.BlockSpec((bm, H), lambda i: (i, 0)),
        out_shape=jax.ShapeDtypeStruct((E2, H), jnp.float32),
    )(hs, ea, w1h, w1e, b1.reshape(1, H), w2, b2.reshape(1, H))


def _tc_gru(agg, h, wih_t, whh_t, bih, bhh, bn_scale, bn_shift):
    bm = 2000
    grid = N2 // bm

    def body(agg_ref, h_ref, wih_ref, whh_ref, bih_ref, bhh_ref,
             bs_ref, bb_ref, o_ref):
        hv = h_ref[...]
        gi = (jnp.dot(agg_ref[...], wih_ref[...],
                      preferred_element_type=jnp.float32) + bih_ref[...])
        gh = (jnp.dot(hv, whh_ref[...],
                      preferred_element_type=jnp.float32) + bhh_ref[...])
        r = jax.nn.sigmoid(gi[:, :H] + gh[:, :H])
        z = jax.nn.sigmoid(gi[:, H:2 * H] + gh[:, H:2 * H])
        nn = jnp.tanh(gi[:, 2 * H:] + r * gh[:, 2 * H:])
        hn = (1.0 - z) * nn + z * hv
        o_ref[...] = hv + hn * bs_ref[...] + bb_ref[...]

    return pl.pallas_call(
        body,
        grid=(grid,),
        in_specs=[
            pl.BlockSpec((bm, H), lambda i: (i, 0)),
            pl.BlockSpec((bm, H), lambda i: (i, 0)),
            pl.BlockSpec((H, 3 * H), lambda i: (0, 0)),
            pl.BlockSpec((H, 3 * H), lambda i: (0, 0)),
            pl.BlockSpec((1, 3 * H), lambda i: (0, 0)),
            pl.BlockSpec((1, 3 * H), lambda i: (0, 0)),
            pl.BlockSpec((1, H), lambda i: (0, 0)),
            pl.BlockSpec((1, H), lambda i: (0, 0)),
        ],
        out_specs=pl.BlockSpec((bm, H), lambda i: (i, 0)),
        out_shape=jax.ShapeDtypeStruct((N2, H), jnp.float32),
    )(agg, h, wih_t, whh_t, bih.reshape(1, -1), bhh.reshape(1, -1),
      bn_scale.reshape(1, H), bn_shift.reshape(1, H))


def _tc_readout(h, batch3d):
    bn = 1000
    grid = N2 // bn
    nseg = 2 * NG

    def body(h_ref, b_ref, bc_ref, zmean_ref, zmax_ref, accs, accm, accc):
        i = pl.program_id(0)

        @pl.when(i == 0)
        def _init():
            accs[...] = jnp.zeros_like(accs)
            accm[...] = jnp.full_like(accm, -1e30)
            accc[...] = jnp.zeros_like(accc)

        bv = b_ref[...].reshape(1, bn)
        hv = h_ref[...]
        seg = lax.broadcasted_iota(jnp.int32, (nseg, bn), 0)
        p = (seg == bv).astype(jnp.float32)
        accs[...] += jnp.dot(p, hv, preferred_element_type=jnp.float32)
        accc[...] += jnp.sum(p, axis=1, keepdims=True)

        g0 = jnp.min(bv)
        g1 = jnp.max(bv)

        bc = bc_ref[...]

        def gbody(g, carry):
            mask = bc == g
            hm = jnp.max(jnp.where(mask, hv, -1e30), axis=0, keepdims=True)
            accm[pl.ds(g, 1), :] = jnp.maximum(accm[pl.ds(g, 1), :], hm)
            return carry

        lax.fori_loop(g0, g1 + 1, gbody, 0)

        @pl.when(i == grid - 1)
        def _fin():
            cnt = accc[...]
            zmean_ref[...] = accs[...] / jnp.maximum(cnt, 1.0)
            zmax_ref[...] = jnp.where(cnt > 0.0, accm[...], 0.0)

    return pl.pallas_call(
        body,
        grid=(grid,),
        in_specs=[
            pl.BlockSpec((bn, H), lambda i: (i, 0)),
            pl.BlockSpec((1, 1, bn), lambda i: (i, 0, 0)),
            pl.BlockSpec((bn, 1), lambda i: (i, 0)),
        ],
        out_specs=[
            pl.BlockSpec((nseg, H), lambda i: (0, 0)),
            pl.BlockSpec((nseg, H), lambda i: (0, 0)),
        ],
        out_shape=[
            jax.ShapeDtypeStruct((nseg, H), jnp.float32),
            jax.ShapeDtypeStruct((nseg, H), jnp.float32),
        ],
        scratch_shapes=[
            pltpu.VMEM((nseg, H), jnp.float32),
            pltpu.VMEM((nseg, H), jnp.float32),
            pltpu.VMEM((nseg, 1), jnp.float32),
        ],
    )(h, batch3d, batch3d.reshape(N2, 1))


def _tc_head(z_mean, z_max, aux1, aux2, pk):
    def ln(x, g, b):
        mu = jnp.mean(x, axis=-1, keepdims=True)
        v = jnp.mean((x - mu) ** 2, axis=-1, keepdims=True)
        return (x - mu) * lax.rsqrt(v + 1e-5) * g + b

    def dot(a, b):
        return jnp.dot(a, b, preferred_element_type=jnp.float32)

    def body(zm_ref, zx_ref, a1_ref, a2_ref,
             wr_ref, br_ref, aw1_ref, ab1_ref, aw2_ref, ab2_ref,
             f1w_ref, f1b_ref, f2w_ref, f2b_ref, flg_ref, flb_ref,
             g121w_ref, g121b_ref, g122w_ref, g122b_ref,
             g211w_ref, g211b_ref, g212w_ref, g212b_ref,
             c1g_ref, c1b_ref, c2g_ref, c2b_ref,
             s1w_ref, s1b_ref, s2w_ref, s2b_ref,
             lw_ref, lb_ref, cd1w_ref, cd1b_ref, cd2w_ref, cd2b_ref,
             logits_ref, card_ref):
        zcat = jnp.concatenate([zm_ref[...], zx_ref[...]], axis=1)
        z = jnp.maximum(dot(zcat, wr_ref[...]) + br_ref[...], 0.0)
        z1g = z[:NG]
        z2g = z[NG:]
        za1 = jnp.maximum(dot(a1_ref[...], aw1_ref[...]) + ab1_ref[...], 0.0)
        za1 = jnp.maximum(dot(za1, aw2_ref[...]) + ab2_ref[...], 0.0)
        za2 = jnp.maximum(dot(a2_ref[...], aw1_ref[...]) + ab1_ref[...], 0.0)
        za2 = jnp.maximum(dot(za2, aw2_ref[...]) + ab2_ref[...], 0.0)

        def fuse(zg, za):
            gin = jnp.concatenate([zg, za], axis=1)
            gpre = jnp.maximum(dot(gin, f1w_ref[...]) + f1b_ref[...], 0.0)
            g = jax.nn.sigmoid(dot(gpre, f2w_ref[...]) + f2b_ref[...])
            return ln(g * zg + (1.0 - g) * za, flg_ref[...], flb_ref[...])

        z1 = fuse(z1g, za1)
        z2 = fuse(z2g, za2)
        h12 = jnp.maximum(dot(jnp.concatenate([z1, z2], axis=1), g121w_ref[...])
                          + g121b_ref[...], 0.0)
        g12 = jax.nn.sigmoid(dot(h12, g122w_ref[...]) + g122b_ref[...])
        h21 = jnp.maximum(dot(jnp.concatenate([z2, z1], axis=1), g211w_ref[...])
                          + g211b_ref[...], 0.0)
        g21 = jax.nn.sigmoid(dot(h21, g212w_ref[...]) + g212b_ref[...])
        z1n = ln(z1 + g12 * z2, c1g_ref[...], c1b_ref[...])
        z2n = ln(z2 + g21 * z1, c2g_ref[...], c2b_ref[...])
        feat = jnp.concatenate(
            [z1n, z2n, jnp.abs(z1n - z2n), z1n * z2n], axis=1)
        hsh = jnp.maximum(dot(feat, s1w_ref[...]) + s1b_ref[...], 0.0)
        hsh = jnp.maximum(dot(hsh, s2w_ref[...]) + s2b_ref[...], 0.0)
        logits_ref[...] = dot(hsh, lw_ref[...]) + lb_ref[...]
        cd = jnp.maximum(dot(hsh, cd1w_ref[...]) + cd1b_ref[...], 0.0)
        cd = dot(cd, cd2w_ref[...]) + cd2b_ref[...]
        card_ref[...] = (jnp.maximum(cd, 0.0)
                         + jnp.log(1.0 + jnp.exp(-jnp.abs(cd))))

    args = (
        z_mean, z_max, aux1, aux2,
        pk["readout"]["w"].T, pk["readout"]["b"].reshape(1, -1),
        pk["aux1"]["w"].T, pk["aux1"]["b"].reshape(1, -1),
        pk["aux2"]["w"].T, pk["aux2"]["b"].reshape(1, -1),
        pk["fus1"]["w"].T, pk["fus1"]["b"].reshape(1, -1),
        pk["fus2"]["w"].T, pk["fus2"]["b"].reshape(1, -1),
        pk["fus_ln_g"].reshape(1, -1), pk["fus_ln_b"].reshape(1, -1),
        pk["g12_1"]["w"].T, pk["g12_1"]["b"].reshape(1, -1),
        pk["g12_2"]["w"].T, pk["g12_2"]["b"].reshape(1, -1),
        pk["g21_1"]["w"].T, pk["g21_1"]["b"].reshape(1, -1),
        pk["g21_2"]["w"].T, pk["g21_2"]["b"].reshape(1, -1),
        pk["cg_ln1_g"].reshape(1, -1), pk["cg_ln1_b"].reshape(1, -1),
        pk["cg_ln2_g"].reshape(1, -1), pk["cg_ln2_b"].reshape(1, -1),
        pk["sh1"]["w"].T, pk["sh1"]["b"].reshape(1, -1),
        pk["sh2"]["w"].T, pk["sh2"]["b"].reshape(1, -1),
        pk["label"]["w"].T, pk["label"]["b"].reshape(1, -1),
        pk["card1"]["w"].T, pk["card1"]["b"].reshape(1, -1),
        pk["card2"]["w"].T, pk["card2"]["b"].reshape(1, -1),
    )
    return pl.pallas_call(
        body,
        out_shape=[
            jax.ShapeDtypeStruct((NG, 86), jnp.float32),
            jax.ShapeDtypeStruct((NG, 1), jnp.float32),
        ],
    )(*args)



def kernel(g1_x, g1_edge_index, g1_edge_attr, g1_batch,
           g2_x, g2_edge_index, g2_edge_attr, g2_batch,
           aux1, aux2, n_graphs, params):
    f32 = jnp.float32
    x2 = jnp.concatenate([g1_x, g2_x], axis=0)
    pad_i = jnp.zeros((PADE,), jnp.int32)
    pad_d = jnp.full((PADE,), N, jnp.int32)
    pad_e = jnp.zeros((PADE, EIN), f32)
    src2 = jnp.concatenate(
        [g1_edge_index[0], pad_i, g2_edge_index[0] + N, pad_i])
    dst2 = jnp.concatenate(
        [g1_edge_index[1], pad_d, g2_edge_index[1], pad_d]).reshape(
            2, 16, EG // 16 // CH, CH)
    ea2 = jnp.concatenate([g1_edge_attr, pad_e, g2_edge_attr, pad_e], axis=0)
    batch3d = jnp.concatenate([g1_batch, g2_batch + NG]).reshape(20, 1, 1000)

    p = params
    h = _tc_linear_relu(x2, p["lin_in"]["w"].T, p["lin_in"]["b"])
    for lp in p["layers"]:
        w1 = lp["msg1"]["w"]
        hs = _sc_gather(h, src2)
        m = _tc_msg_mlp(hs, ea2, w1[:, :H].T, w1[:, H:].T,
                        lp["msg1"]["b"], lp["msg2"]["w"].T, lp["msg2"]["b"])
        aggp = _sc_scatter(m, dst2)
        agg = aggp[:, :N, :].reshape(N2, H)
        inv = lp["bn_gamma"] * lax.rsqrt(lp["bn_var"] + 1e-5)
        shift = lp["bn_beta"] - lp["bn_mean"] * inv
        h = _tc_gru(agg, h, lp["gru_wih"].T, lp["gru_whh"].T,
                    lp["gru_bih"], lp["gru_bhh"], inv, shift)

    z_mean, z_max = _tc_readout(h, batch3d)
    logits, card = _tc_head(z_mean, z_max, aux1, aux2, p)
    zz = (jnp.asarray(n_graphs) * 0).astype(f32)
    return (logits + zz, card + zz)

# --- scband reference (transcript-rebuilt; emitter-appended) ---
"""Pipeline reference for scband-strong-gnnmulti-label-cardinality-2310692405730 (READ-ONLY COPY).

The authoritative reference and input builder live on the scoring server;
editing this copy changes nothing except your own understanding.
"""

import jax, jax.numpy as jnp
import numpy as np

N_NODES = 10000
N_EDGES = 320000
NODE_IN = 128
EDGE_IN = 16
AUX_IN = 2048
H = 128
N_LAYERS = 4
N_LABELS = 86
N_GRAPHS = 256


def _lin_init(key, o, i):
    kw, kb = jax.random.split(key)
    return {"w": jax.random.normal(kw, (o, i), dtype=jnp.float32) * 0.05,
            "b": jax.random.normal(kb, (o,), dtype=jnp.float32) * 0.01}


def _init_params(key):
    ks = list(jax.random.split(key, 40))
    it = iter(ks)
    p = {}
    p["lin_in"] = _lin_init(next(it), H, NODE_IN)
    layers = []
    for _ in range(N_LAYERS):
        layers.append({
            "msg1": _lin_init(next(it), H, H + EDGE_IN),
            "msg2": _lin_init(next(it), H, H),
            "bn_gamma": jnp.ones((H,), jnp.float32),
            "bn_beta": jnp.zeros((H,), jnp.float32),
            "bn_mean": jnp.zeros((H,), jnp.float32),
            "bn_var": jnp.ones((H,), jnp.float32),
            "gru_wih": jax.random.normal(next(it), (3 * H, H), dtype=jnp.float32) * 0.05,
            "gru_whh": jax.random.normal(next(it), (3 * H, H), dtype=jnp.float32) * 0.05,
            "gru_bih": jnp.zeros((3 * H,), jnp.float32),
            "gru_bhh": jnp.zeros((3 * H,), jnp.float32),
        })
    p["layers"] = layers
    p["readout"] = _lin_init(next(it), H, 2 * H)
    p["aux1"] = _lin_init(next(it), H, AUX_IN)
    p["aux2"] = _lin_init(next(it), H, H)
    p["fus1"] = _lin_init(next(it), H, 2 * H)
    p["fus2"] = _lin_init(next(it), H, H)
    p["fus_ln_g"] = jnp.ones((H,), jnp.float32)
    p["fus_ln_b"] = jnp.zeros((H,), jnp.float32)
    p["g12_1"] = _lin_init(next(it), H, 2 * H)
    p["g12_2"] = _lin_init(next(it), H, H)
    p["g21_1"] = _lin_init(next(it), H, 2 * H)
    p["g21_2"] = _lin_init(next(it), H, H)
    p["cg_ln1_g"] = jnp.ones((H,), jnp.float32)
    p["cg_ln1_b"] = jnp.zeros((H,), jnp.float32)
    p["cg_ln2_g"] = jnp.ones((H,), jnp.float32)
    p["cg_ln2_b"] = jnp.zeros((H,), jnp.float32)
    p["sh1"] = _lin_init(next(it), 2 * H, 4 * H)
    p["sh2"] = _lin_init(next(it), H, 2 * H)
    p["label"] = _lin_init(next(it), N_LABELS, H)
    p["card1"] = _lin_init(next(it), H // 2, H)
    p["card2"] = _lin_init(next(it), 1, H // 2)
    return p


def _linear(x, p):
    return x @ p["w"].T + p["b"]


def _ln(x, g, b):
    m = jnp.mean(x, axis=-1, keepdims=True)
    v = jnp.var(x, axis=-1, keepdims=True)
    return (x - m) / jnp.sqrt(v + 1e-5) * g + b


def _gru(x, h, lp):
    gi = x @ lp["gru_wih"].T + lp["gru_bih"]
    gh = h @ lp["gru_whh"].T + lp["gru_bhh"]
    ir, iz, inn = jnp.split(gi, 3, axis=1)
    hr, hz, hn = jnp.split(gh, 3, axis=1)
    r = jax.nn.sigmoid(ir + hr)
    z = jax.nn.sigmoid(iz + hz)
    n = jnp.tanh(inn + r * hn)
    return (1.0 - z) * n + z * h


def _encode(p, x, edge_index, edge_attr, batch, n_graphs):
    h = jax.nn.relu(_linear(x, p["lin_in"]))
    for lp in p["layers"]:
        src = edge_index[0]
        dst = edge_index[1]
        m_in = jnp.concatenate([jnp.take(h, src, axis=0), edge_attr], axis=1)
        m = _linear(jax.nn.relu(_linear(m_in, lp["msg1"])), lp["msg2"])
        agg = jax.ops.segment_sum(m, dst, num_segments=h.shape[0])
        h_new = _gru(agg, h, lp)
        bn = (h_new - lp["bn_mean"]) / jnp.sqrt(lp["bn_var"] + 1e-5) * lp["bn_gamma"] + lp["bn_beta"]
        h = h + bn
    ones = jnp.ones((h.shape[0], 1), h.dtype)
    cnt = jax.ops.segment_sum(ones, batch, num_segments=n_graphs)
    z_mean = jax.ops.segment_sum(h, batch, num_segments=n_graphs) / jnp.maximum(cnt, 1.0)
    z_max = jax.ops.segment_max(h, batch, num_segments=n_graphs)
    z_max = jnp.where(cnt > 0, z_max, 0.0)
    z = jax.nn.relu(_linear(jnp.concatenate([z_mean, z_max], axis=1), p["readout"]))
    return z


def _forward(p, g1_x, g1_ei, g1_ea, g1_b, g2_x, g2_ei, g2_ea, g2_b, aux1, aux2, n_graphs):
    n_graphs_static = aux1.shape[0]
    n_graphs_zero = (jnp.asarray(n_graphs) * 0).astype(jnp.float32)
    z1g = _encode(p, g1_x, g1_ei, g1_ea, g1_b, n_graphs_static)
    z2g = _encode(p, g2_x, g2_ei, g2_ea, g2_b, n_graphs_static)
    z1a = jax.nn.relu(_linear(jax.nn.relu(_linear(aux1, p["aux1"])), p["aux2"]))
    z2a = jax.nn.relu(_linear(jax.nn.relu(_linear(aux2, p["aux1"])), p["aux2"]))

    def fuse(zg, za):
        g = jax.nn.sigmoid(_linear(jax.nn.relu(_linear(jnp.concatenate([zg, za], axis=1), p["fus1"])), p["fus2"]))
        return _ln(g * zg + (1.0 - g) * za, p["fus_ln_g"], p["fus_ln_b"])

    z1 = fuse(z1g, z1a)
    z2 = fuse(z2g, z2a)
    g12 = jax.nn.sigmoid(_linear(jax.nn.relu(_linear(jnp.concatenate([z1, z2], axis=1), p["g12_1"])), p["g12_2"]))
    g21 = jax.nn.sigmoid(_linear(jax.nn.relu(_linear(jnp.concatenate([z2, z1], axis=1), p["g21_1"])), p["g21_2"]))
    z1n = _ln(z1 + g12 * z2, p["cg_ln1_g"], p["cg_ln1_b"])
    z2n = _ln(z2 + g21 * z1, p["cg_ln2_g"], p["cg_ln2_b"])
    feat = jnp.concatenate([z1n, z2n, jnp.abs(z1n - z2n), z1n * z2n], axis=1)
    hsh = jax.nn.relu(_linear(jax.nn.relu(_linear(feat, p["sh1"])), p["sh2"]))
    logits = _linear(hsh, p["label"]) + n_graphs_zero
    card = jax.nn.softplus(_linear(jax.nn.relu(_linear(hsh, p["card1"])), p["card2"])) + n_graphs_zero
    return (logits, card)


def setup_inputs(seed: int = 0):
    key = jax.random.key(seed)
    ks = jax.random.split(key, 12)
    g1_x = jax.random.normal(ks[0], (N_NODES, NODE_IN), dtype=jnp.float32)
    g1_edge_index = jax.random.randint(ks[1], (2, N_EDGES), 0, N_NODES, dtype=jnp.int32)
    g1_edge_attr = jax.random.normal(ks[2], (N_EDGES, EDGE_IN), dtype=jnp.float32)
    g1_batch = jnp.sort(jax.random.randint(ks[3], (N_NODES,), 0, N_GRAPHS, dtype=jnp.int32))
    g2_x = jax.random.normal(ks[4], (N_NODES, NODE_IN), dtype=jnp.float32)
    g2_edge_index = jax.random.randint(ks[5], (2, N_EDGES), 0, N_NODES, dtype=jnp.int32)
    g2_edge_attr = jax.random.normal(ks[6], (N_EDGES, EDGE_IN), dtype=jnp.float32)
    g2_batch = jnp.sort(jax.random.randint(ks[7], (N_NODES,), 0, N_GRAPHS, dtype=jnp.int32))
    aux1 = jax.random.normal(ks[8], (N_GRAPHS, AUX_IN), dtype=jnp.float32)
    aux2 = jax.random.normal(ks[9], (N_GRAPHS, AUX_IN), dtype=jnp.float32)
    params = _init_params(ks[10])
    return {"g1_x": g1_x, "g1_edge_index": g1_edge_index, "g1_edge_attr": g1_edge_attr, "g1_batch": g1_batch,
            "g2_x": g2_x, "g2_edge_index": g2_edge_index, "g2_edge_attr": g2_edge_attr, "g2_batch": g2_batch,
            "aux1": aux1, "aux2": aux2, "n_graphs": N_GRAPHS, "params": params}


def reference(g1_x, g1_edge_index, g1_edge_attr, g1_batch, g2_x, g2_edge_index, g2_edge_attr, g2_batch, aux1, aux2, n_graphs, params):
    return _forward(params, g1_x, g1_edge_index, g1_edge_attr, g1_batch, g2_x, g2_edge_index, g2_edge_attr, g2_batch, aux1, aux2, n_graphs)

if __name__ == "__main__":
    import jax
    _d = setup_inputs()
    print(jax.jit(kernel)(*tuple(_d.values())))

</pallas_src>

<mosaic_0001>
#map = affine_map<(d0, d1) -> (0, 0)>
#map1 = affine_map<(d0, d1) -> (0, 0, 0, 0)>
#map2 = affine_map<(d0, d1) -> (0, 0, 0)>
module attributes {stable_mosaic.version = 14 : i64} {
  func.func @body(%arg0: i32, %arg1: i32, %arg2: memref<655360x128xf32, #tpu.memory_space<hbm>>, %arg3: memref<2x16x160x128xi32, #tpu.memory_space<hbm>>, %arg4: memref<2x10240x128xf32, #tpu.memory_space<hbm>>, %arg5: memref<2x128xi32, #tpu.memory_space<vmem>>, %arg6: memref<2x128x128xf32, #tpu.memory_space<vmem>>, %arg7: memref<32x128xf32, #tpu.memory_space<vmem>>, %arg8: memref<10240x128xf32, #tpu.memory_space<vmem_shared>>, %arg9: memref<2x!tpu.dma_semaphore, #tpu.memory_space<semaphore_mem>>, %arg10: memref<2x!tpu.dma_semaphore, #tpu.memory_space<semaphore_mem>>, %arg11: memref<2x!tpu.dma_semaphore, #tpu.memory_space<semaphore_mem>>) attributes {dimension_semantics = [#tpu.dimension_semantics<core_parallel>, #tpu.dimension_semantics<subcore_parallel>], iteration_bounds = array<i64: 2, 16>, scalar_prefetch = 0 : i64, scratch_operands = 7 : i64, tpu.core_type = #tpu.core_type<sc_vector_subcore>, window_params = [{transform_indices = #map}, {transform_indices = #map1}, {transform_indices = #map2}]} {
    %scan3A = arith.constant 0 : i32
    %scan3A_0 = arith.constant 0 : i32
    %scan3A_1 = arith.constant 256 : i32
    %scan3A_2 = arith.addi %scan3A_0, %scan3A_1 : i32
    %scan3A_3 = arith.constant 1 : i32
    scf.for %scan3A_61 = %scan3A_0 to %scan3A_2 step %scan3A_3  : i32 {
      %broadcast_in_dim3A = arith.constant 0.000000e+00 : f32
      %broadcast_in_dim3A_62 = vector.broadcast %broadcast_in_dim3A : f32 to vector<16xf32>
      %jit3A = arith.constant 8 : i32
      %div3A = arith.divsi %scan3A_61, %jit3A : i32
      %sign3A = arith.constant 0 : i32
      %sign3A_63 = arith.cmpi sgt, %scan3A_61, %sign3A : i32
      %sign3A_64 = arith.extui %sign3A_63 : i1 to i32
      %sign3A_65 = arith.constant 0 : i32
      %sign3A_66 = arith.cmpi slt, %scan3A_61, %sign3A_65 : i32
      %sign3A_67 = arith.extui %sign3A_66 : i1 to i32
      %sign3A_68 = arith.subi %sign3A_64, %sign3A_67 : i32
      %sign3A_69 = arith.constant 0 : i32
      %sign3A_70 = arith.cmpi sgt, %jit3A, %sign3A_69 : i32
      %sign3A_71 = arith.extui %sign3A_70 : i1 to i32
      %sign3A_72 = arith.constant 0 : i32
      %sign3A_73 = arith.cmpi slt, %jit3A, %sign3A_72 : i32
      %sign3A_74 = arith.extui %sign3A_73 : i1 to i32
      %sign3A_75 = arith.subi %sign3A_71, %sign3A_74 : i32
      %ne3A = arith.cmpi ne, %sign3A_68, %sign3A_75 : i32
      %rem3A_76 = arith.remsi %scan3A_61, %jit3A : i32
      %ne3A_77 = arith.constant 0 : i32
      %ne3A_78 = arith.cmpi ne, %rem3A_76, %ne3A_77 : i32
      %and3A = arith.andi %ne3A, %ne3A_78 : i1
      %sub3A = arith.constant 1 : i32
      %sub3A_79 = arith.subi %div3A, %sub3A : i32
      %select_n3A = arith.select %and3A, %sub3A_79, %div3A : i32
      %jit3A_80 = arith.constant 8 : i32
      %eq3A = arith.constant 0 : i32
      %eq3A_81 = arith.cmpi eq, %jit3A_80, %eq3A : i32
      %jit3A_82 = arith.constant 1 : i32
      %select_n3A_83 = arith.select %eq3A_81, %jit3A_82, %jit3A_80 : i32
      %rem3A_84 = arith.remsi %scan3A_61, %select_n3A_83 : i32
      %ne3A_85 = arith.constant 0 : i32
      %ne3A_86 = arith.cmpi ne, %rem3A_84, %ne3A_85 : i32
      %lt3A = arith.constant 0 : i32
      %lt3A_87 = arith.cmpi slt, %rem3A_84, %lt3A : i32
      %lt3A_88 = arith.constant 0 : i32
      %lt3A_89 = arith.cmpi slt, %select_n3A_83, %lt3A_88 : i32
      %ne3A_90 = arith.xori %lt3A_87, %lt3A_89 : i1
      %and3A_91 = arith.andi %ne3A_90, %ne3A_86 : i1
      %add3A_92 = arith.addi %rem3A_84, %select_n3A_83 : i32
      %select_n3A_93 = arith.select %and3A_91, %add3A_92, %rem3A_84 : i32
      %mul3A_94 = arith.constant 16 : i32
      %mul3A_95 = arith.muli %select_n3A_93, %mul3A_94 : i32
      %swap3A = arith.index_cast %select_n3A : i32 to index
      %swap3A_96 = arith.index_cast %mul3A_95 : i32 to index
      %swap3A_97 = tpu.vector_load %arg7[%swap3A, %swap3A_96] {strides = array<i32>} : memref<32x128xf32, #tpu.memory_space<vmem>>, vector<1x16xf32>,
      %swap3A_98 = vector.shape_cast %swap3A_97 : vector<1x16xf32> to vector<16xf32>
      %swap3A_99 = vector.shape_cast %broadcast_in_dim3A_62 : vector<16xf32> to vector<1x16xf32>
      tpu.vector_store %arg7[%swap3A, %swap3A_96], %swap3A_99 {strides = array<i32>} : memref<32x128xf32, #tpu.memory_space<vmem>>, vector<1x16xf32>,
    }
    %scan3A_4 = arith.constant 256 : i32
    %scan3A_5 = arith.constant 0 : i32
    %scan3A_6 = arith.constant 0 : i32
    %scan3A_7 = arith.constant 20 : i32
    %scan3A_8 = arith.addi %scan3A_6, %scan3A_7 : i32
    %scan3A_9 = arith.constant 1 : i32
    scf.for %scan3A_61 = %scan3A_6 to %scan3A_8 step %scan3A_9  : i32 {
      %mul3A_62 = arith.constant 640 : i32
      %mul3A_63 = arith.muli %arg1, %mul3A_62 : i32
      %mul3A_64 = arith.constant 32 : i32
      %mul3A_65 = arith.muli %scan3A_61, %mul3A_64 : i32
      %add3A_66 = arith.addi %mul3A_63, %mul3A_65 : i32
      "tpu.region"() ({
        %run_scoped3A = tpu.sem_alloc : memref<!tpu.dma_semaphore, #tpu.memory_space<semaphore_mem>>
        %dma_start3A = arith.constant 0 : i32
        %dma_start3A_67 = tpu.memref_slice %arg8[%add3A_66, %dma_start3A] : memref<10240x128xf32, #tpu.memory_space<vmem_shared>> -> memref<32x128xf32, #tpu.memory_space<vmem_shared>>
        %dma_start3A_68 = arith.constant 0 : i32
        %dma_start3A_69 = tpu.memref_slice %arg8[%add3A_66, %dma_start3A_68] : memref<10240x128xf32, #tpu.memory_space<vmem_shared>> -> memref<32x128xf32, #tpu.memory_space<vmem_shared>>
        tpu.enqueue_dma source(%arg7 : memref<32x128xf32, #tpu.memory_space<vmem>>) target(%dma_start3A_69 : memref<32x128xf32, #tpu.memory_space<vmem_shared>>) target_semaphore(%run_scoped3A : memref<!tpu.dma_semaphore, #tpu.memory_space<semaphore_mem>>)
        %dma_wait3A_70 = arith.constant 0 : i32
        %dma_wait3A_71 = tpu.memref_slice %arg8[%add3A_66, %dma_wait3A_70] : memref<10240x128xf32, #tpu.memory_space<vmem_shared>> -> memref<32x128xf32, #tpu.memory_space<vmem_shared>>
        %dma_wait3A_72 = arith.constant 0 : i32
        %dma_wait3A_73 = tpu.memref_slice %arg8[%add3A_66, %dma_wait3A_72] : memref<10240x128xf32, #tpu.memory_space<vmem_shared>> -> memref<32x128xf32, #tpu.memory_space<vmem_shared>>
        tpu.wait_dma2 semaphore(%run_scoped3A : memref<!tpu.dma_semaphore, #tpu.memory_space<semaphore_mem>>) src(%arg7 : memref<32x128xf32, #tpu.memory_space<vmem>>) dst(%dma_wait3A_73 : memref<32x128xf32, #tpu.memory_space<vmem_shared>>)
        tpu.yield
      }) : () -> ()
    }
    %scan3A_10 = arith.constant 20 : i32
    %barrier3A = arith.constant 0 : index
    tpu.barrier barrier_id(%barrier3A)
    %mul3A = arith.constant 327680 : i32
    %mul3A_11 = arith.muli %arg0, %mul3A : i32
    %mul3A_12 = arith.constant 20480 : i32
    %mul3A_13 = arith.muli %arg1, %mul3A_12 : i32
    %add3A = arith.addi %mul3A_11, %mul3A_13 : i32
    %scan3A_14 = arith.constant 0 : i32
    %scan3A_15 = arith.constant 0 : i32
    %scan3A_16 = arith.constant 161 : i32
    %scan3A_17 = arith.addi %scan3A_15, %scan3A_16 : i32
    %scan3A_18 = arith.constant 1 : i32
    scf.for %scan3A_61 = %scan3A_15 to %scan3A_17 step %scan3A_18  : i32 {
      %lt3A = arith.constant 160 : i32
      %lt3A_62 = arith.cmpi slt, %scan3A_61, %lt3A : i32
      %convert_element_type3A = arith.extui %lt3A_62 : i1 to i32
      %cond3A = arith.constant 0 : i32
      %cond3A_63 = arith.cmpi ne, %convert_element_type3A, %cond3A : i32
      scf.if %cond3A_63 {
        %ge3A_68 = arith.constant 2 : i32
        %ge3A_69 = arith.cmpi sge, %scan3A_61, %ge3A_68 : i32
        %convert_element_type3A_70 = arith.extui %ge3A_69 : i1 to i32
        %cond3A_71 = arith.constant 0 : i32
        %cond3A_72 = arith.cmpi ne, %convert_element_type3A_70, %cond3A_71 : i32
        scf.if %cond3A_72 {
          %sub3A = arith.constant 2 : i32
          %sub3A_107 = arith.subi %scan3A_61, %sub3A : i32
          %rem3A_108 = arith.constant 2 : i32
          %rem3A_109 = arith.remsi %sub3A_107, %rem3A_108 : i32
          %dma_wait3A_110 = arith.constant 0 : i32
          %dma_wait3A_111 = arith.constant 0 : i32
          %dma_wait3A_112 = tpu.memref_slice %arg6[%rem3A_109, %dma_wait3A_110, %dma_wait3A_111] : memref<2x128x128xf32, #tpu.memory_space<vmem>> -> memref<1x128x128xf32, #tpu.memory_space<vmem>>
          %dma_wait3A_113 = tpu.memref_squeeze %dma_wait3A_112 : memref<1x128x128xf32, #tpu.memory_space<vmem>> -> memref<128x128xf32, #tpu.memory_space<vmem>>
          %dma_wait3A_114 = arith.constant 0 : i32
          %dma_wait3A_115 = arith.constant 0 : i32
          %dma_wait3A_116 = tpu.memref_slice %arg8[%dma_wait3A_114, %dma_wait3A_115] : memref<10240x128xf32, #tpu.memory_space<vmem_shared>> -> memref<128x128xf32, #tpu.memory_space<vmem_shared>>
          %dma_wait3A_117 = tpu.memref_slice %arg11[%rem3A_109] : memref<2x!tpu.dma_semaphore, #tpu.memory_space<semaphore_mem>> -> memref<1x!tpu.dma_semaphore, #tpu.memory_space<semaphore_mem>>
          %dma_wait3A_118 = tpu.memref_squeeze %dma_wait3A_117 : memref<1x!tpu.dma_semaphore, #tpu.memory_space<semaphore_mem>> -> memref<!tpu.dma_semaphore, #tpu.memory_space<semaphore_mem>>
          %dma_wait3A_119 = arith.constant 0 : i32
          %dma_wait3A_120 = arith.constant 0 : i32
          %dma_wait3A_121 = tpu.memref_slice %arg8[%dma_wait3A_119, %dma_wait3A_120] : memref<10240x128xf32, #tpu.memory_space<vmem_shared>> -> memref<128x128xf32, #tpu.memory_space<vmem_shared>>
          %dma_wait3A_122 = arith.constant 0 : i32
          %dma_wait3A_123 = arith.constant 0 : i32
          %dma_wait3A_124 = tpu.memref_slice %arg6[%rem3A_109, %dma_wait3A_122, %dma_wait3A_123] : memref<2x128x128xf32, #tpu.memory_space<vmem>> -> memref<1x128x128xf32, #tpu.memory_space<vmem>>
          %dma_wait3A_125 = tpu.memref_squeeze %dma_wait3A_124 : memref<1x128x128xf32, #tpu.memory_space<vmem>> -> memref<128x128xf32, #tpu.memory_space<vmem>>
          tpu.wait_dma2 semaphore(%dma_wait3A_118 : memref<!tpu.dma_semaphore, #tpu.memory_space<semaphore_mem>>) src(%dma_wait3A_125 : memref<128x128xf32, #tpu.memory_space<vmem>>) dst(%dma_wait3A_121 : memref<128x128xf32, #tpu.memory_space<vmem_shared>>)
        } else {
        }
        %rem3A_73 = arith.constant 2 : i32
        %rem3A_74 = arith.remsi %scan3A_61, %rem3A_73 : i32
        %dma_start3A = arith.constant 0 : i32
        %dma_start3A_75 = tpu.memref_slice %arg5[%rem3A_74, %dma_start3A] : memref<2x128xi32, #tpu.memory_space<vmem>> -> memref<1x128xi32, #tpu.memory_space<vmem>>
        %dma_start3A_76 = tpu.memref_squeeze %dma_start3A_75 : memref<1x128xi32, #tpu.memory_space<vmem>> -> memref<128xi32, #tpu.memory_space<vmem>>
        %dma_start3A_77 = arith.constant 0 : i32
        %dma_start3A_78 = tpu.memref_slice %arg3[%arg0, %arg1, %scan3A_61, %dma_start3A_77] : memref<2x16x160x128xi32, #tpu.memory_space<hbm>> -> memref<1x1x1x128xi32, #tpu.memory_space<hbm>>
        %dma_start3A_79 = tpu.memref_squeeze %dma_start3A_78 : memref<1x1x1x128xi32, #tpu.memory_space<hbm>> -> memref<128xi32, #tpu.memory_space<hbm>>
        %dma_start3A_80 = tpu.memref_slice %arg9[%rem3A_74] : memref<2x!tpu.dma_semaphore, #tpu.memory_space<semaphore_mem>> -> memref<1x!tpu.dma_semaphore, #tpu.memory_space<semaphore_mem>>
        %dma_start3A_81 = tpu.memref_squeeze %dma_start3A_80 : memref<1x!tpu.dma_semaphore, #tpu.memory_space<semaphore_mem>> -> memref<!tpu.dma_semaphore, #tpu.memory_space<semaphore_mem>>
        %dma_start3A_82 = arith.constant 0 : i32
        %dma_start3A_83 = tpu.memref_slice %arg5[%rem3A_74, %dma_start3A_82] : memref<2x128xi32, #tpu.memory_space<vmem>> -> memref<1x128xi32, #tpu.memory_space<vmem>>
        %dma_start3A_84 = tpu.memref_squeeze %dma_start3A_83 : memref<1x128xi32, #tpu.memory_space<vmem>> -> memref<128xi32, #tpu.memory_space<vmem>>
        %dma_start3A_85 = arith.constant 0 : i32
        %dma_start3A_86 = tpu.memref_slice %arg3[%arg0, %arg1, %scan3A_61, %dma_start3A_85] : memref<2x16x160x128xi32, #tpu.memory_space<hbm>> -> memref<1x1x1x128xi32, #tpu.memory_space<hbm>>
        %dma_start3A_87 = tpu.memref_squeeze %dma_start3A_86 : memref<1x1x1x128xi32, #tpu.memory_space<hbm>> -> memref<128xi32, #tpu.memory_space<hbm>>
        tpu.enqueue_dma source(%dma_start3A_87 : memref<128xi32, #tpu.memory_space<hbm>>) target(%dma_start3A_84 : memref<128xi32, #tpu.memory_space<vmem>>) target_semaphore(%dma_start3A_81 : memref<!tpu.dma_semaphore, #tpu.memory_space<semaphore_mem>>)
        %rem3A_88 = arith.constant 2 : i32
        %rem3A_89 = arith.remsi %scan3A_61, %rem3A_88 : i32
        %mul3A_90 = arith.constant 128 : i32
        %mul3A_91 = arith.muli %scan3A_61, %mul3A_90 : i32
        %add3A_92 = arith.addi %add3A, %mul3A_91 : i32
        %dma_start3A_93 = arith.constant 0 : i32
        %dma_start3A_94 = arith.constant 0 : i32
        %dma_start3A_95 = tpu.memref_slice %arg6[%rem3A_89, %dma_start3A_93, %dma_start3A_94] : memref<2x128x128xf32, #tpu.memory_space<vmem>> -> memref<1x128x128xf32, #tpu.memory_space<vmem>>
        %dma_start3A_96 = tpu.memref_squeeze %dma_start3A_95 : memref<1x128x128xf32, #tpu.memory_space<vmem>> -> memref<128x128xf32, #tpu.memory_space<vmem>>
        %dma_start3A_97 = arith.constant 0 : i32
        %dma_start3A_98 = tpu.memref_slice %arg2[%add3A_92, %dma_start3A_97] : memref<655360x128xf32, #tpu.memory_space<hbm>> -> memref<128x128xf32, #tpu.memory_space<hbm>>
        %dma_start3A_99 = tpu.memref_slice %arg10[%rem3A_89] : memref<2x!tpu.dma_semaphore, #tpu.memory_space<semaphore_mem>> -> memref<1x!tpu.dma_semaphore, #tpu.memory_space<semaphore_mem>>
        %dma_start3A_100 = tpu.memref_squeeze %dma_start3A_99 : memref<1x!tpu.dma_semaphore, #tpu.memory_space<semaphore_mem>> -> memref<!tpu.dma_semaphore, #tpu.memory_space<semaphore_mem>>
        %dma_start3A_101 = arith.constant 0 : i32
        %dma_start3A_102 = arith.constant 0 : i32
        %dma_start3A_103 = tpu.memref_slice %arg6[%rem3A_89, %dma_start3A_101, %dma_start3A_102] : memref<2x128x128xf32, #tpu.memory_space<vmem>> -> memref<1x128x128xf32, #tpu.memory_space<vmem>>
        %dma_start3A_104 = tpu.memref_squeeze %dma_start3A_103 : memref<1x128x128xf32, #tpu.memory_space<vmem>> -> memref<128x128xf32, #tpu.memory_space<vmem>>
        %dma_start3A_105 = arith.constant 0 : i32
        %dma_start3A_106 = tpu.memref_slice %arg2[%add3A_92, %dma_start3A_105] : memref<655360x128xf32, #tpu.memory_space<hbm>> -> memref<128x128xf32, #tpu.memory_space<hbm>>
        tpu.enqueue_dma source(%dma_start3A_106 : memref<128x128xf32, #tpu.memory_space<hbm>>) target(%dma_start3A_104 : memref<128x128xf32, #tpu.memory_space<vmem>>) target_semaphore(%dma_start3A_100 : memref<!tpu.dma_semaphore, #tpu.memory_space<semaphore_mem>>)
      } else {
      }
      %ge3A = arith.constant 1 : i32
      %ge3A_64 = arith.cmpi sge, %scan3A_61, %ge3A : i32
      %convert_element_type3A_65 = arith.extui %ge3A_64 : i1 to i32
      %cond3A_66 = arith.constant 0 : i32
      %cond3A_67 = arith.cmpi ne, %convert_element_type3A_65, %cond3A_66 : i32
      scf.if %cond3A_67 {
        %sub3A = arith.constant 1 : i32
        %sub3A_68 = arith.subi %scan3A_61, %sub3A : i32
        %rem3A_69 = arith.constant 2 : i32
        %rem3A_70 = arith.remsi %sub3A_68, %rem3A_69 : i32
        %dma_wait3A_71 = arith.constant 0 : i32
        %dma_wait3A_72 = tpu.memref_slice %arg5[%rem3A_70, %dma_wait3A_71] : memref<2x128xi32, #tpu.memory_space<vmem>> -> memref<1x128xi32, #tpu.memory_space<vmem>>
        %dma_wait3A_73 = tpu.memref_squeeze %dma_wait3A_72 : memref<1x128xi32, #tpu.memory_space<vmem>> -> memref<128xi32, #tpu.memory_space<vmem>>
        %dma_wait3A_74 = arith.constant 0 : i32
        %dma_wait3A_75 = tpu.memref_slice %arg3[%arg0, %arg1, %sub3A_68, %dma_wait3A_74] : memref<2x16x160x128xi32, #tpu.memory_space<hbm>> -> memref<1x1x1x128xi32, #tpu.memory_space<hbm>>
        %dma_wait3A_76 = tpu.memref_squeeze %dma_wait3A_75 : memref<1x1x1x128xi32, #tpu.memory_space<hbm>> -> memref<128xi32, #tpu.memory_space<hbm>>
        %dma_wait3A_77 = tpu.memref_slice %arg9[%rem3A_70] : memref<2x!tpu.dma_semaphore, #tpu.memory_space<semaphore_mem>> -> memref<1x!tpu.dma_semaphore, #tpu.memory_space<semaphore_mem>>
        %dma_wait3A_78 = tpu.memref_squeeze %dma_wait3A_77 : memref<1x!tpu.dma_semaphore, #tpu.memory_space<semaphore_mem>> -> memref<!tpu.dma_semaphore, #tpu.memory_space<semaphore_mem>>
        %dma_wait3A_79 = arith.constant 0 : i32
        %dma_wait3A_80 = tpu.memref_slice %arg5[%rem3A_70, %dma_wait3A_79] : memref<2x128xi32, #tpu.memory_space<vmem>> -> memref<1x128xi32, #tpu.memory_space<vmem>>
        %dma_wait3A_81 = tpu.memref_squeeze %dma_wait3A_80 : memref<1x128xi32, #tpu.memory_space<vmem>> -> memref<128xi32, #tpu.memory_space<vmem>>
        %dma_wait3A_82 = arith.constant 0 : i32
        %dma_wait3A_83 = tpu.memref_slice %arg3[%arg0, %arg1, %sub3A_68, %dma_wait3A_82] : memref<2x16x160x128xi32, #tpu.memory_space<hbm>> -> memref<1x1x1x128xi32, #tpu.memory_space<hbm>>
        %dma_wait3A_84 = tpu.memref_squeeze %dma_wait3A_83 : memref<1x1x1x128xi32, #tpu.memory_space<hbm>> -> memref<128xi32, #tpu.memory_space<hbm>>
        tpu.wait_dma2 semaphore(%dma_wait3A_78 : memref<!tpu.dma_semaphore, #tpu.memory_space<semaphore_mem>>) src(%dma_wait3A_84 : memref<128xi32, #tpu.memory_space<hbm>>) dst(%dma_wait3A_81 : memref<128xi32, #tpu.memory_space<vmem>>)
        %sub3A_85 = arith.constant 1 : i32
        %sub3A_86 = arith.subi %scan3A_61, %sub3A_85 : i32
        %rem3A_87 = arith.constant 2 : i32
        %rem3A_88 = arith.remsi %sub3A_86, %rem3A_87 : i32
        %mul3A_89 = arith.constant 128 : i32
        %mul3A_90 = arith.muli %sub3A_86, %mul3A_89 : i32
        %add3A_91 = arith.addi %add3A, %mul3A_90 : i32
        %dma_wait3A_92 = arith.constant 0 : i32
        %dma_wait3A_93 = arith.constant 0 : i32
        %dma_wait3A_94 = tpu.memref_slice %arg6[%rem3A_88, %dma_wait3A_92, %dma_wait3A_93] : memref<2x128x128xf32, #tpu.memory_space<vmem>> -> memref<1x128x128xf32, #tpu.memory_space<vmem>>
        %dma_wait3A_95 = tpu.memref_squeeze %dma_wait3A_94 : memref<1x128x128xf32, #tpu.memory_space<vmem>> -> memref<128x128xf32, #tpu.memory_space<vmem>>
        %dma_wait3A_96 = arith.constant 0 : i32
        %dma_wait3A_97 = tpu.memref_slice %arg2[%add3A_91, %dma_wait3A_96] : memref<655360x128xf32, #tpu.memory_space<hbm>> -> memref<128x128xf32, #tpu.memory_space<hbm>>
        %dma_wait3A_98 = tpu.memref_slice %arg10[%rem3A_88] : memref<2x!tpu.dma_semaphore, #tpu.memory_space<semaphore_mem>> -> memref<1x!tpu.dma_semaphore, #tpu.memory_space<semaphore_mem>>
        %dma_wait3A_99 = tpu.memref_squeeze %dma_wait3A_98 : memref<1x!tpu.dma_semaphore, #tpu.memory_space<semaphore_mem>> -> memref<!tpu.dma_semaphore, #tpu.memory_space<semaphore_mem>>
        %dma_wait3A_100 = arith.constant 0 : i32
        %dma_wait3A_101 = arith.constant 0 : i32
        %dma_wait3A_102 = tpu.memref_slice %arg6[%rem3A_88, %dma_wait3A_100, %dma_wait3A_101] : memref<2x128x128xf32, #tpu.memory_space<vmem>> -> memref<1x128x128xf32, #tpu.memory_space<vmem>>
        %dma_wait3A_103 = tpu.memref_squeeze %dma_wait3A_102 : memref<1x128x128xf32, #tpu.memory_space<vmem>> -> memref<128x128xf32, #tpu.memory_space<vmem>>
        %dma_wait3A_104 = arith.constant 0 : i32
        %dma_wait3A_105 = tpu.memref_slice %arg2[%add3A_91, %dma_wait3A_104] : memref<655360x128xf32, #tpu.memory_space<hbm>> -> memref<128x128xf32, #tpu.memory_space<hbm>>
        tpu.wait_dma2 semaphore(%dma_wait3A_99 : memref<!tpu.dma_semaphore, #tpu.memory_space<semaphore_mem>>) src(%dma_wait3A_105 : memref<128x128xf32, #tpu.memory_space<hbm>>) dst(%dma_wait3A_103 : memref<128x128xf32, #tpu.memory_space<vmem>>)
        %sub3A_106 = arith.constant 1 : i32
        %sub3A_107 = arith.subi %scan3A_61, %sub3A_106 : i32
        %rem3A_108 = arith.constant 2 : i32
        %rem3A_109 = arith.remsi %sub3A_107, %rem3A_108 : i32
        %dma_start3A = arith.constant 0 : i32
        %dma_start3A_110 = arith.constant 0 : i32
        %dma_start3A_111 = tpu.memref_slice %arg6[%rem3A_109, %dma_start3A, %dma_start3A_110] : memref<2x128x128xf32, #tpu.memory_space<vmem>> -> memref<1x128x128xf32, #tpu.memory_space<vmem>>
        %dma_start3A_112 = tpu.memref_squeeze %dma_start3A_111 : memref<1x128x128xf32, #tpu.memory_space<vmem>> -> memref<128x128xf32, #tpu.memory_space<vmem>>
        %dma_start3A_113 = arith.constant 0 : i32
        %dma_start3A_114 = tpu.memref_slice %arg5[%rem3A_109, %dma_start3A_113] : memref<2x128xi32, #tpu.memory_space<vmem>> -> memref<1x128xi32, #tpu.memory_space<vmem>>
        %dma_start3A_115 = tpu.memref_squeeze %dma_start3A_114 : memref<1x128xi32, #tpu.memory_space<vmem>> -> memref<128xi32, #tpu.memory_space<vmem>>
        %dma_start3A_116 = arith.constant 0 : i32
        %dma_start3A_117 = arith.constant 0 : i32
        %dma_start3A_118 = tpu.memref_slice %arg8[%dma_start3A_116, %dma_start3A_117] : memref<10240x128xf32, #tpu.memory_space<vmem_shared>> -> memref<10240x128xf32, #tpu.memory_space<vmem_shared>>
        %dma_start3A_119 = tpu.memref_slice %arg11[%rem3A_109] : memref<2x!tpu.dma_semaphore, #tpu.memory_space<semaphore_mem>> -> memref<1x!tpu.dma_semaphore, #tpu.memory_space<semaphore_mem>>
        %dma_start3A_120 = tpu.memref_squeeze %dma_start3A_119 : memref<1x!tpu.dma_semaphore, #tpu.memory_space<semaphore_mem>> -> memref<!tpu.dma_semaphore, #tpu.memory_space<semaphore_mem>>
        tpu.enqueue_indirect_dma source(%dma_start3A_112 : memref<128x128xf32, #tpu.memory_space<vmem>>) target(%dma_start3A_118 : memref<10240x128xf32, #tpu.memory_space<vmem_shared>>) offsets(%dma_start3A_115 : memref<128xi32, #tpu.memory_space<vmem>>) semaphore(%dma_start3A_120 : memref<!tpu.dma_semaphore, #tpu.memory_space<semaphore_mem>>) {add = true}
      } else {
      }
    }
    %scan3A_19 = arith.constant 161 : i32
    %rem3A = arith.constant 158 : i32
    %rem3A_20 = arith.constant 2 : i32
    %rem3A_21 = arith.remsi %rem3A, %rem3A_20 : i32
    %dma_wait3A = arith.constant 0 : i32
    %dma_wait3A_22 = arith.constant 0 : i32
    %dma_wait3A_23 = tpu.memref_slice %arg6[%rem3A_21, %dma_wait3A, %dma_wait3A_22] : memref<2x128x128xf32, #tpu.memory_space<vmem>> -> memref<1x128x128xf32, #tpu.memory_space<vmem>>
    %dma_wait3A_24 = tpu.memref_squeeze %dma_wait3A_23 : memref<1x128x128xf32, #tpu.memory_space<vmem>> -> memref<128x128xf32, #tpu.memory_space<vmem>>
    %dma_wait3A_25 = arith.constant 0 : i32
    %dma_wait3A_26 = arith.constant 0 : i32
    %dma_wait3A_27 = tpu.memref_slice %arg8[%dma_wait3A_25, %dma_wait3A_26] : memref<10240x128xf32, #tpu.memory_space<vmem_shared>> -> memref<128x128xf32, #tpu.memory_space<vmem_shared>>
    %dma_wait3A_28 = tpu.memref_slice %arg11[%rem3A_21] : memref<2x!tpu.dma_semaphore, #tpu.memory_space<semaphore_mem>> -> memref<1x!tpu.dma_semaphore, #tpu.memory_space<semaphore_mem>>
    %dma_wait3A_29 = tpu.memref_squeeze %dma_wait3A_28 : memref<1x!tpu.dma_semaphore, #tpu.memory_space<semaphore_mem>> -> memref<!tpu.dma_semaphore, #tpu.memory_space<semaphore_mem>>
    %dma_wait3A_30 = arith.constant 0 : i32
    %dma_wait3A_31 = arith.constant 0 : i32
    %dma_wait3A_32 = tpu.memref_slice %arg8[%dma_wait3A_30, %dma_wait3A_31] : memref<10240x128xf32, #tpu.memory_space<vmem_shared>> -> memref<128x128xf32, #tpu.memory_space<vmem_shared>>
    %dma_wait3A_33 = arith.constant 0 : i32
    %dma_wait3A_34 = arith.constant 0 : i32
    %dma_wait3A_35 = tpu.memref_slice %arg6[%rem3A_21, %dma_wait3A_33, %dma_wait3A_34] : memref<2x128x128xf32, #tpu.memory_space<vmem>> -> memref<1x128x128xf32, #tpu.memory_space<vmem>>
    %dma_wait3A_36 = tpu.memref_squeeze %dma_wait3A_35 : memref<1x128x128xf32, #tpu.memory_space<vmem>> -> memref<128x128xf32, #tpu.memory_space<vmem>>
    tpu.wait_dma2 semaphore(%dma_wait3A_29 : memref<!tpu.dma_semaphore, #tpu.memory_space<semaphore_mem>>) src(%dma_wait3A_36 : memref<128x128xf32, #tpu.memory_space<vmem>>) dst(%dma_wait3A_32 : memref<128x128xf32, #tpu.memory_space<vmem_shared>>)
    %rem3A_37 = arith.constant 159 : i32
    %rem3A_38 = arith.constant 2 : i32
    %rem3A_39 = arith.remsi %rem3A_37, %rem3A_38 : i32
    %dma_wait3A_40 = arith.constant 0 : i32
    %dma_wait3A_41 = arith.constant 0 : i32
    %dma_wait3A_42 = tpu.memref_slice %arg6[%rem3A_39, %dma_wait3A_40, %dma_wait3A_41] : memref<2x128x128xf32, #tpu.memory_space<vmem>> -> memref<1x128x128xf32, #tpu.memory_space<vmem>>
    %dma_wait3A_43 = tpu.memref_squeeze %dma_wait3A_42 : memref<1x128x128xf32, #tpu.memory_space<vmem>> -> memref<128x128xf32, #tpu.memory_space<vmem>>
    %dma_wait3A_44 = arith.constant 0 : i32
    %dma_wait3A_45 = arith.constant 0 : i32
    %dma_wait3A_46 = tpu.memref_slice %arg8[%dma_wait3A_44, %dma_wait3A_45] : memref<10240x128xf32, #tpu.memory_space<vmem_shared>> -> memref<128x128xf32, #tpu.memory_space<vmem_shared>>
    %dma_wait3A_47 = tpu.memref_slice %arg11[%rem3A_39] : memref<2x!tpu.dma_semaphore, #tpu.memory_space<semaphore_mem>> -> memref<1x!tpu.dma_semaphore, #tpu.memory_space<semaphore_mem>>
    %dma_wait3A_48 = tpu.memref_squeeze %dma_wait3A_47 : memref<1x!tpu.dma_semaphore, #tpu.memory_space<semaphore_mem>> -> memref<!tpu.dma_semaphore, #tpu.memory_space<semaphore_mem>>
    %dma_wait3A_49 = arith.constant 0 : i32
    %dma_wait3A_50 = arith.constant 0 : i32
    %dma_wait3A_51 = tpu.memref_slice %arg8[%dma_wait3A_49, %dma_wait3A_50] : memref<10240x128xf32, #tpu.memory_space<vmem_shared>> -> memref<128x128xf32, #tpu.memory_space<vmem_shared>>
    %dma_wait3A_52 = arith.constant 0 : i32
    %dma_wait3A_53 = arith.constant 0 : i32
    %dma_wait3A_54 = tpu.memref_slice %arg6[%rem3A_39, %dma_wait3A_52, %dma_wait3A_53] : memref<2x128x128xf32, #tpu.memory_space<vmem>> -> memref<1x128x128xf32, #tpu.memory_space<vmem>>
    %dma_wait3A_55 = tpu.memref_squeeze %dma_wait3A_54 : memref<1x128x128xf32, #tpu.memory_space<vmem>> -> memref<128x128xf32, #tpu.memory_space<vmem>>
    tpu.wait_dma2 semaphore(%dma_wait3A_48 : memref<!tpu.dma_semaphore, #tpu.memory_space<semaphore_mem>>) src(%dma_wait3A_55 : memref<128x128xf32, #tpu.memory_space<vmem>>) dst(%dma_wait3A_51 : memref<128x128xf32, #tpu.memory_space<vmem_shared>>)
    %barrier3A_56 = arith.constant 0 : index
    tpu.barrier barrier_id(%barrier3A_56)
    %mul3A_57 = arith.constant 640 : i32
    %mul3A_58 = arith.muli %arg1, %mul3A_57 : i32
    %mul3A_59 = arith.constant 640 : i32
    %mul3A_60 = arith.muli %arg1, %mul3A_59 : i32
    "tpu.region"() ({
      %run_scoped3A = tpu.sem_alloc : memref<!tpu.dma_semaphore, #tpu.memory_space<semaphore_mem>>
      %dma_start3A = arith.constant 0 : i32
      %dma_start3A_61 = tpu.memref_slice %arg4[%arg0, %mul3A_60, %dma_start3A] : memref<2x10240x128xf32, #tpu.memory_space<hbm>> -> memref<1x640x128xf32, #tpu.memory_space<hbm>>
      %dma_start3A_62 = tpu.memref_squeeze %dma_start3A_61 : memref<1x640x128xf32, #tpu.memory_space<hbm>> -> memref<640x128xf32, #tpu.memory_space<hbm>>
      %dma_start3A_63 = arith.constant 0 : i32
      %dma_start3A_64 = tpu.memref_slice %arg8[%mul3A_58, %dma_start3A_63] : memref<10240x128xf32, #tpu.memory_space<vmem_shared>> -> memref<640x128xf32, #tpu.memory_space<vmem_shared>>
      tpu.enqueue_dma source(%dma_start3A_64 : memref<640x128xf32, #tpu.memory_space<vmem_shared>>) target(%dma_start3A_62 : memref<640x128xf32, #tpu.memory_space<hbm>>) target_semaphore(%run_scoped3A : memref<!tpu.dma_semaphore, #tpu.memory_space<semaphore_mem>>)
      %dma_wait3A_65 = arith.constant 0 : i32
      %dma_wait3A_66 = tpu.memref_slice %arg4[%arg0, %mul3A_60, %dma_wait3A_65] : memref<2x10240x128xf32, #tpu.memory_space<hbm>> -> memref<1x640x128xf32, #tpu.memory_space<hbm>>
      %dma_wait3A_67 = tpu.memref_squeeze %dma_wait3A_66 : memref<1x640x128xf32, #tpu.memory_space<hbm>> -> memref<640x128xf32, #tpu.memory_space<hbm>>
      %dma_wait3A_68 = arith.constant 0 : i32
      %dma_wait3A_69 = tpu.memref_slice %arg8[%mul3A_58, %dma_wait3A_68] : memref<10240x128xf32, #tpu.memory_space<vmem_shared>> -> memref<640x128xf32, #tpu.memory_space<vmem_shared>>
      tpu.wait_dma2 semaphore(%run_scoped3A : memref<!tpu.dma_semaphore, #tpu.memory_space<semaphore_mem>>) src(%dma_wait3A_69 : memref<640x128xf32, #tpu.memory_space<vmem_shared>>) dst(%dma_wait3A_67 : memref<640x128xf32, #tpu.memory_space<hbm>>)
      tpu.yield
    }) : () -> ()
    return
  }
}

#map = affine_map<(d0, d1) -> (0, 0)>
#map1 = affine_map<(d0, d1) -> (0, 0, 0, 0)>
#map2 = affine_map<(d0, d1) -> (0, 0, 0)>
module attributes {stable_mosaic.version = 14 : i64} {
  func.func @body(%arg0: i32, %arg1: i32, %arg2: memref<655360x128xf32, #tpu.memory_space<hbm>>, %arg3: memref<2x16x160x128xi32, #tpu.memory_space<hbm>>, %arg4: memref<2x10240x128xf32, #tpu.memory_space<hbm>>, %arg5: memref<2x128xi32, #tpu.memory_space<vmem>>, %arg6: memref<2x128x128xf32, #tpu.memory_space<vmem>>, %arg7: memref<32x128xf32, #tpu.memory_space<vmem>>, %arg8: memref<10240x128xf32, #tpu.memory_space<vmem_shared>>, %arg9: memref<2x!tpu.dma_semaphore, #tpu.memory_space<semaphore_mem>>, %arg10: memref<2x!tpu.dma_semaphore, #tpu.memory_space<semaphore_mem>>, %arg11: memref<2x!tpu.dma_semaphore, #tpu.memory_space<semaphore_mem>>) attributes {dimension_semantics = [#tpu.dimension_semantics<core_parallel>, #tpu.dimension_semantics<subcore_parallel>], iteration_bounds = array<i64: 2, 16>, scalar_prefetch = 0 : i64, scratch_operands = 7 : i64, tpu.core_type = #tpu.core_type<sc_vector_subcore>, window_params = [{transform_indices = #map}, {transform_indices = #map1}, {transform_indices = #map2}]} {
    %scan3A = arith.constant 0 : i32
    %scan3A_0 = arith.constant 0 : i32
    %scan3A_1 = arith.constant 256 : i32
    %scan3A_2 = arith.addi %scan3A_0, %scan3A_1 : i32
    %scan3A_3 = arith.constant 1 : i32
    scf.for %scan3A_61 = %scan3A_0 to %scan3A_2 step %scan3A_3  : i32 {
      %broadcast_in_dim3A = arith.constant 0.000000e+00 : f32
      %broadcast_in_dim3A_62 = vector.broadcast %broadcast_in_dim3A : f32 to vector<16xf32>
      %jit3A = arith.constant 8 : i32
      %div3A = arith.divsi %scan3A_61, %jit3A : i32
      %sign3A = arith.constant 0 : i32
      %sign3A_63 = arith.cmpi sgt, %scan3A_61, %sign3A : i32
      %sign3A_64 = arith.extui %sign3A_63 : i1 to i32
      %sign3A_65 = arith.constant 0 : i32
      %sign3A_66 = arith.cmpi slt, %scan3A_61, %sign3A_65 : i32
      %sign3A_67 = arith.extui %sign3A_66 : i1 to i32
      %sign3A_68 = arith.subi %sign3A_64, %sign3A_67 : i32
      %sign3A_69 = arith.constant 0 : i32
      %sign3A_70 = arith.cmpi sgt, %jit3A, %sign3A_69 : i32
      %sign3A_71 = arith.extui %sign3A_70 : i1 to i32
      %sign3A_72 = arith.constant 0 : i32
      %sign3A_73 = arith.cmpi slt, %jit3A, %sign3A_72 : i32
      %sign3A_74 = arith.extui %sign3A_73 : i1 to i32
      %sign3A_75 = arith.subi %sign3A_71, %sign3A_74 : i32
      %ne3A = arith.cmpi ne, %sign3A_68, %sign3A_75 : i32
      %rem3A_76 = arith.remsi %scan3A_61, %jit3A : i32
      %ne3A_77 = arith.constant 0 : i32
      %ne3A_78 = arith.cmpi ne, %rem3A_76, %ne3A_77 : i32
      %and3A = arith.andi %ne3A, %ne3A_78 : i1
      %sub3A = arith.constant 1 : i32
      %sub3A_79 = arith.subi %div3A, %sub3A : i32
      %select_n3A = arith.select %and3A, %sub3A_79, %div3A : i32
      %jit3A_80 = arith.constant 8 : i32
      %eq3A = arith.constant 0 : i32
      %eq3A_81 = arith.cmpi eq, %jit3A_80, %eq3A : i32
      %jit3A_82 = arith.constant 1 : i32
      %select_n3A_83 = arith.select %eq3A_81, %jit3A_82, %jit3A_80 : i32
      %rem3A_84 = arith.remsi %scan3A_61, %select_n3A_83 : i32
      %ne3A_85 = arith.constant 0 : i32
      %ne3A_86 = arith.cmpi ne, %rem3A_84, %ne3A_85 : i32
      %lt3A = arith.constant 0 : i32
      %lt3A_87 = arith.cmpi slt, %rem3A_84, %lt3A : i32
      %lt3A_88 = arith.constant 0 : i32
      %lt3A_89 = arith.cmpi slt, %select_n3A_83, %lt3A_88 : i32
      %ne3A_90 = arith.xori %lt3A_87, %lt3A_89 : i1
      %and3A_91 = arith.andi %ne3A_90, %ne3A_86 : i1
      %add3A_92 = arith.addi %rem3A_84, %select_n3A_83 : i32
      %select_n3A_93 = arith.select %and3A_91, %add3A_92, %rem3A_84 : i32
      %mul3A_94 = arith.constant 16 : i32
      %mul3A_95 = arith.muli %select_n3A_93, %mul3A_94 : i32
      %swap3A = arith.index_cast %select_n3A : i32 to index
      %swap3A_96 = arith.index_cast %mul3A_95 : i32 to index
      %swap3A_97 = tpu.vector_load %arg7[%swap3A, %swap3A_96] {strides = array<i32>} : memref<32x128xf32, #tpu.memory_space<vmem>>, vector<1x16xf32>,
      %swap3A_98 = vector.shape_cast %swap3A_97 : vector<1x16xf32> to vector<16xf32>
      %swap3A_99 = vector.shape_cast %broadcast_in_dim3A_62 : vector<16xf32> to vector<1x16xf32>
      tpu.vector_store %arg7[%swap3A, %swap3A_96], %swap3A_99 {strides = array<i32>} : memref<32x128xf32, #tpu.memory_space<vmem>>, vector<1x16xf32>,
    }
    %scan3A_4 = arith.constant 256 : i32
    %scan3A_5 = arith.constant 0 : i32
    %scan3A_6 = arith.constant 0 : i32
    %scan3A_7 = arith.constant 20 : i32
    %scan3A_8 = arith.addi %scan3A_6, %scan3A_7 : i32
    %scan3A_9 = arith.constant 1 : i32
    scf.for %scan3A_61 = %scan3A_6 to %scan3A_8 step %scan3A_9  : i32 {
      %mul3A_62 = arith.constant 640 : i32
      %mul3A_63 = arith.muli %arg1, %mul3A_62 : i32
      %mul3A_64 = arith.constant 32 : i32
      %mul3A_65 = arith.muli %scan3A_61, %mul3A_64 : i32
      %add3A_66 = arith.addi %mul3A_63, %mul3A_65 : i32
      "tpu.region"() ({
        %run_scoped3A = tpu.sem_alloc : memref<!tpu.dma_semaphore, #tpu.memory_space<semaphore_mem>>
        %dma_start3A = arith.constant 0 : i32
        %dma_start3A_67 = tpu.memref_slice %arg8[%add3A_66, %dma_start3A] : memref<10240x128xf32, #tpu.memory_space<vmem_shared>> -> memref<32x128xf32, #tpu.memory_space<vmem_shared>>
        %dma_start3A_68 = arith.constant 0 : i32
        %dma_start3A_69 = tpu.memref_slice %arg8[%add3A_66, %dma_start3A_68] : memref<10240x128xf32, #tpu.memory_space<vmem_shared>> -> memref<32x128xf32, #tpu.memory_space<vmem_shared>>
        tpu.enqueue_dma source(%arg7 : memref<32x128xf32, #tpu.memory_space<vmem>>) target(%dma_start3A_69 : memref<32x128xf32, #tpu.memory_space<vmem_shared>>) target_semaphore(%run_scoped3A : memref<!tpu.dma_semaphore, #tpu.memory_space<semaphore_mem>>)
        %dma_wait3A_70 = arith.constant 0 : i32
        %dma_wait3A_71 = tpu.memref_slice %arg8[%add3A_66, %dma_wait3A_70] : memref<10240x128xf32, #tpu.memory_space<vmem_shared>> -> memref<32x128xf32, #tpu.memory_space<vmem_shared>>
        %dma_wait3A_72 = arith.constant 0 : i32
        %dma_wait3A_73 = tpu.memref_slice %arg8[%add3A_66, %dma_wait3A_72] : memref<10240x128xf32, #tpu.memory_space<vmem_shared>> -> memref<32x128xf32, #tpu.memory_space<vmem_shared>>
        tpu.wait_dma2 semaphore(%run_scoped3A : memref<!tpu.dma_semaphore, #tpu.memory_space<semaphore_mem>>) src(%arg7 : memref<32x128xf32, #tpu.memory_space<vmem>>) dst(%dma_wait3A_73 : memref<32x128xf32, #tpu.memory_space<vmem_shared>>)
        tpu.yield
      }) : () -> ()
    }
    %scan3A_10 = arith.constant 20 : i32
    %barrier3A = arith.constant 0 : index
    tpu.barrier barrier_id(%barrier3A)
    %mul3A = arith.constant 327680 : i32
    %mul3A_11 = arith.muli %arg0, %mul3A : i32
    %mul3A_12 = arith.constant 20480 : i32
    %mul3A_13 = arith.muli %arg1, %mul3A_12 : i32
    %add3A = arith.addi %mul3A_11, %mul3A_13 : i32
    %scan3A_14 = arith.constant 0 : i32
    %scan3A_15 = arith.constant 0 : i32
    %scan3A_16 = arith.constant 161 : i32
    %scan3A_17 = arith.addi %scan3A_15, %scan3A_16 : i32
    %scan3A_18 = arith.constant 1 : i32
    scf.for %scan3A_61 = %scan3A_15 to %scan3A_17 step %scan3A_18  : i32 {
      %lt3A = arith.constant 160 : i32
      %lt3A_62 = arith.cmpi slt, %scan3A_61, %lt3A : i32
      %convert_element_type3A = arith.extui %lt3A_62 : i1 to i32
      %cond3A = arith.constant 0 : i32
      %cond3A_63 = arith.cmpi ne, %convert_element_type3A, %cond3A : i32
      scf.if %cond3A_63 {
        %ge3A_68 = arith.constant 2 : i32
        %ge3A_69 = arith.cmpi sge, %scan3A_61, %ge3A_68 : i32
        %convert_element_type3A_70 = arith.extui %ge3A_69 : i1 to i32
        %cond3A_71 = arith.constant 0 : i32
        %cond3A_72 = arith.cmpi ne, %convert_element_type3A_70, %cond3A_71 : i32
        scf.if %cond3A_72 {
          %sub3A = arith.constant 2 : i32
          %sub3A_107 = arith.subi %scan3A_61, %sub3A : i32
          %rem3A_108 = arith.constant 2 : i32
          %rem3A_109 = arith.remsi %sub3A_107, %rem3A_108 : i32
          %dma_wait3A_110 = arith.constant 0 : i32
          %dma_wait3A_111 = arith.constant 0 : i32
          %dma_wait3A_112 = tpu.memref_slice %arg6[%rem3A_109, %dma_wait3A_110, %dma_wait3A_111] : memref<2x128x128xf32, #tpu.memory_space<vmem>> -> memref<1x128x128xf32, #tpu.memory_space<vmem>>
          %dma_wait3A_113 = tpu.memref_squeeze %dma_wait3A_112 : memref<1x128x128xf32, #tpu.memory_space<vmem>> -> memref<128x128xf32, #tpu.memory_space<vmem>>
          %dma_wait3A_114 = arith.constant 0 : i32
          %dma_wait3A_115 = arith.constant 0 : i32
          %dma_wait3A_116 = tpu.memref_slice %arg8[%dma_wait3A_114, %dma_wait3A_115] : memref<10240x128xf32, #tpu.memory_space<vmem_shared>> -> memref<128x128xf32, #tpu.memory_space<vmem_shared>>
          %dma_wait3A_117 = tpu.memref_slice %arg11[%rem3A_109] : memref<2x!tpu.dma_semaphore, #tpu.memory_space<semaphore_mem>> -> memref<1x!tpu.dma_semaphore, #tpu.memory_space<semaphore_mem>>
          %dma_wait3A_118 = tpu.memref_squeeze %dma_wait3A_117 : memref<1x!tpu.dma_semaphore, #tpu.memory_space<semaphore_mem>> -> memref<!tpu.dma_semaphore, #tpu.memory_space<semaphore_mem>>
          %dma_wait3A_119 = arith.constant 0 : i32
          %dma_wait3A_120 = arith.constant 0 : i32
          %dma_wait3A_121 = tpu.memref_slice %arg8[%dma_wait3A_119, %dma_wait3A_120] : memref<10240x128xf32, #tpu.memory_space<vmem_shared>> -> memref<128x128xf32, #tpu.memory_space<vmem_shared>>
          %dma_wait3A_122 = arith.constant 0 : i32
          %dma_wait3A_123 = arith.constant 0 : i32
          %dma_wait3A_124 = tpu.memref_slice %arg6[%rem3A_109, %dma_wait3A_122, %dma_wait3A_123] : memref<2x128x128xf32, #tpu.memory_space<vmem>> -> memref<1x128x128xf32, #tpu.memory_space<vmem>>
          %dma_wait3A_125 = tpu.memref_squeeze %dma_wait3A_124 : memref<1x128x128xf32, #tpu.memory_space<vmem>> -> memref<128x128xf32, #tpu.memory_space<vmem>>
          tpu.wait_dma2 semaphore(%dma_wait3A_118 : memref<!tpu.dma_semaphore, #tpu.memory_space<semaphore_mem>>) src(%dma_wait3A_125 : memref<128x128xf32, #tpu.memory_space<vmem>>) dst(%dma_wait3A_121 : memref<128x128xf32, #tpu.memory_space<vmem_shared>>)
        } else {
        }
        %rem3A_73 = arith.constant 2 : i32
        %rem3A_74 = arith.remsi %scan3A_61, %rem3A_73 : i32
        %dma_start3A = arith.constant 0 : i32
        %dma_start3A_75 = tpu.memref_slice %arg5[%rem3A_74, %dma_start3A] : memref<2x128xi32, #tpu.memory_space<vmem>> -> memref<1x128xi32, #tpu.memory_space<vmem>>
        %dma_start3A_76 = tpu.memref_squeeze %dma_start3A_75 : memref<1x128xi32, #tpu.memory_space<vmem>> -> memref<128xi32, #tpu.memory_space<vmem>>
        %dma_start3A_77 = arith.constant 0 : i32
        %dma_start3A_78 = tpu.memref_slice %arg3[%arg0, %arg1, %scan3A_61, %dma_start3A_77] : memref<2x16x160x128xi32, #tpu.memory_space<hbm>> -> memref<1x1x1x128xi32, #tpu.memory_space<hbm>>
        %dma_start3A_79 = tpu.memref_squeeze %dma_start3A_78 : memref<1x1x1x128xi32, #tpu.memory_space<hbm>> -> memref<128xi32, #tpu.memory_space<hbm>>
        %dma_start3A_80 = tpu.memref_slice %arg9[%rem3A_74] : memref<2x!tpu.dma_semaphore, #tpu.memory_space<semaphore_mem>> -> memref<1x!tpu.dma_semaphore, #tpu.memory_space<semaphore_mem>>
        %dma_start3A_81 = tpu.memref_squeeze %dma_start3A_80 : memref<1x!tpu.dma_semaphore, #tpu.memory_space<semaphore_mem>> -> memref<!tpu.dma_semaphore, #tpu.memory_space<semaphore_mem>>
        %dma_start3A_82 = arith.constant 0 : i32
        %dma_start3A_83 = tpu.memref_slice %arg5[%rem3A_74, %dma_start3A_82] : memref<2x128xi32, #tpu.memory_space<vmem>> -> memref<1x128xi32, #tpu.memory_space<vmem>>
        %dma_start3A_84 = tpu.memref_squeeze %dma_start3A_83 : memref<1x128xi32, #tpu.memory_space<vmem>> -> memref<128xi32, #tpu.memory_space<vmem>>
        %dma_start3A_85 = arith.constant 0 : i32
        %dma_start3A_86 = tpu.memref_slice %arg3[%arg0, %arg1, %scan3A_61, %dma_start3A_85] : memref<2x16x160x128xi32, #tpu.memory_space<hbm>> -> memref<1x1x1x128xi32, #tpu.memory_space<hbm>>
        %dma_start3A_87 = tpu.memref_squeeze %dma_start3A_86 : memref<1x1x1x128xi32, #tpu.memory_space<hbm>> -> memref<128xi32, #tpu.memory_space<hbm>>
        tpu.enqueue_dma source(%dma_start3A_87 : memref<128xi32, #tpu.memory_space<hbm>>) target(%dma_start3A_84 : memref<128xi32, #tpu.memory_space<vmem>>) target_semaphore(%dma_start3A_81 : memref<!tpu.dma_semaphore, #tpu.memory_space<semaphore_mem>>)
        %rem3A_88 = arith.constant 2 : i32
        %rem3A_89 = arith.remsi %scan3A_61, %rem3A_88 : i32
        %mul3A_90 = arith.constant 128 : i32
        %mul3A_91 = arith.muli %scan3A_61, %mul3A_90 : i32
        %add3A_92 = arith.addi %add3A, %mul3A_91 : i32
        %dma_start3A_93 = arith.constant 0 : i32
        %dma_start3A_94 = arith.constant 0 : i32
        %dma_start3A_95 = tpu.memref_slice %arg6[%rem3A_89, %dma_start3A_93, %dma_start3A_94] : memref<2x128x128xf32, #tpu.memory_space<vmem>> -> memref<1x128x128xf32, #tpu.memory_space<vmem>>
        %dma_start3A_96 = tpu.memref_squeeze %dma_start3A_95 : memref<1x128x128xf32, #tpu.memory_space<vmem>> -> memref<128x128xf32, #tpu.memory_space<vmem>>
        %dma_start3A_97 = arith.constant 0 : i32
        %dma_start3A_98 = tpu.memref_slice %arg2[%add3A_92, %dma_start3A_97] : memref<655360x128xf32, #tpu.memory_space<hbm>> -> memref<128x128xf32, #tpu.memory_space<hbm>>
        %dma_start3A_99 = tpu.memref_slice %arg10[%rem3A_89] : memref<2x!tpu.dma_semaphore, #tpu.memory_space<semaphore_mem>> -> memref<1x!tpu.dma_semaphore, #tpu.memory_space<semaphore_mem>>
        %dma_start3A_100 = tpu.memref_squeeze %dma_start3A_99 : memref<1x!tpu.dma_semaphore, #tpu.memory_space<semaphore_mem>> -> memref<!tpu.dma_semaphore, #tpu.memory_space<semaphore_mem>>
        %dma_start3A_101 = arith.constant 0 : i32
        %dma_start3A_102 = arith.constant 0 : i32
        %dma_start3A_103 = tpu.memref_slice %arg6[%rem3A_89, %dma_start3A_101, %dma_start3A_102] : memref<2x128x128xf32, #tpu.memory_space<vmem>> -> memref<1x128x128xf32, #tpu.memory_space<vmem>>
        %dma_start3A_104 = tpu.memref_squeeze %dma_start3A_103 : memref<1x128x128xf32, #tpu.memory_space<vmem>> -> memref<128x128xf32, #tpu.memory_space<vmem>>
        %dma_start3A_105 = arith.constant 0 : i32
        %dma_start3A_106 = tpu.memref_slice %arg2[%add3A_92, %dma_start3A_105] : memref<655360x128xf32, #tpu.memory_space<hbm>> -> memref<128x128xf32, #tpu.memory_space<hbm>>
        tpu.enqueue_dma source(%dma_start3A_106 : memref<128x128xf32, #tpu.memory_space<hbm>>) target(%dma_start3A_104 : memref<128x128xf32, #tpu.memory_space<vmem>>) target_semaphore(%dma_start3A_100 : memref<!tpu.dma_semaphore, #tpu.memory_space<semaphore_mem>>)
      } else {
      }
      %ge3A = arith.constant 1 : i32
      %ge3A_64 = arith.cmpi sge, %scan3A_61, %ge3A : i32
      %convert_element_type3A_65 = arith.extui %ge3A_64 : i1 to i32
      %cond3A_66 = arith.constant 0 : i32
      %cond3A_67 = arith.cmpi ne, %convert_element_type3A_65, %cond3A_66 : i32
      scf.if %cond3A_67 {
        %sub3A = arith.constant 1 : i32
        %sub3A_68 = arith.subi %scan3A_61, %sub3A : i32
        %rem3A_69 = arith.constant 2 : i32
        %rem3A_70 = arith.remsi %sub3A_68, %rem3A_69 : i32
        %dma_wait3A_71 = arith.constant 0 : i32
        %dma_wait3A_72 = tpu.memref_slice %arg5[%rem3A_70, %dma_wait3A_71] : memref<2x128xi32, #tpu.memory_space<vmem>> -> memref<1x128xi32, #tpu.memory_space<vmem>>
        %dma_wait3A_73 = tpu.memref_squeeze %dma_wait3A_72 : memref<1x128xi32, #tpu.memory_space<vmem>> -> memref<128xi32, #tpu.memory_space<vmem>>
        %dma_wait3A_74 = arith.constant 0 : i32
        %dma_wait3A_75 = tpu.memref_slice %arg3[%arg0, %arg1, %sub3A_68, %dma_wait3A_74] : memref<2x16x160x128xi32, #tpu.memory_space<hbm>> -> memref<1x1x1x128xi32, #tpu.memory_space<hbm>>
        %dma_wait3A_76 = tpu.memref_squeeze %dma_wait3A_75 : memref<1x1x1x128xi32, #tpu.memory_space<hbm>> -> memref<128xi32, #tpu.memory_space<hbm>>
        %dma_wait3A_77 = tpu.memref_slice %arg9[%rem3A_70] : memref<2x!tpu.dma_semaphore, #tpu.memory_space<semaphore_mem>> -> memref<1x!tpu.dma_semaphore, #tpu.memory_space<semaphore_mem>>
        %dma_wait3A_78 = tpu.memref_squeeze %dma_wait3A_77 : memref<1x!tpu.dma_semaphore, #tpu.memory_space<semaphore_mem>> -> memref<!tpu.dma_semaphore, #tpu.memory_space<semaphore_mem>>
        %dma_wait3A_79 = arith.constant 0 : i32
        %dma_wait3A_80 = tpu.memref_slice %arg5[%rem3A_70, %dma_wait3A_79] : memref<2x128xi32, #tpu.memory_space<vmem>> -> memref<1x128xi32, #tpu.memory_space<vmem>>
        %dma_wait3A_81 = tpu.memref_squeeze %dma_wait3A_80 : memref<1x128xi32, #tpu.memory_space<vmem>> -> memref<128xi32, #tpu.memory_space<vmem>>
        %dma_wait3A_82 = arith.constant 0 : i32
        %dma_wait3A_83 = tpu.memref_slice %arg3[%arg0, %arg1, %sub3A_68, %dma_wait3A_82] : memref<2x16x160x128xi32, #tpu.memory_space<hbm>> -> memref<1x1x1x128xi32, #tpu.memory_space<hbm>>
        %dma_wait3A_84 = tpu.memref_squeeze %dma_wait3A_83 : memref<1x1x1x128xi32, #tpu.memory_space<hbm>> -> memref<128xi32, #tpu.memory_space<hbm>>
        tpu.wait_dma2 semaphore(%dma_wait3A_78 : memref<!tpu.dma_semaphore, #tpu.memory_space<semaphore_mem>>) src(%dma_wait3A_84 : memref<128xi32, #tpu.memory_space<hbm>>) dst(%dma_wait3A_81 : memref<128xi32, #tpu.memory_space<vmem>>)
        %sub3A_85 = arith.constant 1 : i32
        %sub3A_86 = arith.subi %scan3A_61, %sub3A_85 : i32
        %rem3A_87 = arith.constant 2 : i32
        %rem3A_88 = arith.remsi %sub3A_86, %rem3A_87 : i32
        %mul3A_89 = arith.constant 128 : i32
        %mul3A_90 = arith.muli %sub3A_86, %mul3A_89 : i32
        %add3A_91 = arith.addi %add3A, %mul3A_90 : i32
        %dma_wait3A_92 = arith.constant 0 : i32
        %dma_wait3A_93 = arith.constant 0 : i32
        %dma_wait3A_94 = tpu.memref_slice %arg6[%rem3A_88, %dma_wait3A_92, %dma_wait3A_93] : memref<2x128x128xf32, #tpu.memory_space<vmem>> -> memref<1x128x128xf32, #tpu.memory_space<vmem>>
        %dma_wait3A_95 = tpu.memref_squeeze %dma_wait3A_94 : memref<1x128x128xf32, #tpu.memory_space<vmem>> -> memref<128x128xf32, #tpu.memory_space<vmem>>
        %dma_wait3A_96 = arith.constant 0 : i32
        %dma_wait3A_97 = tpu.memref_slice %arg2[%add3A_91, %dma_wait3A_96] : memref<655360x128xf32, #tpu.memory_space<hbm>> -> memref<128x128xf32, #tpu.memory_space<hbm>>
        %dma_wait3A_98 = tpu.memref_slice %arg10[%rem3A_88] : memref<2x!tpu.dma_semaphore, #tpu.memory_space<semaphore_mem>> -> memref<1x!tpu.dma_semaphore, #tpu.memory_space<semaphore_mem>>
        %dma_wait3A_99 = tpu.memref_squeeze %dma_wait3A_98 : memref<1x!tpu.dma_semaphore, #tpu.memory_space<semaphore_mem>> -> memref<!tpu.dma_semaphore, #tpu.memory_space<semaphore_mem>>
        %dma_wait3A_100 = arith.constant 0 : i32
        %dma_wait3A_101 = arith.constant 0 : i32
        %dma_wait3A_102 = tpu.memref_slice %arg6[%rem3A_88, %dma_wait3A_100, %dma_wait3A_101] : memref<2x128x128xf32, #tpu.memory_space<vmem>> -> memref<1x128x128xf32, #tpu.memory_space<vmem>>
        %dma_wait3A_103 = tpu.memref_squeeze %dma_wait3A_102 : memref<1x128x128xf32, #tpu.memory_space<vmem>> -> memref<128x128xf32, #tpu.memory_space<vmem>>
        %dma_wait3A_104 = arith.constant 0 : i32
        %dma_wait3A_105 = tpu.memref_slice %arg2[%add3A_91, %dma_wait3A_104] : memref<655360x128xf32, #tpu.memory_space<hbm>> -> memref<128x128xf32, #tpu.memory_space<hbm>>
        tpu.wait_dma2 semaphore(%dma_wait3A_99 : memref<!tpu.dma_semaphore, #tpu.memory_space<semaphore_mem>>) src(%dma_wait3A_105 : memref<128x128xf32, #tpu.memory_space<hbm>>) dst(%dma_wait3A_103 : memref<128x128xf32, #tpu.memory_space<vmem>>)
        %sub3A_106 = arith.constant 1 : i32
        %sub3A_107 = arith.subi %scan3A_61, %sub3A_106 : i32
        %rem3A_108 = arith.constant 2 : i32
        %rem3A_109 = arith.remsi %sub3A_107, %rem3A_108 : i32
        %dma_start3A = arith.constant 0 : i32
        %dma_start3A_110 = arith.constant 0 : i32
        %dma_start3A_111 = tpu.memref_slice %arg6[%rem3A_109, %dma_start3A, %dma_start3A_110] : memref<2x128x128xf32, #tpu.memory_space<vmem>> -> memref<1x128x128xf32, #tpu.memory_space<vmem>>
        %dma_start3A_112 = tpu.memref_squeeze %dma_start3A_111 : memref<1x128x128xf32, #tpu.memory_space<vmem>> -> memref<128x128xf32, #tpu.memory_space<vmem>>
        %dma_start3A_113 = arith.constant 0 : i32
        %dma_start3A_114 = tpu.memref_slice %arg5[%rem3A_109, %dma_start3A_113] : memref<2x128xi32, #tpu.memory_space<vmem>> -> memref<1x128xi32, #tpu.memory_space<vmem>>
        %dma_start3A_115 = tpu.memref_squeeze %dma_start3A_114 : memref<1x128xi32, #tpu.memory_space<vmem>> -> memref<128xi32, #tpu.memory_space<vmem>>
        %dma_start3A_116 = arith.constant 0 : i32
        %dma_start3A_117 = arith.constant 0 : i32
        %dma_start3A_118 = tpu.memref_slice %arg8[%dma_start3A_116, %dma_start3A_117] : memref<10240x128xf32, #tpu.memory_space<vmem_shared>> -> memref<10240x128xf32, #tpu.memory_space<vmem_shared>>
        %dma_start3A_119 = tpu.memref_slice %arg11[%rem3A_109] : memref<2x!tpu.dma_semaphore, #tpu.memory_space<semaphore_mem>> -> memref<1x!tpu.dma_semaphore, #tpu.memory_space<semaphore_mem>>
        %dma_start3A_120 = tpu.memref_squeeze %dma_start3A_119 : memref<1x!tpu.dma_semaphore, #tpu.memory_space<semaphore_mem>> -> memref<!tpu.dma_semaphore, #tpu.memory_space<semaphore_mem>>
        tpu.enqueue_indirect_dma source(%dma_start3A_112 : memref<128x128xf32, #tpu.memory_space<vmem>>) target(%dma_start3A_118 : memref<10240x128xf32, #tpu.memory_space<vmem_shared>>) offsets(%dma_start3A_115 : memref<128xi32, #tpu.memory_space<vmem>>) semaphore(%dma_start3A_120 : memref<!tpu.dma_semaphore, #tpu.memory_space<semaphore_mem>>) {add = true}
      } else {
      }
    }
    %scan3A_19 = arith.constant 161 : i32
    %rem3A = arith.constant 158 : i32
    %rem3A_20 = arith.constant 2 : i32
    %rem3A_21 = arith.remsi %rem3A, %rem3A_20 : i32
    %dma_wait3A = arith.constant 0 : i32
    %dma_wait3A_22 = arith.constant 0 : i32
    %dma_wait3A_23 = tpu.memref_slice %arg6[%rem3A_21, %dma_wait3A, %dma_wait3A_22] : memref<2x128x128xf32, #tpu.memory_space<vmem>> -> memref<1x128x128xf32, #tpu.memory_space<vmem>>
    %dma_wait3A_24 = tpu.memref_squeeze %dma_wait3A_23 : memref<1x128x128xf32, #tpu.memory_space<vmem>> -> memref<128x128xf32, #tpu.memory_space<vmem>>
    %dma_wait3A_25 = arith.constant 0 : i32
    %dma_wait3A_26 = arith.constant 0 : i32
    %dma_wait3A_27 = tpu.memref_slice %arg8[%dma_wait3A_25, %dma_wait3A_26] : memref<10240x128xf32, #tpu.memory_space<vmem_shared>> -> memref<128x128xf32, #tpu.memory_space<vmem_shared>>
    %dma_wait3A_28 = tpu.memref_slice %arg11[%rem3A_21] : memref<2x!tpu.dma_semaphore, #tpu.memory_space<semaphore_mem>> -> memref<1x!tpu.dma_semaphore, #tpu.memory_space<semaphore_mem>>
    %dma_wait3A_29 = tpu.memref_squeeze %dma_wait3A_28 : memref<1x!tpu.dma_semaphore, #tpu.memory_space<semaphore_mem>> -> memref<!tpu.dma_semaphore, #tpu.memory_space<semaphore_mem>>
    %dma_wait3A_30 = arith.constant 0 : i32
    %dma_wait3A_31 = arith.constant 0 : i32
    %dma_wait3A_32 = tpu.memref_slice %arg8[%dma_wait3A_30, %dma_wait3A_31] : memref<10240x128xf32, #tpu.memory_space<vmem_shared>> -> memref<128x128xf32, #tpu.memory_space<vmem_shared>>
    %dma_wait3A_33 = arith.constant 0 : i32
    %dma_wait3A_34 = arith.constant 0 : i32
    %dma_wait3A_35 = tpu.memref_slice %arg6[%rem3A_21, %dma_wait3A_33, %dma_wait3A_34] : memref<2x128x128xf32, #tpu.memory_space<vmem>> -> memref<1x128x128xf32, #tpu.memory_space<vmem>>
    %dma_wait3A_36 = tpu.memref_squeeze %dma_wait3A_35 : memref<1x128x128xf32, #tpu.memory_space<vmem>> -> memref<128x128xf32, #tpu.memory_space<vmem>>
    tpu.wait_dma2 semaphore(%dma_wait3A_29 : memref<!tpu.dma_semaphore, #tpu.memory_space<semaphore_mem>>) src(%dma_wait3A_36 : memref<128x128xf32, #tpu.memory_space<vmem>>) dst(%dma_wait3A_32 : memref<128x128xf32, #tpu.memory_space<vmem_shared>>)
    %rem3A_37 = arith.constant 159 : i32
    %rem3A_38 = arith.constant 2 : i32
    %rem3A_39 = arith.remsi %rem3A_37, %rem3A_38 : i32
    %dma_wait3A_40 = arith.constant 0 : i32
    %dma_wait3A_41 = arith.constant 0 : i32
    %dma_wait3A_42 = tpu.memref_slice %arg6[%rem3A_39, %dma_wait3A_40, %dma_wait3A_41] : memref<2x128x128xf32, #tpu.memory_space<vmem>> -> memref<1x128x128xf32, #tpu.memory_space<vmem>>
    %dma_wait3A_43 = tpu.memref_squeeze %dma_wait3A_42 : memref<1x128x128xf32, #tpu.memory_space<vmem>> -> memref<128x128xf32, #tpu.memory_space<vmem>>
    %dma_wait3A_44 = arith.constant 0 : i32
    %dma_wait3A_45 = arith.constant 0 : i32
    %dma_wait3A_46 = tpu.memref_slice %arg8[%dma_wait3A_44, %dma_wait3A_45] : memref<10240x128xf32, #tpu.memory_space<vmem_shared>> -> memref<128x128xf32, #tpu.memory_space<vmem_shared>>
    %dma_wait3A_47 = tpu.memref_slice %arg11[%rem3A_39] : memref<2x!tpu.dma_semaphore, #tpu.memory_space<semaphore_mem>> -> memref<1x!tpu.dma_semaphore, #tpu.memory_space<semaphore_mem>>
    %dma_wait3A_48 = tpu.memref_squeeze %dma_wait3A_47 : memref<1x!tpu.dma_semaphore, #tpu.memory_space<semaphore_mem>> -> memref<!tpu.dma_semaphore, #tpu.memory_space<semaphore_mem>>
    %dma_wait3A_49 = arith.constant 0 : i32
    %dma_wait3A_50 = arith.constant 0 : i32
    %dma_wait3A_51 = tpu.memref_slice %arg8[%dma_wait3A_49, %dma_wait3A_50] : memref<10240x128xf32, #tpu.memory_space<vmem_shared>> -> memref<128x128xf32, #tpu.memory_space<vmem_shared>>
    %dma_wait3A_52 = arith.constant 0 : i32
    %dma_wait3A_53 = arith.constant 0 : i32
    %dma_wait3A_54 = tpu.memref_slice %arg6[%rem3A_39, %dma_wait3A_52, %dma_wait3A_53] : memref<2x128x128xf32, #tpu.memory_space<vmem>> -> memref<1x128x128xf32, #tpu.memory_space<vmem>>
    %dma_wait3A_55 = tpu.memref_squeeze %dma_wait3A_54 : memref<1x128x128xf32, #tpu.memory_space<vmem>> -> memref<128x128xf32, #tpu.memory_space<vmem>>
    tpu.wait_dma2 semaphore(%dma_wait3A_48 : memref<!tpu.dma_semaphore, #tpu.memory_space<semaphore_mem>>) src(%dma_wait3A_55 : memref<128x128xf32, #tpu.memory_space<vmem>>) dst(%dma_wait3A_51 : memref<128x128xf32, #tpu.memory_space<vmem_shared>>)
    %barrier3A_56 = arith.constant 0 : index
    tpu.barrier barrier_id(%barrier3A_56)
    %mul3A_57 = arith.constant 640 : i32
    %mul3A_58 = arith.muli %arg1, %mul3A_57 : i32
    %mul3A_59 = arith.constant 640 : i32
    %mul3A_60 = arith.muli %arg1, %mul3A_59 : i32
    "tpu.region"() ({
      %run_scoped3A = tpu.sem_alloc : memref<!tpu.dma_semaphore, #tpu.memory_space<semaphore_mem>>
      %dma_start3A = arith.constant 0 : i32
      %dma_start3A_61 = tpu.memref_slice %arg4[%arg0, %mul3A_60, %dma_start3A] : memref<2x10240x128xf32, #tpu.memory_space<hbm>> -> memref<1x640x128xf32, #tpu.memory_space<hbm>>
      %dma_start3A_62 = tpu.memref_squeeze %dma_start3A_61 : memref<1x640x128xf32, #tpu.memory_space<hbm>> -> memref<640x128xf32, #tpu.memory_space<hbm>>
      %dma_start3A_63 = arith.constant 0 : i32
      %dma_start3A_64 = tpu.memref_slice %arg8[%mul3A_58, %dma_start3A_63] : memref<10240x128xf32, #tpu.memory_space<vmem_shared>> -> memref<640x128xf32, #tpu.memory_space<vmem_shared>>
      tpu.enqueue_dma source(%dma_start3A_64 : memref<640x128xf32, #tpu.memory_space<vmem_shared>>) target(%dma_start3A_62 : memref<640x128xf32, #tpu.memory_space<hbm>>) target_semaphore(%run_scoped3A : memref<!tpu.dma_semaphore, #tpu.memory_space<semaphore_mem>>)
      %dma_wait3A_65 = arith.constant 0 : i32
      %dma_wait3A_66 = tpu.memref_slice %arg4[%arg0, %mul3A_60, %dma_wait3A_65] : memref<2x10240x128xf32, #tpu.memory_space<hbm>> -> memref<1x640x128xf32, #tpu.memory_space<hbm>>
      %dma_wait3A_67 = tpu.memref_squeeze %dma_wait3A_66 : memref<1x640x128xf32, #tpu.memory_space<hbm>> -> memref<640x128xf32, #tpu.memory_space<hbm>>
      %dma_wait3A_68 = arith.constant 0 : i32
      %dma_wait3A_69 = tpu.memref_slice %arg8[%mul3A_58, %dma_wait3A_68] : memref<10240x128xf32, #tpu.memory_space<vmem_shared>> -> memref<640x128xf32, #tpu.memory_space<vmem_shared>>
      tpu.wait_dma2 semaphore(%run_scoped3A : memref<!tpu.dma_semaphore, #tpu.memory_space<semaphore_mem>>) src(%dma_wait3A_69 : memref<640x128xf32, #tpu.memory_space<vmem_shared>>) dst(%dma_wait3A_67 : memref<640x128xf32, #tpu.memory_space<hbm>>)
      tpu.yield
    }) : () -> ()
    return
  }
}

#map = affine_map<(d0, d1) -> (0, 0)>
#map1 = affine_map<(d0, d1) -> (0)>
module attributes {stable_mosaic.version = 14 : i64} {
  func.func @body(%arg0: i32, %arg1: i32, %arg2: memref<20000x128xf32, #tpu.memory_space<hbm>>, %arg3: memref<655360xi32, #tpu.memory_space<hbm>>, %arg4: memref<655360x128xf32, #tpu.memory_space<hbm>>, %arg5: memref<20480xi32, #tpu.memory_space<vmem>>, %arg6: memref<5x128x128xf32, #tpu.memory_space<vmem>>, %arg7: memref<5x!tpu.dma_semaphore, #tpu.memory_space<semaphore_mem>>, %arg8: memref<5x!tpu.dma_semaphore, #tpu.memory_space<semaphore_mem>>) attributes {dimension_semantics = [#tpu.dimension_semantics<core_parallel>, #tpu.dimension_semantics<subcore_parallel>], iteration_bounds = array<i64: 2, 16>, scalar_prefetch = 0 : i64, scratch_operands = 4 : i64, tpu.core_type = #tpu.core_type<sc_vector_subcore>, window_params = [{transform_indices = #map}, {transform_indices = #map1}, {transform_indices = #map}]} {
    %mul3A = arith.constant 2 : i32
    %mul3A_0 = arith.muli %arg1, %mul3A : i32
    %add3A = arith.addi %mul3A_0, %arg0 : i32
    %mul3A_1 = arith.constant 20480 : i32
    %mul3A_2 = arith.muli %add3A, %mul3A_1 : i32
    "tpu.region"() ({
      %run_scoped3A = tpu.sem_alloc : memref<!tpu.dma_semaphore, #tpu.memory_space<semaphore_mem>>
      %dma_start3A = tpu.memref_slice %arg3[%mul3A_2] : memref<655360xi32, #tpu.memory_space<hbm>> -> memref<20480xi32, #tpu.memory_space<hbm>>
      %dma_start3A_101 = tpu.memref_slice %arg3[%mul3A_2] : memref<655360xi32, #tpu.memory_space<hbm>> -> memref<20480xi32, #tpu.memory_space<hbm>>
      tpu.enqueue_dma source(%dma_start3A_101 : memref<20480xi32, #tpu.memory_space<hbm>>) target(%arg5 : memref<20480xi32, #tpu.memory_space<vmem>>) target_semaphore(%run_scoped3A : memref<!tpu.dma_semaphore, #tpu.memory_space<semaphore_mem>>)
      %dma_wait3A_102 = tpu.memref_slice %arg3[%mul3A_2] : memref<655360xi32, #tpu.memory_space<hbm>> -> memref<20480xi32, #tpu.memory_space<hbm>>
      %dma_wait3A_103 = tpu.memref_slice %arg3[%mul3A_2] : memref<655360xi32, #tpu.memory_space<hbm>> -> memref<20480xi32, #tpu.memory_space<hbm>>
      tpu.wait_dma2 semaphore(%run_scoped3A : memref<!tpu.dma_semaphore, #tpu.memory_space<semaphore_mem>>) src(%dma_wait3A_103 : memref<20480xi32, #tpu.memory_space<hbm>>) dst(%arg5 : memref<20480xi32, #tpu.memory_space<vmem>>)
      tpu.yield
    }) : () -> ()
    %scan3A = arith.constant 0 : i32
    %scan3A_3 = arith.constant 0 : i32
    %scan3A_4 = arith.constant 163 : i32
    %scan3A_5 = arith.addi %scan3A_3, %scan3A_4 : i32
    %scan3A_6 = arith.constant 1 : i32
    scf.for %scan3A_101 = %scan3A_3 to %scan3A_5 step %scan3A_6  : i32 {
      %lt3A = arith.constant 160 : i32
      %lt3A_102 = arith.cmpi slt, %scan3A_101, %lt3A : i32
      %convert_element_type3A = arith.extui %lt3A_102 : i1 to i32
      %cond3A = arith.constant 0 : i32
      %cond3A_103 = arith.cmpi ne, %convert_element_type3A, %cond3A : i32
      scf.if %cond3A_103 {
        %ge3A_108 = arith.constant 5 : i32
        %ge3A_109 = arith.cmpi sge, %scan3A_101, %ge3A_108 : i32
        %convert_element_type3A_110 = arith.extui %ge3A_109 : i1 to i32
        %cond3A_111 = arith.constant 0 : i32
        %cond3A_112 = arith.cmpi ne, %convert_element_type3A_110, %cond3A_111 : i32
        scf.if %cond3A_112 {
          %sub3A = arith.constant 5 : i32
          %sub3A_126 = arith.subi %scan3A_101, %sub3A : i32
          %rem3A_127 = arith.constant 5 : i32
          %rem3A_128 = arith.remsi %sub3A_126, %rem3A_127 : i32
          %mul3A_129 = arith.constant 128 : i32
          %mul3A_130 = arith.muli %sub3A_126, %mul3A_129 : i32
          %add3A_131 = arith.addi %mul3A_2, %mul3A_130 : i32
          %dma_wait3A_132 = arith.constant 0 : i32
          %dma_wait3A_133 = arith.constant 0 : i32
          %dma_wait3A_134 = tpu.memref_slice %arg6[%rem3A_128, %dma_wait3A_132, %dma_wait3A_133] : memref<5x128x128xf32, #tpu.memory_space<vmem>> -> memref<1x128x128xf32, #tpu.memory_space<vmem>>
          %dma_wait3A_135 = tpu.memref_squeeze %dma_wait3A_134 : memref<1x128x128xf32, #tpu.memory_space<vmem>> -> memref<128x128xf32, #tpu.memory_space<vmem>>
          %dma_wait3A_136 = arith.constant 0 : i32
          %dma_wait3A_137 = tpu.memref_slice %arg4[%add3A_131, %dma_wait3A_136] : memref<655360x128xf32, #tpu.memory_space<hbm>> -> memref<128x128xf32, #tpu.memory_space<hbm>>
          %dma_wait3A_138 = tpu.memref_slice %arg8[%rem3A_128] : memref<5x!tpu.dma_semaphore, #tpu.memory_space<semaphore_mem>> -> memref<1x!tpu.dma_semaphore, #tpu.memory_space<semaphore_mem>>
          %dma_wait3A_139 = tpu.memref_squeeze %dma_wait3A_138 : memref<1x!tpu.dma_semaphore, #tpu.memory_space<semaphore_mem>> -> memref<!tpu.dma_semaphore, #tpu.memory_space<semaphore_mem>>
          %dma_wait3A_140 = arith.constant 0 : i32
          %dma_wait3A_141 = tpu.memref_slice %arg4[%add3A_131, %dma_wait3A_140] : memref<655360x128xf32, #tpu.memory_space<hbm>> -> memref<128x128xf32, #tpu.memory_space<hbm>>
          %dma_wait3A_142 = arith.constant 0 : i32
          %dma_wait3A_143 = arith.constant 0 : i32
          %dma_wait3A_144 = tpu.memref_slice %arg6[%rem3A_128, %dma_wait3A_142, %dma_wait3A_143] : memref<5x128x128xf32, #tpu.memory_space<vmem>> -> memref<1x128x128xf32, #tpu.memory_space<vmem>>
          %dma_wait3A_145 = tpu.memref_squeeze %dma_wait3A_144 : memref<1x128x128xf32, #tpu.memory_space<vmem>> -> memref<128x128xf32, #tpu.memory_space<vmem>>
          tpu.wait_dma2 semaphore(%dma_wait3A_139 : memref<!tpu.dma_semaphore, #tpu.memory_space<semaphore_mem>>) src(%dma_wait3A_145 : memref<128x128xf32, #tpu.memory_space<vmem>>) dst(%dma_wait3A_141 : memref<128x128xf32, #tpu.memory_space<hbm>>)
        } else {
        }
        %rem3A_113 = arith.constant 5 : i32
        %rem3A_114 = arith.remsi %scan3A_101, %rem3A_113 : i32
        %mul3A_115 = arith.constant 128 : i32
        %mul3A_116 = arith.muli %scan3A_101, %mul3A_115 : i32
        %dma_start3A = arith.constant 0 : i32
        %dma_start3A_117 = arith.constant 0 : i32
        %dma_start3A_118 = tpu.memref_slice %arg6[%rem3A_114, %dma_start3A, %dma_start3A_117] : memref<5x128x128xf32, #tpu.memory_space<vmem>> -> memref<1x128x128xf32, #tpu.memory_space<vmem>>
        %dma_start3A_119 = tpu.memref_squeeze %dma_start3A_118 : memref<1x128x128xf32, #tpu.memory_space<vmem>> -> memref<128x128xf32, #tpu.memory_space<vmem>>
        %dma_start3A_120 = tpu.memref_slice %arg5[%mul3A_116] : memref<20480xi32, #tpu.memory_space<vmem>> -> memref<128xi32, #tpu.memory_space<vmem>>
        %dma_start3A_121 = arith.constant 0 : i32
        %dma_start3A_122 = arith.constant 0 : i32
        %dma_start3A_123 = tpu.memref_slice %arg2[%dma_start3A_121, %dma_start3A_122] : memref<20000x128xf32, #tpu.memory_space<hbm>> -> memref<20000x128xf32, #tpu.memory_space<hbm>>
        %dma_start3A_124 = tpu.memref_slice %arg7[%rem3A_114] : memref<5x!tpu.dma_semaphore, #tpu.memory_space<semaphore_mem>> -> memref<1x!tpu.dma_semaphore, #tpu.memory_space<semaphore_mem>>
        %dma_start3A_125 = tpu.memref_squeeze %dma_start3A_124 : memref<1x!tpu.dma_semaphore, #tpu.memory_space<semaphore_mem>> -> memref<!tpu.dma_semaphore, #tpu.memory_space<semaphore_mem>>
        tpu.enqueue_indirect_dma source(%dma_start3A_123 : memref<20000x128xf32, #tpu.memory_space<hbm>>) target(%dma_start3A_119 : memref<128x128xf32, #tpu.memory_space<vmem>>) offsets(%dma_start3A_120 : memref<128xi32, #tpu.memory_space<vmem>>) semaphore(%dma_start3A_125 : memref<!tpu.dma_semaphore, #tpu.memory_space<semaphore_mem>>)
      } else {
      }
      %ge3A = arith.constant 3 : i32
      %ge3A_104 = arith.cmpi sge, %scan3A_101, %ge3A : i32
      %convert_element_type3A_105 = arith.extui %ge3A_104 : i1 to i32
      %cond3A_106 = arith.constant 0 : i32
      %cond3A_107 = arith.cmpi ne, %convert_element_type3A_105, %cond3A_106 : i32
      scf.if %cond3A_107 {
        %sub3A = arith.constant 3 : i32
        %sub3A_108 = arith.subi %scan3A_101, %sub3A : i32
        %rem3A_109 = arith.constant 5 : i32
        %rem3A_110 = arith.remsi %sub3A_108, %rem3A_109 : i32
        %dma_wait3A_111 = arith.constant 0 : i32
        %dma_wait3A_112 = arith.constant 0 : i32
        %dma_wait3A_113 = tpu.memref_slice %arg6[%rem3A_110, %dma_wait3A_111, %dma_wait3A_112] : memref<5x128x128xf32, #tpu.memory_space<vmem>> -> memref<1x128x128xf32, #tpu.memory_space<vmem>>
        %dma_wait3A_114 = tpu.memref_squeeze %dma_wait3A_113 : memref<1x128x128xf32, #tpu.memory_space<vmem>> -> memref<128x128xf32, #tpu.memory_space<vmem>>
        %dma_wait3A_115 = arith.constant 0 : i32
        %dma_wait3A_116 = arith.constant 0 : i32
        %dma_wait3A_117 = tpu.memref_slice %arg2[%dma_wait3A_115, %dma_wait3A_116] : memref<20000x128xf32, #tpu.memory_space<hbm>> -> memref<128x128xf32, #tpu.memory_space<hbm>>
        %dma_wait3A_118 = tpu.memref_slice %arg7[%rem3A_110] : memref<5x!tpu.dma_semaphore, #tpu.memory_space<semaphore_mem>> -> memref<1x!tpu.dma_semaphore, #tpu.memory_space<semaphore_mem>>
        %dma_wait3A_119 = tpu.memref_squeeze %dma_wait3A_118 : memref<1x!tpu.dma_semaphore, #tpu.memory_space<semaphore_mem>> -> memref<!tpu.dma_semaphore, #tpu.memory_space<semaphore_mem>>
        %dma_wait3A_120 = arith.constant 0 : i32
        %dma_wait3A_121 = arith.constant 0 : i32
        %dma_wait3A_122 = tpu.memref_slice %arg6[%rem3A_110, %dma_wait3A_120, %dma_wait3A_121] : memref<5x128x128xf32, #tpu.memory_space<vmem>> -> memref<1x128x128xf32, #tpu.memory_space<vmem>>
        %dma_wait3A_123 = tpu.memref_squeeze %dma_wait3A_122 : memref<1x128x128xf32, #tpu.memory_space<vmem>> -> memref<128x128xf32, #tpu.memory_space<vmem>>
        %dma_wait3A_124 = arith.constant 0 : i32
        %dma_wait3A_125 = arith.constant 0 : i32
        %dma_wait3A_126 = tpu.memref_slice %arg2[%dma_wait3A_124, %dma_wait3A_125] : memref<20000x128xf32, #tpu.memory_space<hbm>> -> memref<128x128xf32, #tpu.memory_space<hbm>>
        tpu.wait_dma2 semaphore(%dma_wait3A_119 : memref<!tpu.dma_semaphore, #tpu.memory_space<semaphore_mem>>) src(%dma_wait3A_126 : memref<128x128xf32, #tpu.memory_space<hbm>>) dst(%dma_wait3A_123 : memref<128x128xf32, #tpu.memory_space<vmem>>)
        %sub3A_127 = arith.constant 3 : i32
        %sub3A_128 = arith.subi %scan3A_101, %sub3A_127 : i32
        %rem3A_129 = arith.constant 5 : i32
        %rem3A_130 = arith.remsi %sub3A_128, %rem3A_129 : i32
        %mul3A_131 = arith.constant 128 : i32
        %mul3A_132 = arith.muli %sub3A_128, %mul3A_131 : i32
        %add3A_133 = arith.addi %mul3A_2, %mul3A_132 : i32
        %dma_start3A = arith.constant 0 : i32
        %dma_start3A_134 = arith.constant 0 : i32
        %dma_start3A_135 = tpu.memref_slice %arg6[%rem3A_130, %dma_start3A, %dma_start3A_134] : memref<5x128x128xf32, #tpu.memory_space<vmem>> -> memref<1x128x128xf32, #tpu.memory_space<vmem>>
        %dma_start3A_136 = tpu.memref_squeeze %dma_start3A_135 : memref<1x128x128xf32, #tpu.memory_space<vmem>> -> memref<128x128xf32, #tpu.memory_space<vmem>>
        %dma_start3A_137 = arith.constant 0 : i32
        %dma_start3A_138 = tpu.memref_slice %arg4[%add3A_133, %dma_start3A_137] : memref<655360x128xf32, #tpu.memory_space<hbm>> -> memref<128x128xf32, #tpu.memory_space<hbm>>
        %dma_start3A_139 = tpu.memref_slice %arg8[%rem3A_130] : memref<5x!tpu.dma_semaphore, #tpu.memory_space<semaphore_mem>> -> memref<1x!tpu.dma_semaphore, #tpu.memory_space<semaphore_mem>>
        %dma_start3A_140 = tpu.memref_squeeze %dma_start3A_139 : memref<1x!tpu.dma_semaphore, #tpu.memory_space<semaphore_mem>> -> memref<!tpu.dma_semaphore, #tpu.memory_space<semaphore_mem>>
        %dma_start3A_141 = arith.constant 0 : i32
        %dma_start3A_142 = tpu.memref_slice %arg4[%add3A_133, %dma_start3A_141] : memref<655360x128xf32, #tpu.memory_space<hbm>> -> memref<128x128xf32, #tpu.memory_space<hbm>>
        %dma_start3A_143 = arith.constant 0 : i32
        %dma_start3A_144 = arith.constant 0 : i32
        %dma_start3A_145 = tpu.memref_slice %arg6[%rem3A_130, %dma_start3A_143, %dma_start3A_144] : memref<5x128x128xf32, #tpu.memory_space<vmem>> -> memref<1x128x128xf32, #tpu.memory_space<vmem>>
        %dma_start3A_146 = tpu.memref_squeeze %dma_start3A_145 : memref<1x128x128xf32, #tpu.memory_space<vmem>> -> memref<128x128xf32, #tpu.memory_space<vmem>>
        tpu.enqueue_dma source(%dma_start3A_146 : memref<128x128xf32, #tpu.memory_space<vmem>>) target(%dma_start3A_142 : memref<128x128xf32, #tpu.memory_space<hbm>>) target_semaphore(%dma_start3A_140 : memref<!tpu.dma_semaphore, #tpu.memory_space<semaphore_mem>>)
      } else {
      }
    }
    %scan3A_7 = arith.constant 163 : i32
    %rem3A = arith.constant 155 : i32
    %rem3A_8 = arith.constant 5 : i32
    %rem3A_9 = arith.remsi %rem3A, %rem3A_8 : i32
    %add3A_10 = arith.constant 19840 : i32
    %add3A_11 = arith.addi %mul3A_2, %add3A_10 : i32
    %dma_wait3A = arith.constant 0 : i32
    %dma_wait3A_12 = arith.constant 0 : i32
    %dma_wait3A_13 = tpu.memref_slice %arg6[%rem3A_9, %dma_wait3A, %dma_wait3A_12] : memref<5x128x128xf32, #tpu.memory_space<vmem>> -> memref<1x128x128xf32, #tpu.memory_space<vmem>>
    %dma_wait3A_14 = tpu.memref_squeeze %dma_wait3A_13 : memref<1x128x128xf32, #tpu.memory_space<vmem>> -> memref<128x128xf32, #tpu.memory_space<vmem>>
    %dma_wait3A_15 = arith.constant 0 : i32
    %dma_wait3A_16 = tpu.memref_slice %arg4[%add3A_11, %dma_wait3A_15] : memref<655360x128xf32, #tpu.memory_space<hbm>> -> memref<128x128xf32, #tpu.memory_space<hbm>>
    %dma_wait3A_17 = tpu.memref_slice %arg8[%rem3A_9] : memref<5x!tpu.dma_semaphore, #tpu.memory_space<semaphore_mem>> -> memref<1x!tpu.dma_semaphore, #tpu.memory_space<semaphore_mem>>
    %dma_wait3A_18 = tpu.memref_squeeze %dma_wait3A_17 : memref<1x!tpu.dma_semaphore, #tpu.memory_space<semaphore_mem>> -> memref<!tpu.dma_semaphore, #tpu.memory_space<semaphore_mem>>
    %dma_wait3A_19 = arith.constant 0 : i32
    %dma_wait3A_20 = tpu.memref_slice %arg4[%add3A_11, %dma_wait3A_19] : memref<655360x128xf32, #tpu.memory_space<hbm>> -> memref<128x128xf32, #tpu.memory_space<hbm>>
    %dma_wait3A_21 = arith.constant 0 : i32
    %dma_wait3A_22 = arith.constant 0 : i32
    %dma_wait3A_23 = tpu.memref_slice %arg6[%rem3A_9, %dma_wait3A_21, %dma_wait3A_22] : memref<5x128x128xf32, #tpu.memory_space<vmem>> -> memref<1x128x128xf32, #tpu.memory_space<vmem>>
    %dma_wait3A_24 = tpu.memref_squeeze %dma_wait3A_23 : memref<1x128x128xf32, #tpu.memory_space<vmem>> -> memref<128x128xf32, #tpu.memory_space<vmem>>
    tpu.wait_dma2 semaphore(%dma_wait3A_18 : memref<!tpu.dma_semaphore, #tpu.memory_space<semaphore_mem>>) src(%dma_wait3A_24 : memref<128x128xf32, #tpu.memory_space<vmem>>) dst(%dma_wait3A_20 : memref<128x128xf32, #tpu.memory_space<hbm>>)
    %rem3A_25 = arith.constant 156 : i32
    %rem3A_26 = arith.constant 5 : i32
    %rem3A_27 = arith.remsi %rem3A_25, %rem3A_26 : i32
    %add3A_28 = arith.constant 19968 : i32
    %add3A_29 = arith.addi %mul3A_2, %add3A_28 : i32
    %dma_wait3A_30 = arith.constant 0 : i32
    %dma_wait3A_31 = arith.constant 0 : i32
    %dma_wait3A_32 = tpu.memref_slice %arg6[%rem3A_27, %dma_wait3A_30, %dma_wait3A_31] : memref<5x128x128xf32, #tpu.memory_space<vmem>> -> memref<1x128x128xf32, #tpu.memory_space<vmem>>
    %dma_wait3A_33 = tpu.memref_squeeze %dma_wait3A_32 : memref<1x128x128xf32, #tpu.memory_space<vmem>> -> memref<128x128xf32, #tpu.memory_space<vmem>>
    %dma_wait3A_34 = arith.constant 0 : i32
    %dma_wait3A_35 = tpu.memref_slice %arg4[%add3A_29, %dma_wait3A_34] : memref<655360x128xf32, #tpu.memory_space<hbm>> -> memref<128x128xf32, #tpu.memory_space<hbm>>
    %dma_wait3A_36 = tpu.memref_slice %arg8[%rem3A_27] : memref<5x!tpu.dma_semaphore, #tpu.memory_space<semaphore_mem>> -> memref<1x!tpu.dma_semaphore, #tpu.memory_space<semaphore_mem>>
    %dma_wait3A_37 = tpu.memref_squeeze %dma_wait3A_36 : memref<1x!tpu.dma_semaphore, #tpu.memory_space<semaphore_mem>> -> memref<!tpu.dma_semaphore, #tpu.memory_space<semaphore_mem>>
    %dma_wait3A_38 = arith.constant 0 : i32
    %dma_wait3A_39 = tpu.memref_slice %arg4[%add3A_29, %dma_wait3A_38] : memref<655360x128xf32, #tpu.memory_space<hbm>> -> memref<128x128xf32, #tpu.memory_space<hbm>>
    %dma_wait3A_40 = arith.constant 0 : i32
    %dma_wait3A_41 = arith.constant 0 : i32
    %dma_wait3A_42 = tpu.memref_slice %arg6[%rem3A_27, %dma_wait3A_40, %dma_wait3A_41] : memref<5x128x128xf32, #tpu.memory_space<vmem>> -> memref<1x128x128xf32, #tpu.memory_space<vmem>>
    %dma_wait3A_43 = tpu.memref_squeeze %dma_wait3A_42 : memref<1x128x128xf32, #tpu.memory_space<vmem>> -> memref<128x128xf32, #tpu.memory_space<vmem>>
    tpu.wait_dma2 semaphore(%dma_wait3A_37 : memref<!tpu.dma_semaphore, #tpu.memory_space<semaphore_mem>>) src(%dma_wait3A_43 : memref<128x128xf32, #tpu.memory_space<vmem>>) dst(%dma_wait3A_39 : memref<128x128xf32, #tpu.memory_space<hbm>>)
    %rem3A_44 = arith.constant 157 : i32
    %rem3A_45 = arith.constant 5 : i32
    %rem3A_46 = arith.remsi %rem3A_44, %rem3A_45 : i32
    %add3A_47 = arith.constant 20096 : i32
    %add3A_48 = arith.addi %mul3A_2, %add3A_47 : i32
    %dma_wait3A_49 = arith.constant 0 : i32
    %dma_wait3A_50 = arith.constant 0 : i32
    %dma_wait3A_51 = tpu.memref_slice %arg6[%rem3A_46, %dma_wait3A_49, %dma_wait3A_50] : memref<5x128x128xf32, #tpu.memory_space<vmem>> -> memref<1x128x128xf32, #tpu.memory_space<vmem>>
    %dma_wait3A_52 = tpu.memref_squeeze %dma_wait3A_51 : memref<1x128x128xf32, #tpu.memory_space<vmem>> -> memref<128x128xf32, #tpu.memory_space<vmem>>
    %dma_wait3A_53 = arith.constant 0 : i32
    %dma_wait3A_54 = tpu.memref_slice %arg4[%add3A_48, %dma_wait3A_53] : memref<655360x128xf32, #tpu.memory_space<hbm>> -> memref<128x128xf32, #tpu.memory_space<hbm>>
    %dma_wait3A_55 = tpu.memref_slice %arg8[%rem3A_46] : memref<5x!tpu.dma_semaphore, #tpu.memory_space<semaphore_mem>> -> memref<1x!tpu.dma_semaphore, #tpu.memory_space<semaphore_mem>>
    %dma_wait3A_56 = tpu.memref_squeeze %dma_wait3A_55 : memref<1x!tpu.dma_semaphore, #tpu.memory_space<semaphore_mem>> -> memref<!tpu.dma_semaphore, #tpu.memory_space<semaphore_mem>>
    %dma_wait3A_57 = arith.constant 0 : i32
    %dma_wait3A_58 = tpu.memref_slice %arg4[%add3A_48, %dma_wait3A_57] : memref<655360x128xf32, #tpu.memory_space<hbm>> -> memref<128x128xf32, #tpu.memory_space<hbm>>
    %dma_wait3A_59 = arith.constant 0 : i32
    %dma_wait3A_60 = arith.constant 0 : i32
    %dma_wait3A_61 = tpu.memref_slice %arg6[%rem3A_46, %dma_wait3A_59, %dma_wait3A_60] : memref<5x128x128xf32, #tpu.memory_space<vmem>> -> memref<1x128x128xf32, #tpu.memory_space<vmem>>
    %dma_wait3A_62 = tpu.memref_squeeze %dma_wait3A_61 : memref<1x128x128xf32, #tpu.memory_space<vmem>> -> memref<128x128xf32, #tpu.memory_space<vmem>>
    tpu.wait_dma2 semaphore(%dma_wait3A_56 : memref<!tpu.dma_semaphore, #tpu.memory_space<semaphore_mem>>) src(%dma_wait3A_62 : memref<128x128xf32, #tpu.memory_space<vmem>>) dst(%dma_wait3A_58 : memref<128x128xf32, #tpu.memory_space<hbm>>)
    %rem3A_63 = arith.constant 158 : i32
    %rem3A_64 = arith.constant 5 : i32
    %rem3A_65 = arith.remsi %rem3A_63, %rem3A_64 : i32
    %add3A_66 = arith.constant 20224 : i32
    %add3A_67 = arith.addi %mul3A_2, %add3A_66 : i32
    %dma_wait3A_68 = arith.constant 0 : i32
    %dma_wait3A_69 = arith.constant 0 : i32
    %dma_wait3A_70 = tpu.memref_slice %arg6[%rem3A_65, %dma_wait3A_68, %dma_wait3A_69] : memref<5x128x128xf32, #tpu.memory_space<vmem>> -> memref<1x128x128xf32, #tpu.memory_space<vmem>>
    %dma_wait3A_71 = tpu.memref_squeeze %dma_wait3A_70 : memref<1x128x128xf32, #tpu.memory_space<vmem>> -> memref<128x128xf32, #tpu.memory_space<vmem>>
    %dma_wait3A_72 = arith.constant 0 : i32
    %dma_wait3A_73 = tpu.memref_slice %arg4[%add3A_67, %dma_wait3A_72] : memref<655360x128xf32, #tpu.memory_space<hbm>> -> memref<128x128xf32, #tpu.memory_space<hbm>>
    %dma_wait3A_74 = tpu.memref_slice %arg8[%rem3A_65] : memref<5x!tpu.dma_semaphore, #tpu.memory_space<semaphore_mem>> -> memref<1x!tpu.dma_semaphore, #tpu.memory_space<semaphore_mem>>
    %dma_wait3A_75 = tpu.memref_squeeze %dma_wait3A_74 : memref<1x!tpu.dma_semaphore, #tpu.memory_space<semaphore_mem>> -> memref<!tpu.dma_semaphore, #tpu.memory_space<semaphore_mem>>
    %dma_wait3A_76 = arith.constant 0 : i32
    %dma_wait3A_77 = tpu.memref_slice %arg4[%add3A_67, %dma_wait3A_76] : memref<655360x128xf32, #tpu.memory_space<hbm>> -> memref<128x128xf32, #tpu.memory_space<hbm>>
    %dma_wait3A_78 = arith.constant 0 : i32
    %dma_wait3A_79 = arith.constant 0 : i32
    %dma_wait3A_80 = tpu.memref_slice %arg6[%rem3A_65, %dma_wait3A_78, %dma_wait3A_79] : memref<5x128x128xf32, #tpu.memory_space<vmem>> -> memref<1x128x128xf32, #tpu.memory_space<vmem>>
    %dma_wait3A_81 = tpu.memref_squeeze %dma_wait3A_80 : memref<1x128x128xf32, #tpu.memory_space<vmem>> -> memref<128x128xf32, #tpu.memory_space<vmem>>
    tpu.wait_dma2 semaphore(%dma_wait3A_75 : memref<!tpu.dma_semaphore, #tpu.memory_space<semaphore_mem>>) src(%dma_wait3A_81 : memref<128x128xf32, #tpu.memory_space<vmem>>) dst(%dma_wait3A_77 : memref<128x128xf32, #tpu.memory_space<hbm>>)
    %rem3A_82 = arith.constant 159 : i32
    %rem3A_83 = arith.constant 5 : i32
    %rem3A_84 = arith.remsi %rem3A_82, %rem3A_83 : i32
    %add3A_85 = arith.constant 20352 : i32
    %add3A_86 = arith.addi %mul3A_2, %add3A_85 : i32
    %dma_wait3A_87 = arith.constant 0 : i32
    %dma_wait3A_88 = arith.constant 0 : i32
    %dma_wait3A_89 = tpu.memref_slice %arg6[%rem3A_84, %dma_wait3A_87, %dma_wait3A_88] : memref<5x128x128xf32, #tpu.memory_space<vmem>> -> memref<1x128x128xf32, #tpu.memory_space<vmem>>
    %dma_wait3A_90 = tpu.memref_squeeze %dma_wait3A_89 : memref<1x128x128xf32, #tpu.memory_space<vmem>> -> memref<128x128xf32, #tpu.memory_space<vmem>>
    %dma_wait3A_91 = arith.constant 0 : i32
    %dma_wait3A_92 = tpu.memref_slice %arg4[%add3A_86, %dma_wait3A_91] : memref<655360x128xf32, #tpu.memory_space<hbm>> -> memref<128x128xf32, #tpu.memory_space<hbm>>
    %dma_wait3A_93 = tpu.memref_slice %arg8[%rem3A_84] : memref<5x!tpu.dma_semaphore, #tpu.memory_space<semaphore_mem>> -> memref<1x!tpu.dma_semaphore, #tpu.memory_space<semaphore_mem>>
    %dma_wait3A_94 = tpu.memref_squeeze %dma_wait3A_93 : memref<1x!tpu.dma_semaphore, #tpu.memory_space<semaphore_mem>> -> memref<!tpu.dma_semaphore, #tpu.memory_space<semaphore_mem>>
    %dma_wait3A_95 = arith.constant 0 : i32
    %dma_wait3A_96 = tpu.memref_slice %arg4[%add3A_86, %dma_wait3A_95] : memref<655360x128xf32, #tpu.memory_space<hbm>> -> memref<128x128xf32, #tpu.memory_space<hbm>>
    %dma_wait3A_97 = arith.constant 0 : i32
    %dma_wait3A_98 = arith.constant 0 : i32
    %dma_wait3A_99 = tpu.memref_slice %arg6[%rem3A_84, %dma_wait3A_97, %dma_wait3A_98] : memref<5x128x128xf32, #tpu.memory_space<vmem>> -> memref<1x128x128xf32, #tpu.memory_space<vmem>>
    %dma_wait3A_100 = tpu.memref_squeeze %dma_wait3A_99 : memref<1x128x128xf32, #tpu.memory_space<vmem>> -> memref<128x128xf32, #tpu.memory_space<vmem>>
    tpu.wait_dma2 semaphore(%dma_wait3A_94 : memref<!tpu.dma_semaphore, #tpu.memory_space<semaphore_mem>>) src(%dma_wait3A_100 : memref<128x128xf32, #tpu.memory_space<vmem>>) dst(%dma_wait3A_96 : memref<128x128xf32, #tpu.memory_space<hbm>>)
    return
  }
}

#map = affine_map<(d0, d1) -> (0, 0)>
#map1 = affine_map<(d0, d1) -> (0)>
module attributes {stable_mosaic.version = 14 : i64} {
  func.func @body(%arg0: i32, %arg1: i32, %arg2: memref<20000x128xf32, #tpu.memory_space<hbm>>, %arg3: memref<655360xi32, #tpu.memory_space<hbm>>, %arg4: memref<655360x128xf32, #tpu.memory_space<hbm>>, %arg5: memref<20480xi32, #tpu.memory_space<vmem>>, %arg6: memref<5x128x128xf32, #tpu.memory_space<vmem>>, %arg7: memref<5x!tpu.dma_semaphore, #tpu.memory_space<semaphore_mem>>, %arg8: memref<5x!tpu.dma_semaphore, #tpu.memory_space<semaphore_mem>>) attributes {dimension_semantics = [#tpu.dimension_semantics<core_parallel>, #tpu.dimension_semantics<subcore_parallel>], iteration_bounds = array<i64: 2, 16>, scalar_prefetch = 0 : i64, scratch_operands = 4 : i64, tpu.core_type = #tpu.core_type<sc_vector_subcore>, window_params = [{transform_indices = #map}, {transform_indices = #map1}, {transform_indices = #map}]} {
    %mul3A = arith.constant 2 : i32
    %mul3A_0 = arith.muli %arg1, %mul3A : i32
    %add3A = arith.addi %mul3A_0, %arg0 : i32
    %mul3A_1 = arith.constant 20480 : i32
    %mul3A_2 = arith.muli %add3A, %mul3A_1 : i32
    "tpu.region"() ({
      %run_scoped3A = tpu.sem_alloc : memref<!tpu.dma_semaphore, #tpu.memory_space<semaphore_mem>>
      %dma_start3A = tpu.memref_slice %arg3[%mul3A_2] : memref<655360xi32, #tpu.memory_space<hbm>> -> memref<20480xi32, #tpu.memory_space<hbm>>
      %dma_start3A_101 = tpu.memref_slice %arg3[%mul3A_2] : memref<655360xi32, #tpu.memory_space<hbm>> -> memref<20480xi32, #tpu.memory_space<hbm>>
      tpu.enqueue_dma source(%dma_start3A_101 : memref<20480xi32, #tpu.memory_space<hbm>>) target(%arg5 : memref<20480xi32, #tpu.memory_space<vmem>>) target_semaphore(%run_scoped3A : memref<!tpu.dma_semaphore, #tpu.memory_space<semaphore_mem>>)
      %dma_wait3A_102 = tpu.memref_slice %arg3[%mul3A_2] : memref<655360xi32, #tpu.memory_space<hbm>> -> memref<20480xi32, #tpu.memory_space<hbm>>
      %dma_wait3A_103 = tpu.memref_slice %arg3[%mul3A_2] : memref<655360xi32, #tpu.memory_space<hbm>> -> memref<20480xi32, #tpu.memory_space<hbm>>
      tpu.wait_dma2 semaphore(%run_scoped3A : memref<!tpu.dma_semaphore, #tpu.memory_space<semaphore_mem>>) src(%dma_wait3A_103 : memref<20480xi32, #tpu.memory_space<hbm>>) dst(%arg5 : memref<20480xi32, #tpu.memory_space<vmem>>)
      tpu.yield
    }) : () -> ()
    %scan3A = arith.constant 0 : i32
    %scan3A_3 = arith.constant 0 : i32
    %scan3A_4 = arith.constant 163 : i32
    %scan3A_5 = arith.addi %scan3A_3, %scan3A_4 : i32
    %scan3A_6 = arith.constant 1 : i32
    scf.for %scan3A_101 = %scan3A_3 to %scan3A_5 step %scan3A_6  : i32 {
      %lt3A = arith.constant 160 : i32
      %lt3A_102 = arith.cmpi slt, %scan3A_101, %lt3A : i32
      %convert_element_type3A = arith.extui %lt3A_102 : i1 to i32
      %cond3A = arith.constant 0 : i32
      %cond3A_103 = arith.cmpi ne, %convert_element_type3A, %cond3A : i32
      scf.if %cond3A_103 {
        %ge3A_108 = arith.constant 5 : i32
        %ge3A_109 = arith.cmpi sge, %scan3A_101, %ge3A_108 : i32
        %convert_element_type3A_110 = arith.extui %ge3A_109 : i1 to i32
        %cond3A_111 = arith.constant 0 : i32
        %cond3A_112 = arith.cmpi ne, %convert_element_type3A_110, %cond3A_111 : i32
        scf.if %cond3A_112 {
          %sub3A = arith.constant 5 : i32
          %sub3A_126 = arith.subi %scan3A_101, %sub3A : i32
          %rem3A_127 = arith.constant 5 : i32
          %rem3A_128 = arith.remsi %sub3A_126, %rem3A_127 : i32
          %mul3A_129 = arith.constant 128 : i32
          %mul3A_130 = arith.muli %sub3A_126, %mul3A_129 : i32
          %add3A_131 = arith.addi %mul3A_2, %mul3A_130 : i32
          %dma_wait3A_132 = arith.constant 0 : i32
          %dma_wait3A_133 = arith.constant 0 : i32
          %dma_wait3A_134 = tpu.memref_slice %arg6[%rem3A_128, %dma_wait3A_132, %dma_wait3A_133] : memref<5x128x128xf32, #tpu.memory_space<vmem>> -> memref<1x128x128xf32, #tpu.memory_space<vmem>>
          %dma_wait3A_135 = tpu.memref_squeeze %dma_wait3A_134 : memref<1x128x128xf32, #tpu.memory_space<vmem>> -> memref<128x128xf32, #tpu.memory_space<vmem>>
          %dma_wait3A_136 = arith.constant 0 : i32
          %dma_wait3A_137 = tpu.memref_slice %arg4[%add3A_131, %dma_wait3A_136] : memref<655360x128xf32, #tpu.memory_space<hbm>> -> memref<128x128xf32, #tpu.memory_space<hbm>>
          %dma_wait3A_138 = tpu.memref_slice %arg8[%rem3A_128] : memref<5x!tpu.dma_semaphore, #tpu.memory_space<semaphore_mem>> -> memref<1x!tpu.dma_semaphore, #tpu.memory_space<semaphore_mem>>
          %dma_wait3A_139 = tpu.memref_squeeze %dma_wait3A_138 : memref<1x!tpu.dma_semaphore, #tpu.memory_space<semaphore_mem>> -> memref<!tpu.dma_semaphore, #tpu.memory_space<semaphore_mem>>
          %dma_wait3A_140 = arith.constant 0 : i32
          %dma_wait3A_141 = tpu.memref_slice %arg4[%add3A_131, %dma_wait3A_140] : memref<655360x128xf32, #tpu.memory_space<hbm>> -> memref<128x128xf32, #tpu.memory_space<hbm>>
          %dma_wait3A_142 = arith.constant 0 : i32
          %dma_wait3A_143 = arith.constant 0 : i32
          %dma_wait3A_144 = tpu.memref_slice %arg6[%rem3A_128, %dma_wait3A_142, %dma_wait3A_143] : memref<5x128x128xf32, #tpu.memory_space<vmem>> -> memref<1x128x128xf32, #tpu.memory_space<vmem>>
          %dma_wait3A_145 = tpu.memref_squeeze %dma_wait3A_144 : memref<1x128x128xf32, #tpu.memory_space<vmem>> -> memref<128x128xf32, #tpu.memory_space<vmem>>
          tpu.wait_dma2 semaphore(%dma_wait3A_139 : memref<!tpu.dma_semaphore, #tpu.memory_space<semaphore_mem>>) src(%dma_wait3A_145 : memref<128x128xf32, #tpu.memory_space<vmem>>) dst(%dma_wait3A_141 : memref<128x128xf32, #tpu.memory_space<hbm>>)
        } else {
        }
        %rem3A_113 = arith.constant 5 : i32
        %rem3A_114 = arith.remsi %scan3A_101, %rem3A_113 : i32
        %mul3A_115 = arith.constant 128 : i32
        %mul3A_116 = arith.muli %scan3A_101, %mul3A_115 : i32
        %dma_start3A = arith.constant 0 : i32
        %dma_start3A_117 = arith.constant 0 : i32
        %dma_start3A_118 = tpu.memref_slice %arg6[%rem3A_114, %dma_start3A, %dma_start3A_117] : memref<5x128x128xf32, #tpu.memory_space<vmem>> -> memref<1x128x128xf32, #tpu.memory_space<vmem>>
        %dma_start3A_119 = tpu.memref_squeeze %dma_start3A_118 : memref<1x128x128xf32, #tpu.memory_space<vmem>> -> memref<128x128xf32, #tpu.memory_space<vmem>>
        %dma_start3A_120 = tpu.memref_slice %arg5[%mul3A_116] : memref<20480xi32, #tpu.memory_space<vmem>> -> memref<128xi32, #tpu.memory_space<vmem>>
        %dma_start3A_121 = arith.constant 0 : i32
        %dma_start3A_122 = arith.constant 0 : i32
        %dma_start3A_123 = tpu.memref_slice %arg2[%dma_start3A_121, %dma_start3A_122] : memref<20000x128xf32, #tpu.memory_space<hbm>> -> memref<20000x128xf32, #tpu.memory_space<hbm>>
        %dma_start3A_124 = tpu.memref_slice %arg7[%rem3A_114] : memref<5x!tpu.dma_semaphore, #tpu.memory_space<semaphore_mem>> -> memref<1x!tpu.dma_semaphore, #tpu.memory_space<semaphore_mem>>
        %dma_start3A_125 = tpu.memref_squeeze %dma_start3A_124 : memref<1x!tpu.dma_semaphore, #tpu.memory_space<semaphore_mem>> -> memref<!tpu.dma_semaphore, #tpu.memory_space<semaphore_mem>>
        tpu.enqueue_indirect_dma source(%dma_start3A_123 : memref<20000x128xf32, #tpu.memory_space<hbm>>) target(%dma_start3A_119 : memref<128x128xf32, #tpu.memory_space<vmem>>) offsets(%dma_start3A_120 : memref<128xi32, #tpu.memory_space<vmem>>) semaphore(%dma_start3A_125 : memref<!tpu.dma_semaphore, #tpu.memory_space<semaphore_mem>>)
      } else {
      }
      %ge3A = arith.constant 3 : i32
      %ge3A_104 = arith.cmpi sge, %scan3A_101, %ge3A : i32
      %convert_element_type3A_105 = arith.extui %ge3A_104 : i1 to i32
      %cond3A_106 = arith.constant 0 : i32
      %cond3A_107 = arith.cmpi ne, %convert_element_type3A_105, %cond3A_106 : i32
      scf.if %cond3A_107 {
        %sub3A = arith.constant 3 : i32
        %sub3A_108 = arith.subi %scan3A_101, %sub3A : i32
        %rem3A_109 = arith.constant 5 : i32
        %rem3A_110 = arith.remsi %sub3A_108, %rem3A_109 : i32
        %dma_wait3A_111 = arith.constant 0 : i32
        %dma_wait3A_112 = arith.constant 0 : i32
        %dma_wait3A_113 = tpu.memref_slice %arg6[%rem3A_110, %dma_wait3A_111, %dma_wait3A_112] : memref<5x128x128xf32, #tpu.memory_space<vmem>> -> memref<1x128x128xf32, #tpu.memory_space<vmem>>
        %dma_wait3A_114 = tpu.memref_squeeze %dma_wait3A_113 : memref<1x128x128xf32, #tpu.memory_space<vmem>> -> memref<128x128xf32, #tpu.memory_space<vmem>>
        %dma_wait3A_115 = arith.constant 0 : i32
        %dma_wait3A_116 = arith.constant 0 : i32
        %dma_wait3A_117 = tpu.memref_slice %arg2[%dma_wait3A_115, %dma_wait3A_116] : memref<20000x128xf32, #tpu.memory_space<hbm>> -> memref<128x128xf32, #tpu.memory_space<hbm>>
        %dma_wait3A_118 = tpu.memref_slice %arg7[%rem3A_110] : memref<5x!tpu.dma_semaphore, #tpu.memory_space<semaphore_mem>> -> memref<1x!tpu.dma_semaphore, #tpu.memory_space<semaphore_mem>>
        %dma_wait3A_119 = tpu.memref_squeeze %dma_wait3A_118 : memref<1x!tpu.dma_semaphore, #tpu.memory_space<semaphore_mem>> -> memref<!tpu.dma_semaphore, #tpu.memory_space<semaphore_mem>>
        %dma_wait3A_120 = arith.constant 0 : i32
        %dma_wait3A_121 = arith.constant 0 : i32
        %dma_wait3A_122 = tpu.memref_slice %arg6[%rem3A_110, %dma_wait3A_120, %dma_wait3A_121] : memref<5x128x128xf32, #tpu.memory_space<vmem>> -> memref<1x128x128xf32, #tpu.memory_space<vmem>>
        %dma_wait3A_123 = tpu.memref_squeeze %dma_wait3A_122 : memref<1x128x128xf32, #tpu.memory_space<vmem>> -> memref<128x128xf32, #tpu.memory_space<vmem>>
        %dma_wait3A_124 = arith.constant 0 : i32
        %dma_wait3A_125 = arith.constant 0 : i32
        %dma_wait3A_126 = tpu.memref_slice %arg2[%dma_wait3A_124, %dma_wait3A_125] : memref<20000x128xf32, #tpu.memory_space<hbm>> -> memref<128x128xf32, #tpu.memory_space<hbm>>
        tpu.wait_dma2 semaphore(%dma_wait3A_119 : memref<!tpu.dma_semaphore, #tpu.memory_space<semaphore_mem>>) src(%dma_wait3A_126 : memref<128x128xf32, #tpu.memory_space<hbm>>) dst(%dma_wait3A_123 : memref<128x128xf32, #tpu.memory_space<vmem>>)
        %sub3A_127 = arith.constant 3 : i32
        %sub3A_128 = arith.subi %scan3A_101, %sub3A_127 : i32
        %rem3A_129 = arith.constant 5 : i32
        %rem3A_130 = arith.remsi %sub3A_128, %rem3A_129 : i32
        %mul3A_131 = arith.constant 128 : i32
        %mul3A_132 = arith.muli %sub3A_128, %mul3A_131 : i32
        %add3A_133 = arith.addi %mul3A_2, %mul3A_132 : i32
        %dma_start3A = arith.constant 0 : i32
        %dma_start3A_134 = arith.constant 0 : i32
        %dma_start3A_135 = tpu.memref_slice %arg6[%rem3A_130, %dma_start3A, %dma_start3A_134] : memref<5x128x128xf32, #tpu.memory_space<vmem>> -> memref<1x128x128xf32, #tpu.memory_space<vmem>>
        %dma_start3A_136 = tpu.memref_squeeze %dma_start3A_135 : memref<1x128x128xf32, #tpu.memory_space<vmem>> -> memref<128x128xf32, #tpu.memory_space<vmem>>
        %dma_start3A_137 = arith.constant 0 : i32
        %dma_start3A_138 = tpu.memref_slice %arg4[%add3A_133, %dma_start3A_137] : memref<655360x128xf32, #tpu.memory_space<hbm>> -> memref<128x128xf32, #tpu.memory_space<hbm>>
        %dma_start3A_139 = tpu.memref_slice %arg8[%rem3A_130] : memref<5x!tpu.dma_semaphore, #tpu.memory_space<semaphore_mem>> -> memref<1x!tpu.dma_semaphore, #tpu.memory_space<semaphore_mem>>
        %dma_start3A_140 = tpu.memref_squeeze %dma_start3A_139 : memref<1x!tpu.dma_semaphore, #tpu.memory_space<semaphore_mem>> -> memref<!tpu.dma_semaphore, #tpu.memory_space<semaphore_mem>>
        %dma_start3A_141 = arith.constant 0 : i32
        %dma_start3A_142 = tpu.memref_slice %arg4[%add3A_133, %dma_start3A_141] : memref<655360x128xf32, #tpu.memory_space<hbm>> -> memref<128x128xf32, #tpu.memory_space<hbm>>
        %dma_start3A_143 = arith.constant 0 : i32
        %dma_start3A_144 = arith.constant 0 : i32
        %dma_start3A_145 = tpu.memref_slice %arg6[%rem3A_130, %dma_start3A_143, %dma_start3A_144] : memref<5x128x128xf32, #tpu.memory_space<vmem>> -> memref<1x128x128xf32, #tpu.memory_space<vmem>>
        %dma_start3A_146 = tpu.memref_squeeze %dma_start3A_145 : memref<1x128x128xf32, #tpu.memory_space<vmem>> -> memref<128x128xf32, #tpu.memory_space<vmem>>
        tpu.enqueue_dma source(%dma_start3A_146 : memref<128x128xf32, #tpu.memory_space<vmem>>) target(%dma_start3A_142 : memref<128x128xf32, #tpu.memory_space<hbm>>) target_semaphore(%dma_start3A_140 : memref<!tpu.dma_semaphore, #tpu.memory_space<semaphore_mem>>)
      } else {
      }
    }
    %scan3A_7 = arith.constant 163 : i32
    %rem3A = arith.constant 155 : i32
    %rem3A_8 = arith.constant 5 : i32
    %rem3A_9 = arith.remsi %rem3A, %rem3A_8 : i32
    %add3A_10 = arith.constant 19840 : i32
    %add3A_11 = arith.addi %mul3A_2, %add3A_10 : i32
    %dma_wait3A = arith.constant 0 : i32
    %dma_wait3A_12 = arith.constant 0 : i32
    %dma_wait3A_13 = tpu.memref_slice %arg6[%rem3A_9, %dma_wait3A, %dma_wait3A_12] : memref<5x128x128xf32, #tpu.memory_space<vmem>> -> memref<1x128x128xf32, #tpu.memory_space<vmem>>
    %dma_wait3A_14 = tpu.memref_squeeze %dma_wait3A_13 : memref<1x128x128xf32, #tpu.memory_space<vmem>> -> memref<128x128xf32, #tpu.memory_space<vmem>>
    %dma_wait3A_15 = arith.constant 0 : i32
    %dma_wait3A_16 = tpu.memref_slice %arg4[%add3A_11, %dma_wait3A_15] : memref<655360x128xf32, #tpu.memory_space<hbm>> -> memref<128x128xf32, #tpu.memory_space<hbm>>
    %dma_wait3A_17 = tpu.memref_slice %arg8[%rem3A_9] : memref<5x!tpu.dma_semaphore, #tpu.memory_space<semaphore_mem>> -> memref<1x!tpu.dma_semaphore, #tpu.memory_space<semaphore_mem>>
    %dma_wait3A_18 = tpu.memref_squeeze %dma_wait3A_17 : memref<1x!tpu.dma_semaphore, #tpu.memory_space<semaphore_mem>> -> memref<!tpu.dma_semaphore, #tpu.memory_space<semaphore_mem>>
    %dma_wait3A_19 = arith.constant 0 : i32
    %dma_wait3A_20 = tpu.memref_slice %arg4[%add3A_11, %dma_wait3A_19] : memref<655360x128xf32, #tpu.memory_space<hbm>> -> memref<128x128xf32, #tpu.memory_space<hbm>>
    %dma_wait3A_21 = arith.constant 0 : i32
    %dma_wait3A_22 = arith.constant 0 : i32
    %dma_wait3A_23 = tpu.memref_slice %arg6[%rem3A_9, %dma_wait3A_21, %dma_wait3A_22] : memref<5x128x128xf32, #tpu.memory_space<vmem>> -> memref<1x128x128xf32, #tpu.memory_space<vmem>>
    %dma_wait3A_24 = tpu.memref_squeeze %dma_wait3A_23 : memref<1x128x128xf32, #tpu.memory_space<vmem>> -> memref<128x128xf32, #tpu.memory_space<vmem>>
    tpu.wait_dma2 semaphore(%dma_wait3A_18 : memref<!tpu.dma_semaphore, #tpu.memory_space<semaphore_mem>>) src(%dma_wait3A_24 : memref<128x128xf32, #tpu.memory_space<vmem>>) dst(%dma_wait3A_20 : memref<128x128xf32, #tpu.memory_space<hbm>>)
    %rem3A_25 = arith.constant 156 : i32
    %rem3A_26 = arith.constant 5 : i32
    %rem3A_27 = arith.remsi %rem3A_25, %rem3A_26 : i32
    %add3A_28 = arith.constant 19968 : i32
    %add3A_29 = arith.addi %mul3A_2, %add3A_28 : i32
    %dma_wait3A_30 = arith.constant 0 : i32
    %dma_wait3A_31 = arith.constant 0 : i32
    %dma_wait3A_32 = tpu.memref_slice %arg6[%rem3A_27, %dma_wait3A_30, %dma_wait3A_31] : memref<5x128x128xf32, #tpu.memory_space<vmem>> -> memref<1x128x128xf32, #tpu.memory_space<vmem>>
    %dma_wait3A_33 = tpu.memref_squeeze %dma_wait3A_32 : memref<1x128x128xf32, #tpu.memory_space<vmem>> -> memref<128x128xf32, #tpu.memory_space<vmem>>
    %dma_wait3A_34 = arith.constant 0 : i32
    %dma_wait3A_35 = tpu.memref_slice %arg4[%add3A_29, %dma_wait3A_34] : memref<655360x128xf32, #tpu.memory_space<hbm>> -> memref<128x128xf32, #tpu.memory_space<hbm>>
    %dma_wait3A_36 = tpu.memref_slice %arg8[%rem3A_27] : memref<5x!tpu.dma_semaphore, #tpu.memory_space<semaphore_mem>> -> memref<1x!tpu.dma_semaphore, #tpu.memory_space<semaphore_mem>>
    %dma_wait3A_37 = tpu.memref_squeeze %dma_wait3A_36 : memref<1x!tpu.dma_semaphore, #tpu.memory_space<semaphore_mem>> -> memref<!tpu.dma_semaphore, #tpu.memory_space<semaphore_mem>>
    %dma_wait3A_38 = arith.constant 0 : i32
    %dma_wait3A_39 = tpu.memref_slice %arg4[%add3A_29, %dma_wait3A_38] : memref<655360x128xf32, #tpu.memory_space<hbm>> -> memref<128x128xf32, #tpu.memory_space<hbm>>
    %dma_wait3A_40 = arith.constant 0 : i32
    %dma_wait3A_41 = arith.constant 0 : i32
    %dma_wait3A_42 = tpu.memref_slice %arg6[%rem3A_27, %dma_wait3A_40, %dma_wait3A_41] : memref<5x128x128xf32, #tpu.memory_space<vmem>> -> memref<1x128x128xf32, #tpu.memory_space<vmem>>
    %dma_wait3A_43 = tpu.memref_squeeze %dma_wait3A_42 : memref<1x128x128xf32, #tpu.memory_space<vmem>> -> memref<128x128xf32, #tpu.memory_space<vmem>>
    tpu.wait_dma2 semaphore(%dma_wait3A_37 : memref<!tpu.dma_semaphore, #tpu.memory_space<semaphore_mem>>) src(%dma_wait3A_43 : memref<128x128xf32, #tpu.memory_space<vmem>>) dst(%dma_wait3A_39 : memref<128x128xf32, #tpu.memory_space<hbm>>)
    %rem3A_44 = arith.constant 157 : i32
    %rem3A_45 = arith.constant 5 : i32
    %rem3A_46 = arith.remsi %rem3A_44, %rem3A_45 : i32
    %add3A_47 = arith.constant 20096 : i32
    %add3A_48 = arith.addi %mul3A_2, %add3A_47 : i32
    %dma_wait3A_49 = arith.constant 0 : i32
    %dma_wait3A_50 = arith.constant 0 : i32
    %dma_wait3A_51 = tpu.memref_slice %arg6[%rem3A_46, %dma_wait3A_49, %dma_wait3A_50] : memref<5x128x128xf32, #tpu.memory_space<vmem>> -> memref<1x128x128xf32, #tpu.memory_space<vmem>>
    %dma_wait3A_52 = tpu.memref_squeeze %dma_wait3A_51 : memref<1x128x128xf32, #tpu.memory_space<vmem>> -> memref<128x128xf32, #tpu.memory_space<vmem>>
    %dma_wait3A_53 = arith.constant 0 : i32
    %dma_wait3A_54 = tpu.memref_slice %arg4[%add3A_48, %dma_wait3A_53] : memref<655360x128xf32, #tpu.memory_space<hbm>> -> memref<128x128xf32, #tpu.memory_space<hbm>>
    %dma_wait3A_55 = tpu.memref_slice %arg8[%rem3A_46] : memref<5x!tpu.dma_semaphore, #tpu.memory_space<semaphore_mem>> -> memref<1x!tpu.dma_semaphore, #tpu.memory_space<semaphore_mem>>
    %dma_wait3A_56 = tpu.memref_squeeze %dma_wait3A_55 : memref<1x!tpu.dma_semaphore, #tpu.memory_space<semaphore_mem>> -> memref<!tpu.dma_semaphore, #tpu.memory_space<semaphore_mem>>
    %dma_wait3A_57 = arith.constant 0 : i32
    %dma_wait3A_58 = tpu.memref_slice %arg4[%add3A_48, %dma_wait3A_57] : memref<655360x128xf32, #tpu.memory_space<hbm>> -> memref<128x128xf32, #tpu.memory_space<hbm>>
    %dma_wait3A_59 = arith.constant 0 : i32
    %dma_wait3A_60 = arith.constant 0 : i32
    %dma_wait3A_61 = tpu.memref_slice %arg6[%rem3A_46, %dma_wait3A_59, %dma_wait3A_60] : memref<5x128x128xf32, #tpu.memory_space<vmem>> -> memref<1x128x128xf32, #tpu.memory_space<vmem>>
    %dma_wait3A_62 = tpu.memref_squeeze %dma_wait3A_61 : memref<1x128x128xf32, #tpu.memory_space<vmem>> -> memref<128x128xf32, #tpu.memory_space<vmem>>
    tpu.wait_dma2 semaphore(%dma_wait3A_56 : memref<!tpu.dma_semaphore, #tpu.memory_space<semaphore_mem>>) src(%dma_wait3A_62 : memref<128x128xf32, #tpu.memory_space<vmem>>) dst(%dma_wait3A_58 : memref<128x128xf32, #tpu.memory_space<hbm>>)
    %rem3A_63 = arith.constant 158 : i32
    %rem3A_64 = arith.constant 5 : i32
    %rem3A_65 = arith.remsi %rem3A_63, %rem3A_64 : i32
    %add3A_66 = arith.constant 20224 : i32
    %add3A_67 = arith.addi %mul3A_2, %add3A_66 : i32
    %dma_wait3A_68 = arith.constant 0 : i32
    %dma_wait3A_69 = arith.constant 0 : i32
    %dma_wait3A_70 = tpu.memref_slice %arg6[%rem3A_65, %dma_wait3A_68, %dma_wait3A_69] : memref<5x128x128xf32, #tpu.memory_space<vmem>> -> memref<1x128x128xf32, #tpu.memory_space<vmem>>
    %dma_wait3A_71 = tpu.memref_squeeze %dma_wait3A_70 : memref<1x128x128xf32, #tpu.memory_space<vmem>> -> memref<128x128xf32, #tpu.memory_space<vmem>>
    %dma_wait3A_72 = arith.constant 0 : i32
    %dma_wait3A_73 = tpu.memref_slice %arg4[%add3A_67, %dma_wait3A_72] : memref<655360x128xf32, #tpu.memory_space<hbm>> -> memref<128x128xf32, #tpu.memory_space<hbm>>
    %dma_wait3A_74 = tpu.memref_slice %arg8[%rem3A_65] : memref<5x!tpu.dma_semaphore, #tpu.memory_space<semaphore_mem>> -> memref<1x!tpu.dma_semaphore, #tpu.memory_space<semaphore_mem>>
    %dma_wait3A_75 = tpu.memref_squeeze %dma_wait3A_74 : memref<1x!tpu.dma_semaphore, #tpu.memory_space<semaphore_mem>> -> memref<!tpu.dma_semaphore, #tpu.memory_space<semaphore_mem>>
    %dma_wait3A_76 = arith.constant 0 : i32
    %dma_wait3A_77 = tpu.memref_slice %arg4[%add3A_67, %dma_wait3A_76] : memref<655360x128xf32, #tpu.memory_space<hbm>> -> memref<128x128xf32, #tpu.memory_space<hbm>>
    %dma_wait3A_78 = arith.constant 0 : i32
    %dma_wait3A_79 = arith.constant 0 : i32
    %dma_wait3A_80 = tpu.memref_slice %arg6[%rem3A_65, %dma_wait3A_78, %dma_wait3A_79] : memref<5x128x128xf32, #tpu.memory_space<vmem>> -> memref<1x128x128xf32, #tpu.memory_space<vmem>>
    %dma_wait3A_81 = tpu.memref_squeeze %dma_wait3A_80 : memref<1x128x128xf32, #tpu.memory_space<vmem>> -> memref<128x128xf32, #tpu.memory_space<vmem>>
    tpu.wait_dma2 semaphore(%dma_wait3A_75 : memref<!tpu.dma_semaphore, #tpu.memory_space<semaphore_mem>>) src(%dma_wait3A_81 : memref<128x128xf32, #tpu.memory_space<vmem>>) dst(%dma_wait3A_77 : memref<128x128xf32, #tpu.memory_space<hbm>>)
    %rem3A_82 = arith.constant 159 : i32
    %rem3A_83 = arith.constant 5 : i32
    %rem3A_84 = arith.remsi %rem3A_82, %rem3A_83 : i32
    %add3A_85 = arith.constant 20352 : i32
    %add3A_86 = arith.addi %mul3A_2, %add3A_85 : i32
    %dma_wait3A_87 = arith.constant 0 : i32
    %dma_wait3A_88 = arith.constant 0 : i32
    %dma_wait3A_89 = tpu.memref_slice %arg6[%rem3A_84, %dma_wait3A_87, %dma_wait3A_88] : memref<5x128x128xf32, #tpu.memory_space<vmem>> -> memref<1x128x128xf32, #tpu.memory_space<vmem>>
    %dma_wait3A_90 = tpu.memref_squeeze %dma_wait3A_89 : memref<1x128x128xf32, #tpu.memory_space<vmem>> -> memref<128x128xf32, #tpu.memory_space<vmem>>
    %dma_wait3A_91 = arith.constant 0 : i32
    %dma_wait3A_92 = tpu.memref_slice %arg4[%add3A_86, %dma_wait3A_91] : memref<655360x128xf32, #tpu.memory_space<hbm>> -> memref<128x128xf32, #tpu.memory_space<hbm>>
    %dma_wait3A_93 = tpu.memref_slice %arg8[%rem3A_84] : memref<5x!tpu.dma_semaphore, #tpu.memory_space<semaphore_mem>> -> memref<1x!tpu.dma_semaphore, #tpu.memory_space<semaphore_mem>>
    %dma_wait3A_94 = tpu.memref_squeeze %dma_wait3A_93 : memref<1x!tpu.dma_semaphore, #tpu.memory_space<semaphore_mem>> -> memref<!tpu.dma_semaphore, #tpu.memory_space<semaphore_mem>>
    %dma_wait3A_95 = arith.constant 0 : i32
    %dma_wait3A_96 = tpu.memref_slice %arg4[%add3A_86, %dma_wait3A_95] : memref<655360x128xf32, #tpu.memory_space<hbm>> -> memref<128x128xf32, #tpu.memory_space<hbm>>
    %dma_wait3A_97 = arith.constant 0 : i32
    %dma_wait3A_98 = arith.constant 0 : i32
    %dma_wait3A_99 = tpu.memref_slice %arg6[%rem3A_84, %dma_wait3A_97, %dma_wait3A_98] : memref<5x128x128xf32, #tpu.memory_space<vmem>> -> memref<1x128x128xf32, #tpu.memory_space<vmem>>
    %dma_wait3A_100 = tpu.memref_squeeze %dma_wait3A_99 : memref<1x128x128xf32, #tpu.memory_space<vmem>> -> memref<128x128xf32, #tpu.memory_space<vmem>>
    tpu.wait_dma2 semaphore(%dma_wait3A_94 : memref<!tpu.dma_semaphore, #tpu.memory_space<semaphore_mem>>) src(%dma_wait3A_100 : memref<128x128xf32, #tpu.memory_space<vmem>>) dst(%dma_wait3A_96 : memref<128x128xf32, #tpu.memory_space<hbm>>)
    return
  }
}

#map = affine_map<(d0, d1) -> (0, 0)>
#map1 = affine_map<(d0, d1) -> (0, 0, 0, 0)>
#map2 = affine_map<(d0, d1) -> (0, 0, 0)>
module attributes {stable_mosaic.version = 14 : i64} {
  func.func @body(%arg0: i32, %arg1: i32, %arg2: memref<655360x128xf32, #tpu.memory_space<hbm>>, %arg3: memref<2x16x160x128xi32, #tpu.memory_space<hbm>>, %arg4: memref<2x10240x128xf32, #tpu.memory_space<hbm>>, %arg5: memref<2x128xi32, #tpu.memory_space<vmem>>, %arg6: memref<2x128x128xf32, #tpu.memory_space<vmem>>, %arg7: memref<32x128xf32, #tpu.memory_space<vmem>>, %arg8: memref<10240x128xf32, #tpu.memory_space<vmem_shared>>, %arg9: memref<2x!tpu.dma_semaphore, #tpu.memory_space<semaphore_mem>>, %arg10: memref<2x!tpu.dma_semaphore, #tpu.memory_space<semaphore_mem>>, %arg11: memref<2x!tpu.dma_semaphore, #tpu.memory_space<semaphore_mem>>) attributes {dimension_semantics = [#tpu.dimension_semantics<core_parallel>, #tpu.dimension_semantics<subcore_parallel>], iteration_bounds = array<i64: 2, 16>, scalar_prefetch = 0 : i64, scratch_operands = 7 : i64, tpu.core_type = #tpu.core_type<sc_vector_subcore>, window_params = [{transform_indices = #map}, {transform_indices = #map1}, {transform_indices = #map2}]} {
    %scan3A = arith.constant 0 : i32
    %scan3A_0 = arith.constant 0 : i32
    %scan3A_1 = arith.constant 256 : i32
    %scan3A_2 = arith.addi %scan3A_0, %scan3A_1 : i32
    %scan3A_3 = arith.constant 1 : i32
    scf.for %scan3A_61 = %scan3A_0 to %scan3A_2 step %scan3A_3  : i32 {
      %broadcast_in_dim3A = arith.constant 0.000000e+00 : f32
      %broadcast_in_dim3A_62 = vector.broadcast %broadcast_in_dim3A : f32 to vector<16xf32>
      %jit3A = arith.constant 8 : i32
      %div3A = arith.divsi %scan3A_61, %jit3A : i32
      %sign3A = arith.constant 0 : i32
      %sign3A_63 = arith.cmpi sgt, %scan3A_61, %sign3A : i32
      %sign3A_64 = arith.extui %sign3A_63 : i1 to i32
      %sign3A_65 = arith.constant 0 : i32
      %sign3A_66 = arith.cmpi slt, %scan3A_61, %sign3A_65 : i32
      %sign3A_67 = arith.extui %sign3A_66 : i1 to i32
      %sign3A_68 = arith.subi %sign3A_64, %sign3A_67 : i32
      %sign3A_69 = arith.constant 0 : i32
      %sign3A_70 = arith.cmpi sgt, %jit3A, %sign3A_69 : i32
      %sign3A_71 = arith.extui %sign3A_70 : i1 to i32
      %sign3A_72 = arith.constant 0 : i32
      %sign3A_73 = arith.cmpi slt, %jit3A, %sign3A_72 : i32
      %sign3A_74 = arith.extui %sign3A_73 : i1 to i32
      %sign3A_75 = arith.subi %sign3A_71, %sign3A_74 : i32
      %ne3A = arith.cmpi ne, %sign3A_68, %sign3A_75 : i32
      %rem3A_76 = arith.remsi %scan3A_61, %jit3A : i32
      %ne3A_77 = arith.constant 0 : i32
      %ne3A_78 = arith.cmpi ne, %rem3A_76, %ne3A_77 : i32
      %and3A = arith.andi %ne3A, %ne3A_78 : i1
      %sub3A = arith.constant 1 : i32
      %sub3A_79 = arith.subi %div3A, %sub3A : i32
      %select_n3A = arith.select %and3A, %sub3A_79, %div3A : i32
      %jit3A_80 = arith.constant 8 : i32
      %eq3A = arith.constant 0 : i32
      %eq3A_81 = arith.cmpi eq, %jit3A_80, %eq3A : i32
      %jit3A_82 = arith.constant 1 : i32
      %select_n3A_83 = arith.select %eq3A_81, %jit3A_82, %jit3A_80 : i32
      %rem3A_84 = arith.remsi %scan3A_61, %select_n3A_83 : i32
      %ne3A_85 = arith.constant 0 : i32
      %ne3A_86 = arith.cmpi ne, %rem3A_84, %ne3A_85 : i32
      %lt3A = arith.constant 0 : i32
      %lt3A_87 = arith.cmpi slt, %rem3A_84, %lt3A : i32
      %lt3A_88 = arith.constant 0 : i32
      %lt3A_89 = arith.cmpi slt, %select_n3A_83, %lt3A_88 : i32
      %ne3A_90 = arith.xori %lt3A_87, %lt3A_89 : i1
      %and3A_91 = arith.andi %ne3A_90, %ne3A_86 : i1
      %add3A_92 = arith.addi %rem3A_84, %select_n3A_83 : i32
      %select_n3A_93 = arith.select %and3A_91, %add3A_92, %rem3A_84 : i32
      %mul3A_94 = arith.constant 16 : i32
      %mul3A_95 = arith.muli %select_n3A_93, %mul3A_94 : i32
      %swap3A = arith.index_cast %select_n3A : i32 to index
      %swap3A_96 = arith.index_cast %mul3A_95 : i32 to index
      %swap3A_97 = tpu.vector_load %arg7[%swap3A, %swap3A_96] {strides = array<i32>} : memref<32x128xf32, #tpu.memory_space<vmem>>, vector<1x16xf32>,
      %swap3A_98 = vector.shape_cast %swap3A_97 : vector<1x16xf32> to vector<16xf32>
      %swap3A_99 = vector.shape_cast %broadcast_in_dim3A_62 : vector<16xf32> to vector<1x16xf32>
      tpu.vector_store %arg7[%swap3A, %swap3A_96], %swap3A_99 {strides = array<i32>} : memref<32x128xf32, #tpu.memory_space<vmem>>, vector<1x16xf32>,
    }
    %scan3A_4 = arith.constant 256 : i32
    %scan3A_5 = arith.constant 0 : i32
    %scan3A_6 = arith.constant 0 : i32
    %scan3A_7 = arith.constant 20 : i32
    %scan3A_8 = arith.addi %scan3A_6, %scan3A_7 : i32
    %scan3A_9 = arith.constant 1 : i32
    scf.for %scan3A_61 = %scan3A_6 to %scan3A_8 step %scan3A_9  : i32 {
      %mul3A_62 = arith.constant 640 : i32
      %mul3A_63 = arith.muli %arg1, %mul3A_62 : i32
      %mul3A_64 = arith.constant 32 : i32
      %mul3A_65 = arith.muli %scan3A_61, %mul3A_64 : i32
      %add3A_66 = arith.addi %mul3A_63, %mul3A_65 : i32
      "tpu.region"() ({
        %run_scoped3A = tpu.sem_alloc : memref<!tpu.dma_semaphore, #tpu.memory_space<semaphore_mem>>
        %dma_start3A = arith.constant 0 : i32
        %dma_start3A_67 = tpu.memref_slice %arg8[%add3A_66, %dma_start3A] : memref<10240x128xf32, #tpu.memory_space<vmem_shared>> -> memref<32x128xf32, #tpu.memory_space<vmem_shared>>
        %dma_start3A_68 = arith.constant 0 : i32
        %dma_start3A_69 = tpu.memref_slice %arg8[%add3A_66, %dma_start3A_68] : memref<10240x128xf32, #tpu.memory_space<vmem_shared>> -> memref<32x128xf32, #tpu.memory_space<vmem_shared>>
        tpu.enqueue_dma source(%arg7 : memref<32x128xf32, #tpu.memory_space<vmem>>) target(%dma_start3A_69 : memref<32x128xf32, #tpu.memory_space<vmem_shared>>) target_semaphore(%run_scoped3A : memref<!tpu.dma_semaphore, #tpu.memory_space<semaphore_mem>>)
        %dma_wait3A_70 = arith.constant 0 : i32
        %dma_wait3A_71 = tpu.memref_slice %arg8[%add3A_66, %dma_wait3A_70] : memref<10240x128xf32, #tpu.memory_space<vmem_shared>> -> memref<32x128xf32, #tpu.memory_space<vmem_shared>>
        %dma_wait3A_72 = arith.constant 0 : i32
        %dma_wait3A_73 = tpu.memref_slice %arg8[%add3A_66, %dma_wait3A_72] : memref<10240x128xf32, #tpu.memory_space<vmem_shared>> -> memref<32x128xf32, #tpu.memory_space<vmem_shared>>
        tpu.wait_dma2 semaphore(%run_scoped3A : memref<!tpu.dma_semaphore, #tpu.memory_space<semaphore_mem>>) src(%arg7 : memref<32x128xf32, #tpu.memory_space<vmem>>) dst(%dma_wait3A_73 : memref<32x128xf32, #tpu.memory_space<vmem_shared>>)
        tpu.yield
      }) : () -> ()
    }
    %scan3A_10 = arith.constant 20 : i32
    %barrier3A = arith.constant 0 : index
    tpu.barrier barrier_id(%barrier3A)
    %mul3A = arith.constant 327680 : i32
    %mul3A_11 = arith.muli %arg0, %mul3A : i32
    %mul3A_12 = arith.constant 20480 : i32
    %mul3A_13 = arith.muli %arg1, %mul3A_12 : i32
    %add3A = arith.addi %mul3A_11, %mul3A_13 : i32
    %scan3A_14 = arith.constant 0 : i32
    %scan3A_15 = arith.constant 0 : i32
    %scan3A_16 = arith.constant 161 : i32
    %scan3A_17 = arith.addi %scan3A_15, %scan3A_16 : i32
    %scan3A_18 = arith.constant 1 : i32
    scf.for %scan3A_61 = %scan3A_15 to %scan3A_17 step %scan3A_18  : i32 {
      %lt3A = arith.constant 160 : i32
      %lt3A_62 = arith.cmpi slt, %scan3A_61, %lt3A : i32
      %convert_element_type3A = arith.extui %lt3A_62 : i1 to i32
      %cond3A = arith.constant 0 : i32
      %cond3A_63 = arith.cmpi ne, %convert_element_type3A, %cond3A : i32
      scf.if %cond3A_63 {
        %ge3A_68 = arith.constant 2 : i32
        %ge3A_69 = arith.cmpi sge, %scan3A_61, %ge3A_68 : i32
        %convert_element_type3A_70 = arith.extui %ge3A_69 : i1 to i32
        %cond3A_71 = arith.constant 0 : i32
        %cond3A_72 = arith.cmpi ne, %convert_element_type3A_70, %cond3A_71 : i32
        scf.if %cond3A_72 {
          %sub3A = arith.constant 2 : i32
          %sub3A_107 = arith.subi %scan3A_61, %sub3A : i32
          %rem3A_108 = arith.constant 2 : i32
          %rem3A_109 = arith.remsi %sub3A_107, %rem3A_108 : i32
          %dma_wait3A_110 = arith.constant 0 : i32
          %dma_wait3A_111 = arith.constant 0 : i32
          %dma_wait3A_112 = tpu.memref_slice %arg6[%rem3A_109, %dma_wait3A_110, %dma_wait3A_111] : memref<2x128x128xf32, #tpu.memory_space<vmem>> -> memref<1x128x128xf32, #tpu.memory_space<vmem>>
          %dma_wait3A_113 = tpu.memref_squeeze %dma_wait3A_112 : memref<1x128x128xf32, #tpu.memory_space<vmem>> -> memref<128x128xf32, #tpu.memory_space<vmem>>
          %dma_wait3A_114 = arith.constant 0 : i32
          %dma_wait3A_115 = arith.constant 0 : i32
          %dma_wait3A_116 = tpu.memref_slice %arg8[%dma_wait3A_114, %dma_wait3A_115] : memref<10240x128xf32, #tpu.memory_space<vmem_shared>> -> memref<128x128xf32, #tpu.memory_space<vmem_shared>>
          %dma_wait3A_117 = tpu.memref_slice %arg11[%rem3A_109] : memref<2x!tpu.dma_semaphore, #tpu.memory_space<semaphore_mem>> -> memref<1x!tpu.dma_semaphore, #tpu.memory_space<semaphore_mem>>
          %dma_wait3A_118 = tpu.memref_squeeze %dma_wait3A_117 : memref<1x!tpu.dma_semaphore, #tpu.memory_space<semaphore_mem>> -> memref<!tpu.dma_semaphore, #tpu.memory_space<semaphore_mem>>
          %dma_wait3A_119 = arith.constant 0 : i32
          %dma_wait3A_120 = arith.constant 0 : i32
          %dma_wait3A_121 = tpu.memref_slice %arg8[%dma_wait3A_119, %dma_wait3A_120] : memref<10240x128xf32, #tpu.memory_space<vmem_shared>> -> memref<128x128xf32, #tpu.memory_space<vmem_shared>>
          %dma_wait3A_122 = arith.constant 0 : i32
          %dma_wait3A_123 = arith.constant 0 : i32
          %dma_wait3A_124 = tpu.memref_slice %arg6[%rem3A_109, %dma_wait3A_122, %dma_wait3A_123] : memref<2x128x128xf32, #tpu.memory_space<vmem>> -> memref<1x128x128xf32, #tpu.memory_space<vmem>>
          %dma_wait3A_125 = tpu.memref_squeeze %dma_wait3A_124 : memref<1x128x128xf32, #tpu.memory_space<vmem>> -> memref<128x128xf32, #tpu.memory_space<vmem>>
          tpu.wait_dma2 semaphore(%dma_wait3A_118 : memref<!tpu.dma_semaphore, #tpu.memory_space<semaphore_mem>>) src(%dma_wait3A_125 : memref<128x128xf32, #tpu.memory_space<vmem>>) dst(%dma_wait3A_121 : memref<128x128xf32, #tpu.memory_space<vmem_shared>>)
        } else {
        }
        %rem3A_73 = arith.constant 2 : i32
        %rem3A_74 = arith.remsi %scan3A_61, %rem3A_73 : i32
        %dma_start3A = arith.constant 0 : i32
        %dma_start3A_75 = tpu.memref_slice %arg5[%rem3A_74, %dma_start3A] : memref<2x128xi32, #tpu.memory_space<vmem>> -> memref<1x128xi32, #tpu.memory_space<vmem>>
        %dma_start3A_76 = tpu.memref_squeeze %dma_start3A_75 : memref<1x128xi32, #tpu.memory_space<vmem>> -> memref<128xi32, #tpu.memory_space<vmem>>
        %dma_start3A_77 = arith.constant 0 : i32
        %dma_start3A_78 = tpu.memref_slice %arg3[%arg0, %arg1, %scan3A_61, %dma_start3A_77] : memref<2x16x160x128xi32, #tpu.memory_space<hbm>> -> memref<1x1x1x128xi32, #tpu.memory_space<hbm>>
        %dma_start3A_79 = tpu.memref_squeeze %dma_start3A_78 : memref<1x1x1x128xi32, #tpu.memory_space<hbm>> -> memref<128xi32, #tpu.memory_space<hbm>>
        %dma_start3A_80 = tpu.memref_slice %arg9[%rem3A_74] : memref<2x!tpu.dma_semaphore, #tpu.memory_space<semaphore_mem>> -> memref<1x!tpu.dma_semaphore, #tpu.memory_space<semaphore_mem>>
        %dma_start3A_81 = tpu.memref_squeeze %dma_start3A_80 : memref<1x!tpu.dma_semaphore, #tpu.memory_space<semaphore_mem>> -> memref<!tpu.dma_semaphore, #tpu.memory_space<semaphore_mem>>
        %dma_start3A_82 = arith.constant 0 : i32
        %dma_start3A_83 = tpu.memref_slice %arg5[%rem3A_74, %dma_start3A_82] : memref<2x128xi32, #tpu.memory_space<vmem>> -> memref<1x128xi32, #tpu.memory_space<vmem>>
        %dma_start3A_84 = tpu.memref_squeeze %dma_start3A_83 : memref<1x128xi32, #tpu.memory_space<vmem>> -> memref<128xi32, #tpu.memory_space<vmem>>
        %dma_start3A_85 = arith.constant 0 : i32
        %dma_start3A_86 = tpu.memref_slice %arg3[%arg0, %arg1, %scan3A_61, %dma_start3A_85] : memref<2x16x160x128xi32, #tpu.memory_space<hbm>> -> memref<1x1x1x128xi32, #tpu.memory_space<hbm>>
        %dma_start3A_87 = tpu.memref_squeeze %dma_start3A_86 : memref<1x1x1x128xi32, #tpu.memory_space<hbm>> -> memref<128xi32, #tpu.memory_space<hbm>>
        tpu.enqueue_dma source(%dma_start3A_87 : memref<128xi32, #tpu.memory_space<hbm>>) target(%dma_start3A_84 : memref<128xi32, #tpu.memory_space<vmem>>) target_semaphore(%dma_start3A_81 : memref<!tpu.dma_semaphore, #tpu.memory_space<semaphore_mem>>)
        %rem3A_88 = arith.constant 2 : i32
        %rem3A_89 = arith.remsi %scan3A_61, %rem3A_88 : i32
        %mul3A_90 = arith.constant 128 : i32
        %mul3A_91 = arith.muli %scan3A_61, %mul3A_90 : i32
        %add3A_92 = arith.addi %add3A, %mul3A_91 : i32
        %dma_start3A_93 = arith.constant 0 : i32
        %dma_start3A_94 = arith.constant 0 : i32
        %dma_start3A_95 = tpu.memref_slice %arg6[%rem3A_89, %dma_start3A_93, %dma_start3A_94] : memref<2x128x128xf32, #tpu.memory_space<vmem>> -> memref<1x128x128xf32, #tpu.memory_space<vmem>>
        %dma_start3A_96 = tpu.memref_squeeze %dma_start3A_95 : memref<1x128x128xf32, #tpu.memory_space<vmem>> -> memref<128x128xf32, #tpu.memory_space<vmem>>
        %dma_start3A_97 = arith.constant 0 : i32
        %dma_start3A_98 = tpu.memref_slice %arg2[%add3A_92, %dma_start3A_97] : memref<655360x128xf32, #tpu.memory_space<hbm>> -> memref<128x128xf32, #tpu.memory_space<hbm>>
        %dma_start3A_99 = tpu.memref_slice %arg10[%rem3A_89] : memref<2x!tpu.dma_semaphore, #tpu.memory_space<semaphore_mem>> -> memref<1x!tpu.dma_semaphore, #tpu.memory_space<semaphore_mem>>
        %dma_start3A_100 = tpu.memref_squeeze %dma_start3A_99 : memref<1x!tpu.dma_semaphore, #tpu.memory_space<semaphore_mem>> -> memref<!tpu.dma_semaphore, #tpu.memory_space<semaphore_mem>>
        %dma_start3A_101 = arith.constant 0 : i32
        %dma_start3A_102 = arith.constant 0 : i32
        %dma_start3A_103 = tpu.memref_slice %arg6[%rem3A_89, %dma_start3A_101, %dma_start3A_102] : memref<2x128x128xf32, #tpu.memory_space<vmem>> -> memref<1x128x128xf32, #tpu.memory_space<vmem>>
        %dma_start3A_104 = tpu.memref_squeeze %dma_start3A_103 : memref<1x128x128xf32, #tpu.memory_space<vmem>> -> memref<128x128xf32, #tpu.memory_space<vmem>>
        %dma_start3A_105 = arith.constant 0 : i32
        %dma_start3A_106 = tpu.memref_slice %arg2[%add3A_92, %dma_start3A_105] : memref<655360x128xf32, #tpu.memory_space<hbm>> -> memref<128x128xf32, #tpu.memory_space<hbm>>
        tpu.enqueue_dma source(%dma_start3A_106 : memref<128x128xf32, #tpu.memory_space<hbm>>) target(%dma_start3A_104 : memref<128x128xf32, #tpu.memory_space<vmem>>) target_semaphore(%dma_start3A_100 : memref<!tpu.dma_semaphore, #tpu.memory_space<semaphore_mem>>)
      } else {
      }
      %ge3A = arith.constant 1 : i32
      %ge3A_64 = arith.cmpi sge, %scan3A_61, %ge3A : i32
      %convert_element_type3A_65 = arith.extui %ge3A_64 : i1 to i32
      %cond3A_66 = arith.constant 0 : i32
      %cond3A_67 = arith.cmpi ne, %convert_element_type3A_65, %cond3A_66 : i32
      scf.if %cond3A_67 {
        %sub3A = arith.constant 1 : i32
        %sub3A_68 = arith.subi %scan3A_61, %sub3A : i32
        %rem3A_69 = arith.constant 2 : i32
        %rem3A_70 = arith.remsi %sub3A_68, %rem3A_69 : i32
        %dma_wait3A_71 = arith.constant 0 : i32
        %dma_wait3A_72 = tpu.memref_slice %arg5[%rem3A_70, %dma_wait3A_71] : memref<2x128xi32, #tpu.memory_space<vmem>> -> memref<1x128xi32, #tpu.memory_space<vmem>>
        %dma_wait3A_73 = tpu.memref_squeeze %dma_wait3A_72 : memref<1x128xi32, #tpu.memory_space<vmem>> -> memref<128xi32, #tpu.memory_space<vmem>>
        %dma_wait3A_74 = arith.constant 0 : i32
        %dma_wait3A_75 = tpu.memref_slice %arg3[%arg0, %arg1, %sub3A_68, %dma_wait3A_74] : memref<2x16x160x128xi32, #tpu.memory_space<hbm>> -> memref<1x1x1x128xi32, #tpu.memory_space<hbm>>
        %dma_wait3A_76 = tpu.memref_squeeze %dma_wait3A_75 : memref<1x1x1x128xi32, #tpu.memory_space<hbm>> -> memref<128xi32, #tpu.memory_space<hbm>>
        %dma_wait3A_77 = tpu.memref_slice %arg9[%rem3A_70] : memref<2x!tpu.dma_semaphore, #tpu.memory_space<semaphore_mem>> -> memref<1x!tpu.dma_semaphore, #tpu.memory_space<semaphore_mem>>
        %dma_wait3A_78 = tpu.memref_squeeze %dma_wait3A_77 : memref<1x!tpu.dma_semaphore, #tpu.memory_space<semaphore_mem>> -> memref<!tpu.dma_semaphore, #tpu.memory_space<semaphore_mem>>
        %dma_wait3A_79 = arith.constant 0 : i32
        %dma_wait3A_80 = tpu.memref_slice %arg5[%rem3A_70, %dma_wait3A_79] : memref<2x128xi32, #tpu.memory_space<vmem>> -> memref<1x128xi32, #tpu.memory_space<vmem>>
        %dma_wait3A_81 = tpu.memref_squeeze %dma_wait3A_80 : memref<1x128xi32, #tpu.memory_space<vmem>> -> memref<128xi32, #tpu.memory_space<vmem>>
        %dma_wait3A_82 = arith.constant 0 : i32
        %dma_wait3A_83 = tpu.memref_slice %arg3[%arg0, %arg1, %sub3A_68, %dma_wait3A_82] : memref<2x16x160x128xi32, #tpu.memory_space<hbm>> -> memref<1x1x1x128xi32, #tpu.memory_space<hbm>>
        %dma_wait3A_84 = tpu.memref_squeeze %dma_wait3A_83 : memref<1x1x1x128xi32, #tpu.memory_space<hbm>> -> memref<128xi32, #tpu.memory_space<hbm>>
        tpu.wait_dma2 semaphore(%dma_wait3A_78 : memref<!tpu.dma_semaphore, #tpu.memory_space<semaphore_mem>>) src(%dma_wait3A_84 : memref<128xi32, #tpu.memory_space<hbm>>) dst(%dma_wait3A_81 : memref<128xi32, #tpu.memory_space<vmem>>)
        %sub3A_85 = arith.constant 1 : i32
        %sub3A_86 = arith.subi %scan3A_61, %sub3A_85 : i32
        %rem3A_87 = arith.constant 2 : i32
        %rem3A_88 = arith.remsi %sub3A_86, %rem3A_87 : i32
        %mul3A_89 = arith.constant 128 : i32
        %mul3A_90 = arith.muli %sub3A_86, %mul3A_89 : i32
        %add3A_91 = arith.addi %add3A, %mul3A_90 : i32
        %dma_wait3A_92 = arith.constant 0 : i32
        %dma_wait3A_93 = arith.constant 0 : i32
        %dma_wait3A_94 = tpu.memref_slice %arg6[%rem3A_88, %dma_wait3A_92, %dma_wait3A_93] : memref<2x128x128xf32, #tpu.memory_space<vmem>> -> memref<1x128x128xf32, #tpu.memory_space<vmem>>
        %dma_wait3A_95 = tpu.memref_squeeze %dma_wait3A_94 : memref<1x128x128xf32, #tpu.memory_space<vmem>> -> memref<128x128xf32, #tpu.memory_space<vmem>>
        %dma_wait3A_96 = arith.constant 0 : i32
        %dma_wait3A_97 = tpu.memref_slice %arg2[%add3A_91, %dma_wait3A_96] : memref<655360x128xf32, #tpu.memory_space<hbm>> -> memref<128x128xf32, #tpu.memory_space<hbm>>
        %dma_wait3A_98 = tpu.memref_slice %arg10[%rem3A_88] : memref<2x!tpu.dma_semaphore, #tpu.memory_space<semaphore_mem>> -> memref<1x!tpu.dma_semaphore, #tpu.memory_space<semaphore_mem>>
        %dma_wait3A_99 = tpu.memref_squeeze %dma_wait3A_98 : memref<1x!tpu.dma_semaphore, #tpu.memory_space<semaphore_mem>> -> memref<!tpu.dma_semaphore, #tpu.memory_space<semaphore_mem>>
        %dma_wait3A_100 = arith.constant 0 : i32
        %dma_wait3A_101 = arith.constant 0 : i32
        %dma_wait3A_102 = tpu.memref_slice %arg6[%rem3A_88, %dma_wait3A_100, %dma_wait3A_101] : memref<2x128x128xf32, #tpu.memory_space<vmem>> -> memref<1x128x128xf32, #tpu.memory_space<vmem>>
        %dma_wait3A_103 = tpu.memref_squeeze %dma_wait3A_102 : memref<1x128x128xf32, #tpu.memory_space<vmem>> -> memref<128x128xf32, #tpu.memory_space<vmem>>
        %dma_wait3A_104 = arith.constant 0 : i32
        %dma_wait3A_105 = tpu.memref_slice %arg2[%add3A_91, %dma_wait3A_104] : memref<655360x128xf32, #tpu.memory_space<hbm>> -> memref<128x128xf32, #tpu.memory_space<hbm>>
        tpu.wait_dma2 semaphore(%dma_wait3A_99 : memref<!tpu.dma_semaphore, #tpu.memory_space<semaphore_mem>>) src(%dma_wait3A_105 : memref<128x128xf32, #tpu.memory_space<hbm>>) dst(%dma_wait3A_103 : memref<128x128xf32, #tpu.memory_space<vmem>>)
        %sub3A_106 = arith.constant 1 : i32
        %sub3A_107 = arith.subi %scan3A_61, %sub3A_106 : i32
        %rem3A_108 = arith.constant 2 : i32
        %rem3A_109 = arith.remsi %sub3A_107, %rem3A_108 : i32
        %dma_start3A = arith.constant 0 : i32
        %dma_start3A_110 = arith.constant 0 : i32
        %dma_start3A_111 = tpu.memref_slice %arg6[%rem3A_109, %dma_start3A, %dma_start3A_110] : memref<2x128x128xf32, #tpu.memory_space<vmem>> -> memref<1x128x128xf32, #tpu.memory_space<vmem>>
        %dma_start3A_112 = tpu.memref_squeeze %dma_start3A_111 : memref<1x128x128xf32, #tpu.memory_space<vmem>> -> memref<128x128xf32, #tpu.memory_space<vmem>>
        %dma_start3A_113 = arith.constant 0 : i32
        %dma_start3A_114 = tpu.memref_slice %arg5[%rem3A_109, %dma_start3A_113] : memref<2x128xi32, #tpu.memory_space<vmem>> -> memref<1x128xi32, #tpu.memory_space<vmem>>
        %dma_start3A_115 = tpu.memref_squeeze %dma_start3A_114 : memref<1x128xi32, #tpu.memory_space<vmem>> -> memref<128xi32, #tpu.memory_space<vmem>>
        %dma_start3A_116 = arith.constant 0 : i32
        %dma_start3A_117 = arith.constant 0 : i32
        %dma_start3A_118 = tpu.memref_slice %arg8[%dma_start3A_116, %dma_start3A_117] : memref<10240x128xf32, #tpu.memory_space<vmem_shared>> -> memref<10240x128xf32, #tpu.memory_space<vmem_shared>>
        %dma_start3A_119 = tpu.memref_slice %arg11[%rem3A_109] : memref<2x!tpu.dma_semaphore, #tpu.memory_space<semaphore_mem>> -> memref<1x!tpu.dma_semaphore, #tpu.memory_space<semaphore_mem>>
        %dma_start3A_120 = tpu.memref_squeeze %dma_start3A_119 : memref<1x!tpu.dma_semaphore, #tpu.memory_space<semaphore_mem>> -> memref<!tpu.dma_semaphore, #tpu.memory_space<semaphore_mem>>
        tpu.enqueue_indirect_dma source(%dma_start3A_112 : memref<128x128xf32, #tpu.memory_space<vmem>>) target(%dma_start3A_118 : memref<10240x128xf32, #tpu.memory_space<vmem_shared>>) offsets(%dma_start3A_115 : memref<128xi32, #tpu.memory_space<vmem>>) semaphore(%dma_start3A_120 : memref<!tpu.dma_semaphore, #tpu.memory_space<semaphore_mem>>) {add = true}
      } else {
      }
    }
    %scan3A_19 = arith.constant 161 : i32
    %rem3A = arith.constant 158 : i32
    %rem3A_20 = arith.constant 2 : i32
    %rem3A_21 = arith.remsi %rem3A, %rem3A_20 : i32
    %dma_wait3A = arith.constant 0 : i32
    %dma_wait3A_22 = arith.constant 0 : i32
    %dma_wait3A_23 = tpu.memref_slice %arg6[%rem3A_21, %dma_wait3A, %dma_wait3A_22] : memref<2x128x128xf32, #tpu.memory_space<vmem>> -> memref<1x128x128xf32, #tpu.memory_space<vmem>>
    %dma_wait3A_24 = tpu.memref_squeeze %dma_wait3A_23 : memref<1x128x128xf32, #tpu.memory_space<vmem>> -> memref<128x128xf32, #tpu.memory_space<vmem>>
    %dma_wait3A_25 = arith.constant 0 : i32
    %dma_wait3A_26 = arith.constant 0 : i32
    %dma_wait3A_27 = tpu.memref_slice %arg8[%dma_wait3A_25, %dma_wait3A_26] : memref<10240x128xf32, #tpu.memory_space<vmem_shared>> -> memref<128x128xf32, #tpu.memory_space<vmem_shared>>
    %dma_wait3A_28 = tpu.memref_slice %arg11[%rem3A_21] : memref<2x!tpu.dma_semaphore, #tpu.memory_space<semaphore_mem>> -> memref<1x!tpu.dma_semaphore, #tpu.memory_space<semaphore_mem>>
    %dma_wait3A_29 = tpu.memref_squeeze %dma_wait3A_28 : memref<1x!tpu.dma_semaphore, #tpu.memory_space<semaphore_mem>> -> memref<!tpu.dma_semaphore, #tpu.memory_space<semaphore_mem>>
    %dma_wait3A_30 = arith.constant 0 : i32
    %dma_wait3A_31 = arith.constant 0 : i32
    %dma_wait3A_32 = tpu.memref_slice %arg8[%dma_wait3A_30, %dma_wait3A_31] : memref<10240x128xf32, #tpu.memory_space<vmem_shared>> -> memref<128x128xf32, #tpu.memory_space<vmem_shared>>
    %dma_wait3A_33 = arith.constant 0 : i32
    %dma_wait3A_34 = arith.constant 0 : i32
    %dma_wait3A_35 = tpu.memref_slice %arg6[%rem3A_21, %dma_wait3A_33, %dma_wait3A_34] : memref<2x128x128xf32, #tpu.memory_space<vmem>> -> memref<1x128x128xf32, #tpu.memory_space<vmem>>
    %dma_wait3A_36 = tpu.memref_squeeze %dma_wait3A_35 : memref<1x128x128xf32, #tpu.memory_space<vmem>> -> memref<128x128xf32, #tpu.memory_space<vmem>>
    tpu.wait_dma2 semaphore(%dma_wait3A_29 : memref<!tpu.dma_semaphore, #tpu.memory_space<semaphore_mem>>) src(%dma_wait3A_36 : memref<128x128xf32, #tpu.memory_space<vmem>>) dst(%dma_wait3A_32 : memref<128x128xf32, #tpu.memory_space<vmem_shared>>)
    %rem3A_37 = arith.constant 159 : i32
    %rem3A_38 = arith.constant 2 : i32
    %rem3A_39 = arith.remsi %rem3A_37, %rem3A_38 : i32
    %dma_wait3A_40 = arith.constant 0 : i32
    %dma_wait3A_41 = arith.constant 0 : i32
    %dma_wait3A_42 = tpu.memref_slice %arg6[%rem3A_39, %dma_wait3A_40, %dma_wait3A_41] : memref<2x128x128xf32, #tpu.memory_space<vmem>> -> memref<1x128x128xf32, #tpu.memory_space<vmem>>
    %dma_wait3A_43 = tpu.memref_squeeze %dma_wait3A_42 : memref<1x128x128xf32, #tpu.memory_space<vmem>> -> memref<128x128xf32, #tpu.memory_space<vmem>>
    %dma_wait3A_44 = arith.constant 0 : i32
    %dma_wait3A_45 = arith.constant 0 : i32
    %dma_wait3A_46 = tpu.memref_slice %arg8[%dma_wait3A_44, %dma_wait3A_45] : memref<10240x128xf32, #tpu.memory_space<vmem_shared>> -> memref<128x128xf32, #tpu.memory_space<vmem_shared>>
    %dma_wait3A_47 = tpu.memref_slice %arg11[%rem3A_39] : memref<2x!tpu.dma_semaphore, #tpu.memory_space<semaphore_mem>> -> memref<1x!tpu.dma_semaphore, #tpu.memory_space<semaphore_mem>>
    %dma_wait3A_48 = tpu.memref_squeeze %dma_wait3A_47 : memref<1x!tpu.dma_semaphore, #tpu.memory_space<semaphore_mem>> -> memref<!tpu.dma_semaphore, #tpu.memory_space<semaphore_mem>>
    %dma_wait3A_49 = arith.constant 0 : i32
    %dma_wait3A_50 = arith.constant 0 : i32
    %dma_wait3A_51 = tpu.memref_slice %arg8[%dma_wait3A_49, %dma_wait3A_50] : memref<10240x128xf32, #tpu.memory_space<vmem_shared>> -> memref<128x128xf32, #tpu.memory_space<vmem_shared>>
    %dma_wait3A_52 = arith.constant 0 : i32
    %dma_wait3A_53 = arith.constant 0 : i32
    %dma_wait3A_54 = tpu.memref_slice %arg6[%rem3A_39, %dma_wait3A_52, %dma_wait3A_53] : memref<2x128x128xf32, #tpu.memory_space<vmem>> -> memref<1x128x128xf32, #tpu.memory_space<vmem>>
    %dma_wait3A_55 = tpu.memref_squeeze %dma_wait3A_54 : memref<1x128x128xf32, #tpu.memory_space<vmem>> -> memref<128x128xf32, #tpu.memory_space<vmem>>
    tpu.wait_dma2 semaphore(%dma_wait3A_48 : memref<!tpu.dma_semaphore, #tpu.memory_space<semaphore_mem>>) src(%dma_wait3A_55 : memref<128x128xf32, #tpu.memory_space<vmem>>) dst(%dma_wait3A_51 : memref<128x128xf32, #tpu.memory_space<vmem_shared>>)
    %barrier3A_56 = arith.constant 0 : index
    tpu.barrier barrier_id(%barrier3A_56)
    %mul3A_57 = arith.constant 640 : i32
    %mul3A_58 = arith.muli %arg1, %mul3A_57 : i32
    %mul3A_59 = arith.constant 640 : i32
    %mul3A_60 = arith.muli %arg1, %mul3A_59 : i32
    "tpu.region"() ({
      %run_scoped3A = tpu.sem_alloc : memref<!tpu.dma_semaphore, #tpu.memory_space<semaphore_mem>>
      %dma_start3A = arith.constant 0 : i32
      %dma_start3A_61 = tpu.memref_slice %arg4[%arg0, %mul3A_60, %dma_start3A] : memref<2x10240x128xf32, #tpu.memory_space<hbm>> -> memref<1x640x128xf32, #tpu.memory_space<hbm>>
      %dma_start3A_62 = tpu.memref_squeeze %dma_start3A_61 : memref<1x640x128xf32, #tpu.memory_space<hbm>> -> memref<640x128xf32, #tpu.memory_space<hbm>>
      %dma_start3A_63 = arith.constant 0 : i32
      %dma_start3A_64 = tpu.memref_slice %arg8[%mul3A_58, %dma_start3A_63] : memref<10240x128xf32, #tpu.memory_space<vmem_shared>> -> memref<640x128xf32, #tpu.memory_space<vmem_shared>>
      tpu.enqueue_dma source(%dma_start3A_64 : memref<640x128xf32, #tpu.memory_space<vmem_shared>>) target(%dma_start3A_62 : memref<640x128xf32, #tpu.memory_space<hbm>>) target_semaphore(%run_scoped3A : memref<!tpu.dma_semaphore, #tpu.memory_space<semaphore_mem>>)
      %dma_wait3A_65 = arith.constant 0 : i32
      %dma_wait3A_66 = tpu.memref_slice %arg4[%arg0, %mul3A_60, %dma_wait3A_65] : memref<2x10240x128xf32, #tpu.memory_space<hbm>> -> memref<1x640x128xf32, #tpu.memory_space<hbm>>
      %dma_wait3A_67 = tpu.memref_squeeze %dma_wait3A_66 : memref<1x640x128xf32, #tpu.memory_space<hbm>> -> memref<640x128xf32, #tpu.memory_space<hbm>>
      %dma_wait3A_68 = arith.constant 0 : i32
      %dma_wait3A_69 = tpu.memref_slice %arg8[%mul3A_58, %dma_wait3A_68] : memref<10240x128xf32, #tpu.memory_space<vmem_shared>> -> memref<640x128xf32, #tpu.memory_space<vmem_shared>>
      tpu.wait_dma2 semaphore(%run_scoped3A : memref<!tpu.dma_semaphore, #tpu.memory_space<semaphore_mem>>) src(%dma_wait3A_69 : memref<640x128xf32, #tpu.memory_space<vmem_shared>>) dst(%dma_wait3A_67 : memref<640x128xf32, #tpu.memory_space<hbm>>)
      tpu.yield
    }) : () -> ()
    return
  }
}

#map = affine_map<(d0, d1) -> (0, 0)>
#map1 = affine_map<(d0, d1) -> (0)>
module attributes {stable_mosaic.version = 14 : i64} {
  func.func @body(%arg0: i32, %arg1: i32, %arg2: memref<20000x128xf32, #tpu.memory_space<hbm>>, %arg3: memref<655360xi32, #tpu.memory_space<hbm>>, %arg4: memref<655360x128xf32, #tpu.memory_space<hbm>>, %arg5: memref<20480xi32, #tpu.memory_space<vmem>>, %arg6: memref<5x128x128xf32, #tpu.memory_space<vmem>>, %arg7: memref<5x!tpu.dma_semaphore, #tpu.memory_space<semaphore_mem>>, %arg8: memref<5x!tpu.dma_semaphore, #tpu.memory_space<semaphore_mem>>) attributes {dimension_semantics = [#tpu.dimension_semantics<core_parallel>, #tpu.dimension_semantics<subcore_parallel>], iteration_bounds = array<i64: 2, 16>, scalar_prefetch = 0 : i64, scratch_operands = 4 : i64, tpu.core_type = #tpu.core_type<sc_vector_subcore>, window_params = [{transform_indices = #map}, {transform_indices = #map1}, {transform_indices = #map}]} {
    %mul3A = arith.constant 2 : i32
    %mul3A_0 = arith.muli %arg1, %mul3A : i32
    %add3A = arith.addi %mul3A_0, %arg0 : i32
    %mul3A_1 = arith.constant 20480 : i32
    %mul3A_2 = arith.muli %add3A, %mul3A_1 : i32
    "tpu.region"() ({
      %run_scoped3A = tpu.sem_alloc : memref<!tpu.dma_semaphore, #tpu.memory_space<semaphore_mem>>
      %dma_start3A = tpu.memref_slice %arg3[%mul3A_2] : memref<655360xi32, #tpu.memory_space<hbm>> -> memref<20480xi32, #tpu.memory_space<hbm>>
      %dma_start3A_101 = tpu.memref_slice %arg3[%mul3A_2] : memref<655360xi32, #tpu.memory_space<hbm>> -> memref<20480xi32, #tpu.memory_space<hbm>>
      tpu.enqueue_dma source(%dma_start3A_101 : memref<20480xi32, #tpu.memory_space<hbm>>) target(%arg5 : memref<20480xi32, #tpu.memory_space<vmem>>) target_semaphore(%run_scoped3A : memref<!tpu.dma_semaphore, #tpu.memory_space<semaphore_mem>>)
      %dma_wait3A_102 = tpu.memref_slice %arg3[%mul3A_2] : memref<655360xi32, #tpu.memory_space<hbm>> -> memref<20480xi32, #tpu.memory_space<hbm>>
      %dma_wait3A_103 = tpu.memref_slice %arg3[%mul3A_2] : memref<655360xi32, #tpu.memory_space<hbm>> -> memref<20480xi32, #tpu.memory_space<hbm>>
      tpu.wait_dma2 semaphore(%run_scoped3A : memref<!tpu.dma_semaphore, #tpu.memory_space<semaphore_mem>>) src(%dma_wait3A_103 : memref<20480xi32, #tpu.memory_space<hbm>>) dst(%arg5 : memref<20480xi32, #tpu.memory_space<vmem>>)
      tpu.yield
    }) : () -> ()
    %scan3A = arith.constant 0 : i32
    %scan3A_3 = arith.constant 0 : i32
    %scan3A_4 = arith.constant 163 : i32
    %scan3A_5 = arith.addi %scan3A_3, %scan3A_4 : i32
    %scan3A_6 = arith.constant 1 : i32
    scf.for %scan3A_101 = %scan3A_3 to %scan3A_5 step %scan3A_6  : i32 {
      %lt3A = arith.constant 160 : i32
      %lt3A_102 = arith.cmpi slt, %scan3A_101, %lt3A : i32
      %convert_element_type3A = arith.extui %lt3A_102 : i1 to i32
      %cond3A = arith.constant 0 : i32
      %cond3A_103 = arith.cmpi ne, %convert_element_type3A, %cond3A : i32
      scf.if %cond3A_103 {
        %ge3A_108 = arith.constant 5 : i32
        %ge3A_109 = arith.cmpi sge, %scan3A_101, %ge3A_108 : i32
        %convert_element_type3A_110 = arith.extui %ge3A_109 : i1 to i32
        %cond3A_111 = arith.constant 0 : i32
        %cond3A_112 = arith.cmpi ne, %convert_element_type3A_110, %cond3A_111 : i32
        scf.if %cond3A_112 {
          %sub3A = arith.constant 5 : i32
          %sub3A_126 = arith.subi %scan3A_101, %sub3A : i32
          %rem3A_127 = arith.constant 5 : i32
          %rem3A_128 = arith.remsi %sub3A_126, %rem3A_127 : i32
          %mul3A_129 = arith.constant 128 : i32
          %mul3A_130 = arith.muli %sub3A_126, %mul3A_129 : i32
          %add3A_131 = arith.addi %mul3A_2, %mul3A_130 : i32
          %dma_wait3A_132 = arith.constant 0 : i32
          %dma_wait3A_133 = arith.constant 0 : i32
          %dma_wait3A_134 = tpu.memref_slice %arg6[%rem3A_128, %dma_wait3A_132, %dma_wait3A_133] : memref<5x128x128xf32, #tpu.memory_space<vmem>> -> memref<1x128x128xf32, #tpu.memory_space<vmem>>
          %dma_wait3A_135 = tpu.memref_squeeze %dma_wait3A_134 : memref<1x128x128xf32, #tpu.memory_space<vmem>> -> memref<128x128xf32, #tpu.memory_space<vmem>>
          %dma_wait3A_136 = arith.constant 0 : i32
          %dma_wait3A_137 = tpu.memref_slice %arg4[%add3A_131, %dma_wait3A_136] : memref<655360x128xf32, #tpu.memory_space<hbm>> -> memref<128x128xf32, #tpu.memory_space<hbm>>
          %dma_wait3A_138 = tpu.memref_slice %arg8[%rem3A_128] : memref<5x!tpu.dma_semaphore, #tpu.memory_space<semaphore_mem>> -> memref<1x!tpu.dma_semaphore, #tpu.memory_space<semaphore_mem>>
          %dma_wait3A_139 = tpu.memref_squeeze %dma_wait3A_138 : memref<1x!tpu.dma_semaphore, #tpu.memory_space<semaphore_mem>> -> memref<!tpu.dma_semaphore, #tpu.memory_space<semaphore_mem>>
          %dma_wait3A_140 = arith.constant 0 : i32
          %dma_wait3A_141 = tpu.memref_slice %arg4[%add3A_131, %dma_wait3A_140] : memref<655360x128xf32, #tpu.memory_space<hbm>> -> memref<128x128xf32, #tpu.memory_space<hbm>>
          %dma_wait3A_142 = arith.constant 0 : i32
          %dma_wait3A_143 = arith.constant 0 : i32
          %dma_wait3A_144 = tpu.memref_slice %arg6[%rem3A_128, %dma_wait3A_142, %dma_wait3A_143] : memref<5x128x128xf32, #tpu.memory_space<vmem>> -> memref<1x128x128xf32, #tpu.memory_space<vmem>>
          %dma_wait3A_145 = tpu.memref_squeeze %dma_wait3A_144 : memref<1x128x128xf32, #tpu.memory_space<vmem>> -> memref<128x128xf32, #tpu.memory_space<vmem>>
          tpu.wait_dma2 semaphore(%dma_wait3A_139 : memref<!tpu.dma_semaphore, #tpu.memory_space<semaphore_mem>>) src(%dma_wait3A_145 : memref<128x128xf32, #tpu.memory_space<vmem>>) dst(%dma_wait3A_141 : memref<128x128xf32, #tpu.memory_space<hbm>>)
        } else {
        }
        %rem3A_113 = arith.constant 5 : i32
        %rem3A_114 = arith.remsi %scan3A_101, %rem3A_113 : i32
        %mul3A_115 = arith.constant 128 : i32
        %mul3A_116 = arith.muli %scan3A_101, %mul3A_115 : i32
        %dma_start3A = arith.constant 0 : i32
        %dma_start3A_117 = arith.constant 0 : i32
        %dma_start3A_118 = tpu.memref_slice %arg6[%rem3A_114, %dma_start3A, %dma_start3A_117] : memref<5x128x128xf32, #tpu.memory_space<vmem>> -> memref<1x128x128xf32, #tpu.memory_space<vmem>>
        %dma_start3A_119 = tpu.memref_squeeze %dma_start3A_118 : memref<1x128x128xf32, #tpu.memory_space<vmem>> -> memref<128x128xf32, #tpu.memory_space<vmem>>
        %dma_start3A_120 = tpu.memref_slice %arg5[%mul3A_116] : memref<20480xi32, #tpu.memory_space<vmem>> -> memref<128xi32, #tpu.memory_space<vmem>>
        %dma_start3A_121 = arith.constant 0 : i32
        %dma_start3A_122 = arith.constant 0 : i32
        %dma_start3A_123 = tpu.memref_slice %arg2[%dma_start3A_121, %dma_start3A_122] : memref<20000x128xf32, #tpu.memory_space<hbm>> -> memref<20000x128xf32, #tpu.memory_space<hbm>>
        %dma_start3A_124 = tpu.memref_slice %arg7[%rem3A_114] : memref<5x!tpu.dma_semaphore, #tpu.memory_space<semaphore_mem>> -> memref<1x!tpu.dma_semaphore, #tpu.memory_space<semaphore_mem>>
        %dma_start3A_125 = tpu.memref_squeeze %dma_start3A_124 : memref<1x!tpu.dma_semaphore, #tpu.memory_space<semaphore_mem>> -> memref<!tpu.dma_semaphore, #tpu.memory_space<semaphore_mem>>
        tpu.enqueue_indirect_dma source(%dma_start3A_123 : memref<20000x128xf32, #tpu.memory_space<hbm>>) target(%dma_start3A_119 : memref<128x128xf32, #tpu.memory_space<vmem>>) offsets(%dma_start3A_120 : memref<128xi32, #tpu.memory_space<vmem>>) semaphore(%dma_start3A_125 : memref<!tpu.dma_semaphore, #tpu.memory_space<semaphore_mem>>)
      } else {
      }
      %ge3A = arith.constant 3 : i32
      %ge3A_104 = arith.cmpi sge, %scan3A_101, %ge3A : i32
      %convert_element_type3A_105 = arith.extui %ge3A_104 : i1 to i32
      %cond3A_106 = arith.constant 0 : i32
      %cond3A_107 = arith.cmpi ne, %convert_element_type3A_105, %cond3A_106 : i32
      scf.if %cond3A_107 {
        %sub3A = arith.constant 3 : i32
        %sub3A_108 = arith.subi %scan3A_101, %sub3A : i32
        %rem3A_109 = arith.constant 5 : i32
        %rem3A_110 = arith.remsi %sub3A_108, %rem3A_109 : i32
        %dma_wait3A_111 = arith.constant 0 : i32
        %dma_wait3A_112 = arith.constant 0 : i32
        %dma_wait3A_113 = tpu.memref_slice %arg6[%rem3A_110, %dma_wait3A_111, %dma_wait3A_112] : memref<5x128x128xf32, #tpu.memory_space<vmem>> -> memref<1x128x128xf32, #tpu.memory_space<vmem>>
        %dma_wait3A_114 = tpu.memref_squeeze %dma_wait3A_113 : memref<1x128x128xf32, #tpu.memory_space<vmem>> -> memref<128x128xf32, #tpu.memory_space<vmem>>
        %dma_wait3A_115 = arith.constant 0 : i32
        %dma_wait3A_116 = arith.constant 0 : i32
        %dma_wait3A_117 = tpu.memref_slice %arg2[%dma_wait3A_115, %dma_wait3A_116] : memref<20000x128xf32, #tpu.memory_space<hbm>> -> memref<128x128xf32, #tpu.memory_space<hbm>>
        %dma_wait3A_118 = tpu.memref_slice %arg7[%rem3A_110] : memref<5x!tpu.dma_semaphore, #tpu.memory_space<semaphore_mem>> -> memref<1x!tpu.dma_semaphore, #tpu.memory_space<semaphore_mem>>
        %dma_wait3A_119 = tpu.memref_squeeze %dma_wait3A_118 : memref<1x!tpu.dma_semaphore, #tpu.memory_space<semaphore_mem>> -> memref<!tpu.dma_semaphore, #tpu.memory_space<semaphore_mem>>
        %dma_wait3A_120 = arith.constant 0 : i32
        %dma_wait3A_121 = arith.constant 0 : i32
        %dma_wait3A_122 = tpu.memref_slice %arg6[%rem3A_110, %dma_wait3A_120, %dma_wait3A_121] : memref<5x128x128xf32, #tpu.memory_space<vmem>> -> memref<1x128x128xf32, #tpu.memory_space<vmem>>
        %dma_wait3A_123 = tpu.memref_squeeze %dma_wait3A_122 : memref<1x128x128xf32, #tpu.memory_space<vmem>> -> memref<128x128xf32, #tpu.memory_space<vmem>>
        %dma_wait3A_124 = arith.constant 0 : i32
        %dma_wait3A_125 = arith.constant 0 : i32
        %dma_wait3A_126 = tpu.memref_slice %arg2[%dma_wait3A_124, %dma_wait3A_125] : memref<20000x128xf32, #tpu.memory_space<hbm>> -> memref<128x128xf32, #tpu.memory_space<hbm>>
        tpu.wait_dma2 semaphore(%dma_wait3A_119 : memref<!tpu.dma_semaphore, #tpu.memory_space<semaphore_mem>>) src(%dma_wait3A_126 : memref<128x128xf32, #tpu.memory_space<hbm>>) dst(%dma_wait3A_123 : memref<128x128xf32, #tpu.memory_space<vmem>>)
        %sub3A_127 = arith.constant 3 : i32
        %sub3A_128 = arith.subi %scan3A_101, %sub3A_127 : i32
        %rem3A_129 = arith.constant 5 : i32
        %rem3A_130 = arith.remsi %sub3A_128, %rem3A_129 : i32
        %mul3A_131 = arith.constant 128 : i32
        %mul3A_132 = arith.muli %sub3A_128, %mul3A_131 : i32
        %add3A_133 = arith.addi %mul3A_2, %mul3A_132 : i32
        %dma_start3A = arith.constant 0 : i32
        %dma_start3A_134 = arith.constant 0 : i32
        %dma_start3A_135 = tpu.memref_slice %arg6[%rem3A_130, %dma_start3A, %dma_start3A_134] : memref<5x128x128xf32, #tpu.memory_space<vmem>> -> memref<1x128x128xf32, #tpu.memory_space<vmem>>
        %dma_start3A_136 = tpu.memref_squeeze %dma_start3A_135 : memref<1x128x128xf32, #tpu.memory_space<vmem>> -> memref<128x128xf32, #tpu.memory_space<vmem>>
        %dma_start3A_137 = arith.constant 0 : i32
        %dma_start3A_138 = tpu.memref_slice %arg4[%add3A_133, %dma_start3A_137] : memref<655360x128xf32, #tpu.memory_space<hbm>> -> memref<128x128xf32, #tpu.memory_space<hbm>>
        %dma_start3A_139 = tpu.memref_slice %arg8[%rem3A_130] : memref<5x!tpu.dma_semaphore, #tpu.memory_space<semaphore_mem>> -> memref<1x!tpu.dma_semaphore, #tpu.memory_space<semaphore_mem>>
        %dma_start3A_140 = tpu.memref_squeeze %dma_start3A_139 : memref<1x!tpu.dma_semaphore, #tpu.memory_space<semaphore_mem>> -> memref<!tpu.dma_semaphore, #tpu.memory_space<semaphore_mem>>
        %dma_start3A_141 = arith.constant 0 : i32
        %dma_start3A_142 = tpu.memref_slice %arg4[%add3A_133, %dma_start3A_141] : memref<655360x128xf32, #tpu.memory_space<hbm>> -> memref<128x128xf32, #tpu.memory_space<hbm>>
        %dma_start3A_143 = arith.constant 0 : i32
        %dma_start3A_144 = arith.constant 0 : i32
        %dma_start3A_145 = tpu.memref_slice %arg6[%rem3A_130, %dma_start3A_143, %dma_start3A_144] : memref<5x128x128xf32, #tpu.memory_space<vmem>> -> memref<1x128x128xf32, #tpu.memory_space<vmem>>
        %dma_start3A_146 = tpu.memref_squeeze %dma_start3A_145 : memref<1x128x128xf32, #tpu.memory_space<vmem>> -> memref<128x128xf32, #tpu.memory_space<vmem>>
        tpu.enqueue_dma source(%dma_start3A_146 : memref<128x128xf32, #tpu.memory_space<vmem>>) target(%dma_start3A_142 : memref<128x128xf32, #tpu.memory_space<hbm>>) target_semaphore(%dma_start3A_140 : memref<!tpu.dma_semaphore, #tpu.memory_space<semaphore_mem>>)
      } else {
      }
    }
    %scan3A_7 = arith.constant 163 : i32
    %rem3A = arith.constant 155 : i32
    %rem3A_8 = arith.constant 5 : i32
    %rem3A_9 = arith.remsi %rem3A, %rem3A_8 : i32
    %add3A_10 = arith.constant 19840 : i32
    %add3A_11 = arith.addi %mul3A_2, %add3A_10 : i32
    %dma_wait3A = arith.constant 0 : i32
    %dma_wait3A_12 = arith.constant 0 : i32
    %dma_wait3A_13 = tpu.memref_slice %arg6[%rem3A_9, %dma_wait3A, %dma_wait3A_12] : memref<5x128x128xf32, #tpu.memory_space<vmem>> -> memref<1x128x128xf32, #tpu.memory_space<vmem>>
    %dma_wait3A_14 = tpu.memref_squeeze %dma_wait3A_13 : memref<1x128x128xf32, #tpu.memory_space<vmem>> -> memref<128x128xf32, #tpu.memory_space<vmem>>
    %dma_wait3A_15 = arith.constant 0 : i32
    %dma_wait3A_16 = tpu.memref_slice %arg4[%add3A_11, %dma_wait3A_15] : memref<655360x128xf32, #tpu.memory_space<hbm>> -> memref<128x128xf32, #tpu.memory_space<hbm>>
    %dma_wait3A_17 = tpu.memref_slice %arg8[%rem3A_9] : memref<5x!tpu.dma_semaphore, #tpu.memory_space<semaphore_mem>> -> memref<1x!tpu.dma_semaphore, #tpu.memory_space<semaphore_mem>>
    %dma_wait3A_18 = tpu.memref_squeeze %dma_wait3A_17 : memref<1x!tpu.dma_semaphore, #tpu.memory_space<semaphore_mem>> -> memref<!tpu.dma_semaphore, #tpu.memory_space<semaphore_mem>>
    %dma_wait3A_19 = arith.constant 0 : i32
    %dma_wait3A_20 = tpu.memref_slice %arg4[%add3A_11, %dma_wait3A_19] : memref<655360x128xf32, #tpu.memory_space<hbm>> -> memref<128x128xf32, #tpu.memory_space<hbm>>
    %dma_wait3A_21 = arith.constant 0 : i32
    %dma_wait3A_22 = arith.constant 0 : i32
    %dma_wait3A_23 = tpu.memref_slice %arg6[%rem3A_9, %dma_wait3A_21, %dma_wait3A_22] : memref<5x128x128xf32, #tpu.memory_space<vmem>> -> memref<1x128x128xf32, #tpu.memory_space<vmem>>
    %dma_wait3A_24 = tpu.memref_squeeze %dma_wait3A_23 : memref<1x128x128xf32, #tpu.memory_space<vmem>> -> memref<128x128xf32, #tpu.memory_space<vmem>>
    tpu.wait_dma2 semaphore(%dma_wait3A_18 : memref<!tpu.dma_semaphore, #tpu.memory_space<semaphore_mem>>) src(%dma_wait3A_24 : memref<128x128xf32, #tpu.memory_space<vmem>>) dst(%dma_wait3A_20 : memref<128x128xf32, #tpu.memory_space<hbm>>)
    %rem3A_25 = arith.constant 156 : i32
    %rem3A_26 = arith.constant 5 : i32
    %rem3A_27 = arith.remsi %rem3A_25, %rem3A_26 : i32
    %add3A_28 = arith.constant 19968 : i32
    %add3A_29 = arith.addi %mul3A_2, %add3A_28 : i32
    %dma_wait3A_30 = arith.constant 0 : i32
    %dma_wait3A_31 = arith.constant 0 : i32
    %dma_wait3A_32 = tpu.memref_slice %arg6[%rem3A_27, %dma_wait3A_30, %dma_wait3A_31] : memref<5x128x128xf32, #tpu.memory_space<vmem>> -> memref<1x128x128xf32, #tpu.memory_space<vmem>>
    %dma_wait3A_33 = tpu.memref_squeeze %dma_wait3A_32 : memref<1x128x128xf32, #tpu.memory_space<vmem>> -> memref<128x128xf32, #tpu.memory_space<vmem>>
    %dma_wait3A_34 = arith.constant 0 : i32
    %dma_wait3A_35 = tpu.memref_slice %arg4[%add3A_29, %dma_wait3A_34] : memref<655360x128xf32, #tpu.memory_space<hbm>> -> memref<128x128xf32, #tpu.memory_space<hbm>>
    %dma_wait3A_36 = tpu.memref_slice %arg8[%rem3A_27] : memref<5x!tpu.dma_semaphore, #tpu.memory_space<semaphore_mem>> -> memref<1x!tpu.dma_semaphore, #tpu.memory_space<semaphore_mem>>
    %dma_wait3A_37 = tpu.memref_squeeze %dma_wait3A_36 : memref<1x!tpu.dma_semaphore, #tpu.memory_space<semaphore_mem>> -> memref<!tpu.dma_semaphore, #tpu.memory_space<semaphore_mem>>
    %dma_wait3A_38 = arith.constant 0 : i32
    %dma_wait3A_39 = tpu.memref_slice %arg4[%add3A_29, %dma_wait3A_38] : memref<655360x128xf32, #tpu.memory_space<hbm>> -> memref<128x128xf32, #tpu.memory_space<hbm>>
    %dma_wait3A_40 = arith.constant 0 : i32
    %dma_wait3A_41 = arith.constant 0 : i32
    %dma_wait3A_42 = tpu.memref_slice %arg6[%rem3A_27, %dma_wait3A_40, %dma_wait3A_41] : memref<5x128x128xf32, #tpu.memory_space<vmem>> -> memref<1x128x128xf32, #tpu.memory_space<vmem>>
    %dma_wait3A_43 = tpu.memref_squeeze %dma_wait3A_42 : memref<1x128x128xf32, #tpu.memory_space<vmem>> -> memref<128x128xf32, #tpu.memory_space<vmem>>
    tpu.wait_dma2 semaphore(%dma_wait3A_37 : memref<!tpu.dma_semaphore, #tpu.memory_space<semaphore_mem>>) src(%dma_wait3A_43 : memref<128x128xf32, #tpu.memory_space<vmem>>) dst(%dma_wait3A_39 : memref<128x128xf32, #tpu.memory_space<hbm>>)
    %rem3A_44 = arith.constant 157 : i32
    %rem3A_45 = arith.constant 5 : i32
    %rem3A_46 = arith.remsi %rem3A_44, %rem3A_45 : i32
    %add3A_47 = arith.constant 20096 : i32
    %add3A_48 = arith.addi %mul3A_2, %add3A_47 : i32
    %dma_wait3A_49 = arith.constant 0 : i32
    %dma_wait3A_50 = arith.constant 0 : i32
    %dma_wait3A_51 = tpu.memref_slice %arg6[%rem3A_46, %dma_wait3A_49, %dma_wait3A_50] : memref<5x128x128xf32, #tpu.memory_space<vmem>> -> memref<1x128x128xf32, #tpu.memory_space<vmem>>
    %dma_wait3A_52 = tpu.memref_squeeze %dma_wait3A_51 : memref<1x128x128xf32, #tpu.memory_space<vmem>> -> memref<128x128xf32, #tpu.memory_space<vmem>>
    %dma_wait3A_53 = arith.constant 0 : i32
    %dma_wait3A_54 = tpu.memref_slice %arg4[%add3A_48, %dma_wait3A_53] : memref<655360x128xf32, #tpu.memory_space<hbm>> -> memref<128x128xf32, #tpu.memory_space<hbm>>
    %dma_wait3A_55 = tpu.memref_slice %arg8[%rem3A_46] : memref<5x!tpu.dma_semaphore, #tpu.memory_space<semaphore_mem>> -> memref<1x!tpu.dma_semaphore, #tpu.memory_space<semaphore_mem>>
    %dma_wait3A_56 = tpu.memref_squeeze %dma_wait3A_55 : memref<1x!tpu.dma_semaphore, #tpu.memory_space<semaphore_mem>> -> memref<!tpu.dma_semaphore, #tpu.memory_space<semaphore_mem>>
    %dma_wait3A_57 = arith.constant 0 : i32
    %dma_wait3A_58 = tpu.memref_slice %arg4[%add3A_48, %dma_wait3A_57] : memref<655360x128xf32, #tpu.memory_space<hbm>> -> memref<128x128xf32, #tpu.memory_space<hbm>>
    %dma_wait3A_59 = arith.constant 0 : i32
    %dma_wait3A_60 = arith.constant 0 : i32
    %dma_wait3A_61 = tpu.memref_slice %arg6[%rem3A_46, %dma_wait3A_59, %dma_wait3A_60] : memref<5x128x128xf32, #tpu.memory_space<vmem>> -> memref<1x128x128xf32, #tpu.memory_space<vmem>>
    %dma_wait3A_62 = tpu.memref_squeeze %dma_wait3A_61 : memref<1x128x128xf32, #tpu.memory_space<vmem>> -> memref<128x128xf32, #tpu.memory_space<vmem>>
    tpu.wait_dma2 semaphore(%dma_wait3A_56 : memref<!tpu.dma_semaphore, #tpu.memory_space<semaphore_mem>>) src(%dma_wait3A_62 : memref<128x128xf32, #tpu.memory_space<vmem>>) dst(%dma_wait3A_58 : memref<128x128xf32, #tpu.memory_space<hbm>>)
    %rem3A_63 = arith.constant 158 : i32
    %rem3A_64 = arith.constant 5 : i32
    %rem3A_65 = arith.remsi %rem3A_63, %rem3A_64 : i32
    %add3A_66 = arith.constant 20224 : i32
    %add3A_67 = arith.addi %mul3A_2, %add3A_66 : i32
    %dma_wait3A_68 = arith.constant 0 : i32
    %dma_wait3A_69 = arith.constant 0 : i32
    %dma_wait3A_70 = tpu.memref_slice %arg6[%rem3A_65, %dma_wait3A_68, %dma_wait3A_69] : memref<5x128x128xf32, #tpu.memory_space<vmem>> -> memref<1x128x128xf32, #tpu.memory_space<vmem>>
    %dma_wait3A_71 = tpu.memref_squeeze %dma_wait3A_70 : memref<1x128x128xf32, #tpu.memory_space<vmem>> -> memref<128x128xf32, #tpu.memory_space<vmem>>
    %dma_wait3A_72 = arith.constant 0 : i32
    %dma_wait3A_73 = tpu.memref_slice %arg4[%add3A_67, %dma_wait3A_72] : memref<655360x128xf32, #tpu.memory_space<hbm>> -> memref<128x128xf32, #tpu.memory_space<hbm>>
    %dma_wait3A_74 = tpu.memref_slice %arg8[%rem3A_65] : memref<5x!tpu.dma_semaphore, #tpu.memory_space<semaphore_mem>> -> memref<1x!tpu.dma_semaphore, #tpu.memory_space<semaphore_mem>>
    %dma_wait3A_75 = tpu.memref_squeeze %dma_wait3A_74 : memref<1x!tpu.dma_semaphore, #tpu.memory_space<semaphore_mem>> -> memref<!tpu.dma_semaphore, #tpu.memory_space<semaphore_mem>>
    %dma_wait3A_76 = arith.constant 0 : i32
    %dma_wait3A_77 = tpu.memref_slice %arg4[%add3A_67, %dma_wait3A_76] : memref<655360x128xf32, #tpu.memory_space<hbm>> -> memref<128x128xf32, #tpu.memory_space<hbm>>
    %dma_wait3A_78 = arith.constant 0 : i32
    %dma_wait3A_79 = arith.constant 0 : i32
    %dma_wait3A_80 = tpu.memref_slice %arg6[%rem3A_65, %dma_wait3A_78, %dma_wait3A_79] : memref<5x128x128xf32, #tpu.memory_space<vmem>> -> memref<1x128x128xf32, #tpu.memory_space<vmem>>
    %dma_wait3A_81 = tpu.memref_squeeze %dma_wait3A_80 : memref<1x128x128xf32, #tpu.memory_space<vmem>> -> memref<128x128xf32, #tpu.memory_space<vmem>>
    tpu.wait_dma2 semaphore(%dma_wait3A_75 : memref<!tpu.dma_semaphore, #tpu.memory_space<semaphore_mem>>) src(%dma_wait3A_81 : memref<128x128xf32, #tpu.memory_space<vmem>>) dst(%dma_wait3A_77 : memref<128x128xf32, #tpu.memory_space<hbm>>)
    %rem3A_82 = arith.constant 159 : i32
    %rem3A_83 = arith.constant 5 : i32
    %rem3A_84 = arith.remsi %rem3A_82, %rem3A_83 : i32
    %add3A_85 = arith.constant 20352 : i32
    %add3A_86 = arith.addi %mul3A_2, %add3A_85 : i32
    %dma_wait3A_87 = arith.constant 0 : i32
    %dma_wait3A_88 = arith.constant 0 : i32
    %dma_wait3A_89 = tpu.memref_slice %arg6[%rem3A_84, %dma_wait3A_87, %dma_wait3A_88] : memref<5x128x128xf32, #tpu.memory_space<vmem>> -> memref<1x128x128xf32, #tpu.memory_space<vmem>>
    %dma_wait3A_90 = tpu.memref_squeeze %dma_wait3A_89 : memref<1x128x128xf32, #tpu.memory_space<vmem>> -> memref<128x128xf32, #tpu.memory_space<vmem>>
    %dma_wait3A_91 = arith.constant 0 : i32
    %dma_wait3A_92 = tpu.memref_slice %arg4[%add3A_86, %dma_wait3A_91] : memref<655360x128xf32, #tpu.memory_space<hbm>> -> memref<128x128xf32, #tpu.memory_space<hbm>>
    %dma_wait3A_93 = tpu.memref_slice %arg8[%rem3A_84] : memref<5x!tpu.dma_semaphore, #tpu.memory_space<semaphore_mem>> -> memref<1x!tpu.dma_semaphore, #tpu.memory_space<semaphore_mem>>
    %dma_wait3A_94 = tpu.memref_squeeze %dma_wait3A_93 : memref<1x!tpu.dma_semaphore, #tpu.memory_space<semaphore_mem>> -> memref<!tpu.dma_semaphore, #tpu.memory_space<semaphore_mem>>
    %dma_wait3A_95 = arith.constant 0 : i32
    %dma_wait3A_96 = tpu.memref_slice %arg4[%add3A_86, %dma_wait3A_95] : memref<655360x128xf32, #tpu.memory_space<hbm>> -> memref<128x128xf32, #tpu.memory_space<hbm>>
    %dma_wait3A_97 = arith.constant 0 : i32
    %dma_wait3A_98 = arith.constant 0 : i32
    %dma_wait3A_99 = tpu.memref_slice %arg6[%rem3A_84, %dma_wait3A_97, %dma_wait3A_98] : memref<5x128x128xf32, #tpu.memory_space<vmem>> -> memref<1x128x128xf32, #tpu.memory_space<vmem>>
    %dma_wait3A_100 = tpu.memref_squeeze %dma_wait3A_99 : memref<1x128x128xf32, #tpu.memory_space<vmem>> -> memref<128x128xf32, #tpu.memory_space<vmem>>
    tpu.wait_dma2 semaphore(%dma_wait3A_94 : memref<!tpu.dma_semaphore, #tpu.memory_space<semaphore_mem>>) src(%dma_wait3A_100 : memref<128x128xf32, #tpu.memory_space<vmem>>) dst(%dma_wait3A_96 : memref<128x128xf32, #tpu.memory_space<hbm>>)
    return
  }
}

#map = affine_map<(d0, d1) -> (0, 0)>
#map1 = affine_map<(d0, d1) -> (0)>
module attributes {stable_mosaic.version = 14 : i64} {
  func.func @body(%arg0: i32, %arg1: i32, %arg2: memref<20000x128xf32, #tpu.memory_space<hbm>>, %arg3: memref<655360xi32, #tpu.memory_space<hbm>>, %arg4: memref<655360x128xf32, #tpu.memory_space<hbm>>, %arg5: memref<20480xi32, #tpu.memory_space<vmem>>, %arg6: memref<5x128x128xf32, #tpu.memory_space<vmem>>, %arg7: memref<5x!tpu.dma_semaphore, #tpu.memory_space<semaphore_mem>>, %arg8: memref<5x!tpu.dma_semaphore, #tpu.memory_space<semaphore_mem>>) attributes {dimension_semantics = [#tpu.dimension_semantics<core_parallel>, #tpu.dimension_semantics<subcore_parallel>], iteration_bounds = array<i64: 2, 16>, scalar_prefetch = 0 : i64, scratch_operands = 4 : i64, tpu.core_type = #tpu.core_type<sc_vector_subcore>, window_params = [{transform_indices = #map}, {transform_indices = #map1}, {transform_indices = #map}]} {
    %mul3A = arith.constant 2 : i32
    %mul3A_0 = arith.muli %arg1, %mul3A : i32
    %add3A = arith.addi %mul3A_0, %arg0 : i32
    %mul3A_1 = arith.constant 20480 : i32
    %mul3A_2 = arith.muli %add3A, %mul3A_1 : i32
    "tpu.region"() ({
      %run_scoped3A = tpu.sem_alloc : memref<!tpu.dma_semaphore, #tpu.memory_space<semaphore_mem>>
      %dma_start3A = tpu.memref_slice %arg3[%mul3A_2] : memref<655360xi32, #tpu.memory_space<hbm>> -> memref<20480xi32, #tpu.memory_space<hbm>>
      %dma_start3A_101 = tpu.memref_slice %arg3[%mul3A_2] : memref<655360xi32, #tpu.memory_space<hbm>> -> memref<20480xi32, #tpu.memory_space<hbm>>
      tpu.enqueue_dma source(%dma_start3A_101 : memref<20480xi32, #tpu.memory_space<hbm>>) target(%arg5 : memref<20480xi32, #tpu.memory_space<vmem>>) target_semaphore(%run_scoped3A : memref<!tpu.dma_semaphore, #tpu.memory_space<semaphore_mem>>)
      %dma_wait3A_102 = tpu.memref_slice %arg3[%mul3A_2] : memref<655360xi32, #tpu.memory_space<hbm>> -> memref<20480xi32, #tpu.memory_space<hbm>>
      %dma_wait3A_103 = tpu.memref_slice %arg3[%mul3A_2] : memref<655360xi32, #tpu.memory_space<hbm>> -> memref<20480xi32, #tpu.memory_space<hbm>>
      tpu.wait_dma2 semaphore(%run_scoped3A : memref<!tpu.dma_semaphore, #tpu.memory_space<semaphore_mem>>) src(%dma_wait3A_103 : memref<20480xi32, #tpu.memory_space<hbm>>) dst(%arg5 : memref<20480xi32, #tpu.memory_space<vmem>>)
      tpu.yield
    }) : () -> ()
    %scan3A = arith.constant 0 : i32
    %scan3A_3 = arith.constant 0 : i32
    %scan3A_4 = arith.constant 163 : i32
    %scan3A_5 = arith.addi %scan3A_3, %scan3A_4 : i32
    %scan3A_6 = arith.constant 1 : i32
    scf.for %scan3A_101 = %scan3A_3 to %scan3A_5 step %scan3A_6  : i32 {
      %lt3A = arith.constant 160 : i32
      %lt3A_102 = arith.cmpi slt, %scan3A_101, %lt3A : i32
      %convert_element_type3A = arith.extui %lt3A_102 : i1 to i32
      %cond3A = arith.constant 0 : i32
      %cond3A_103 = arith.cmpi ne, %convert_element_type3A, %cond3A : i32
      scf.if %cond3A_103 {
        %ge3A_108 = arith.constant 5 : i32
        %ge3A_109 = arith.cmpi sge, %scan3A_101, %ge3A_108 : i32
        %convert_element_type3A_110 = arith.extui %ge3A_109 : i1 to i32
        %cond3A_111 = arith.constant 0 : i32
        %cond3A_112 = arith.cmpi ne, %convert_element_type3A_110, %cond3A_111 : i32
        scf.if %cond3A_112 {
          %sub3A = arith.constant 5 : i32
          %sub3A_126 = arith.subi %scan3A_101, %sub3A : i32
          %rem3A_127 = arith.constant 5 : i32
          %rem3A_128 = arith.remsi %sub3A_126, %rem3A_127 : i32
          %mul3A_129 = arith.constant 128 : i32
          %mul3A_130 = arith.muli %sub3A_126, %mul3A_129 : i32
          %add3A_131 = arith.addi %mul3A_2, %mul3A_130 : i32
          %dma_wait3A_132 = arith.constant 0 : i32
          %dma_wait3A_133 = arith.constant 0 : i32
          %dma_wait3A_134 = tpu.memref_slice %arg6[%rem3A_128, %dma_wait3A_132, %dma_wait3A_133] : memref<5x128x128xf32, #tpu.memory_space<vmem>> -> memref<1x128x128xf32, #tpu.memory_space<vmem>>
          %dma_wait3A_135 = tpu.memref_squeeze %dma_wait3A_134 : memref<1x128x128xf32, #tpu.memory_space<vmem>> -> memref<128x128xf32, #tpu.memory_space<vmem>>
          %dma_wait3A_136 = arith.constant 0 : i32
          %dma_wait3A_137 = tpu.memref_slice %arg4[%add3A_131, %dma_wait3A_136] : memref<655360x128xf32, #tpu.memory_space<hbm>> -> memref<128x128xf32, #tpu.memory_space<hbm>>
          %dma_wait3A_138 = tpu.memref_slice %arg8[%rem3A_128] : memref<5x!tpu.dma_semaphore, #tpu.memory_space<semaphore_mem>> -> memref<1x!tpu.dma_semaphore, #tpu.memory_space<semaphore_mem>>
          %dma_wait3A_139 = tpu.memref_squeeze %dma_wait3A_138 : memref<1x!tpu.dma_semaphore, #tpu.memory_space<semaphore_mem>> -> memref<!tpu.dma_semaphore, #tpu.memory_space<semaphore_mem>>
          %dma_wait3A_140 = arith.constant 0 : i32
          %dma_wait3A_141 = tpu.memref_slice %arg4[%add3A_131, %dma_wait3A_140] : memref<655360x128xf32, #tpu.memory_space<hbm>> -> memref<128x128xf32, #tpu.memory_space<hbm>>
          %dma_wait3A_142 = arith.constant 0 : i32
          %dma_wait3A_143 = arith.constant 0 : i32
          %dma_wait3A_144 = tpu.memref_slice %arg6[%rem3A_128, %dma_wait3A_142, %dma_wait3A_143] : memref<5x128x128xf32, #tpu.memory_space<vmem>> -> memref<1x128x128xf32, #tpu.memory_space<vmem>>
          %dma_wait3A_145 = tpu.memref_squeeze %dma_wait3A_144 : memref<1x128x128xf32, #tpu.memory_space<vmem>> -> memref<128x128xf32, #tpu.memory_space<vmem>>
          tpu.wait_dma2 semaphore(%dma_wait3A_139 : memref<!tpu.dma_semaphore, #tpu.memory_space<semaphore_mem>>) src(%dma_wait3A_145 : memref<128x128xf32, #tpu.memory_space<vmem>>) dst(%dma_wait3A_141 : memref<128x128xf32, #tpu.memory_space<hbm>>)
        } else {
        }
        %rem3A_113 = arith.constant 5 : i32
        %rem3A_114 = arith.remsi %scan3A_101, %rem3A_113 : i32
        %mul3A_115 = arith.constant 128 : i32
        %mul3A_116 = arith.muli %scan3A_101, %mul3A_115 : i32
        %dma_start3A = arith.constant 0 : i32
        %dma_start3A_117 = arith.constant 0 : i32
        %dma_start3A_118 = tpu.memref_slice %arg6[%rem3A_114, %dma_start3A, %dma_start3A_117] : memref<5x128x128xf32, #tpu.memory_space<vmem>> -> memref<1x128x128xf32, #tpu.memory_space<vmem>>
        %dma_start3A_119 = tpu.memref_squeeze %dma_start3A_118 : memref<1x128x128xf32, #tpu.memory_space<vmem>> -> memref<128x128xf32, #tpu.memory_space<vmem>>
        %dma_start3A_120 = tpu.memref_slice %arg5[%mul3A_116] : memref<20480xi32, #tpu.memory_space<vmem>> -> memref<128xi32, #tpu.memory_space<vmem>>
        %dma_start3A_121 = arith.constant 0 : i32
        %dma_start3A_122 = arith.constant 0 : i32
        %dma_start3A_123 = tpu.memref_slice %arg2[%dma_start3A_121, %dma_start3A_122] : memref<20000x128xf32, #tpu.memory_space<hbm>> -> memref<20000x128xf32, #tpu.memory_space<hbm>>
        %dma_start3A_124 = tpu.memref_slice %arg7[%rem3A_114] : memref<5x!tpu.dma_semaphore, #tpu.memory_space<semaphore_mem>> -> memref<1x!tpu.dma_semaphore, #tpu.memory_space<semaphore_mem>>
        %dma_start3A_125 = tpu.memref_squeeze %dma_start3A_124 : memref<1x!tpu.dma_semaphore, #tpu.memory_space<semaphore_mem>> -> memref<!tpu.dma_semaphore, #tpu.memory_space<semaphore_mem>>
        tpu.enqueue_indirect_dma source(%dma_start3A_123 : memref<20000x128xf32, #tpu.memory_space<hbm>>) target(%dma_start3A_119 : memref<128x128xf32, #tpu.memory_space<vmem>>) offsets(%dma_start3A_120 : memref<128xi32, #tpu.memory_space<vmem>>) semaphore(%dma_start3A_125 : memref<!tpu.dma_semaphore, #tpu.memory_space<semaphore_mem>>)
      } else {
      }
      %ge3A = arith.constant 3 : i32
      %ge3A_104 = arith.cmpi sge, %scan3A_101, %ge3A : i32
      %convert_element_type3A_105 = arith.extui %ge3A_104 : i1 to i32
      %cond3A_106 = arith.constant 0 : i32
      %cond3A_107 = arith.cmpi ne, %convert_element_type3A_105, %cond3A_106 : i32
      scf.if %cond3A_107 {
        %sub3A = arith.constant 3 : i32
        %sub3A_108 = arith.subi %scan3A_101, %sub3A : i32
        %rem3A_109 = arith.constant 5 : i32
        %rem3A_110 = arith.remsi %sub3A_108, %rem3A_109 : i32
        %dma_wait3A_111 = arith.constant 0 : i32
        %dma_wait3A_112 = arith.constant 0 : i32
        %dma_wait3A_113 = tpu.memref_slice %arg6[%rem3A_110, %dma_wait3A_111, %dma_wait3A_112] : memref<5x128x128xf32, #tpu.memory_space<vmem>> -> memref<1x128x128xf32, #tpu.memory_space<vmem>>
        %dma_wait3A_114 = tpu.memref_squeeze %dma_wait3A_113 : memref<1x128x128xf32, #tpu.memory_space<vmem>> -> memref<128x128xf32, #tpu.memory_space<vmem>>
        %dma_wait3A_115 = arith.constant 0 : i32
        %dma_wait3A_116 = arith.constant 0 : i32
        %dma_wait3A_117 = tpu.memref_slice %arg2[%dma_wait3A_115, %dma_wait3A_116] : memref<20000x128xf32, #tpu.memory_space<hbm>> -> memref<128x128xf32, #tpu.memory_space<hbm>>
        %dma_wait3A_118 = tpu.memref_slice %arg7[%rem3A_110] : memref<5x!tpu.dma_semaphore, #tpu.memory_space<semaphore_mem>> -> memref<1x!tpu.dma_semaphore, #tpu.memory_space<semaphore_mem>>
        %dma_wait3A_119 = tpu.memref_squeeze %dma_wait3A_118 : memref<1x!tpu.dma_semaphore, #tpu.memory_space<semaphore_mem>> -> memref<!tpu.dma_semaphore, #tpu.memory_space<semaphore_mem>>
        %dma_wait3A_120 = arith.constant 0 : i32
        %dma_wait3A_121 = arith.constant 0 : i32
        %dma_wait3A_122 = tpu.memref_slice %arg6[%rem3A_110, %dma_wait3A_120, %dma_wait3A_121] : memref<5x128x128xf32, #tpu.memory_space<vmem>> -> memref<1x128x128xf32, #tpu.memory_space<vmem>>
        %dma_wait3A_123 = tpu.memref_squeeze %dma_wait3A_122 : memref<1x128x128xf32, #tpu.memory_space<vmem>> -> memref<128x128xf32, #tpu.memory_space<vmem>>
        %dma_wait3A_124 = arith.constant 0 : i32
        %dma_wait3A_125 = arith.constant 0 : i32
        %dma_wait3A_126 = tpu.memref_slice %arg2[%dma_wait3A_124, %dma_wait3A_125] : memref<20000x128xf32, #tpu.memory_space<hbm>> -> memref<128x128xf32, #tpu.memory_space<hbm>>
        tpu.wait_dma2 semaphore(%dma_wait3A_119 : memref<!tpu.dma_semaphore, #tpu.memory_space<semaphore_mem>>) src(%dma_wait3A_126 : memref<128x128xf32, #tpu.memory_space<hbm>>) dst(%dma_wait3A_123 : memref<128x128xf32, #tpu.memory_space<vmem>>)
        %sub3A_127 = arith.constant 3 : i32
        %sub3A_128 = arith.subi %scan3A_101, %sub3A_127 : i32
        %rem3A_129 = arith.constant 5 : i32
        %rem3A_130 = arith.remsi %sub3A_128, %rem3A_129 : i32
        %mul3A_131 = arith.constant 128 : i32
        %mul3A_132 = arith.muli %sub3A_128, %mul3A_131 : i32
        %add3A_133 = arith.addi %mul3A_2, %mul3A_132 : i32
        %dma_start3A = arith.constant 0 : i32
        %dma_start3A_134 = arith.constant 0 : i32
        %dma_start3A_135 = tpu.memref_slice %arg6[%rem3A_130, %dma_start3A, %dma_start3A_134] : memref<5x128x128xf32, #tpu.memory_space<vmem>> -> memref<1x128x128xf32, #tpu.memory_space<vmem>>
        %dma_start3A_136 = tpu.memref_squeeze %dma_start3A_135 : memref<1x128x128xf32, #tpu.memory_space<vmem>> -> memref<128x128xf32, #tpu.memory_space<vmem>>
        %dma_start3A_137 = arith.constant 0 : i32
        %dma_start3A_138 = tpu.memref_slice %arg4[%add3A_133, %dma_start3A_137] : memref<655360x128xf32, #tpu.memory_space<hbm>> -> memref<128x128xf32, #tpu.memory_space<hbm>>
        %dma_start3A_139 = tpu.memref_slice %arg8[%rem3A_130] : memref<5x!tpu.dma_semaphore, #tpu.memory_space<semaphore_mem>> -> memref<1x!tpu.dma_semaphore, #tpu.memory_space<semaphore_mem>>
        %dma_start3A_140 = tpu.memref_squeeze %dma_start3A_139 : memref<1x!tpu.dma_semaphore, #tpu.memory_space<semaphore_mem>> -> memref<!tpu.dma_semaphore, #tpu.memory_space<semaphore_mem>>
        %dma_start3A_141 = arith.constant 0 : i32
        %dma_start3A_142 = tpu.memref_slice %arg4[%add3A_133, %dma_start3A_141] : memref<655360x128xf32, #tpu.memory_space<hbm>> -> memref<128x128xf32, #tpu.memory_space<hbm>>
        %dma_start3A_143 = arith.constant 0 : i32
        %dma_start3A_144 = arith.constant 0 : i32
        %dma_start3A_145 = tpu.memref_slice %arg6[%rem3A_130, %dma_start3A_143, %dma_start3A_144] : memref<5x128x128xf32, #tpu.memory_space<vmem>> -> memref<1x128x128xf32, #tpu.memory_space<vmem>>
        %dma_start3A_146 = tpu.memref_squeeze %dma_start3A_145 : memref<1x128x128xf32, #tpu.memory_space<vmem>> -> memref<128x128xf32, #tpu.memory_space<vmem>>
        tpu.enqueue_dma source(%dma_start3A_146 : memref<128x128xf32, #tpu.memory_space<vmem>>) target(%dma_start3A_142 : memref<128x128xf32, #tpu.memory_space<hbm>>) target_semaphore(%dma_start3A_140 : memref<!tpu.dma_semaphore, #tpu.memory_space<semaphore_mem>>)
      } else {
      }
    }
    %scan3A_7 = arith.constant 163 : i32
    %rem3A = arith.constant 155 : i32
    %rem3A_8 = arith.constant 5 : i32
    %rem3A_9 = arith.remsi %rem3A, %rem3A_8 : i32
    %add3A_10 = arith.constant 19840 : i32
    %add3A_11 = arith.addi %mul3A_2, %add3A_10 : i32
    %dma_wait3A = arith.constant 0 : i32
    %dma_wait3A_12 = arith.constant 0 : i32
    %dma_wait3A_13 = tpu.memref_slice %arg6[%rem3A_9, %dma_wait3A, %dma_wait3A_12] : memref<5x128x128xf32, #tpu.memory_space<vmem>> -> memref<1x128x128xf32, #tpu.memory_space<vmem>>
    %dma_wait3A_14 = tpu.memref_squeeze %dma_wait3A_13 : memref<1x128x128xf32, #tpu.memory_space<vmem>> -> memref<128x128xf32, #tpu.memory_space<vmem>>
    %dma_wait3A_15 = arith.constant 0 : i32
    %dma_wait3A_16 = tpu.memref_slice %arg4[%add3A_11, %dma_wait3A_15] : memref<655360x128xf32, #tpu.memory_space<hbm>> -> memref<128x128xf32, #tpu.memory_space<hbm>>
    %dma_wait3A_17 = tpu.memref_slice %arg8[%rem3A_9] : memref<5x!tpu.dma_semaphore, #tpu.memory_space<semaphore_mem>> -> memref<1x!tpu.dma_semaphore, #tpu.memory_space<semaphore_mem>>
    %dma_wait3A_18 = tpu.memref_squeeze %dma_wait3A_17 : memref<1x!tpu.dma_semaphore, #tpu.memory_space<semaphore_mem>> -> memref<!tpu.dma_semaphore, #tpu.memory_space<semaphore_mem>>
    %dma_wait3A_19 = arith.constant 0 : i32
    %dma_wait3A_20 = tpu.memref_slice %arg4[%add3A_11, %dma_wait3A_19] : memref<655360x128xf32, #tpu.memory_space<hbm>> -> memref<128x128xf32, #tpu.memory_space<hbm>>
    %dma_wait3A_21 = arith.constant 0 : i32
    %dma_wait3A_22 = arith.constant 0 : i32
    %dma_wait3A_23 = tpu.memref_slice %arg6[%rem3A_9, %dma_wait3A_21, %dma_wait3A_22] : memref<5x128x128xf32, #tpu.memory_space<vmem>> -> memref<1x128x128xf32, #tpu.memory_space<vmem>>
    %dma_wait3A_24 = tpu.memref_squeeze %dma_wait3A_23 : memref<1x128x128xf32, #tpu.memory_space<vmem>> -> memref<128x128xf32, #tpu.memory_space<vmem>>
    tpu.wait_dma2 semaphore(%dma_wait3A_18 : memref<!tpu.dma_semaphore, #tpu.memory_space<semaphore_mem>>) src(%dma_wait3A_24 : memref<128x128xf32, #tpu.memory_space<vmem>>) dst(%dma_wait3A_20 : memref<128x128xf32, #tpu.memory_space<hbm>>)
    %rem3A_25 = arith.constant 156 : i32
    %rem3A_26 = arith.constant 5 : i32
    %rem3A_27 = arith.remsi %rem3A_25, %rem3A_26 : i32
    %add3A_28 = arith.constant 19968 : i32
    %add3A_29 = arith.addi %mul3A_2, %add3A_28 : i32
    %dma_wait3A_30 = arith.constant 0 : i32
    %dma_wait3A_31 = arith.constant 0 : i32
    %dma_wait3A_32 = tpu.memref_slice %arg6[%rem3A_27, %dma_wait3A_30, %dma_wait3A_31] : memref<5x128x128xf32, #tpu.memory_space<vmem>> -> memref<1x128x128xf32, #tpu.memory_space<vmem>>
    %dma_wait3A_33 = tpu.memref_squeeze %dma_wait3A_32 : memref<1x128x128xf32, #tpu.memory_space<vmem>> -> memref<128x128xf32, #tpu.memory_space<vmem>>
    %dma_wait3A_34 = arith.constant 0 : i32
    %dma_wait3A_35 = tpu.memref_slice %arg4[%add3A_29, %dma_wait3A_34] : memref<655360x128xf32, #tpu.memory_space<hbm>> -> memref<128x128xf32, #tpu.memory_space<hbm>>
    %dma_wait3A_36 = tpu.memref_slice %arg8[%rem3A_27] : memref<5x!tpu.dma_semaphore, #tpu.memory_space<semaphore_mem>> -> memref<1x!tpu.dma_semaphore, #tpu.memory_space<semaphore_mem>>
    %dma_wait3A_37 = tpu.memref_squeeze %dma_wait3A_36 : memref<1x!tpu.dma_semaphore, #tpu.memory_space<semaphore_mem>> -> memref<!tpu.dma_semaphore, #tpu.memory_space<semaphore_mem>>
    %dma_wait3A_38 = arith.constant 0 : i32
    %dma_wait3A_39 = tpu.memref_slice %arg4[%add3A_29, %dma_wait3A_38] : memref<655360x128xf32, #tpu.memory_space<hbm>> -> memref<128x128xf32, #tpu.memory_space<hbm>>
    %dma_wait3A_40 = arith.constant 0 : i32
    %dma_wait3A_41 = arith.constant 0 : i32
    %dma_wait3A_42 = tpu.memref_slice %arg6[%rem3A_27, %dma_wait3A_40, %dma_wait3A_41] : memref<5x128x128xf32, #tpu.memory_space<vmem>> -> memref<1x128x128xf32, #tpu.memory_space<vmem>>
    %dma_wait3A_43 = tpu.memref_squeeze %dma_wait3A_42 : memref<1x128x128xf32, #tpu.memory_space<vmem>> -> memref<128x128xf32, #tpu.memory_space<vmem>>
    tpu.wait_dma2 semaphore(%dma_wait3A_37 : memref<!tpu.dma_semaphore, #tpu.memory_space<semaphore_mem>>) src(%dma_wait3A_43 : memref<128x128xf32, #tpu.memory_space<vmem>>) dst(%dma_wait3A_39 : memref<128x128xf32, #tpu.memory_space<hbm>>)
    %rem3A_44 = arith.constant 157 : i32
    %rem3A_45 = arith.constant 5 : i32
    %rem3A_46 = arith.remsi %rem3A_44, %rem3A_45 : i32
    %add3A_47 = arith.constant 20096 : i32
    %add3A_48 = arith.addi %mul3A_2, %add3A_47 : i32
    %dma_wait3A_49 = arith.constant 0 : i32
    %dma_wait3A_50 = arith.constant 0 : i32
    %dma_wait3A_51 = tpu.memref_slice %arg6[%rem3A_46, %dma_wait3A_49, %dma_wait3A_50] : memref<5x128x128xf32, #tpu.memory_space<vmem>> -> memref<1x128x128xf32, #tpu.memory_space<vmem>>
    %dma_wait3A_52 = tpu.memref_squeeze %dma_wait3A_51 : memref<1x128x128xf32, #tpu.memory_space<vmem>> -> memref<128x128xf32, #tpu.memory_space<vmem>>
    %dma_wait3A_53 = arith.constant 0 : i32
    %dma_wait3A_54 = tpu.memref_slice %arg4[%add3A_48, %dma_wait3A_53] : memref<655360x128xf32, #tpu.memory_space<hbm>> -> memref<128x128xf32, #tpu.memory_space<hbm>>
    %dma_wait3A_55 = tpu.memref_slice %arg8[%rem3A_46] : memref<5x!tpu.dma_semaphore, #tpu.memory_space<semaphore_mem>> -> memref<1x!tpu.dma_semaphore, #tpu.memory_space<semaphore_mem>>
    %dma_wait3A_56 = tpu.memref_squeeze %dma_wait3A_55 : memref<1x!tpu.dma_semaphore, #tpu.memory_space<semaphore_mem>> -> memref<!tpu.dma_semaphore, #tpu.memory_space<semaphore_mem>>
    %dma_wait3A_57 = arith.constant 0 : i32
    %dma_wait3A_58 = tpu.memref_slice %arg4[%add3A_48, %dma_wait3A_57] : memref<655360x128xf32, #tpu.memory_space<hbm>> -> memref<128x128xf32, #tpu.memory_space<hbm>>
    %dma_wait3A_59 = arith.constant 0 : i32
    %dma_wait3A_60 = arith.constant 0 : i32
    %dma_wait3A_61 = tpu.memref_slice %arg6[%rem3A_46, %dma_wait3A_59, %dma_wait3A_60] : memref<5x128x128xf32, #tpu.memory_space<vmem>> -> memref<1x128x128xf32, #tpu.memory_space<vmem>>
    %dma_wait3A_62 = tpu.memref_squeeze %dma_wait3A_61 : memref<1x128x128xf32, #tpu.memory_space<vmem>> -> memref<128x128xf32, #tpu.memory_space<vmem>>
    tpu.wait_dma2 semaphore(%dma_wait3A_56 : memref<!tpu.dma_semaphore, #tpu.memory_space<semaphore_mem>>) src(%dma_wait3A_62 : memref<128x128xf32, #tpu.memory_space<vmem>>) dst(%dma_wait3A_58 : memref<128x128xf32, #tpu.memory_space<hbm>>)
    %rem3A_63 = arith.constant 158 : i32
    %rem3A_64 = arith.constant 5 : i32
    %rem3A_65 = arith.remsi %rem3A_63, %rem3A_64 : i32
    %add3A_66 = arith.constant 20224 : i32
    %add3A_67 = arith.addi %mul3A_2, %add3A_66 : i32
    %dma_wait3A_68 = arith.constant 0 : i32
    %dma_wait3A_69 = arith.constant 0 : i32
    %dma_wait3A_70 = tpu.memref_slice %arg6[%rem3A_65, %dma_wait3A_68, %dma_wait3A_69] : memref<5x128x128xf32, #tpu.memory_space<vmem>> -> memref<1x128x128xf32, #tpu.memory_space<vmem>>
    %dma_wait3A_71 = tpu.memref_squeeze %dma_wait3A_70 : memref<1x128x128xf32, #tpu.memory_space<vmem>> -> memref<128x128xf32, #tpu.memory_space<vmem>>
    %dma_wait3A_72 = arith.constant 0 : i32
    %dma_wait3A_73 = tpu.memref_slice %arg4[%add3A_67, %dma_wait3A_72] : memref<655360x128xf32, #tpu.memory_space<hbm>> -> memref<128x128xf32, #tpu.memory_space<hbm>>
    %dma_wait3A_74 = tpu.memref_slice %arg8[%rem3A_65] : memref<5x!tpu.dma_semaphore, #tpu.memory_space<semaphore_mem>> -> memref<1x!tpu.dma_semaphore, #tpu.memory_space<semaphore_mem>>
    %dma_wait3A_75 = tpu.memref_squeeze %dma_wait3A_74 : memref<1x!tpu.dma_semaphore, #tpu.memory_space<semaphore_mem>> -> memref<!tpu.dma_semaphore, #tpu.memory_space<semaphore_mem>>
    %dma_wait3A_76 = arith.constant 0 : i32
    %dma_wait3A_77 = tpu.memref_slice %arg4[%add3A_67, %dma_wait3A_76] : memref<655360x128xf32, #tpu.memory_space<hbm>> -> memref<128x128xf32, #tpu.memory_space<hbm>>
    %dma_wait3A_78 = arith.constant 0 : i32
    %dma_wait3A_79 = arith.constant 0 : i32
    %dma_wait3A_80 = tpu.memref_slice %arg6[%rem3A_65, %dma_wait3A_78, %dma_wait3A_79] : memref<5x128x128xf32, #tpu.memory_space<vmem>> -> memref<1x128x128xf32, #tpu.memory_space<vmem>>
    %dma_wait3A_81 = tpu.memref_squeeze %dma_wait3A_80 : memref<1x128x128xf32, #tpu.memory_space<vmem>> -> memref<128x128xf32, #tpu.memory_space<vmem>>
    tpu.wait_dma2 semaphore(%dma_wait3A_75 : memref<!tpu.dma_semaphore, #tpu.memory_space<semaphore_mem>>) src(%dma_wait3A_81 : memref<128x128xf32, #tpu.memory_space<vmem>>) dst(%dma_wait3A_77 : memref<128x128xf32, #tpu.memory_space<hbm>>)
    %rem3A_82 = arith.constant 159 : i32
    %rem3A_83 = arith.constant 5 : i32
    %rem3A_84 = arith.remsi %rem3A_82, %rem3A_83 : i32
    %add3A_85 = arith.constant 20352 : i32
    %add3A_86 = arith.addi %mul3A_2, %add3A_85 : i32
    %dma_wait3A_87 = arith.constant 0 : i32
    %dma_wait3A_88 = arith.constant 0 : i32
    %dma_wait3A_89 = tpu.memref_slice %arg6[%rem3A_84, %dma_wait3A_87, %dma_wait3A_88] : memref<5x128x128xf32, #tpu.memory_space<vmem>> -> memref<1x128x128xf32, #tpu.memory_space<vmem>>
    %dma_wait3A_90 = tpu.memref_squeeze %dma_wait3A_89 : memref<1x128x128xf32, #tpu.memory_space<vmem>> -> memref<128x128xf32, #tpu.memory_space<vmem>>
    %dma_wait3A_91 = arith.constant 0 : i32
    %dma_wait3A_92 = tpu.memref_slice %arg4[%add3A_86, %dma_wait3A_91] : memref<655360x128xf32, #tpu.memory_space<hbm>> -> memref<128x128xf32, #tpu.memory_space<hbm>>
    %dma_wait3A_93 = tpu.memref_slice %arg8[%rem3A_84] : memref<5x!tpu.dma_semaphore, #tpu.memory_space<semaphore_mem>> -> memref<1x!tpu.dma_semaphore, #tpu.memory_space<semaphore_mem>>
    %dma_wait3A_94 = tpu.memref_squeeze %dma_wait3A_93 : memref<1x!tpu.dma_semaphore, #tpu.memory_space<semaphore_mem>> -> memref<!tpu.dma_semaphore, #tpu.memory_space<semaphore_mem>>
    %dma_wait3A_95 = arith.constant 0 : i32
    %dma_wait3A_96 = tpu.memref_slice %arg4[%add3A_86, %dma_wait3A_95] : memref<655360x128xf32, #tpu.memory_space<hbm>> -> memref<128x128xf32, #tpu.memory_space<hbm>>
    %dma_wait3A_97 = arith.constant 0 : i32
    %dma_wait3A_98 = arith.constant 0 : i32
    %dma_wait3A_99 = tpu.memref_slice %arg6[%rem3A_84, %dma_wait3A_97, %dma_wait3A_98] : memref<5x128x128xf32, #tpu.memory_space<vmem>> -> memref<1x128x128xf32, #tpu.memory_space<vmem>>
    %dma_wait3A_100 = tpu.memref_squeeze %dma_wait3A_99 : memref<1x128x128xf32, #tpu.memory_space<vmem>> -> memref<128x128xf32, #tpu.memory_space<vmem>>
    tpu.wait_dma2 semaphore(%dma_wait3A_94 : memref<!tpu.dma_semaphore, #tpu.memory_space<semaphore_mem>>) src(%dma_wait3A_100 : memref<128x128xf32, #tpu.memory_space<vmem>>) dst(%dma_wait3A_96 : memref<128x128xf32, #tpu.memory_space<hbm>>)
    return
  }
}

#map = affine_map<(d0, d1) -> (0, 0)>
#map1 = affine_map<(d0, d1) -> (0, 0, 0, 0)>
#map2 = affine_map<(d0, d1) -> (0, 0, 0)>
module attributes {stable_mosaic.version = 14 : i64} {
  func.func @body(%arg0: i32, %arg1: i32, %arg2: memref<655360x128xf32, #tpu.memory_space<hbm>>, %arg3: memref<2x16x160x128xi32, #tpu.memory_space<hbm>>, %arg4: memref<2x10240x128xf32, #tpu.memory_space<hbm>>, %arg5: memref<2x128xi32, #tpu.memory_space<vmem>>, %arg6: memref<2x128x128xf32, #tpu.memory_space<vmem>>, %arg7: memref<32x128xf32, #tpu.memory_space<vmem>>, %arg8: memref<10240x128xf32, #tpu.memory_space<vmem_shared>>, %arg9: memref<2x!tpu.dma_semaphore, #tpu.memory_space<semaphore_mem>>, %arg10: memref<2x!tpu.dma_semaphore, #tpu.memory_space<semaphore_mem>>, %arg11: memref<2x!tpu.dma_semaphore, #tpu.memory_space<semaphore_mem>>) attributes {dimension_semantics = [#tpu.dimension_semantics<core_parallel>, #tpu.dimension_semantics<subcore_parallel>], iteration_bounds = array<i64: 2, 16>, scalar_prefetch = 0 : i64, scratch_operands = 7 : i64, tpu.core_type = #tpu.core_type<sc_vector_subcore>, window_params = [{transform_indices = #map}, {transform_indices = #map1}, {transform_indices = #map2}]} {
    %scan3A = arith.constant 0 : i32
    %scan3A_0 = arith.constant 0 : i32
    %scan3A_1 = arith.constant 256 : i32
    %scan3A_2 = arith.addi %scan3A_0, %scan3A_1 : i32
    %scan3A_3 = arith.constant 1 : i32
    scf.for %scan3A_61 = %scan3A_0 to %scan3A_2 step %scan3A_3  : i32 {
      %broadcast_in_dim3A = arith.constant 0.000000e+00 : f32
      %broadcast_in_dim3A_62 = vector.broadcast %broadcast_in_dim3A : f32 to vector<16xf32>
      %jit3A = arith.constant 8 : i32
      %div3A = arith.divsi %scan3A_61, %jit3A : i32
      %sign3A = arith.constant 0 : i32
      %sign3A_63 = arith.cmpi sgt, %scan3A_61, %sign3A : i32
      %sign3A_64 = arith.extui %sign3A_63 : i1 to i32
      %sign3A_65 = arith.constant 0 : i32
      %sign3A_66 = arith.cmpi slt, %scan3A_61, %sign3A_65 : i32
      %sign3A_67 = arith.extui %sign3A_66 : i1 to i32
      %sign3A_68 = arith.subi %sign3A_64, %sign3A_67 : i32
      %sign3A_69 = arith.constant 0 : i32
      %sign3A_70 = arith.cmpi sgt, %jit3A, %sign3A_69 : i32
      %sign3A_71 = arith.extui %sign3A_70 : i1 to i32
      %sign3A_72 = arith.constant 0 : i32
      %sign3A_73 = arith.cmpi slt, %jit3A, %sign3A_72 : i32
      %sign3A_74 = arith.extui %sign3A_73 : i1 to i32
      %sign3A_75 = arith.subi %sign3A_71, %sign3A_74 : i32
      %ne3A = arith.cmpi ne, %sign3A_68, %sign3A_75 : i32
      %rem3A_76 = arith.remsi %scan3A_61, %jit3A : i32
      %ne3A_77 = arith.constant 0 : i32
      %ne3A_78 = arith.cmpi ne, %rem3A_76, %ne3A_77 : i32
      %and3A = arith.andi %ne3A, %ne3A_78 : i1
      %sub3A = arith.constant 1 : i32
      %sub3A_79 = arith.subi %div3A, %sub3A : i32
      %select_n3A = arith.select %and3A, %sub3A_79, %div3A : i32
      %jit3A_80 = arith.constant 8 : i32
      %eq3A = arith.constant 0 : i32
      %eq3A_81 = arith.cmpi eq, %jit3A_80, %eq3A : i32
      %jit3A_82 = arith.constant 1 : i32
      %select_n3A_83 = arith.select %eq3A_81, %jit3A_82, %jit3A_80 : i32
      %rem3A_84 = arith.remsi %scan3A_61, %select_n3A_83 : i32
      %ne3A_85 = arith.constant 0 : i32
      %ne3A_86 = arith.cmpi ne, %rem3A_84, %ne3A_85 : i32
      %lt3A = arith.constant 0 : i32
      %lt3A_87 = arith.cmpi slt, %rem3A_84, %lt3A : i32
      %lt3A_88 = arith.constant 0 : i32
      %lt3A_89 = arith.cmpi slt, %select_n3A_83, %lt3A_88 : i32
      %ne3A_90 = arith.xori %lt3A_87, %lt3A_89 : i1
      %and3A_91 = arith.andi %ne3A_90, %ne3A_86 : i1
      %add3A_92 = arith.addi %rem3A_84, %select_n3A_83 : i32
      %select_n3A_93 = arith.select %and3A_91, %add3A_92, %rem3A_84 : i32
      %mul3A_94 = arith.constant 16 : i32
      %mul3A_95 = arith.muli %select_n3A_93, %mul3A_94 : i32
      %swap3A = arith.index_cast %select_n3A : i32 to index
      %swap3A_96 = arith.index_cast %mul3A_95 : i32 to index
      %swap3A_97 = tpu.vector_load %arg7[%swap3A, %swap3A_96] {strides = array<i32>} : memref<32x128xf32, #tpu.memory_space<vmem>>, vector<1x16xf32>,
      %swap3A_98 = vector.shape_cast %swap3A_97 : vector<1x16xf32> to vector<16xf32>
      %swap3A_99 = vector.shape_cast %broadcast_in_dim3A_62 : vector<16xf32> to vector<1x16xf32>
      tpu.vector_store %arg7[%swap3A, %swap3A_96], %swap3A_99 {strides = array<i32>} : memref<32x128xf32, #tpu.memory_space<vmem>>, vector<1x16xf32>,
    }
    %scan3A_4 = arith.constant 256 : i32
    %scan3A_5 = arith.constant 0 : i32
    %scan3A_6 = arith.constant 0 : i32
    %scan3A_7 = arith.constant 20 : i32
    %scan3A_8 = arith.addi %scan3A_6, %scan3A_7 : i32
    %scan3A_9 = arith.constant 1 : i32
    scf.for %scan3A_61 = %scan3A_6 to %scan3A_8 step %scan3A_9  : i32 {
      %mul3A_62 = arith.constant 640 : i32
      %mul3A_63 = arith.muli %arg1, %mul3A_62 : i32
      %mul3A_64 = arith.constant 32 : i32
      %mul3A_65 = arith.muli %scan3A_61, %mul3A_64 : i32
      %add3A_66 = arith.addi %mul3A_63, %mul3A_65 : i32
      "tpu.region"() ({
        %run_scoped3A = tpu.sem_alloc : memref<!tpu.dma_semaphore, #tpu.memory_space<semaphore_mem>>
        %dma_start3A = arith.constant 0 : i32
        %dma_start3A_67 = tpu.memref_slice %arg8[%add3A_66, %dma_start3A] : memref<10240x128xf32, #tpu.memory_space<vmem_shared>> -> memref<32x128xf32, #tpu.memory_space<vmem_shared>>
        %dma_start3A_68 = arith.constant 0 : i32
        %dma_start3A_69 = tpu.memref_slice %arg8[%add3A_66, %dma_start3A_68] : memref<10240x128xf32, #tpu.memory_space<vmem_shared>> -> memref<32x128xf32, #tpu.memory_space<vmem_shared>>
        tpu.enqueue_dma source(%arg7 : memref<32x128xf32, #tpu.memory_space<vmem>>) target(%dma_start3A_69 : memref<32x128xf32, #tpu.memory_space<vmem_shared>>) target_semaphore(%run_scoped3A : memref<!tpu.dma_semaphore, #tpu.memory_space<semaphore_mem>>)
        %dma_wait3A_70 = arith.constant 0 : i32
        %dma_wait3A_71 = tpu.memref_slice %arg8[%add3A_66, %dma_wait3A_70] : memref<10240x128xf32, #tpu.memory_space<vmem_shared>> -> memref<32x128xf32, #tpu.memory_space<vmem_shared>>
        %dma_wait3A_72 = arith.constant 0 : i32
        %dma_wait3A_73 = tpu.memref_slice %arg8[%add3A_66, %dma_wait3A_72] : memref<10240x128xf32, #tpu.memory_space<vmem_shared>> -> memref<32x128xf32, #tpu.memory_space<vmem_shared>>
        tpu.wait_dma2 semaphore(%run_scoped3A : memref<!tpu.dma_semaphore, #tpu.memory_space<semaphore_mem>>) src(%arg7 : memref<32x128xf32, #tpu.memory_space<vmem>>) dst(%dma_wait3A_73 : memref<32x128xf32, #tpu.memory_space<vmem_shared>>)
        tpu.yield
      }) : () -> ()
    }
    %scan3A_10 = arith.constant 20 : i32
    %barrier3A = arith.constant 0 : index
    tpu.barrier barrier_id(%barrier3A)
    %mul3A = arith.constant 327680 : i32
    %mul3A_11 = arith.muli %arg0, %mul3A : i32
    %mul3A_12 = arith.constant 20480 : i32
    %mul3A_13 = arith.muli %arg1, %mul3A_12 : i32
    %add3A = arith.addi %mul3A_11, %mul3A_13 : i32
    %scan3A_14 = arith.constant 0 : i32
    %scan3A_15 = arith.constant 0 : i32
    %scan3A_16 = arith.constant 161 : i32
    %scan3A_17 = arith.addi %scan3A_15, %scan3A_16 : i32
    %scan3A_18 = arith.constant 1 : i32
    scf.for %scan3A_61 = %scan3A_15 to %scan3A_17 step %scan3A_18  : i32 {
      %lt3A = arith.constant 160 : i32
      %lt3A_62 = arith.cmpi slt, %scan3A_61, %lt3A : i32
      %convert_element_type3A = arith.extui %lt3A_62 : i1 to i32
      %cond3A = arith.constant 0 : i32
      %cond3A_63 = arith.cmpi ne, %convert_element_type3A, %cond3A : i32
      scf.if %cond3A_63 {
        %ge3A_68 = arith.constant 2 : i32
        %ge3A_69 = arith.cmpi sge, %scan3A_61, %ge3A_68 : i32
        %convert_element_type3A_70 = arith.extui %ge3A_69 : i1 to i32
        %cond3A_71 = arith.constant 0 : i32
        %cond3A_72 = arith.cmpi ne, %convert_element_type3A_70, %cond3A_71 : i32
        scf.if %cond3A_72 {
          %sub3A = arith.constant 2 : i32
          %sub3A_107 = arith.subi %scan3A_61, %sub3A : i32
          %rem3A_108 = arith.constant 2 : i32
          %rem3A_109 = arith.remsi %sub3A_107, %rem3A_108 : i32
          %dma_wait3A_110 = arith.constant 0 : i32
          %dma_wait3A_111 = arith.constant 0 : i32
          %dma_wait3A_112 = tpu.memref_slice %arg6[%rem3A_109, %dma_wait3A_110, %dma_wait3A_111] : memref<2x128x128xf32, #tpu.memory_space<vmem>> -> memref<1x128x128xf32, #tpu.memory_space<vmem>>
          %dma_wait3A_113 = tpu.memref_squeeze %dma_wait3A_112 : memref<1x128x128xf32, #tpu.memory_space<vmem>> -> memref<128x128xf32, #tpu.memory_space<vmem>>
          %dma_wait3A_114 = arith.constant 0 : i32
          %dma_wait3A_115 = arith.constant 0 : i32
          %dma_wait3A_116 = tpu.memref_slice %arg8[%dma_wait3A_114, %dma_wait3A_115] : memref<10240x128xf32, #tpu.memory_space<vmem_shared>> -> memref<128x128xf32, #tpu.memory_space<vmem_shared>>
          %dma_wait3A_117 = tpu.memref_slice %arg11[%rem3A_109] : memref<2x!tpu.dma_semaphore, #tpu.memory_space<semaphore_mem>> -> memref<1x!tpu.dma_semaphore, #tpu.memory_space<semaphore_mem>>
          %dma_wait3A_118 = tpu.memref_squeeze %dma_wait3A_117 : memref<1x!tpu.dma_semaphore, #tpu.memory_space<semaphore_mem>> -> memref<!tpu.dma_semaphore, #tpu.memory_space<semaphore_mem>>
          %dma_wait3A_119 = arith.constant 0 : i32
          %dma_wait3A_120 = arith.constant 0 : i32
          %dma_wait3A_121 = tpu.memref_slice %arg8[%dma_wait3A_119, %dma_wait3A_120] : memref<10240x128xf32, #tpu.memory_space<vmem_shared>> -> memref<128x128xf32, #tpu.memory_space<vmem_shared>>
          %dma_wait3A_122 = arith.constant 0 : i32
          %dma_wait3A_123 = arith.constant 0 : i32
          %dma_wait3A_124 = tpu.memref_slice %arg6[%rem3A_109, %dma_wait3A_122, %dma_wait3A_123] : memref<2x128x128xf32, #tpu.memory_space<vmem>> -> memref<1x128x128xf32, #tpu.memory_space<vmem>>
          %dma_wait3A_125 = tpu.memref_squeeze %dma_wait3A_124 : memref<1x128x128xf32, #tpu.memory_space<vmem>> -> memref<128x128xf32, #tpu.memory_space<vmem>>
          tpu.wait_dma2 semaphore(%dma_wait3A_118 : memref<!tpu.dma_semaphore, #tpu.memory_space<semaphore_mem>>) src(%dma_wait3A_125 : memref<128x128xf32, #tpu.memory_space<vmem>>) dst(%dma_wait3A_121 : memref<128x128xf32, #tpu.memory_space<vmem_shared>>)
        } else {
        }
        %rem3A_73 = arith.constant 2 : i32
        %rem3A_74 = arith.remsi %scan3A_61, %rem3A_73 : i32
        %dma_start3A = arith.constant 0 : i32
        %dma_start3A_75 = tpu.memref_slice %arg5[%rem3A_74, %dma_start3A] : memref<2x128xi32, #tpu.memory_space<vmem>> -> memref<1x128xi32, #tpu.memory_space<vmem>>
        %dma_start3A_76 = tpu.memref_squeeze %dma_start3A_75 : memref<1x128xi32, #tpu.memory_space<vmem>> -> memref<128xi32, #tpu.memory_space<vmem>>
        %dma_start3A_77 = arith.constant 0 : i32
        %dma_start3A_78 = tpu.memref_slice %arg3[%arg0, %arg1, %scan3A_61, %dma_start3A_77] : memref<2x16x160x128xi32, #tpu.memory_space<hbm>> -> memref<1x1x1x128xi32, #tpu.memory_space<hbm>>
        %dma_start3A_79 = tpu.memref_squeeze %dma_start3A_78 : memref<1x1x1x128xi32, #tpu.memory_space<hbm>> -> memref<128xi32, #tpu.memory_space<hbm>>
        %dma_start3A_80 = tpu.memref_slice %arg9[%rem3A_74] : memref<2x!tpu.dma_semaphore, #tpu.memory_space<semaphore_mem>> -> memref<1x!tpu.dma_semaphore, #tpu.memory_space<semaphore_mem>>
        %dma_start3A_81 = tpu.memref_squeeze %dma_start3A_80 : memref<1x!tpu.dma_semaphore, #tpu.memory_space<semaphore_mem>> -> memref<!tpu.dma_semaphore, #tpu.memory_space<semaphore_mem>>
        %dma_start3A_82 = arith.constant 0 : i32
        %dma_start3A_83 = tpu.memref_slice %arg5[%rem3A_74, %dma_start3A_82] : memref<2x128xi32, #tpu.memory_space<vmem>> -> memref<1x128xi32, #tpu.memory_space<vmem>>
        %dma_start3A_84 = tpu.memref_squeeze %dma_start3A_83 : memref<1x128xi32, #tpu.memory_space<vmem>> -> memref<128xi32, #tpu.memory_space<vmem>>
        %dma_start3A_85 = arith.constant 0 : i32
        %dma_start3A_86 = tpu.memref_slice %arg3[%arg0, %arg1, %scan3A_61, %dma_start3A_85] : memref<2x16x160x128xi32, #tpu.memory_space<hbm>> -> memref<1x1x1x128xi32, #tpu.memory_space<hbm>>
        %dma_start3A_87 = tpu.memref_squeeze %dma_start3A_86 : memref<1x1x1x128xi32, #tpu.memory_space<hbm>> -> memref<128xi32, #tpu.memory_space<hbm>>
        tpu.enqueue_dma source(%dma_start3A_87 : memref<128xi32, #tpu.memory_space<hbm>>) target(%dma_start3A_84 : memref<128xi32, #tpu.memory_space<vmem>>) target_semaphore(%dma_start3A_81 : memref<!tpu.dma_semaphore, #tpu.memory_space<semaphore_mem>>)
        %rem3A_88 = arith.constant 2 : i32
        %rem3A_89 = arith.remsi %scan3A_61, %rem3A_88 : i32
        %mul3A_90 = arith.constant 128 : i32
        %mul3A_91 = arith.muli %scan3A_61, %mul3A_90 : i32
        %add3A_92 = arith.addi %add3A, %mul3A_91 : i32
        %dma_start3A_93 = arith.constant 0 : i32
        %dma_start3A_94 = arith.constant 0 : i32
        %dma_start3A_95 = tpu.memref_slice %arg6[%rem3A_89, %dma_start3A_93, %dma_start3A_94] : memref<2x128x128xf32, #tpu.memory_space<vmem>> -> memref<1x128x128xf32, #tpu.memory_space<vmem>>
        %dma_start3A_96 = tpu.memref_squeeze %dma_start3A_95 : memref<1x128x128xf32, #tpu.memory_space<vmem>> -> memref<128x128xf32, #tpu.memory_space<vmem>>
        %dma_start3A_97 = arith.constant 0 : i32
        %dma_start3A_98 = tpu.memref_slice %arg2[%add3A_92, %dma_start3A_97] : memref<655360x128xf32, #tpu.memory_space<hbm>> -> memref<128x128xf32, #tpu.memory_space<hbm>>
        %dma_start3A_99 = tpu.memref_slice %arg10[%rem3A_89] : memref<2x!tpu.dma_semaphore, #tpu.memory_space<semaphore_mem>> -> memref<1x!tpu.dma_semaphore, #tpu.memory_space<semaphore_mem>>
        %dma_start3A_100 = tpu.memref_squeeze %dma_start3A_99 : memref<1x!tpu.dma_semaphore, #tpu.memory_space<semaphore_mem>> -> memref<!tpu.dma_semaphore, #tpu.memory_space<semaphore_mem>>
        %dma_start3A_101 = arith.constant 0 : i32
        %dma_start3A_102 = arith.constant 0 : i32
        %dma_start3A_103 = tpu.memref_slice %arg6[%rem3A_89, %dma_start3A_101, %dma_start3A_102] : memref<2x128x128xf32, #tpu.memory_space<vmem>> -> memref<1x128x128xf32, #tpu.memory_space<vmem>>
        %dma_start3A_104 = tpu.memref_squeeze %dma_start3A_103 : memref<1x128x128xf32, #tpu.memory_space<vmem>> -> memref<128x128xf32, #tpu.memory_space<vmem>>
        %dma_start3A_105 = arith.constant 0 : i32
        %dma_start3A_106 = tpu.memref_slice %arg2[%add3A_92, %dma_start3A_105] : memref<655360x128xf32, #tpu.memory_space<hbm>> -> memref<128x128xf32, #tpu.memory_space<hbm>>
        tpu.enqueue_dma source(%dma_start3A_106 : memref<128x128xf32, #tpu.memory_space<hbm>>) target(%dma_start3A_104 : memref<128x128xf32, #tpu.memory_space<vmem>>) target_semaphore(%dma_start3A_100 : memref<!tpu.dma_semaphore, #tpu.memory_space<semaphore_mem>>)
      } else {
      }
      %ge3A = arith.constant 1 : i32
      %ge3A_64 = arith.cmpi sge, %scan3A_61, %ge3A : i32
      %convert_element_type3A_65 = arith.extui %ge3A_64 : i1 to i32
      %cond3A_66 = arith.constant 0 : i32
      %cond3A_67 = arith.cmpi ne, %convert_element_type3A_65, %cond3A_66 : i32
      scf.if %cond3A_67 {
        %sub3A = arith.constant 1 : i32
        %sub3A_68 = arith.subi %scan3A_61, %sub3A : i32
        %rem3A_69 = arith.constant 2 : i32
        %rem3A_70 = arith.remsi %sub3A_68, %rem3A_69 : i32
        %dma_wait3A_71 = arith.constant 0 : i32
        %dma_wait3A_72 = tpu.memref_slice %arg5[%rem3A_70, %dma_wait3A_71] : memref<2x128xi32, #tpu.memory_space<vmem>> -> memref<1x128xi32, #tpu.memory_space<vmem>>
        %dma_wait3A_73 = tpu.memref_squeeze %dma_wait3A_72 : memref<1x128xi32, #tpu.memory_space<vmem>> -> memref<128xi32, #tpu.memory_space<vmem>>
        %dma_wait3A_74 = arith.constant 0 : i32
        %dma_wait3A_75 = tpu.memref_slice %arg3[%arg0, %arg1, %sub3A_68, %dma_wait3A_74] : memref<2x16x160x128xi32, #tpu.memory_space<hbm>> -> memref<1x1x1x128xi32, #tpu.memory_space<hbm>>
        %dma_wait3A_76 = tpu.memref_squeeze %dma_wait3A_75 : memref<1x1x1x128xi32, #tpu.memory_space<hbm>> -> memref<128xi32, #tpu.memory_space<hbm>>
        %dma_wait3A_77 = tpu.memref_slice %arg9[%rem3A_70] : memref<2x!tpu.dma_semaphore, #tpu.memory_space<semaphore_mem>> -> memref<1x!tpu.dma_semaphore, #tpu.memory_space<semaphore_mem>>
        %dma_wait3A_78 = tpu.memref_squeeze %dma_wait3A_77 : memref<1x!tpu.dma_semaphore, #tpu.memory_space<semaphore_mem>> -> memref<!tpu.dma_semaphore, #tpu.memory_space<semaphore_mem>>
        %dma_wait3A_79 = arith.constant 0 : i32
        %dma_wait3A_80 = tpu.memref_slice %arg5[%rem3A_70, %dma_wait3A_79] : memref<2x128xi32, #tpu.memory_space<vmem>> -> memref<1x128xi32, #tpu.memory_space<vmem>>
        %dma_wait3A_81 = tpu.memref_squeeze %dma_wait3A_80 : memref<1x128xi32, #tpu.memory_space<vmem>> -> memref<128xi32, #tpu.memory_space<vmem>>
        %dma_wait3A_82 = arith.constant 0 : i32
        %dma_wait3A_83 = tpu.memref_slice %arg3[%arg0, %arg1, %sub3A_68, %dma_wait3A_82] : memref<2x16x160x128xi32, #tpu.memory_space<hbm>> -> memref<1x1x1x128xi32, #tpu.memory_space<hbm>>
        %dma_wait3A_84 = tpu.memref_squeeze %dma_wait3A_83 : memref<1x1x1x128xi32, #tpu.memory_space<hbm>> -> memref<128xi32, #tpu.memory_space<hbm>>
        tpu.wait_dma2 semaphore(%dma_wait3A_78 : memref<!tpu.dma_semaphore, #tpu.memory_space<semaphore_mem>>) src(%dma_wait3A_84 : memref<128xi32, #tpu.memory_space<hbm>>) dst(%dma_wait3A_81 : memref<128xi32, #tpu.memory_space<vmem>>)
        %sub3A_85 = arith.constant 1 : i32
        %sub3A_86 = arith.subi %scan3A_61, %sub3A_85 : i32
        %rem3A_87 = arith.constant 2 : i32
        %rem3A_88 = arith.remsi %sub3A_86, %rem3A_87 : i32
        %mul3A_89 = arith.constant 128 : i32
        %mul3A_90 = arith.muli %sub3A_86, %mul3A_89 : i32
        %add3A_91 = arith.addi %add3A, %mul3A_90 : i32
        %dma_wait3A_92 = arith.constant 0 : i32
        %dma_wait3A_93 = arith.constant 0 : i32
        %dma_wait3A_94 = tpu.memref_slice %arg6[%rem3A_88, %dma_wait3A_92, %dma_wait3A_93] : memref<2x128x128xf32, #tpu.memory_space<vmem>> -> memref<1x128x128xf32, #tpu.memory_space<vmem>>
        %dma_wait3A_95 = tpu.memref_squeeze %dma_wait3A_94 : memref<1x128x128xf32, #tpu.memory_space<vmem>> -> memref<128x128xf32, #tpu.memory_space<vmem>>
        %dma_wait3A_96 = arith.constant 0 : i32
        %dma_wait3A_97 = tpu.memref_slice %arg2[%add3A_91, %dma_wait3A_96] : memref<655360x128xf32, #tpu.memory_space<hbm>> -> memref<128x128xf32, #tpu.memory_space<hbm>>
        %dma_wait3A_98 = tpu.memref_slice %arg10[%rem3A_88] : memref<2x!tpu.dma_semaphore, #tpu.memory_space<semaphore_mem>> -> memref<1x!tpu.dma_semaphore, #tpu.memory_space<semaphore_mem>>
        %dma_wait3A_99 = tpu.memref_squeeze %dma_wait3A_98 : memref<1x!tpu.dma_semaphore, #tpu.memory_space<semaphore_mem>> -> memref<!tpu.dma_semaphore, #tpu.memory_space<semaphore_mem>>
        %dma_wait3A_100 = arith.constant 0 : i32
        %dma_wait3A_101 = arith.constant 0 : i32
        %dma_wait3A_102 = tpu.memref_slice %arg6[%rem3A_88, %dma_wait3A_100, %dma_wait3A_101] : memref<2x128x128xf32, #tpu.memory_space<vmem>> -> memref<1x128x128xf32, #tpu.memory_space<vmem>>
        %dma_wait3A_103 = tpu.memref_squeeze %dma_wait3A_102 : memref<1x128x128xf32, #tpu.memory_space<vmem>> -> memref<128x128xf32, #tpu.memory_space<vmem>>
        %dma_wait3A_104 = arith.constant 0 : i32
        %dma_wait3A_105 = tpu.memref_slice %arg2[%add3A_91, %dma_wait3A_104] : memref<655360x128xf32, #tpu.memory_space<hbm>> -> memref<128x128xf32, #tpu.memory_space<hbm>>
        tpu.wait_dma2 semaphore(%dma_wait3A_99 : memref<!tpu.dma_semaphore, #tpu.memory_space<semaphore_mem>>) src(%dma_wait3A_105 : memref<128x128xf32, #tpu.memory_space<hbm>>) dst(%dma_wait3A_103 : memref<128x128xf32, #tpu.memory_space<vmem>>)
        %sub3A_106 = arith.constant 1 : i32
        %sub3A_107 = arith.subi %scan3A_61, %sub3A_106 : i32
        %rem3A_108 = arith.constant 2 : i32
        %rem3A_109 = arith.remsi %sub3A_107, %rem3A_108 : i32
        %dma_start3A = arith.constant 0 : i32
        %dma_start3A_110 = arith.constant 0 : i32
        %dma_start3A_111 = tpu.memref_slice %arg6[%rem3A_109, %dma_start3A, %dma_start3A_110] : memref<2x128x128xf32, #tpu.memory_space<vmem>> -> memref<1x128x128xf32, #tpu.memory_space<vmem>>
        %dma_start3A_112 = tpu.memref_squeeze %dma_start3A_111 : memref<1x128x128xf32, #tpu.memory_space<vmem>> -> memref<128x128xf32, #tpu.memory_space<vmem>>
        %dma_start3A_113 = arith.constant 0 : i32
        %dma_start3A_114 = tpu.memref_slice %arg5[%rem3A_109, %dma_start3A_113] : memref<2x128xi32, #tpu.memory_space<vmem>> -> memref<1x128xi32, #tpu.memory_space<vmem>>
        %dma_start3A_115 = tpu.memref_squeeze %dma_start3A_114 : memref<1x128xi32, #tpu.memory_space<vmem>> -> memref<128xi32, #tpu.memory_space<vmem>>
        %dma_start3A_116 = arith.constant 0 : i32
        %dma_start3A_117 = arith.constant 0 : i32
        %dma_start3A_118 = tpu.memref_slice %arg8[%dma_start3A_116, %dma_start3A_117] : memref<10240x128xf32, #tpu.memory_space<vmem_shared>> -> memref<10240x128xf32, #tpu.memory_space<vmem_shared>>
        %dma_start3A_119 = tpu.memref_slice %arg11[%rem3A_109] : memref<2x!tpu.dma_semaphore, #tpu.memory_space<semaphore_mem>> -> memref<1x!tpu.dma_semaphore, #tpu.memory_space<semaphore_mem>>
        %dma_start3A_120 = tpu.memref_squeeze %dma_start3A_119 : memref<1x!tpu.dma_semaphore, #tpu.memory_space<semaphore_mem>> -> memref<!tpu.dma_semaphore, #tpu.memory_space<semaphore_mem>>
        tpu.enqueue_indirect_dma source(%dma_start3A_112 : memref<128x128xf32, #tpu.memory_space<vmem>>) target(%dma_start3A_118 : memref<10240x128xf32, #tpu.memory_space<vmem_shared>>) offsets(%dma_start3A_115 : memref<128xi32, #tpu.memory_space<vmem>>) semaphore(%dma_start3A_120 : memref<!tpu.dma_semaphore, #tpu.memory_space<semaphore_mem>>) {add = true}
      } else {
      }
    }
    %scan3A_19 = arith.constant 161 : i32
    %rem3A = arith.constant 158 : i32
    %rem3A_20 = arith.constant 2 : i32
    %rem3A_21 = arith.remsi %rem3A, %rem3A_20 : i32
    %dma_wait3A = arith.constant 0 : i32
    %dma_wait3A_22 = arith.constant 0 : i32
    %dma_wait3A_23 = tpu.memref_slice %arg6[%rem3A_21, %dma_wait3A, %dma_wait3A_22] : memref<2x128x128xf32, #tpu.memory_space<vmem>> -> memref<1x128x128xf32, #tpu.memory_space<vmem>>
    %dma_wait3A_24 = tpu.memref_squeeze %dma_wait3A_23 : memref<1x128x128xf32, #tpu.memory_space<vmem>> -> memref<128x128xf32, #tpu.memory_space<vmem>>
    %dma_wait3A_25 = arith.constant 0 : i32
    %dma_wait3A_26 = arith.constant 0 : i32
    %dma_wait3A_27 = tpu.memref_slice %arg8[%dma_wait3A_25, %dma_wait3A_26] : memref<10240x128xf32, #tpu.memory_space<vmem_shared>> -> memref<128x128xf32, #tpu.memory_space<vmem_shared>>
    %dma_wait3A_28 = tpu.memref_slice %arg11[%rem3A_21] : memref<2x!tpu.dma_semaphore, #tpu.memory_space<semaphore_mem>> -> memref<1x!tpu.dma_semaphore, #tpu.memory_space<semaphore_mem>>
    %dma_wait3A_29 = tpu.memref_squeeze %dma_wait3A_28 : memref<1x!tpu.dma_semaphore, #tpu.memory_space<semaphore_mem>> -> memref<!tpu.dma_semaphore, #tpu.memory_space<semaphore_mem>>
    %dma_wait3A_30 = arith.constant 0 : i32
    %dma_wait3A_31 = arith.constant 0 : i32
    %dma_wait3A_32 = tpu.memref_slice %arg8[%dma_wait3A_30, %dma_wait3A_31] : memref<10240x128xf32, #tpu.memory_space<vmem_shared>> -> memref<128x128xf32, #tpu.memory_space<vmem_shared>>
    %dma_wait3A_33 = arith.constant 0 : i32
    %dma_wait3A_34 = arith.constant 0 : i32
    %dma_wait3A_35 = tpu.memref_slice %arg6[%rem3A_21, %dma_wait3A_33, %dma_wait3A_34] : memref<2x128x128xf32, #tpu.memory_space<vmem>> -> memref<1x128x128xf32, #tpu.memory_space<vmem>>
    %dma_wait3A_36 = tpu.memref_squeeze %dma_wait3A_35 : memref<1x128x128xf32, #tpu.memory_space<vmem>> -> memref<128x128xf32, #tpu.memory_space<vmem>>
    tpu.wait_dma2 semaphore(%dma_wait3A_29 : memref<!tpu.dma_semaphore, #tpu.memory_space<semaphore_mem>>) src(%dma_wait3A_36 : memref<128x128xf32, #tpu.memory_space<vmem>>) dst(%dma_wait3A_32 : memref<128x128xf32, #tpu.memory_space<vmem_shared>>)
    %rem3A_37 = arith.constant 159 : i32
    %rem3A_38 = arith.constant 2 : i32
    %rem3A_39 = arith.remsi %rem3A_37, %rem3A_38 : i32
    %dma_wait3A_40 = arith.constant 0 : i32
    %dma_wait3A_41 = arith.constant 0 : i32
    %dma_wait3A_42 = tpu.memref_slice %arg6[%rem3A_39, %dma_wait3A_40, %dma_wait3A_41] : memref<2x128x128xf32, #tpu.memory_space<vmem>> -> memref<1x128x128xf32, #tpu.memory_space<vmem>>
    %dma_wait3A_43 = tpu.memref_squeeze %dma_wait3A_42 : memref<1x128x128xf32, #tpu.memory_space<vmem>> -> memref<128x128xf32, #tpu.memory_space<vmem>>
    %dma_wait3A_44 = arith.constant 0 : i32
    %dma_wait3A_45 = arith.constant 0 : i32
    %dma_wait3A_46 = tpu.memref_slice %arg8[%dma_wait3A_44, %dma_wait3A_45] : memref<10240x128xf32, #tpu.memory_space<vmem_shared>> -> memref<128x128xf32, #tpu.memory_space<vmem_shared>>
    %dma_wait3A_47 = tpu.memref_slice %arg11[%rem3A_39] : memref<2x!tpu.dma_semaphore, #tpu.memory_space<semaphore_mem>> -> memref<1x!tpu.dma_semaphore, #tpu.memory_space<semaphore_mem>>
    %dma_wait3A_48 = tpu.memref_squeeze %dma_wait3A_47 : memref<1x!tpu.dma_semaphore, #tpu.memory_space<semaphore_mem>> -> memref<!tpu.dma_semaphore, #tpu.memory_space<semaphore_mem>>
    %dma_wait3A_49 = arith.constant 0 : i32
    %dma_wait3A_50 = arith.constant 0 : i32
    %dma_wait3A_51 = tpu.memref_slice %arg8[%dma_wait3A_49, %dma_wait3A_50] : memref<10240x128xf32, #tpu.memory_space<vmem_shared>> -> memref<128x128xf32, #tpu.memory_space<vmem_shared>>
    %dma_wait3A_52 = arith.constant 0 : i32
    %dma_wait3A_53 = arith.constant 0 : i32
    %dma_wait3A_54 = tpu.memref_slice %arg6[%rem3A_39, %dma_wait3A_52, %dma_wait3A_53] : memref<2x128x128xf32, #tpu.memory_space<vmem>> -> memref<1x128x128xf32, #tpu.memory_space<vmem>>
    %dma_wait3A_55 = tpu.memref_squeeze %dma_wait3A_54 : memref<1x128x128xf32, #tpu.memory_space<vmem>> -> memref<128x128xf32, #tpu.memory_space<vmem>>
    tpu.wait_dma2 semaphore(%dma_wait3A_48 : memref<!tpu.dma_semaphore, #tpu.memory_space<semaphore_mem>>) src(%dma_wait3A_55 : memref<128x128xf32, #tpu.memory_space<vmem>>) dst(%dma_wait3A_51 : memref<128x128xf32, #tpu.memory_space<vmem_shared>>)
    %barrier3A_56 = arith.constant 0 : index
    tpu.barrier barrier_id(%barrier3A_56)
    %mul3A_57 = arith.constant 640 : i32
    %mul3A_58 = arith.muli %arg1, %mul3A_57 : i32
    %mul3A_59 = arith.constant 640 : i32
    %mul3A_60 = arith.muli %arg1, %mul3A_59 : i32
    "tpu.region"() ({
      %run_scoped3A = tpu.sem_alloc : memref<!tpu.dma_semaphore, #tpu.memory_space<semaphore_mem>>
      %dma_start3A = arith.constant 0 : i32
      %dma_start3A_61 = tpu.memref_slice %arg4[%arg0, %mul3A_60, %dma_start3A] : memref<2x10240x128xf32, #tpu.memory_space<hbm>> -> memref<1x640x128xf32, #tpu.memory_space<hbm>>
      %dma_start3A_62 = tpu.memref_squeeze %dma_start3A_61 : memref<1x640x128xf32, #tpu.memory_space<hbm>> -> memref<640x128xf32, #tpu.memory_space<hbm>>
      %dma_start3A_63 = arith.constant 0 : i32
      %dma_start3A_64 = tpu.memref_slice %arg8[%mul3A_58, %dma_start3A_63] : memref<10240x128xf32, #tpu.memory_space<vmem_shared>> -> memref<640x128xf32, #tpu.memory_space<vmem_shared>>
      tpu.enqueue_dma source(%dma_start3A_64 : memref<640x128xf32, #tpu.memory_space<vmem_shared>>) target(%dma_start3A_62 : memref<640x128xf32, #tpu.memory_space<hbm>>) target_semaphore(%run_scoped3A : memref<!tpu.dma_semaphore, #tpu.memory_space<semaphore_mem>>)
      %dma_wait3A_65 = arith.constant 0 : i32
      %dma_wait3A_66 = tpu.memref_slice %arg4[%arg0, %mul3A_60, %dma_wait3A_65] : memref<2x10240x128xf32, #tpu.memory_space<hbm>> -> memref<1x640x128xf32, #tpu.memory_space<hbm>>
      %dma_wait3A_67 = tpu.memref_squeeze %dma_wait3A_66 : memref<1x640x128xf32, #tpu.memory_space<hbm>> -> memref<640x128xf32, #tpu.memory_space<hbm>>
      %dma_wait3A_68 = arith.constant 0 : i32
      %dma_wait3A_69 = tpu.memref_slice %arg8[%mul3A_58, %dma_wait3A_68] : memref<10240x128xf32, #tpu.memory_space<vmem_shared>> -> memref<640x128xf32, #tpu.memory_space<vmem_shared>>
      tpu.wait_dma2 semaphore(%run_scoped3A : memref<!tpu.dma_semaphore, #tpu.memory_space<semaphore_mem>>) src(%dma_wait3A_69 : memref<640x128xf32, #tpu.memory_space<vmem_shared>>) dst(%dma_wait3A_67 : memref<640x128xf32, #tpu.memory_space<hbm>>)
      tpu.yield
    }) : () -> ()
    return
  }
}

module attributes {stable_mosaic.version = 14 : i64} {
  func.func @body(%arg0: i32, %arg1: memref<2000x128xf32, #tpu.memory_space<vmem>>, %arg2: memref<128x128xf32, #tpu.memory_space<vmem>>, %arg3: memref<1x128xf32, #tpu.memory_space<vmem>>, %arg4: memref<2000x128xf32, #tpu.memory_space<vmem>>) attributes {dimension_semantics = [#tpu.dimension_semantics<arbitrary>], iteration_bounds = array<i64: 10>, scalar_prefetch = 0 : i64, scratch_operands = 0 : i64, tpu.core_type = #tpu.core_type<tc>, window_params = [{transform_indices = @transform_0, window_bounds = array<i64: 2000, 128>}, {pipeline_mode = #tpu.pipeline_mode<synchronous>, transform_indices = @transform_1, window_bounds = array<i64: 128, 128>}, {pipeline_mode = #tpu.pipeline_mode<synchronous>, transform_indices = @transform_2, window_bounds = array<i64: 1, 128>}, {transform_indices = @transform_3, window_bounds = array<i64: 2000, 128>}]} {
    %get3A = arith.constant 0 : index
    %get3A_0 = arith.constant 0 : index
    %get3A_1 = vector.load %arg1[%get3A, %get3A_0] : memref<2000x128xf32, #tpu.memory_space<vmem>>, vector<2000x128xf32>
    %get3A_2 = arith.constant 0 : index
    %get3A_3 = arith.constant 0 : index
    %get3A_4 = vector.load %arg2[%get3A_2, %get3A_3] : memref<128x128xf32, #tpu.memory_space<vmem>>, vector<128x128xf32>
    %dot_general3A = arith.constant dense<0.000000e+00> : vector<2000x128xf32>
    %dot_general3A_5 = tpu.matmul %get3A_1, %get3A_4, %dot_general3A {dimension_numbers = #tpu.dot_dimension_numbers<[1], [0], [0], [1], [0, 0, 1, 1], [], []>, transpose_lhs_hint = false} : vector<2000x128xf32>, vector<128x128xf32>, vector<2000x128xf32> -> vector<2000x128xf32>
    %get3A_6 = arith.constant 0 : index
    %get3A_7 = arith.constant 0 : index
    %get3A_8 = vector.load %arg3[%get3A_6, %get3A_7] : memref<1x128xf32, #tpu.memory_space<vmem>>, vector<1x128xf32>
    %add3A = vector.broadcast %get3A_8 : vector<1x128xf32> to vector<2000x128xf32>
    %add3A_9 = arith.addf %dot_general3A_5, %add3A : vector<2000x128xf32>
    %max3A = arith.constant 0.000000e+00 : f32
    %max3A_10 = vector.broadcast %max3A : f32 to vector<2000x128xf32>
    %max3A_11 = arith.maximumf %add3A_9, %max3A_10 : vector<2000x128xf32>
    %swap3A = arith.constant 0 : index
    %swap3A_12 = arith.constant 0 : index
    %swap3A_13 = vector.load %arg4[%swap3A, %swap3A_12] : memref<2000x128xf32, #tpu.memory_space<vmem>>, vector<2000x128xf32>
    tpu.vector_store %arg4[%swap3A, %swap3A_12], %max3A_11 {strides = array<i32>} : memref<2000x128xf32, #tpu.memory_space<vmem>>, vector<2000x128xf32>,
    return
  }
  func.func @transform_0(%arg0: i32) -> (i32, i32) {
    %c0_i32 = arith.constant 0 : i32
    %c0_i32_0 = arith.constant 0 : i32
    return %arg0, %c0_i32 : i32, i32
  }
  func.func @transform_1(%arg0: i32) -> (i32, i32) {
    %c0_i32 = arith.constant 0 : i32
    %c0_i32_0 = arith.constant 0 : i32
    %c0_i32_1 = arith.constant 0 : i32
    return %c0_i32, %c0_i32_0 : i32, i32
  }
  func.func @transform_2(%arg0: i32) -> (i32, i32) {
    %c0_i32 = arith.constant 0 : i32
    %c0_i32_0 = arith.constant 0 : i32
    %c0_i32_1 = arith.constant 0 : i32
    return %c0_i32, %c0_i32_0 : i32, i32
  }
  func.func @transform_3(%arg0: i32) -> (i32, i32) {
    %c0_i32 = arith.constant 0 : i32
    %c0_i32_0 = arith.constant 0 : i32
    return %arg0, %c0_i32 : i32, i32
  }
}

module attributes {stable_mosaic.version = 14 : i64} {
  func.func @body(%arg0: i32, %arg1: memref<4096x128xf32, #tpu.memory_space<vmem>>, %arg2: memref<4096x16xf32, #tpu.memory_space<vmem>>, %arg3: memref<128x128xf32, #tpu.memory_space<vmem>>, %arg4: memref<16x128xf32, #tpu.memory_space<vmem>>, %arg5: memref<1x128xf32, #tpu.memory_space<vmem>>, %arg6: memref<128x128xf32, #tpu.memory_space<vmem>>, %arg7: memref<1x128xf32, #tpu.memory_space<vmem>>, %arg8: memref<4096x128xf32, #tpu.memory_space<vmem>>) attributes {dimension_semantics = [#tpu.dimension_semantics<arbitrary>], iteration_bounds = array<i64: 160>, scalar_prefetch = 0 : i64, scratch_operands = 0 : i64, tpu.core_type = #tpu.core_type<tc>, window_params = [{transform_indices = @transform_0, window_bounds = array<i64: 4096, 128>}, {transform_indices = @transform_1, window_bounds = array<i64: 4096, 16>}, {pipeline_mode = #tpu.pipeline_mode<synchronous>, transform_indices = @transform_2, window_bounds = array<i64: 128, 128>}, {pipeline_mode = #tpu.pipeline_mode<synchronous>, transform_indices = @transform_3, window_bounds = array<i64: 16, 128>}, {pipeline_mode = #tpu.pipeline_mode<synchronous>, transform_indices = @transform_4, window_bounds = array<i64: 1, 128>}, {pipeline_mode = #tpu.pipeline_mode<synchronous>, transform_indices = @transform_5, window_bounds = array<i64: 128, 128>}, {pipeline_mode = #tpu.pipeline_mode<synchronous>, transform_indices = @transform_6, window_bounds = array<i64: 1, 128>}, {transform_indices = @transform_7, window_bounds = array<i64: 4096, 128>}]} {
    %get3A = arith.constant 0 : index
    %get3A_0 = arith.constant 0 : index
    %get3A_1 = vector.load %arg1[%get3A, %get3A_0] : memref<4096x128xf32, #tpu.memory_space<vmem>>, vector<4096x128xf32>
    %get3A_2 = arith.constant 0 : index
    %get3A_3 = arith.constant 0 : index
    %get3A_4 = vector.load %arg3[%get3A_2, %get3A_3] : memref<128x128xf32, #tpu.memory_space<vmem>>, vector<128x128xf32>
    %dot_general3A = arith.constant dense<0.000000e+00> : vector<4096x128xf32>
    %dot_general3A_5 = tpu.matmul %get3A_1, %get3A_4, %dot_general3A {dimension_numbers = #tpu.dot_dimension_numbers<[1], [0], [0], [1], [0, 0, 1, 1], [], []>, transpose_lhs_hint = false} : vector<4096x128xf32>, vector<128x128xf32>, vector<4096x128xf32> -> vector<4096x128xf32>
    %get3A_6 = arith.constant 0 : index
    %get3A_7 = arith.constant 0 : index
    %get3A_8 = vector.load %arg2[%get3A_6, %get3A_7] : memref<4096x16xf32, #tpu.memory_space<vmem>>, vector<4096x16xf32>
    %get3A_9 = arith.constant 0 : index
    %get3A_10 = arith.constant 0 : index
    %get3A_11 = vector.load %arg4[%get3A_9, %get3A_10] : memref<16x128xf32, #tpu.memory_space<vmem>>, vector<16x128xf32>
    %dot_general3A_12 = arith.constant dense<0.000000e+00> : vector<4096x128xf32>
    %dot_general3A_13 = tpu.matmul %get3A_8, %get3A_11, %dot_general3A_12 {dimension_numbers = #tpu.dot_dimension_numbers<[1], [0], [0], [1], [0, 0, 1, 1], [], []>, transpose_lhs_hint = false} : vector<4096x16xf32>, vector<16x128xf32>, vector<4096x128xf32> -> vector<4096x128xf32>
    %add3A = arith.addf %dot_general3A_5, %dot_general3A_13 : vector<4096x128xf32>
    %get3A_14 = arith.constant 0 : index
    %get3A_15 = arith.constant 0 : index
    %get3A_16 = vector.load %arg5[%get3A_14, %get3A_15] : memref<1x128xf32, #tpu.memory_space<vmem>>, vector<1x128xf32>
    %add3A_17 = vector.broadcast %get3A_16 : vector<1x128xf32> to vector<4096x128xf32>
    %add3A_18 = arith.addf %add3A, %add3A_17 : vector<4096x128xf32>
    %max3A = arith.constant 0.000000e+00 : f32
    %max3A_19 = vector.broadcast %max3A : f32 to vector<4096x128xf32>
    %max3A_20 = arith.maximumf %add3A_18, %max3A_19 : vector<4096x128xf32>
    %get3A_21 = arith.constant 0 : index
    %get3A_22 = arith.constant 0 : index
    %get3A_23 = vector.load %arg6[%get3A_21, %get3A_22] : memref<128x128xf32, #tpu.memory_space<vmem>>, vector<128x128xf32>
    %dot_general3A_24 = arith.constant dense<0.000000e+00> : vector<4096x128xf32>
    %dot_general3A_25 = tpu.matmul %max3A_20, %get3A_23, %dot_general3A_24 {dimension_numbers = #tpu.dot_dimension_numbers<[1], [0], [0], [1], [0, 0, 1, 1], [], []>, transpose_lhs_hint = false} : vector<4096x128xf32>, vector<128x128xf32>, vector<4096x128xf32> -> vector<4096x128xf32>
    %get3A_26 = arith.constant 0 : index
    %get3A_27 = arith.constant 0 : index
    %get3A_28 = vector.load %arg7[%get3A_26, %get3A_27] : memref<1x128xf32, #tpu.memory_space<vmem>>, vector<1x128xf32>
    %add3A_29 = vector.broadcast %get3A_28 : vector<1x128xf32> to vector<4096x128xf32>
    %add3A_30 = arith.addf %dot_general3A_25, %add3A_29 : vector<4096x128xf32>
    %swap3A = arith.constant 0 : index
    %swap3A_31 = arith.constant 0 : index
    %swap3A_32 = vector.load %arg8[%swap3A, %swap3A_31] : memref<4096x128xf32, #tpu.memory_space<vmem>>, vector<4096x128xf32>
    tpu.vector_store %arg8[%swap3A, %swap3A_31], %add3A_30 {strides = array<i32>} : memref<4096x128xf32, #tpu.memory_space<vmem>>, vector<4096x128xf32>,
    return
  }
  func.func @transform_0(%arg0: i32) -> (i32, i32) {
    %c0_i32 = arith.constant 0 : i32
    %c0_i32_0 = arith.constant 0 : i32
    return %arg0, %c0_i32 : i32, i32
  }
  func.func @transform_1(%arg0: i32) -> (i32, i32) {
    %c0_i32 = arith.constant 0 : i32
    %c0_i32_0 = arith.constant 0 : i32
    return %arg0, %c0_i32 : i32, i32
  }
  func.func @transform_2(%arg0: i32) -> (i32, i32) {
    %c0_i32 = arith.constant 0 : i32
    %c0_i32_0 = arith.constant 0 : i32
    %c0_i32_1 = arith.constant 0 : i32
    return %c0_i32, %c0_i32_0 : i32, i32
  }
  func.func @transform_3(%arg0: i32) -> (i32, i32) {
    %c0_i32 = arith.constant 0 : i32
    %c0_i32_0 = arith.constant 0 : i32
    %c0_i32_1 = arith.constant 0 : i32
    return %c0_i32, %c0_i32_0 : i32, i32
  }
  func.func @transform_4(%arg0: i32) -> (i32, i32) {
    %c0_i32 = arith.constant 0 : i32
    %c0_i32_0 = arith.constant 0 : i32
    %c0_i32_1 = arith.constant 0 : i32
    return %c0_i32, %c0_i32_0 : i32, i32
  }
  func.func @transform_5(%arg0: i32) -> (i32, i32) {
    %c0_i32 = arith.constant 0 : i32
    %c0_i32_0 = arith.constant 0 : i32
    %c0_i32_1 = arith.constant 0 : i32
    return %c0_i32, %c0_i32_0 : i32, i32
  }
  func.func @transform_6(%arg0: i32) -> (i32, i32) {
    %c0_i32 = arith.constant 0 : i32
    %c0_i32_0 = arith.constant 0 : i32
    %c0_i32_1 = arith.constant 0 : i32
    return %c0_i32, %c0_i32_0 : i32, i32
  }
  func.func @transform_7(%arg0: i32) -> (i32, i32) {
    %c0_i32 = arith.constant 0 : i32
    %c0_i32_0 = arith.constant 0 : i32
    return %arg0, %c0_i32 : i32, i32
  }
}

module attributes {stable_mosaic.version = 14 : i64} {
  func.func @body(%arg0: i32, %arg1: memref<2000x128xf32, #tpu.memory_space<vmem>>, %arg2: memref<2000x128xf32, #tpu.memory_space<vmem>>, %arg3: memref<128x384xf32, #tpu.memory_space<vmem>>, %arg4: memref<128x384xf32, #tpu.memory_space<vmem>>, %arg5: memref<1x384xf32, #tpu.memory_space<vmem>>, %arg6: memref<1x384xf32, #tpu.memory_space<vmem>>, %arg7: memref<1x128xf32, #tpu.memory_space<vmem>>, %arg8: memref<1x128xf32, #tpu.memory_space<vmem>>, %arg9: memref<2000x128xf32, #tpu.memory_space<vmem>>) attributes {dimension_semantics = [#tpu.dimension_semantics<arbitrary>], iteration_bounds = array<i64: 10>, scalar_prefetch = 0 : i64, scratch_operands = 0 : i64, tpu.core_type = #tpu.core_type<tc>, window_params = [{transform_indices = @transform_0, window_bounds = array<i64: 2000, 128>}, {transform_indices = @transform_1, window_bounds = array<i64: 2000, 128>}, {pipeline_mode = #tpu.pipeline_mode<synchronous>, transform_indices = @transform_2, window_bounds = array<i64: 128, 384>}, {pipeline_mode = #tpu.pipeline_mode<synchronous>, transform_indices = @transform_3, window_bounds = array<i64: 128, 384>}, {pipeline_mode = #tpu.pipeline_mode<synchronous>, transform_indices = @transform_4, window_bounds = array<i64: 1, 384>}, {pipeline_mode = #tpu.pipeline_mode<synchronous>, transform_indices = @transform_5, window_bounds = array<i64: 1, 384>}, {pipeline_mode = #tpu.pipeline_mode<synchronous>, transform_indices = @transform_6, window_bounds = array<i64: 1, 128>}, {pipeline_mode = #tpu.pipeline_mode<synchronous>, transform_indices = @transform_7, window_bounds = array<i64: 1, 128>}, {transform_indices = @transform_8, window_bounds = array<i64: 2000, 128>}]} {
    %get3A = arith.constant 0 : index
    %get3A_0 = arith.constant 0 : index
    %get3A_1 = vector.load %arg2[%get3A, %get3A_0] : memref<2000x128xf32, #tpu.memory_space<vmem>>, vector<2000x128xf32>
    %get3A_2 = arith.constant 0 : index
    %get3A_3 = arith.constant 0 : index
    %get3A_4 = vector.load %arg1[%get3A_2, %get3A_3] : memref<2000x128xf32, #tpu.memory_space<vmem>>, vector<2000x128xf32>
    %get3A_5 = arith.constant 0 : index
    %get3A_6 = arith.constant 0 : index
    %get3A_7 = vector.load %arg3[%get3A_5, %get3A_6] : memref<128x384xf32, #tpu.memory_space<vmem>>, vector<128x384xf32>
    %dot_general3A = arith.constant dense<0.000000e+00> : vector<2000x384xf32>
    %dot_general3A_8 = tpu.matmul %get3A_4, %get3A_7, %dot_general3A {dimension_numbers = #tpu.dot_dimension_numbers<[1], [0], [0], [1], [0, 0, 1, 1], [], []>, transpose_lhs_hint = false} : vector<2000x128xf32>, vector<128x384xf32>, vector<2000x384xf32> -> vector<2000x384xf32>
    %get3A_9 = arith.constant 0 : index
    %get3A_10 = arith.constant 0 : index
    %get3A_11 = vector.load %arg5[%get3A_9, %get3A_10] : memref<1x384xf32, #tpu.memory_space<vmem>>, vector<1x384xf32>
    %add3A = vector.broadcast %get3A_11 : vector<1x384xf32> to vector<2000x384xf32>
    %add3A_12 = arith.addf %dot_general3A_8, %add3A : vector<2000x384xf32>
    %get3A_13 = arith.constant 0 : index
    %get3A_14 = arith.constant 0 : index
    %get3A_15 = vector.load %arg4[%get3A_13, %get3A_14] : memref<128x384xf32, #tpu.memory_space<vmem>>, vector<128x384xf32>
    %dot_general3A_16 = arith.constant dense<0.000000e+00> : vector<2000x384xf32>
    %dot_general3A_17 = tpu.matmul %get3A_1, %get3A_15, %dot_general3A_16 {dimension_numbers = #tpu.dot_dimension_numbers<[1], [0], [0], [1], [0, 0, 1, 1], [], []>, transpose_lhs_hint = false} : vector<2000x128xf32>, vector<128x384xf32>, vector<2000x384xf32> -> vector<2000x384xf32>
    %get3A_18 = arith.constant 0 : index
    %get3A_19 = arith.constant 0 : index
    %get3A_20 = vector.load %arg6[%get3A_18, %get3A_19] : memref<1x384xf32, #tpu.memory_space<vmem>>, vector<1x384xf32>
    %add3A_21 = vector.broadcast %get3A_20 : vector<1x384xf32> to vector<2000x384xf32>
    %add3A_22 = arith.addf %dot_general3A_17, %add3A_21 : vector<2000x384xf32>
    %slice3A = vector.extract_strided_slice %add3A_12 {offsets = [0, 0], sizes = [2000, 128], strides = [1, 1]} : vector<2000x384xf32> to vector<2000x128xf32>
    %slice3A_23 = vector.extract_strided_slice %add3A_22 {offsets = [0, 0], sizes = [2000, 128], strides = [1, 1]} : vector<2000x384xf32> to vector<2000x128xf32>
    %add3A_24 = arith.addf %slice3A, %slice3A_23 : vector<2000x128xf32>
    %logistic3A = arith.negf %add3A_24 : vector<2000x128xf32>
    %logistic3A_25 = math.exp %logistic3A : vector<2000x128xf32>
    %logistic3A_26 = arith.constant 1.000000e+00 : f32
    %logistic3A_27 = vector.broadcast %logistic3A_26 : f32 to vector<2000x128xf32>
    %logistic3A_28 = arith.addf %logistic3A_27, %logistic3A_25 : vector<2000x128xf32>
    %logistic3A_29 = arith.divf %logistic3A_27, %logistic3A_28 : vector<2000x128xf32>
    %slice3A_30 = vector.extract_strided_slice %add3A_12 {offsets = [0, 128], sizes = [2000, 128], strides = [1, 1]} : vector<2000x384xf32> to vector<2000x128xf32>
    %slice3A_31 = vector.extract_strided_slice %add3A_22 {offsets = [0, 128], sizes = [2000, 128], strides = [1, 1]} : vector<2000x384xf32> to vector<2000x128xf32>
    %add3A_32 = arith.addf %slice3A_30, %slice3A_31 : vector<2000x128xf32>
    %logistic3A_33 = arith.negf %add3A_32 : vector<2000x128xf32>
    %logistic3A_34 = math.exp %logistic3A_33 : vector<2000x128xf32>
    %logistic3A_35 = arith.constant 1.000000e+00 : f32
    %logistic3A_36 = vector.broadcast %logistic3A_35 : f32 to vector<2000x128xf32>
    %logistic3A_37 = arith.addf %logistic3A_36, %logistic3A_34 : vector<2000x128xf32>
    %logistic3A_38 = arith.divf %logistic3A_36, %logistic3A_37 : vector<2000x128xf32>
    %slice3A_39 = vector.extract_strided_slice %add3A_12 {offsets = [0, 256], sizes = [2000, 128], strides = [1, 1]} : vector<2000x384xf32> to vector<2000x128xf32>
    %slice3A_40 = vector.extract_strided_slice %add3A_22 {offsets = [0, 256], sizes = [2000, 128], strides = [1, 1]} : vector<2000x384xf32> to vector<2000x128xf32>
    %mul3A = arith.mulf %logistic3A_29, %slice3A_40 : vector<2000x128xf32>
    %add3A_41 = arith.addf %slice3A_39, %mul3A : vector<2000x128xf32>
    %tanh3A = math.tanh %add3A_41 : vector<2000x128xf32>
    %sub3A = arith.constant 1.000000e+00 : f32
    %sub3A_42 = vector.broadcast %sub3A : f32 to vector<2000x128xf32>
    %sub3A_43 = arith.subf %sub3A_42, %logistic3A_38 : vector<2000x128xf32>
    %mul3A_44 = arith.mulf %sub3A_43, %tanh3A : vector<2000x128xf32>
    %mul3A_45 = arith.mulf %logistic3A_38, %get3A_1 : vector<2000x128xf32>
    %add3A_46 = arith.addf %mul3A_44, %mul3A_45 : vector<2000x128xf32>
    %get3A_47 = arith.constant 0 : index
    %get3A_48 = arith.constant 0 : index
    %get3A_49 = vector.load %arg7[%get3A_47, %get3A_48] : memref<1x128xf32, #tpu.memory_space<vmem>>, vector<1x128xf32>
    %mul3A_50 = vector.broadcast %get3A_49 : vector<1x128xf32> to vector<2000x128xf32>
    %mul3A_51 = arith.mulf %add3A_46, %mul3A_50 : vector<2000x128xf32>
    %add3A_52 = arith.addf %get3A_1, %mul3A_51 : vector<2000x128xf32>
    %get3A_53 = arith.constant 0 : index
    %get3A_54 = arith.constant 0 : index
    %get3A_55 = vector.load %arg8[%get3A_53, %get3A_54] : memref<1x128xf32, #tpu.memory_space<vmem>>, vector<1x128xf32>
    %add3A_56 = vector.broadcast %get3A_55 : vector<1x128xf32> to vector<2000x128xf32>
    %add3A_57 = arith.addf %add3A_52, %add3A_56 : vector<2000x128xf32>
    %swap3A = arith.constant 0 : index
    %swap3A_58 = arith.constant 0 : index
    %swap3A_59 = vector.load %arg9[%swap3A, %swap3A_58] : memref<2000x128xf32, #tpu.memory_space<vmem>>, vector<2000x128xf32>
    tpu.vector_store %arg9[%swap3A, %swap3A_58], %add3A_57 {strides = array<i32>} : memref<2000x128xf32, #tpu.memory_space<vmem>>, vector<2000x128xf32>,
    return
  }
  func.func @transform_0(%arg0: i32) -> (i32, i32) {
    %c0_i32 = arith.constant 0 : i32
    %c0_i32_0 = arith.constant 0 : i32
    return %arg0, %c0_i32 : i32, i32
  }
  func.func @transform_1(%arg0: i32) -> (i32, i32) {
    %c0_i32 = arith.constant 0 : i32
    %c0_i32_0 = arith.constant 0 : i32
    return %arg0, %c0_i32 : i32, i32
  }
  func.func @transform_2(%arg0: i32) -> (i32, i32) {
    %c0_i32 = arith.constant 0 : i32
    %c0_i32_0 = arith.constant 0 : i32
    %c0_i32_1 = arith.constant 0 : i32
    return %c0_i32, %c0_i32_0 : i32, i32
  }
  func.func @transform_3(%arg0: i32) -> (i32, i32) {
    %c0_i32 = arith.constant 0 : i32
    %c0_i32_0 = arith.constant 0 : i32
    %c0_i32_1 = arith.constant 0 : i32
    return %c0_i32, %c0_i32_0 : i32, i32
  }
  func.func @transform_4(%arg0: i32) -> (i32, i32) {
    %c0_i32 = arith.constant 0 : i32
    %c0_i32_0 = arith.constant 0 : i32
    %c0_i32_1 = arith.constant 0 : i32
    return %c0_i32, %c0_i32_0 : i32, i32
  }
  func.func @transform_5(%arg0: i32) -> (i32, i32) {
    %c0_i32 = arith.constant 0 : i32
    %c0_i32_0 = arith.constant 0 : i32
    %c0_i32_1 = arith.constant 0 : i32
    return %c0_i32, %c0_i32_0 : i32, i32
  }
  func.func @transform_6(%arg0: i32) -> (i32, i32) {
    %c0_i32 = arith.constant 0 : i32
    %c0_i32_0 = arith.constant 0 : i32
    %c0_i32_1 = arith.constant 0 : i32
    return %c0_i32, %c0_i32_0 : i32, i32
  }
  func.func @transform_7(%arg0: i32) -> (i32, i32) {
    %c0_i32 = arith.constant 0 : i32
    %c0_i32_0 = arith.constant 0 : i32
    %c0_i32_1 = arith.constant 0 : i32
    return %c0_i32, %c0_i32_0 : i32, i32
  }
  func.func @transform_8(%arg0: i32) -> (i32, i32) {
    %c0_i32 = arith.constant 0 : i32
    %c0_i32_0 = arith.constant 0 : i32
    return %arg0, %c0_i32 : i32, i32
  }
}

module attributes {stable_mosaic.version = 14 : i64} {
  func.func @body(%arg0: i32, %arg1: memref<1000x128xf32, #tpu.memory_space<vmem>>, %arg2: memref<1x1x1000xi32, #tpu.memory_space<vmem>>, %arg3: memref<1000x1xi32, #tpu.memory_space<vmem>>, %arg4: memref<512x128xf32, #tpu.memory_space<vmem>>, %arg5: memref<512x128xf32, #tpu.memory_space<vmem>>, %arg6: memref<512x128xf32, #tpu.memory_space<vmem>>, %arg7: memref<512x128xf32, #tpu.memory_space<vmem>>, %arg8: memref<512x1xf32, #tpu.memory_space<vmem>>) attributes {dimension_semantics = [#tpu.dimension_semantics<arbitrary>], iteration_bounds = array<i64: 20>, scalar_prefetch = 0 : i64, scratch_operands = 3 : i64, tpu.core_type = #tpu.core_type<tc>, window_params = [{transform_indices = @transform_0, window_bounds = array<i64: 1000, 128>}, {transform_indices = @transform_1, window_bounds = array<i64: 1, 1, 1000>}, {transform_indices = @transform_2, window_bounds = array<i64: 1000, 1>}, {pipeline_mode = #tpu.pipeline_mode<synchronous>, transform_indices = @transform_3, window_bounds = array<i64: 512, 128>}, {pipeline_mode = #tpu.pipeline_mode<synchronous>, transform_indices = @transform_4, window_bounds = array<i64: 512, 128>}]} {
    %eq3A = arith.constant 0 : i32
    %eq3A_0 = arith.cmpi eq, %arg0, %eq3A : i32
    %convert_element_type3A = arith.extui %eq3A_0 : i1 to i32
    %cond3A = arith.constant 0 : i32
    %cond3A_1 = arith.cmpi ne, %convert_element_type3A, %cond3A : i32
    scf.if %cond3A_1 {
      %broadcast_in_dim3A_52 = arith.constant 0.000000e+00 : f32
      %broadcast_in_dim3A_53 = vector.broadcast %broadcast_in_dim3A_52 : f32 to vector<512x128xf32>
      %swap3A_54 = arith.constant 0 : index
      %swap3A_55 = arith.constant 0 : index
      %swap3A_56 = vector.load %arg6[%swap3A_54, %swap3A_55] : memref<512x128xf32, #tpu.memory_space<vmem>>, vector<512x128xf32>
      tpu.vector_store %arg6[%swap3A_54, %swap3A_55], %broadcast_in_dim3A_53 {strides = array<i32>} : memref<512x128xf32, #tpu.memory_space<vmem>>, vector<512x128xf32>,
      %broadcast_in_dim3A_57 = arith.constant -1.000000e+30 : f32
      %broadcast_in_dim3A_58 = vector.broadcast %broadcast_in_dim3A_57 : f32 to vector<512x128xf32>
      %swap3A_59 = arith.constant 0 : index
      %swap3A_60 = arith.constant 0 : index
      %swap3A_61 = vector.load %arg7[%swap3A_59, %swap3A_60] : memref<512x128xf32, #tpu.memory_space<vmem>>, vector<512x128xf32>
      tpu.vector_store %arg7[%swap3A_59, %swap3A_60], %broadcast_in_dim3A_58 {strides = array<i32>} : memref<512x128xf32, #tpu.memory_space<vmem>>, vector<512x128xf32>,
      %broadcast_in_dim3A_62 = arith.constant 0.000000e+00 : f32
      %broadcast_in_dim3A_63 = vector.broadcast %broadcast_in_dim3A_62 : f32 to vector<512x1xf32>
      %swap3A_64 = arith.constant 0 : index
      %swap3A_65 = arith.constant 0 : index
      %swap3A_66 = vector.load %arg8[%swap3A_64, %swap3A_65] : memref<512x1xf32, #tpu.memory_space<vmem>>, vector<512x1xf32>
      tpu.vector_store %arg8[%swap3A_64, %swap3A_65], %broadcast_in_dim3A_63 {strides = array<i32>} : memref<512x1xf32, #tpu.memory_space<vmem>>, vector<512x1xf32>,
    } else {
    }
    %get3A = arith.constant 0 : index
    %get3A_2 = arith.constant 0 : index
    %get3A_3 = arith.constant 0 : index
    %get3A_4 = vector.load %arg2[%get3A, %get3A_2, %get3A_3] : memref<1x1x1000xi32, #tpu.memory_space<vmem>>, vector<1x1x1000xi32>
    %reshape3A = vector.shape_cast %get3A_4 : vector<1x1x1000xi32> to vector<1x1000xi32>
    %get3A_5 = arith.constant 0 : index
    %get3A_6 = arith.constant 0 : index
    %get3A_7 = vector.load %arg1[%get3A_5, %get3A_6] : memref<1000x128xf32, #tpu.memory_space<vmem>>, vector<1000x128xf32>
    %iota3A = tpu.iota {dimensions = array<i32: 0>} : vector<512x1000xi32>
    %eq3A_8 = vector.broadcast %reshape3A : vector<1x1000xi32> to vector<512x1000xi32>
    %eq3A_9 = arith.cmpi eq, %iota3A, %eq3A_8 : vector<512x1000xi32>
    %convert_element_type3A_10 = arith.extui %eq3A_9 : vector<512x1000xi1> to vector<512x1000xi32>
    %convert_element_type3A_11 = arith.sitofp %convert_element_type3A_10 : vector<512x1000xi32> to vector<512x1000xf32>
    %get3A_12 = arith.constant 0 : index
    %get3A_13 = arith.constant 0 : index
    %get3A_14 = vector.load %arg6[%get3A_12, %get3A_13] : memref<512x128xf32, #tpu.memory_space<vmem>>, vector<512x128xf32>
    %dot_general3A = arith.constant dense<0.000000e+00> : vector<512x128xf32>
    %dot_general3A_15 = tpu.matmul %convert_element_type3A_11, %get3A_7, %dot_general3A {dimension_numbers = #tpu.dot_dimension_numbers<[1], [0], [0], [1], [0, 0, 1, 1], [], []>, transpose_lhs_hint = false} : vector<512x1000xf32>, vector<1000x128xf32>, vector<512x128xf32> -> vector<512x128xf32>
    %add3A = arith.addf %get3A_14, %dot_general3A_15 : vector<512x128xf32>
    %swap3A = arith.constant 0 : index
    %swap3A_16 = arith.constant 0 : index
    %swap3A_17 = vector.load %arg6[%swap3A, %swap3A_16] : memref<512x128xf32, #tpu.memory_space<vmem>>, vector<512x128xf32>
    tpu.vector_store %arg6[%swap3A, %swap3A_16], %add3A {strides = array<i32>} : memref<512x128xf32, #tpu.memory_space<vmem>>, vector<512x128xf32>,
    %get3A_18 = arith.constant 0 : index
    %get3A_19 = arith.constant 0 : index
    %get3A_20 = vector.load %arg8[%get3A_18, %get3A_19] : memref<512x1xf32, #tpu.memory_space<vmem>>, vector<512x1xf32>
    %reduce_sum3A = arith.constant dense<0.000000e+00> : vector<512xf32>
    %reduce_sum3A_21 = vector.multi_reduction <add>, %convert_element_type3A_11, %reduce_sum3A [1] : vector<512x1000xf32> to vector<512xf32>
    %broadcast_in_dim3A = vector.shape_cast %reduce_sum3A_21 : vector<512xf32> to vector<512x1xf32>
    %add3A_22 = arith.addf %get3A_20, %broadcast_in_dim3A : vector<512x1xf32>
    %swap3A_23 = arith.constant 0 : index
    %swap3A_24 = arith.constant 0 : index
    %swap3A_25 = vector.load %arg8[%swap3A_23, %swap3A_24] : memref<512x1xf32, #tpu.memory_space<vmem>>, vector<512x1xf32>
    tpu.vector_store %arg8[%swap3A_23, %swap3A_24], %add3A_22 {strides = array<i32>} : memref<512x1xf32, #tpu.memory_space<vmem>>, vector<512x1xf32>,
    %reduce_min3A = vector.shape_cast %reshape3A : vector<1x1000xi32> to vector<1x1x1000xi32>
    %reduce_min3A_26 = arith.constant dense<2147483647> : vector<1xi32>
    %reduce_min3A_27 = vector.multi_reduction <minsi>, %reduce_min3A, %reduce_min3A_26 [1, 2] : vector<1x1x1000xi32> to vector<1xi32>
    %reduce_min3A_28 = vector.shape_cast %reduce_min3A_27 : vector<1xi32> to vector<1x1x1xi32>
    %reduce_min3A_29 = vector.extract %reduce_min3A_28[0, 0, 0] : i32 from vector<1x1x1xi32>
    %reduce_max3A = vector.shape_cast %reshape3A : vector<1x1000xi32> to vector<1x1x1000xi32>
    %reduce_max3A_30 = arith.constant dense<-2147483648> : vector<1xi32>
    %reduce_max3A_31 = vector.multi_reduction <maxsi>, %reduce_max3A, %reduce_max3A_30 [1, 2] : vector<1x1x1000xi32> to vector<1xi32>
    %reduce_max3A_32 = vector.shape_cast %reduce_max3A_31 : vector<1xi32> to vector<1x1x1xi32>
    %reduce_max3A_33 = vector.extract %reduce_max3A_32[0, 0, 0] : i32 from vector<1x1x1xi32>
    %get3A_34 = arith.constant 0 : index
    %get3A_35 = arith.constant 0 : index
    %get3A_36 = vector.load %arg3[%get3A_34, %get3A_35] : memref<1000x1xi32, #tpu.memory_space<vmem>>, vector<1000x1xi32>
    %add3A_37 = arith.constant 1 : i32
    %add3A_38 = arith.addi %reduce_max3A_33, %add3A_37 : i32
    %while3A = arith.constant 0 : i32
    %while3A_39 = arith.subi %add3A_38, %reduce_min3A_29 : i32
    %while3A_40 = arith.addi %reduce_min3A_29, %while3A_39 : i32
    %while3A_41 = arith.constant 1 : i32
    %while3A_42 = arith.divsi %while3A_39, %while3A_41 : i32
    %while3A_43 = arith.muli %while3A_42, %while3A_41 : i32
    %while3A_44 = arith.addi %reduce_min3A_29, %while3A_43 : i32
    %while3A_45 = arith.constant 1 : i32
    scf.for %while3A_52 = %reduce_min3A_29 to %while3A_44 step %while3A_45  : i32 {
      %eq3A_53 = vector.broadcast %while3A_52 : i32 to vector<1000x1xi32>
      %eq3A_54 = arith.cmpi eq, %get3A_36, %eq3A_53 : vector<1000x1xi32>
      %jit3A = arith.constant -1.000000e+30 : f32
      %broadcast_in_dim3A_55 = vector.shape_cast %eq3A_54 : vector<1000x1xi1> to vector<1000x1xi1>
      %broadcast_in_dim3A_56 = vector.broadcast %broadcast_in_dim3A_55 : vector<1000x1xi1> to vector<1000x128xi1>
      %broadcast_in_dim3A_57 = vector.broadcast %jit3A : f32 to vector<1000x128xf32>
      %select_n3A = arith.select %broadcast_in_dim3A_56, %get3A_7, %broadcast_in_dim3A_57 : vector<1000x128xi1>, vector<1000x128xf32>
      %reduce_max3A_58 = arith.constant dense<0xFF800000> : vector<128xf32>
      %reduce_max3A_59 = vector.multi_reduction <maximumf>, %select_n3A, %reduce_max3A_58 [0] : vector<1000x128xf32> to vector<128xf32>
      %broadcast_in_dim3A_60 = vector.shape_cast %reduce_max3A_59 : vector<128xf32> to vector<1x128xf32>
      %get3A_61 = arith.index_cast %while3A_52 : i32 to index
      %get3A_62 = arith.constant 0 : index
      %get3A_63 = vector.load %arg7[%get3A_61, %get3A_62] : memref<512x128xf32, #tpu.memory_space<vmem>>, vector<1x128xf32>
      %max3A = arith.maximumf %get3A_63, %broadcast_in_dim3A_60 : vector<1x128xf32>
      %swap3A_64 = arith.index_cast %while3A_52 : i32 to index
      %swap3A_65 = arith.constant 0 : index
      %swap3A_66 = vector.load %arg7[%swap3A_64, %swap3A_65] : memref<512x128xf32, #tpu.memory_space<vmem>>, vector<1x128xf32>
      tpu.vector_store %arg7[%swap3A_64, %swap3A_65], %max3A {strides = array<i32>} : memref<512x128xf32, #tpu.memory_space<vmem>>, vector<1x128xf32>,
    }
    %while3A_46 = arith.constant 1 : i32
    scf.for %while3A_52 = %while3A_44 to %while3A_40 step %while3A_46  : i32 {
      %eq3A_53 = vector.broadcast %while3A_52 : i32 to vector<1000x1xi32>
      %eq3A_54 = arith.cmpi eq, %get3A_36, %eq3A_53 : vector<1000x1xi32>
      %jit3A = arith.constant -1.000000e+30 : f32
      %broadcast_in_dim3A_55 = vector.shape_cast %eq3A_54 : vector<1000x1xi1> to vector<1000x1xi1>
      %broadcast_in_dim3A_56 = vector.broadcast %broadcast_in_dim3A_55 : vector<1000x1xi1> to vector<1000x128xi1>
      %broadcast_in_dim3A_57 = vector.broadcast %jit3A : f32 to vector<1000x128xf32>
      %select_n3A = arith.select %broadcast_in_dim3A_56, %get3A_7, %broadcast_in_dim3A_57 : vector<1000x128xi1>, vector<1000x128xf32>
      %reduce_max3A_58 = arith.constant dense<0xFF800000> : vector<128xf32>
      %reduce_max3A_59 = vector.multi_reduction <maximumf>, %select_n3A, %reduce_max3A_58 [0] : vector<1000x128xf32> to vector<128xf32>
      %broadcast_in_dim3A_60 = vector.shape_cast %reduce_max3A_59 : vector<128xf32> to vector<1x128xf32>
      %get3A_61 = arith.index_cast %while3A_52 : i32 to index
      %get3A_62 = arith.constant 0 : index
      %get3A_63 = vector.load %arg7[%get3A_61, %get3A_62] : memref<512x128xf32, #tpu.memory_space<vmem>>, vector<1x128xf32>
      %max3A = arith.maximumf %get3A_63, %broadcast_in_dim3A_60 : vector<1x128xf32>
      %swap3A_64 = arith.index_cast %while3A_52 : i32 to index
      %swap3A_65 = arith.constant 0 : index
      %swap3A_66 = vector.load %arg7[%swap3A_64, %swap3A_65] : memref<512x128xf32, #tpu.memory_space<vmem>>, vector<1x128xf32>
      tpu.vector_store %arg7[%swap3A_64, %swap3A_65], %max3A {strides = array<i32>} : memref<512x128xf32, #tpu.memory_space<vmem>>, vector<1x128xf32>,
    }
    %eq3A_47 = arith.constant 19 : i32
    %eq3A_48 = arith.cmpi eq, %arg0, %eq3A_47 : i32
    %convert_element_type3A_49 = arith.extui %eq3A_48 : i1 to i32
    %cond3A_50 = arith.constant 0 : i32
    %cond3A_51 = arith.cmpi ne, %convert_element_type3A_49, %cond3A_50 : i32
    scf.if %cond3A_51 {
      %get3A_52 = arith.constant 0 : index
      %get3A_53 = arith.constant 0 : index
      %get3A_54 = vector.load %arg8[%get3A_52, %get3A_53] : memref<512x1xf32, #tpu.memory_space<vmem>>, vector<512x1xf32>
      %get3A_55 = arith.constant 0 : index
      %get3A_56 = arith.constant 0 : index
      %get3A_57 = vector.load %arg6[%get3A_55, %get3A_56] : memref<512x128xf32, #tpu.memory_space<vmem>>, vector<512x128xf32>
      %max3A = arith.constant 1.000000e+00 : f32
      %max3A_58 = vector.broadcast %max3A : f32 to vector<512x1xf32>
      %max3A_59 = arith.maximumf %get3A_54, %max3A_58 : vector<512x1xf32>
      %div3A = vector.broadcast %max3A_59 : vector<512x1xf32> to vector<512x128xf32>
      %div3A_60 = arith.divf %get3A_57, %div3A : vector<512x128xf32>
      %swap3A_61 = arith.constant 0 : index
      %swap3A_62 = arith.constant 0 : index
      %swap3A_63 = vector.load %arg4[%swap3A_61, %swap3A_62] : memref<512x128xf32, #tpu.memory_space<vmem>>, vector<512x128xf32>
      tpu.vector_store %arg4[%swap3A_61, %swap3A_62], %div3A_60 {strides = array<i32>} : memref<512x128xf32, #tpu.memory_space<vmem>>, vector<512x128xf32>,
      %gt3A = arith.constant 0.000000e+00 : f32
      %gt3A_64 = vector.broadcast %gt3A : f32 to vector<512x1xf32>
      %gt3A_65 = arith.cmpf ogt, %get3A_54, %gt3A_64 : vector<512x1xf32>
      %get3A_66 = arith.constant 0 : index
      %get3A_67 = arith.constant 0 : index
      %get3A_68 = vector.load %arg7[%get3A_66, %get3A_67] : memref<512x128xf32, #tpu.memory_space<vmem>>, vector<512x128xf32>
      %jit3A = arith.constant 0.000000e+00 : f32
      %broadcast_in_dim3A_69 = vector.shape_cast %gt3A_65 : vector<512x1xi1> to vector<512x1xi1>
      %broadcast_in_dim3A_70 = vector.broadcast %broadcast_in_dim3A_69 : vector<512x1xi1> to vector<512x128xi1>
      %broadcast_in_dim3A_71 = vector.broadcast %jit3A : f32 to vector<512x128xf32>
      %select_n3A = arith.select %broadcast_in_dim3A_70, %get3A_68, %broadcast_in_dim3A_71 : vector<512x128xi1>, vector<512x128xf32>
      %swap3A_72 = arith.constant 0 : index
      %swap3A_73 = arith.constant 0 : index
      %swap3A_74 = vector.load %arg5[%swap3A_72, %swap3A_73] : memref<512x128xf32, #tpu.memory_space<vmem>>, vector<512x128xf32>
      tpu.vector_store %arg5[%swap3A_72, %swap3A_73], %select_n3A {strides = array<i32>} : memref<512x128xf32, #tpu.memory_space<vmem>>, vector<512x128xf32>,
    } else {
    }
    return
  }
  func.func @transform_0(%arg0: i32) -> (i32, i32) {
    %c0_i32 = arith.constant 0 : i32
    %c0_i32_0 = arith.constant 0 : i32
    return %arg0, %c0_i32 : i32, i32
  }
  func.func @transform_1(%arg0: i32) -> (i32, i32, i32) {
    %c0_i32 = arith.constant 0 : i32
    %c0_i32_0 = arith.constant 0 : i32
    %c0_i32_1 = arith.constant 0 : i32
    return %arg0, %c0_i32, %c0_i32_0 : i32, i32, i32
  }
  func.func @transform_2(%arg0: i32) -> (i32, i32) {
    %c0_i32 = arith.constant 0 : i32
    %c0_i32_0 = arith.constant 0 : i32
    return %arg0, %c0_i32 : i32, i32
  }
  func.func @transform_3(%arg0: i32) -> (i32, i32) {
    %c0_i32 = arith.constant 0 : i32
    %c0_i32_0 = arith.constant 0 : i32
    %c0_i32_1 = arith.constant 0 : i32
    return %c0_i32, %c0_i32_0 : i32, i32
  }
  func.func @transform_4(%arg0: i32) -> (i32, i32) {
    %c0_i32 = arith.constant 0 : i32
    %c0_i32_0 = arith.constant 0 : i32
    %c0_i32_1 = arith.constant 0 : i32
    return %c0_i32, %c0_i32_0 : i32, i32
  }
}

module attributes {stable_mosaic.version = 14 : i64} {
  func.func @body(%arg0: memref<512x128xf32, #tpu.memory_space<vmem>>, %arg1: memref<512x128xf32, #tpu.memory_space<vmem>>, %arg2: memref<256x2048xf32, #tpu.memory_space<vmem>>, %arg3: memref<256x2048xf32, #tpu.memory_space<vmem>>, %arg4: memref<256x128xf32, #tpu.memory_space<vmem>>, %arg5: memref<1x128xf32, #tpu.memory_space<vmem>>, %arg6: memref<2048x128xf32, #tpu.memory_space<vmem>>, %arg7: memref<1x128xf32, #tpu.memory_space<vmem>>, %arg8: memref<128x128xf32, #tpu.memory_space<vmem>>, %arg9: memref<1x128xf32, #tpu.memory_space<vmem>>, %arg10: memref<256x128xf32, #tpu.memory_space<vmem>>, %arg11: memref<1x128xf32, #tpu.memory_space<vmem>>, %arg12: memref<128x128xf32, #tpu.memory_space<vmem>>, %arg13: memref<1x128xf32, #tpu.memory_space<vmem>>, %arg14: memref<1x128xf32, #tpu.memory_space<vmem>>, %arg15: memref<1x128xf32, #tpu.memory_space<vmem>>, %arg16: memref<256x128xf32, #tpu.memory_space<vmem>>, %arg17: memref<1x128xf32, #tpu.memory_space<vmem>>, %arg18: memref<128x128xf32, #tpu.memory_space<vmem>>, %arg19: memref<1x128xf32, #tpu.memory_space<vmem>>, %arg20: memref<256x128xf32, #tpu.memory_space<vmem>>, %arg21: memref<1x128xf32, #tpu.memory_space<vmem>>, %arg22: memref<128x128xf32, #tpu.memory_space<vmem>>, %arg23: memref<1x128xf32, #tpu.memory_space<vmem>>, %arg24: memref<1x128xf32, #tpu.memory_space<vmem>>, %arg25: memref<1x128xf32, #tpu.memory_space<vmem>>, %arg26: memref<1x128xf32, #tpu.memory_space<vmem>>, %arg27: memref<1x128xf32, #tpu.memory_space<vmem>>, %arg28: memref<512x256xf32, #tpu.memory_space<vmem>>, %arg29: memref<1x256xf32, #tpu.memory_space<vmem>>, %arg30: memref<256x128xf32, #tpu.memory_space<vmem>>, %arg31: memref<1x128xf32, #tpu.memory_space<vmem>>, %arg32: memref<128x86xf32, #tpu.memory_space<vmem>>, %arg33: memref<1x86xf32, #tpu.memory_space<vmem>>, %arg34: memref<128x64xf32, #tpu.memory_space<vmem>>, %arg35: memref<1x64xf32, #tpu.memory_space<vmem>>, %arg36: memref<64x1xf32, #tpu.memory_space<vmem>>, %arg37: memref<1x1xf32, #tpu.memory_space<vmem>>, %arg38: memref<256x86xf32, #tpu.memory_space<vmem>>, %arg39: memref<256x1xf32, #tpu.memory_space<vmem>>) attributes {dimension_semantics = [], scalar_prefetch = 0 : i64, scratch_operands = 0 : i64, tpu.core_type = #tpu.core_type<tc>} {
    %get3A = arith.constant 0 : index
    %get3A_0 = arith.constant 0 : index
    %get3A_1 = vector.load %arg0[%get3A, %get3A_0] : memref<512x128xf32, #tpu.memory_space<vmem>>, vector<512x128xf32>
    %get3A_2 = arith.constant 0 : index
    %get3A_3 = arith.constant 0 : index
    %get3A_4 = vector.load %arg1[%get3A_2, %get3A_3] : memref<512x128xf32, #tpu.memory_space<vmem>>, vector<512x128xf32>
    %concatenate3A = tpu.concatenate %get3A_1, %get3A_4 in 1 : vector<512x128xf32>, vector<512x128xf32> -> vector<512x256xf32>
    %get3A_5 = arith.constant 0 : index
    %get3A_6 = arith.constant 0 : index
    %get3A_7 = vector.load %arg4[%get3A_5, %get3A_6] : memref<256x128xf32, #tpu.memory_space<vmem>>, vector<256x128xf32>
    %dot_general3A = arith.constant dense<0.000000e+00> : vector<512x128xf32>
    %dot_general3A_8 = tpu.matmul %concatenate3A, %get3A_7, %dot_general3A {dimension_numbers = #tpu.dot_dimension_numbers<[1], [0], [0], [1], [0, 0, 1, 1], [], []>, transpose_lhs_hint = false} : vector<512x256xf32>, vector<256x128xf32>, vector<512x128xf32> -> vector<512x128xf32>
    %get3A_9 = arith.constant 0 : index
    %get3A_10 = arith.constant 0 : index
    %get3A_11 = vector.load %arg5[%get3A_9, %get3A_10] : memref<1x128xf32, #tpu.memory_space<vmem>>, vector<1x128xf32>
    %add3A = vector.broadcast %get3A_11 : vector<1x128xf32> to vector<512x128xf32>
    %add3A_12 = arith.addf %dot_general3A_8, %add3A : vector<512x128xf32>
    %max3A = arith.constant 0.000000e+00 : f32
    %max3A_13 = vector.broadcast %max3A : f32 to vector<512x128xf32>
    %max3A_14 = arith.maximumf %add3A_12, %max3A_13 : vector<512x128xf32>
    %slice3A = vector.extract_strided_slice %max3A_14 {offsets = [0, 0], sizes = [256, 128], strides = [1, 1]} : vector<512x128xf32> to vector<256x128xf32>
    %slice3A_15 = vector.extract_strided_slice %max3A_14 {offsets = [256, 0], sizes = [256, 128], strides = [1, 1]} : vector<512x128xf32> to vector<256x128xf32>
    %get3A_16 = arith.constant 0 : index
    %get3A_17 = arith.constant 0 : index
    %get3A_18 = vector.load %arg2[%get3A_16, %get3A_17] : memref<256x2048xf32, #tpu.memory_space<vmem>>, vector<256x2048xf32>
    %get3A_19 = arith.constant 0 : index
    %get3A_20 = arith.constant 0 : index
    %get3A_21 = vector.load %arg6[%get3A_19, %get3A_20] : memref<2048x128xf32, #tpu.memory_space<vmem>>, vector<2048x128xf32>
    %dot_general3A_22 = arith.constant dense<0.000000e+00> : vector<256x128xf32>
    %dot_general3A_23 = tpu.matmul %get3A_18, %get3A_21, %dot_general3A_22 {dimension_numbers = #tpu.dot_dimension_numbers<[1], [0], [0], [1], [0, 0, 1, 1], [], []>, transpose_lhs_hint = false} : vector<256x2048xf32>, vector<2048x128xf32>, vector<256x128xf32> -> vector<256x128xf32>
    %get3A_24 = arith.constant 0 : index
    %get3A_25 = arith.constant 0 : index
    %get3A_26 = vector.load %arg7[%get3A_24, %get3A_25] : memref<1x128xf32, #tpu.memory_space<vmem>>, vector<1x128xf32>
    %add3A_27 = vector.broadcast %get3A_26 : vector<1x128xf32> to vector<256x128xf32>
    %add3A_28 = arith.addf %dot_general3A_23, %add3A_27 : vector<256x128xf32>
    %max3A_29 = arith.constant 0.000000e+00 : f32
    %max3A_30 = vector.broadcast %max3A_29 : f32 to vector<256x128xf32>
    %max3A_31 = arith.maximumf %add3A_28, %max3A_30 : vector<256x128xf32>
    %get3A_32 = arith.constant 0 : index
    %get3A_33 = arith.constant 0 : index
    %get3A_34 = vector.load %arg8[%get3A_32, %get3A_33] : memref<128x128xf32, #tpu.memory_space<vmem>>, vector<128x128xf32>
    %dot_general3A_35 = arith.constant dense<0.000000e+00> : vector<256x128xf32>
    %dot_general3A_36 = tpu.matmul %max3A_31, %get3A_34, %dot_general3A_35 {dimension_numbers = #tpu.dot_dimension_numbers<[1], [0], [0], [1], [0, 0, 1, 1], [], []>, transpose_lhs_hint = false} : vector<256x128xf32>, vector<128x128xf32>, vector<256x128xf32> -> vector<256x128xf32>
    %get3A_37 = arith.constant 0 : index
    %get3A_38 = arith.constant 0 : index
    %get3A_39 = vector.load %arg9[%get3A_37, %get3A_38] : memref<1x128xf32, #tpu.memory_space<vmem>>, vector<1x128xf32>
    %add3A_40 = vector.broadcast %get3A_39 : vector<1x128xf32> to vector<256x128xf32>
    %add3A_41 = arith.addf %dot_general3A_36, %add3A_40 : vector<256x128xf32>
    %max3A_42 = arith.constant 0.000000e+00 : f32
    %max3A_43 = vector.broadcast %max3A_42 : f32 to vector<256x128xf32>
    %max3A_44 = arith.maximumf %add3A_41, %max3A_43 : vector<256x128xf32>
    %get3A_45 = arith.constant 0 : index
    %get3A_46 = arith.constant 0 : index
    %get3A_47 = vector.load %arg3[%get3A_45, %get3A_46] : memref<256x2048xf32, #tpu.memory_space<vmem>>, vector<256x2048xf32>
    %get3A_48 = arith.constant 0 : index
    %get3A_49 = arith.constant 0 : index
    %get3A_50 = vector.load %arg6[%get3A_48, %get3A_49] : memref<2048x128xf32, #tpu.memory_space<vmem>>, vector<2048x128xf32>
    %dot_general3A_51 = arith.constant dense<0.000000e+00> : vector<256x128xf32>
    %dot_general3A_52 = tpu.matmul %get3A_47, %get3A_50, %dot_general3A_51 {dimension_numbers = #tpu.dot_dimension_numbers<[1], [0], [0], [1], [0, 0, 1, 1], [], []>, transpose_lhs_hint = false} : vector<256x2048xf32>, vector<2048x128xf32>, vector<256x128xf32> -> vector<256x128xf32>
    %get3A_53 = arith.constant 0 : index
    %get3A_54 = arith.constant 0 : index
    %get3A_55 = vector.load %arg7[%get3A_53, %get3A_54] : memref<1x128xf32, #tpu.memory_space<vmem>>, vector<1x128xf32>
    %add3A_56 = vector.broadcast %get3A_55 : vector<1x128xf32> to vector<256x128xf32>
    %add3A_57 = arith.addf %dot_general3A_52, %add3A_56 : vector<256x128xf32>
    %max3A_58 = arith.constant 0.000000e+00 : f32
    %max3A_59 = vector.broadcast %max3A_58 : f32 to vector<256x128xf32>
    %max3A_60 = arith.maximumf %add3A_57, %max3A_59 : vector<256x128xf32>
    %get3A_61 = arith.constant 0 : index
    %get3A_62 = arith.constant 0 : index
    %get3A_63 = vector.load %arg8[%get3A_61, %get3A_62] : memref<128x128xf32, #tpu.memory_space<vmem>>, vector<128x128xf32>
    %dot_general3A_64 = arith.constant dense<0.000000e+00> : vector<256x128xf32>
    %dot_general3A_65 = tpu.matmul %max3A_60, %get3A_63, %dot_general3A_64 {dimension_numbers = #tpu.dot_dimension_numbers<[1], [0], [0], [1], [0, 0, 1, 1], [], []>, transpose_lhs_hint = false} : vector<256x128xf32>, vector<128x128xf32>, vector<256x128xf32> -> vector<256x128xf32>
    %get3A_66 = arith.constant 0 : index
    %get3A_67 = arith.constant 0 : index
    %get3A_68 = vector.load %arg9[%get3A_66, %get3A_67] : memref<1x128xf32, #tpu.memory_space<vmem>>, vector<1x128xf32>
    %add3A_69 = vector.broadcast %get3A_68 : vector<1x128xf32> to vector<256x128xf32>
    %add3A_70 = arith.addf %dot_general3A_65, %add3A_69 : vector<256x128xf32>
    %max3A_71 = arith.constant 0.000000e+00 : f32
    %max3A_72 = vector.broadcast %max3A_71 : f32 to vector<256x128xf32>
    %max3A_73 = arith.maximumf %add3A_70, %max3A_72 : vector<256x128xf32>
    %concatenate3A_74 = tpu.concatenate %slice3A, %max3A_44 in 1 : vector<256x128xf32>, vector<256x128xf32> -> vector<256x256xf32>
    %get3A_75 = arith.constant 0 : index
    %get3A_76 = arith.constant 0 : index
    %get3A_77 = vector.load %arg10[%get3A_75, %get3A_76] : memref<256x128xf32, #tpu.memory_space<vmem>>, vector<256x128xf32>
    %dot_general3A_78 = arith.constant dense<0.000000e+00> : vector<256x128xf32>
    %dot_general3A_79 = tpu.matmul %concatenate3A_74, %get3A_77, %dot_general3A_78 {dimension_numbers = #tpu.dot_dimension_numbers<[1], [0], [0], [1], [0, 0, 1, 1], [], []>, transpose_lhs_hint = false} : vector<256x256xf32>, vector<256x128xf32>, vector<256x128xf32> -> vector<256x128xf32>
    %get3A_80 = arith.constant 0 : index
    %get3A_81 = arith.constant 0 : index
    %get3A_82 = vector.load %arg11[%get3A_80, %get3A_81] : memref<1x128xf32, #tpu.memory_space<vmem>>, vector<1x128xf32>
    %add3A_83 = vector.broadcast %get3A_82 : vector<1x128xf32> to vector<256x128xf32>
    %add3A_84 = arith.addf %dot_general3A_79, %add3A_83 : vector<256x128xf32>
    %max3A_85 = arith.constant 0.000000e+00 : f32
    %max3A_86 = vector.broadcast %max3A_85 : f32 to vector<256x128xf32>
    %max3A_87 = arith.maximumf %add3A_84, %max3A_86 : vector<256x128xf32>
    %get3A_88 = arith.constant 0 : index
    %get3A_89 = arith.constant 0 : index
    %get3A_90 = vector.load %arg12[%get3A_88, %get3A_89] : memref<128x128xf32, #tpu.memory_space<vmem>>, vector<128x128xf32>
    %dot_general3A_91 = arith.constant dense<0.000000e+00> : vector<256x128xf32>
    %dot_general3A_92 = tpu.matmul %max3A_87, %get3A_90, %dot_general3A_91 {dimension_numbers = #tpu.dot_dimension_numbers<[1], [0], [0], [1], [0, 0, 1, 1], [], []>, transpose_lhs_hint = false} : vector<256x128xf32>, vector<128x128xf32>, vector<256x128xf32> -> vector<256x128xf32>
    %get3A_93 = arith.constant 0 : index
    %get3A_94 = arith.constant 0 : index
    %get3A_95 = vector.load %arg13[%get3A_93, %get3A_94] : memref<1x128xf32, #tpu.memory_space<vmem>>, vector<1x128xf32>
    %add3A_96 = vector.broadcast %get3A_95 : vector<1x128xf32> to vector<256x128xf32>
    %add3A_97 = arith.addf %dot_general3A_92, %add3A_96 : vector<256x128xf32>
    %logistic3A = arith.negf %add3A_97 : vector<256x128xf32>
    %logistic3A_98 = math.exp %logistic3A : vector<256x128xf32>
    %logistic3A_99 = arith.constant 1.000000e+00 : f32
    %logistic3A_100 = vector.broadcast %logistic3A_99 : f32 to vector<256x128xf32>
    %logistic3A_101 = arith.addf %logistic3A_100, %logistic3A_98 : vector<256x128xf32>
    %logistic3A_102 = arith.divf %logistic3A_100, %logistic3A_101 : vector<256x128xf32>
    %mul3A = arith.mulf %logistic3A_102, %slice3A : vector<256x128xf32>
    %sub3A = arith.constant 1.000000e+00 : f32
    %sub3A_103 = vector.broadcast %sub3A : f32 to vector<256x128xf32>
    %sub3A_104 = arith.subf %sub3A_103, %logistic3A_102 : vector<256x128xf32>
    %mul3A_105 = arith.mulf %sub3A_104, %max3A_44 : vector<256x128xf32>
    %add3A_106 = arith.addf %mul3A, %mul3A_105 : vector<256x128xf32>
    %get3A_107 = arith.constant 0 : index
    %get3A_108 = arith.constant 0 : index
    %get3A_109 = vector.load %arg14[%get3A_107, %get3A_108] : memref<1x128xf32, #tpu.memory_space<vmem>>, vector<1x128xf32>
    %get3A_110 = arith.constant 0 : index
    %get3A_111 = arith.constant 0 : index
    %get3A_112 = vector.load %arg15[%get3A_110, %get3A_111] : memref<1x128xf32, #tpu.memory_space<vmem>>, vector<1x128xf32>
    %reduce_sum3A = arith.constant dense<0.000000e+00> : vector<256xf32>
    %reduce_sum3A_113 = vector.multi_reduction <add>, %add3A_106, %reduce_sum3A [1] : vector<256x128xf32> to vector<256xf32>
    %broadcast_in_dim3A = vector.shape_cast %reduce_sum3A_113 : vector<256xf32> to vector<256x1xf32>
    %div3A = arith.constant 1.280000e+02 : f32
    %div3A_114 = vector.broadcast %div3A : f32 to vector<256x1xf32>
    %div3A_115 = arith.divf %broadcast_in_dim3A, %div3A_114 : vector<256x1xf32>
    %sub3A_116 = vector.broadcast %div3A_115 : vector<256x1xf32> to vector<256x128xf32>
    %sub3A_117 = arith.subf %add3A_106, %sub3A_116 : vector<256x128xf32>
    %integer_pow3A = arith.mulf %sub3A_117, %sub3A_117 : vector<256x128xf32>
    %reduce_sum3A_118 = arith.constant dense<0.000000e+00> : vector<256xf32>
    %reduce_sum3A_119 = vector.multi_reduction <add>, %integer_pow3A, %reduce_sum3A_118 [1] : vector<256x128xf32> to vector<256xf32>
    %broadcast_in_dim3A_120 = vector.shape_cast %reduce_sum3A_119 : vector<256xf32> to vector<256x1xf32>
    %div3A_121 = arith.constant 1.280000e+02 : f32
    %div3A_122 = vector.broadcast %div3A_121 : f32 to vector<256x1xf32>
    %div3A_123 = arith.divf %broadcast_in_dim3A_120, %div3A_122 : vector<256x1xf32>
    %sub3A_124 = vector.broadcast %div3A_115 : vector<256x1xf32> to vector<256x128xf32>
    %sub3A_125 = arith.subf %add3A_106, %sub3A_124 : vector<256x128xf32>
    %add3A_126 = arith.constant 9.99999974E-6 : f32
    %add3A_127 = vector.broadcast %add3A_126 : f32 to vector<256x1xf32>
    %add3A_128 = arith.addf %div3A_123, %add3A_127 : vector<256x1xf32>
    %rsqrt3A = math.rsqrt %add3A_128 : vector<256x1xf32>
    %mul3A_129 = vector.broadcast %rsqrt3A : vector<256x1xf32> to vector<256x128xf32>
    %mul3A_130 = arith.mulf %sub3A_125, %mul3A_129 : vector<256x128xf32>
    %mul3A_131 = vector.broadcast %get3A_109 : vector<1x128xf32> to vector<256x128xf32>
    %mul3A_132 = arith.mulf %mul3A_130, %mul3A_131 : vector<256x128xf32>
    %add3A_133 = vector.broadcast %get3A_112 : vector<1x128xf32> to vector<256x128xf32>
    %add3A_134 = arith.addf %mul3A_132, %add3A_133 : vector<256x128xf32>
    %concatenate3A_135 = tpu.concatenate %slice3A_15, %max3A_73 in 1 : vector<256x128xf32>, vector<256x128xf32> -> vector<256x256xf32>
    %get3A_136 = arith.constant 0 : index
    %get3A_137 = arith.constant 0 : index
    %get3A_138 = vector.load %arg10[%get3A_136, %get3A_137] : memref<256x128xf32, #tpu.memory_space<vmem>>, vector<256x128xf32>
    %dot_general3A_139 = arith.constant dense<0.000000e+00> : vector<256x128xf32>
    %dot_general3A_140 = tpu.matmul %concatenate3A_135, %get3A_138, %dot_general3A_139 {dimension_numbers = #tpu.dot_dimension_numbers<[1], [0], [0], [1], [0, 0, 1, 1], [], []>, transpose_lhs_hint = false} : vector<256x256xf32>, vector<256x128xf32>, vector<256x128xf32> -> vector<256x128xf32>
    %get3A_141 = arith.constant 0 : index
    %get3A_142 = arith.constant 0 : index
    %get3A_143 = vector.load %arg11[%get3A_141, %get3A_142] : memref<1x128xf32, #tpu.memory_space<vmem>>, vector<1x128xf32>
    %add3A_144 = vector.broadcast %get3A_143 : vector<1x128xf32> to vector<256x128xf32>
    %add3A_145 = arith.addf %dot_general3A_140, %add3A_144 : vector<256x128xf32>
    %max3A_146 = arith.constant 0.000000e+00 : f32
    %max3A_147 = vector.broadcast %max3A_146 : f32 to vector<256x128xf32>
    %max3A_148 = arith.maximumf %add3A_145, %max3A_147 : vector<256x128xf32>
    %get3A_149 = arith.constant 0 : index
    %get3A_150 = arith.constant 0 : index
    %get3A_151 = vector.load %arg12[%get3A_149, %get3A_150] : memref<128x128xf32, #tpu.memory_space<vmem>>, vector<128x128xf32>
    %dot_general3A_152 = arith.constant dense<0.000000e+00> : vector<256x128xf32>
    %dot_general3A_153 = tpu.matmul %max3A_148, %get3A_151, %dot_general3A_152 {dimension_numbers = #tpu.dot_dimension_numbers<[1], [0], [0], [1], [0, 0, 1, 1], [], []>, transpose_lhs_hint = false} : vector<256x128xf32>, vector<128x128xf32>, vector<256x128xf32> -> vector<256x128xf32>
    %get3A_154 = arith.constant 0 : index
    %get3A_155 = arith.constant 0 : index
    %get3A_156 = vector.load %arg13[%get3A_154, %get3A_155] : memref<1x128xf32, #tpu.memory_space<vmem>>, vector<1x128xf32>
    %add3A_157 = vector.broadcast %get3A_156 : vector<1x128xf32> to vector<256x128xf32>
    %add3A_158 = arith.addf %dot_general3A_153, %add3A_157 : vector<256x128xf32>
    %logistic3A_159 = arith.negf %add3A_158 : vector<256x128xf32>
    %logistic3A_160 = math.exp %logistic3A_159 : vector<256x128xf32>
    %logistic3A_161 = arith.constant 1.000000e+00 : f32
    %logistic3A_162 = vector.broadcast %logistic3A_161 : f32 to vector<256x128xf32>
    %logistic3A_163 = arith.addf %logistic3A_162, %logistic3A_160 : vector<256x128xf32>
    %logistic3A_164 = arith.divf %logistic3A_162, %logistic3A_163 : vector<256x128xf32>
    %mul3A_165 = arith.mulf %logistic3A_164, %slice3A_15 : vector<256x128xf32>
    %sub3A_166 = arith.constant 1.000000e+00 : f32
    %sub3A_167 = vector.broadcast %sub3A_166 : f32 to vector<256x128xf32>
    %sub3A_168 = arith.subf %sub3A_167, %logistic3A_164 : vector<256x128xf32>
    %mul3A_169 = arith.mulf %sub3A_168, %max3A_73 : vector<256x128xf32>
    %add3A_170 = arith.addf %mul3A_165, %mul3A_169 : vector<256x128xf32>
    %get3A_171 = arith.constant 0 : index
    %get3A_172 = arith.constant 0 : index
    %get3A_173 = vector.load %arg14[%get3A_171, %get3A_172] : memref<1x128xf32, #tpu.memory_space<vmem>>, vector<1x128xf32>
    %get3A_174 = arith.constant 0 : index
    %get3A_175 = arith.constant 0 : index
    %get3A_176 = vector.load %arg15[%get3A_174, %get3A_175] : memref<1x128xf32, #tpu.memory_space<vmem>>, vector<1x128xf32>
    %reduce_sum3A_177 = arith.constant dense<0.000000e+00> : vector<256xf32>
    %reduce_sum3A_178 = vector.multi_reduction <add>, %add3A_170, %reduce_sum3A_177 [1] : vector<256x128xf32> to vector<256xf32>
    %broadcast_in_dim3A_179 = vector.shape_cast %reduce_sum3A_178 : vector<256xf32> to vector<256x1xf32>
    %div3A_180 = arith.constant 1.280000e+02 : f32
    %div3A_181 = vector.broadcast %div3A_180 : f32 to vector<256x1xf32>
    %div3A_182 = arith.divf %broadcast_in_dim3A_179, %div3A_181 : vector<256x1xf32>
    %sub3A_183 = vector.broadcast %div3A_182 : vector<256x1xf32> to vector<256x128xf32>
    %sub3A_184 = arith.subf %add3A_170, %sub3A_183 : vector<256x128xf32>
    %integer_pow3A_185 = arith.mulf %sub3A_184, %sub3A_184 : vector<256x128xf32>
    %reduce_sum3A_186 = arith.constant dense<0.000000e+00> : vector<256xf32>
    %reduce_sum3A_187 = vector.multi_reduction <add>, %integer_pow3A_185, %reduce_sum3A_186 [1] : vector<256x128xf32> to vector<256xf32>
    %broadcast_in_dim3A_188 = vector.shape_cast %reduce_sum3A_187 : vector<256xf32> to vector<256x1xf32>
    %div3A_189 = arith.constant 1.280000e+02 : f32
    %div3A_190 = vector.broadcast %div3A_189 : f32 to vector<256x1xf32>
    %div3A_191 = arith.divf %broadcast_in_dim3A_188, %div3A_190 : vector<256x1xf32>
    %sub3A_192 = vector.broadcast %div3A_182 : vector<256x1xf32> to vector<256x128xf32>
    %sub3A_193 = arith.subf %add3A_170, %sub3A_192 : vector<256x128xf32>
    %add3A_194 = arith.constant 9.99999974E-6 : f32
    %add3A_195 = vector.broadcast %add3A_194 : f32 to vector<256x1xf32>
    %add3A_196 = arith.addf %div3A_191, %add3A_195 : vector<256x1xf32>
    %rsqrt3A_197 = math.rsqrt %add3A_196 : vector<256x1xf32>
    %mul3A_198 = vector.broadcast %rsqrt3A_197 : vector<256x1xf32> to vector<256x128xf32>
    %mul3A_199 = arith.mulf %sub3A_193, %mul3A_198 : vector<256x128xf32>
    %mul3A_200 = vector.broadcast %get3A_173 : vector<1x128xf32> to vector<256x128xf32>
    %mul3A_201 = arith.mulf %mul3A_199, %mul3A_200 : vector<256x128xf32>
    %add3A_202 = vector.broadcast %get3A_176 : vector<1x128xf32> to vector<256x128xf32>
    %add3A_203 = arith.addf %mul3A_201, %add3A_202 : vector<256x128xf32>
    %concatenate3A_204 = tpu.concatenate %add3A_134, %add3A_203 in 1 : vector<256x128xf32>, vector<256x128xf32> -> vector<256x256xf32>
    %get3A_205 = arith.constant 0 : index
    %get3A_206 = arith.constant 0 : index
    %get3A_207 = vector.load %arg16[%get3A_205, %get3A_206] : memref<256x128xf32, #tpu.memory_space<vmem>>, vector<256x128xf32>
    %dot_general3A_208 = arith.constant dense<0.000000e+00> : vector<256x128xf32>
    %dot_general3A_209 = tpu.matmul %concatenate3A_204, %get3A_207, %dot_general3A_208 {dimension_numbers = #tpu.dot_dimension_numbers<[1], [0], [0], [1], [0, 0, 1, 1], [], []>, transpose_lhs_hint = false} : vector<256x256xf32>, vector<256x128xf32>, vector<256x128xf32> -> vector<256x128xf32>
    %get3A_210 = arith.constant 0 : index
    %get3A_211 = arith.constant 0 : index
    %get3A_212 = vector.load %arg17[%get3A_210, %get3A_211] : memref<1x128xf32, #tpu.memory_space<vmem>>, vector<1x128xf32>
    %add3A_213 = vector.broadcast %get3A_212 : vector<1x128xf32> to vector<256x128xf32>
    %add3A_214 = arith.addf %dot_general3A_209, %add3A_213 : vector<256x128xf32>
    %max3A_215 = arith.constant 0.000000e+00 : f32
    %max3A_216 = vector.broadcast %max3A_215 : f32 to vector<256x128xf32>
    %max3A_217 = arith.maximumf %add3A_214, %max3A_216 : vector<256x128xf32>
    %get3A_218 = arith.constant 0 : index
    %get3A_219 = arith.constant 0 : index
    %get3A_220 = vector.load %arg18[%get3A_218, %get3A_219] : memref<128x128xf32, #tpu.memory_space<vmem>>, vector<128x128xf32>
    %dot_general3A_221 = arith.constant dense<0.000000e+00> : vector<256x128xf32>
    %dot_general3A_222 = tpu.matmul %max3A_217, %get3A_220, %dot_general3A_221 {dimension_numbers = #tpu.dot_dimension_numbers<[1], [0], [0], [1], [0, 0, 1, 1], [], []>, transpose_lhs_hint = false} : vector<256x128xf32>, vector<128x128xf32>, vector<256x128xf32> -> vector<256x128xf32>
    %get3A_223 = arith.constant 0 : index
    %get3A_224 = arith.constant 0 : index
    %get3A_225 = vector.load %arg19[%get3A_223, %get3A_224] : memref<1x128xf32, #tpu.memory_space<vmem>>, vector<1x128xf32>
    %add3A_226 = vector.broadcast %get3A_225 : vector<1x128xf32> to vector<256x128xf32>
    %add3A_227 = arith.addf %dot_general3A_222, %add3A_226 : vector<256x128xf32>
    %logistic3A_228 = arith.negf %add3A_227 : vector<256x128xf32>
    %logistic3A_229 = math.exp %logistic3A_228 : vector<256x128xf32>
    %logistic3A_230 = arith.constant 1.000000e+00 : f32
    %logistic3A_231 = vector.broadcast %logistic3A_230 : f32 to vector<256x128xf32>
    %logistic3A_232 = arith.addf %logistic3A_231, %logistic3A_229 : vector<256x128xf32>
    %logistic3A_233 = arith.divf %logistic3A_231, %logistic3A_232 : vector<256x128xf32>
    %concatenate3A_234 = tpu.concatenate %add3A_203, %add3A_134 in 1 : vector<256x128xf32>, vector<256x128xf32> -> vector<256x256xf32>
    %get3A_235 = arith.constant 0 : index
    %get3A_236 = arith.constant 0 : index
    %get3A_237 = vector.load %arg20[%get3A_235, %get3A_236] : memref<256x128xf32, #tpu.memory_space<vmem>>, vector<256x128xf32>
    %dot_general3A_238 = arith.constant dense<0.000000e+00> : vector<256x128xf32>
    %dot_general3A_239 = tpu.matmul %concatenate3A_234, %get3A_237, %dot_general3A_238 {dimension_numbers = #tpu.dot_dimension_numbers<[1], [0], [0], [1], [0, 0, 1, 1], [], []>, transpose_lhs_hint = false} : vector<256x256xf32>, vector<256x128xf32>, vector<256x128xf32> -> vector<256x128xf32>
    %get3A_240 = arith.constant 0 : index
    %get3A_241 = arith.constant 0 : index
    %get3A_242 = vector.load %arg21[%get3A_240, %get3A_241] : memref<1x128xf32, #tpu.memory_space<vmem>>, vector<1x128xf32>
    %add3A_243 = vector.broadcast %get3A_242 : vector<1x128xf32> to vector<256x128xf32>
    %add3A_244 = arith.addf %dot_general3A_239, %add3A_243 : vector<256x128xf32>
    %max3A_245 = arith.constant 0.000000e+00 : f32
    %max3A_246 = vector.broadcast %max3A_245 : f32 to vector<256x128xf32>
    %max3A_247 = arith.maximumf %add3A_244, %max3A_246 : vector<256x128xf32>
    %get3A_248 = arith.constant 0 : index
    %get3A_249 = arith.constant 0 : index
    %get3A_250 = vector.load %arg22[%get3A_248, %get3A_249] : memref<128x128xf32, #tpu.memory_space<vmem>>, vector<128x128xf32>
    %dot_general3A_251 = arith.constant dense<0.000000e+00> : vector<256x128xf32>
    %dot_general3A_252 = tpu.matmul %max3A_247, %get3A_250, %dot_general3A_251 {dimension_numbers = #tpu.dot_dimension_numbers<[1], [0], [0], [1], [0, 0, 1, 1], [], []>, transpose_lhs_hint = false} : vector<256x128xf32>, vector<128x128xf32>, vector<256x128xf32> -> vector<256x128xf32>
    %get3A_253 = arith.constant 0 : index
    %get3A_254 = arith.constant 0 : index
    %get3A_255 = vector.load %arg23[%get3A_253, %get3A_254] : memref<1x128xf32, #tpu.memory_space<vmem>>, vector<1x128xf32>
    %add3A_256 = vector.broadcast %get3A_255 : vector<1x128xf32> to vector<256x128xf32>
    %add3A_257 = arith.addf %dot_general3A_252, %add3A_256 : vector<256x128xf32>
    %logistic3A_258 = arith.negf %add3A_257 : vector<256x128xf32>
    %logistic3A_259 = math.exp %logistic3A_258 : vector<256x128xf32>
    %logistic3A_260 = arith.constant 1.000000e+00 : f32
    %logistic3A_261 = vector.broadcast %logistic3A_260 : f32 to vector<256x128xf32>
    %logistic3A_262 = arith.addf %logistic3A_261, %logistic3A_259 : vector<256x128xf32>
    %logistic3A_263 = arith.divf %logistic3A_261, %logistic3A_262 : vector<256x128xf32>
    %mul3A_264 = arith.mulf %logistic3A_233, %add3A_203 : vector<256x128xf32>
    %add3A_265 = arith.addf %add3A_134, %mul3A_264 : vector<256x128xf32>
    %get3A_266 = arith.constant 0 : index
    %get3A_267 = arith.constant 0 : index
    %get3A_268 = vector.load %arg24[%get3A_266, %get3A_267] : memref<1x128xf32, #tpu.memory_space<vmem>>, vector<1x128xf32>
    %get3A_269 = arith.constant 0 : index
    %get3A_270 = arith.constant 0 : index
    %get3A_271 = vector.load %arg25[%get3A_269, %get3A_270] : memref<1x128xf32, #tpu.memory_space<vmem>>, vector<1x128xf32>
    %reduce_sum3A_272 = arith.constant dense<0.000000e+00> : vector<256xf32>
    %reduce_sum3A_273 = vector.multi_reduction <add>, %add3A_265, %reduce_sum3A_272 [1] : vector<256x128xf32> to vector<256xf32>
    %broadcast_in_dim3A_274 = vector.shape_cast %reduce_sum3A_273 : vector<256xf32> to vector<256x1xf32>
    %div3A_275 = arith.constant 1.280000e+02 : f32
    %div3A_276 = vector.broadcast %div3A_275 : f32 to vector<256x1xf32>
    %div3A_277 = arith.divf %broadcast_in_dim3A_274, %div3A_276 : vector<256x1xf32>
    %sub3A_278 = vector.broadcast %div3A_277 : vector<256x1xf32> to vector<256x128xf32>
    %sub3A_279 = arith.subf %add3A_265, %sub3A_278 : vector<256x128xf32>
    %integer_pow3A_280 = arith.mulf %sub3A_279, %sub3A_279 : vector<256x128xf32>
    %reduce_sum3A_281 = arith.constant dense<0.000000e+00> : vector<256xf32>
    %reduce_sum3A_282 = vector.multi_reduction <add>, %integer_pow3A_280, %reduce_sum3A_281 [1] : vector<256x128xf32> to vector<256xf32>
    %broadcast_in_dim3A_283 = vector.shape_cast %reduce_sum3A_282 : vector<256xf32> to vector<256x1xf32>
    %div3A_284 = arith.constant 1.280000e+02 : f32
    %div3A_285 = vector.broadcast %div3A_284 : f32 to vector<256x1xf32>
    %div3A_286 = arith.divf %broadcast_in_dim3A_283, %div3A_285 : vector<256x1xf32>
    %sub3A_287 = vector.broadcast %div3A_277 : vector<256x1xf32> to vector<256x128xf32>
    %sub3A_288 = arith.subf %add3A_265, %sub3A_287 : vector<256x128xf32>
    %add3A_289 = arith.constant 9.99999974E-6 : f32
    %add3A_290 = vector.broadcast %add3A_289 : f32 to vector<256x1xf32>
    %add3A_291 = arith.addf %div3A_286, %add3A_290 : vector<256x1xf32>
    %rsqrt3A_292 = math.rsqrt %add3A_291 : vector<256x1xf32>
    %mul3A_293 = vector.broadcast %rsqrt3A_292 : vector<256x1xf32> to vector<256x128xf32>
    %mul3A_294 = arith.mulf %sub3A_288, %mul3A_293 : vector<256x128xf32>
    %mul3A_295 = vector.broadcast %get3A_268 : vector<1x128xf32> to vector<256x128xf32>
    %mul3A_296 = arith.mulf %mul3A_294, %mul3A_295 : vector<256x128xf32>
    %add3A_297 = vector.broadcast %get3A_271 : vector<1x128xf32> to vector<256x128xf32>
    %add3A_298 = arith.addf %mul3A_296, %add3A_297 : vector<256x128xf32>
    %mul3A_299 = arith.mulf %logistic3A_263, %add3A_134 : vector<256x128xf32>
    %add3A_300 = arith.addf %add3A_203, %mul3A_299 : vector<256x128xf32>
    %get3A_301 = arith.constant 0 : index
    %get3A_302 = arith.constant 0 : index
    %get3A_303 = vector.load %arg26[%get3A_301, %get3A_302] : memref<1x128xf32, #tpu.memory_space<vmem>>, vector<1x128xf32>
    %get3A_304 = arith.constant 0 : index
    %get3A_305 = arith.constant 0 : index
    %get3A_306 = vector.load %arg27[%get3A_304, %get3A_305] : memref<1x128xf32, #tpu.memory_space<vmem>>, vector<1x128xf32>
    %reduce_sum3A_307 = arith.constant dense<0.000000e+00> : vector<256xf32>
    %reduce_sum3A_308 = vector.multi_reduction <add>, %add3A_300, %reduce_sum3A_307 [1] : vector<256x128xf32> to vector<256xf32>
    %broadcast_in_dim3A_309 = vector.shape_cast %reduce_sum3A_308 : vector<256xf32> to vector<256x1xf32>
    %div3A_310 = arith.constant 1.280000e+02 : f32
    %div3A_311 = vector.broadcast %div3A_310 : f32 to vector<256x1xf32>
    %div3A_312 = arith.divf %broadcast_in_dim3A_309, %div3A_311 : vector<256x1xf32>
    %sub3A_313 = vector.broadcast %div3A_312 : vector<256x1xf32> to vector<256x128xf32>
    %sub3A_314 = arith.subf %add3A_300, %sub3A_313 : vector<256x128xf32>
    %integer_pow3A_315 = arith.mulf %sub3A_314, %sub3A_314 : vector<256x128xf32>
    %reduce_sum3A_316 = arith.constant dense<0.000000e+00> : vector<256xf32>
    %reduce_sum3A_317 = vector.multi_reduction <add>, %integer_pow3A_315, %reduce_sum3A_316 [1] : vector<256x128xf32> to vector<256xf32>
    %broadcast_in_dim3A_318 = vector.shape_cast %reduce_sum3A_317 : vector<256xf32> to vector<256x1xf32>
    %div3A_319 = arith.constant 1.280000e+02 : f32
    %div3A_320 = vector.broadcast %div3A_319 : f32 to vector<256x1xf32>
    %div3A_321 = arith.divf %broadcast_in_dim3A_318, %div3A_320 : vector<256x1xf32>
    %sub3A_322 = vector.broadcast %div3A_312 : vector<256x1xf32> to vector<256x128xf32>
    %sub3A_323 = arith.subf %add3A_300, %sub3A_322 : vector<256x128xf32>
    %add3A_324 = arith.constant 9.99999974E-6 : f32
    %add3A_325 = vector.broadcast %add3A_324 : f32 to vector<256x1xf32>
    %add3A_326 = arith.addf %div3A_321, %add3A_325 : vector<256x1xf32>
    %rsqrt3A_327 = math.rsqrt %add3A_326 : vector<256x1xf32>
    %mul3A_328 = vector.broadcast %rsqrt3A_327 : vector<256x1xf32> to vector<256x128xf32>
    %mul3A_329 = arith.mulf %sub3A_323, %mul3A_328 : vector<256x128xf32>
    %mul3A_330 = vector.broadcast %get3A_303 : vector<1x128xf32> to vector<256x128xf32>
    %mul3A_331 = arith.mulf %mul3A_329, %mul3A_330 : vector<256x128xf32>
    %add3A_332 = vector.broadcast %get3A_306 : vector<1x128xf32> to vector<256x128xf32>
    %add3A_333 = arith.addf %mul3A_331, %add3A_332 : vector<256x128xf32>
    %sub3A_334 = arith.subf %add3A_298, %add3A_333 : vector<256x128xf32>
    %abs3A = math.absf %sub3A_334 : vector<256x128xf32>
    %mul3A_335 = arith.mulf %add3A_298, %add3A_333 : vector<256x128xf32>
    %concatenate3A_336 = tpu.concatenate %add3A_298, %add3A_333, %abs3A, %mul3A_335 in 1 : vector<256x128xf32>, vector<256x128xf32>, vector<256x128xf32>, vector<256x128xf32> -> vector<256x512xf32>
    %get3A_337 = arith.constant 0 : index
    %get3A_338 = arith.constant 0 : index
    %get3A_339 = vector.load %arg28[%get3A_337, %get3A_338] : memref<512x256xf32, #tpu.memory_space<vmem>>, vector<512x256xf32>
    %dot_general3A_340 = arith.constant dense<0.000000e+00> : vector<256x256xf32>
    %dot_general3A_341 = tpu.matmul %concatenate3A_336, %get3A_339, %dot_general3A_340 {dimension_numbers = #tpu.dot_dimension_numbers<[1], [0], [0], [1], [0, 0, 1, 1], [], []>, transpose_lhs_hint = false} : vector<256x512xf32>, vector<512x256xf32>, vector<256x256xf32> -> vector<256x256xf32>
    %get3A_342 = arith.constant 0 : index
    %get3A_343 = arith.constant 0 : index
    %get3A_344 = vector.load %arg29[%get3A_342, %get3A_343] : memref<1x256xf32, #tpu.memory_space<vmem>>, vector<1x256xf32>
    %add3A_345 = vector.broadcast %get3A_344 : vector<1x256xf32> to vector<256x256xf32>
    %add3A_346 = arith.addf %dot_general3A_341, %add3A_345 : vector<256x256xf32>
    %max3A_347 = arith.constant 0.000000e+00 : f32
    %max3A_348 = vector.broadcast %max3A_347 : f32 to vector<256x256xf32>
    %max3A_349 = arith.maximumf %add3A_346, %max3A_348 : vector<256x256xf32>
    %get3A_350 = arith.constant 0 : index
    %get3A_351 = arith.constant 0 : index
    %get3A_352 = vector.load %arg30[%get3A_350, %get3A_351] : memref<256x128xf32, #tpu.memory_space<vmem>>, vector<256x128xf32>
    %dot_general3A_353 = arith.constant dense<0.000000e+00> : vector<256x128xf32>
    %dot_general3A_354 = tpu.matmul %max3A_349, %get3A_352, %dot_general3A_353 {dimension_numbers = #tpu.dot_dimension_numbers<[1], [0], [0], [1], [0, 0, 1, 1], [], []>, transpose_lhs_hint = false} : vector<256x256xf32>, vector<256x128xf32>, vector<256x128xf32> -> vector<256x128xf32>
    %get3A_355 = arith.constant 0 : index
    %get3A_356 = arith.constant 0 : index
    %get3A_357 = vector.load %arg31[%get3A_355, %get3A_356] : memref<1x128xf32, #tpu.memory_space<vmem>>, vector<1x128xf32>
    %add3A_358 = vector.broadcast %get3A_357 : vector<1x128xf32> to vector<256x128xf32>
    %add3A_359 = arith.addf %dot_general3A_354, %add3A_358 : vector<256x128xf32>
    %max3A_360 = arith.constant 0.000000e+00 : f32
    %max3A_361 = vector.broadcast %max3A_360 : f32 to vector<256x128xf32>
    %max3A_362 = arith.maximumf %add3A_359, %max3A_361 : vector<256x128xf32>
    %get3A_363 = arith.constant 0 : index
    %get3A_364 = arith.constant 0 : index
    %get3A_365 = vector.load %arg32[%get3A_363, %get3A_364] : memref<128x86xf32, #tpu.memory_space<vmem>>, vector<128x86xf32>
    %dot_general3A_366 = arith.constant dense<0.000000e+00> : vector<256x86xf32>
    %dot_general3A_367 = tpu.matmul %max3A_362, %get3A_365, %dot_general3A_366 {dimension_numbers = #tpu.dot_dimension_numbers<[1], [0], [0], [1], [0, 0, 1, 1], [], []>, transpose_lhs_hint = false} : vector<256x128xf32>, vector<128x86xf32>, vector<256x86xf32> -> vector<256x86xf32>
    %get3A_368 = arith.constant 0 : index
    %get3A_369 = arith.constant 0 : index
    %get3A_370 = vector.load %arg33[%get3A_368, %get3A_369] : memref<1x86xf32, #tpu.memory_space<vmem>>, vector<1x86xf32>
    %add3A_371 = vector.broadcast %get3A_370 : vector<1x86xf32> to vector<256x86xf32>
    %add3A_372 = arith.addf %dot_general3A_367, %add3A_371 : vector<256x86xf32>
    %swap3A = arith.constant 0 : index
    %swap3A_373 = arith.constant 0 : index
    %swap3A_374 = vector.load %arg38[%swap3A, %swap3A_373] : memref<256x86xf32, #tpu.memory_space<vmem>>, vector<256x86xf32>
    tpu.vector_store %arg38[%swap3A, %swap3A_373], %add3A_372 {strides = array<i32>} : memref<256x86xf32, #tpu.memory_space<vmem>>, vector<256x86xf32>,
    %get3A_375 = arith.constant 0 : index
    %get3A_376 = arith.constant 0 : index
    %get3A_377 = vector.load %arg34[%get3A_375, %get3A_376] : memref<128x64xf32, #tpu.memory_space<vmem>>, vector<128x64xf32>
    %dot_general3A_378 = arith.constant dense<0.000000e+00> : vector<256x64xf32>
    %dot_general3A_379 = tpu.matmul %max3A_362, %get3A_377, %dot_general3A_378 {dimension_numbers = #tpu.dot_dimension_numbers<[1], [0], [0], [1], [0, 0, 1, 1], [], []>, transpose_lhs_hint = false} : vector<256x128xf32>, vector<128x64xf32>, vector<256x64xf32> -> vector<256x64xf32>
    %get3A_380 = arith.constant 0 : index
    %get3A_381 = arith.constant 0 : index
    %get3A_382 = vector.load %arg35[%get3A_380, %get3A_381] : memref<1x64xf32, #tpu.memory_space<vmem>>, vector<1x64xf32>
    %add3A_383 = vector.broadcast %get3A_382 : vector<1x64xf32> to vector<256x64xf32>
    %add3A_384 = arith.addf %dot_general3A_379, %add3A_383 : vector<256x64xf32>
    %max3A_385 = arith.constant 0.000000e+00 : f32
    %max3A_386 = vector.broadcast %max3A_385 : f32 to vector<256x64xf32>
    %max3A_387 = arith.maximumf %add3A_384, %max3A_386 : vector<256x64xf32>
    %get3A_388 = arith.constant 0 : index
    %get3A_389 = arith.constant 0 : index
    %get3A_390 = vector.load %arg36[%get3A_388, %get3A_389] : memref<64x1xf32, #tpu.memory_space<vmem>>, vector<64x1xf32>
    %dot_general3A_391 = arith.constant dense<0.000000e+00> : vector<256x1xf32>
    %dot_general3A_392 = tpu.matmul %max3A_387, %get3A_390, %dot_general3A_391 {dimension_numbers = #tpu.dot_dimension_numbers<[1], [0], [0], [1], [0, 0, 1, 1], [], []>, transpose_lhs_hint = false} : vector<256x64xf32>, vector<64x1xf32>, vector<256x1xf32> -> vector<256x1xf32>
    %get3A_393 = arith.constant 0 : index
    %get3A_394 = arith.constant 0 : index
    %get3A_395 = vector.load %arg37[%get3A_393, %get3A_394] : memref<1x1xf32, #tpu.memory_space<vmem>>, vector<1x1xf32>
    %add3A_396 = vector.broadcast %get3A_395 : vector<1x1xf32> to vector<256x1xf32>
    %add3A_397 = arith.addf %dot_general3A_392, %add3A_396 : vector<256x1xf32>
    %max3A_398 = arith.constant 0.000000e+00 : f32
    %max3A_399 = vector.broadcast %max3A_398 : f32 to vector<256x1xf32>
    %max3A_400 = arith.maximumf %add3A_397, %max3A_399 : vector<256x1xf32>
    %abs3A_401 = math.absf %add3A_397 : vector<256x1xf32>
    %neg3A = arith.constant 0.000000e+00 : f32
    %neg3A_402 = vector.broadcast %neg3A : f32 to vector<256x1xf32>
    %neg3A_403 = arith.subf %neg3A_402, %abs3A_401 : vector<256x1xf32>
    %exp3A = math.exp %neg3A_403 : vector<256x1xf32>
    %add3A_404 = arith.constant 1.000000e+00 : f32
    %add3A_405 = vector.broadcast %add3A_404 : f32 to vector<256x1xf32>
    %add3A_406 = arith.addf %add3A_405, %exp3A : vector<256x1xf32>
    %log3A = math.log %add3A_406 : vector<256x1xf32>
    %add3A_407 = arith.addf %max3A_400, %log3A : vector<256x1xf32>
    %swap3A_408 = arith.constant 0 : index
    %swap3A_409 = arith.constant 0 : index
    %swap3A_410 = vector.load %arg39[%swap3A_408, %swap3A_409] : memref<256x1xf32, #tpu.memory_space<vmem>>, vector<256x1xf32>
    tpu.vector_store %arg39[%swap3A_408, %swap3A_409], %add3A_407 {strides = array<i32>} : memref<256x1xf32, #tpu.memory_space<vmem>>, vector<256x1xf32>,
    return
  }
}

</mosaic_0001>

<sc_bundles>
// kernel: kernel.21.cloned.1.call-start
scs
__scs_entry_jumppad:
0x0: {  	(pc) =	sbr.rel $0x88, $3  }
0x1: {  	(tag) =	ssettag $0x0;
	lr =	simm.s32 $0x1  }
0x2: {  	[smem:$0x3F42] =	sst lr;
	_ =	strace $0xD0000000  }
0x3: {  	_ = 	snop  }
0x4: {  	_ = 	snop  }
0x5: {  	_ = 	snop  }
0x6: {  	_ = 	snop  }
0x7: {  	_ = 	snop  }
__scs_overlays_trampoline_lowered:
0x8: {  	[smem:$0x3F51] =	sst s0  }
0x9: {  	[smem:$0x3F52] =	sst s1  }
0xa: {  	[smem:$0x3F53] =	sst s2  }
0xb: {  	[smem:$0x3F54] =	sst s3  }
0xc: {  	[smem:$0x3F55] =	sst s4  }
0xd: {  	[smem:$0x3F56] =	sst s5  }
0xe: {  	[smem:$0x3F57] =	sst s6  }
0xf: {  	[smem:$0x3F58] =	sst s7  }
0x10: {  	[smem:$0x3F59] =	sst s8  }
0x11: {  	[smem:$0x3F5A] =	sst s9;
	s0 =	simm.s32 @!p0 $0x0  }
0x12: {  	s1 =	sld [smem:$0x3F40];
	s0 =	simm.s32 @p0 $0x1  }
0x13: {  	[smem:$0x3F5B] =	sst s0;
	s0 =	simm.s32 @!p1 $0x0  }
0x14: {  	s2 =	sld [smem:$0x3F3F];
	s0 =	simm.s32 @p1 $0x1  }
0x15: {  	[smem:$0x3F5C] =	sst s0;
	s0 =	simm.s32 @!p2 $0x0  }
0x16: {  	s3 =	sld [smem:$0x3FDB];
	s0 =	simm.s32 @p2 $0x1  }
0x17: {  	s4 =	simm.s32 $0x1BF5;
	[smem:$0x3F5E] =	sst s0  }
0x18: {  	s0 =	sld [smem:$0x3F41];
	_ =	swait.ge [sflag:s4], $0x0  }
0x19: {  	s7 =	sld [smem:$0x3F42]  }
0x1a: {  	s8 =	sadd.s32 $0xFFFFE003, lr  }
0x1b: {  	s9 =	sadd.s32 $0xFFFFFEF7, lr;
	s5 =	simm.s32 $0xFFFFFFFF;
	p2 =	slt.u32 s8, $0xFFFFF086  }
0x1c: {  	p1 =	slt.u32 s9, $0xF7A;
	s5 =	simm.s32 @!p2 $0x0  }
0x1d: {  	s5 =	simm.s32 @p1 $0x1;
	p0 =	seq.s32 s7, s2  }
0x1e: {  	s7 =	smul.u32 @!p0 $0xF7A, s2;
	p2 =	seq.s32 @!p0 s5, $0x0  }
0x1f: {  	s9 =	smul.u32 $0xF7A, s1;
	s8 =	simm.s32 @!p0 $0x1BF5;
	p2 =	por !p2, p0  }
0x20: {  	[sflag:s8] =	ssyncset.s32 @!p0 $0xFFFFF086;
	s6 =	sadd.s32 @!p0 s3, s7;
	s7 =	simm.s32 @!p0 $0x108  }
0x21: {  	s3 =	sadd.s32 s3, s9;
	s6 =	sadd.s32 @!p0 $0x88, s6;
	s7 =	simm.s32 @p2 $0x1082  }
0x22: {  	[simem:s7], [sflag:s8] =	dma.local @!p0 [hbm:s6], $0xF7A  }
0x23: {  	s9 =	sor.u32 $0xD0000000, s2;
	s6 =	simm.s32 $0x108;
	_ =	swait.ge @!p0 [sflag:s8], $0x0  }
0x24: {  	s3 =	sadd.s32 $0x88, s3;
	s6 =	simm.s32 @!p1 $0x1082;
	[sflag:s4] =	ssyncset.s32 $0xFFFFF086  }
0x25: {  	[simem:s6], [sflag:s4] =	dma.local [hbm:s3], $0xF7A  }
0x26: {  	[smem:$0x3F42] =	sst s1;
	(tag) =	ssettag s2;
	_ =	strace s9  }
0x27: {  	s1 =	sld [smem:$0x3F52]  }
0x28: {  	s2 =	sld [smem:$0x3F53]  }
0x29: {  	s4 =	sld [smem:$0x3F55]  }
0x2a: {  	p0 =	seq.s32 s5, $0x0;
	s5 =	sld [smem:$0x3F56]  }
0x2b: {  	s6 =	sld [smem:$0x3F57]  }
0x2c: {  	s7 =	sld [smem:$0x3F58]  }
0x2d: {  	s3 =	simm.s32 $0x108;
	s8 =	sld [smem:$0x3F59]  }
0x2e: {  	s3 =	simm.s32 @!p0 $0x1082;
	s9 =	sld [smem:$0x3F5A]  }
0x2f: {  	lr =	sadd.s32 s0, s3;
	s0 =	sld [smem:$0x3F51]  }
0x30: {  	s3 =	sld [smem:$0x3F54]  }
0x31: {  	[smem:$0x3F5D] =	sst s10  }
0x32: {  	s10 =	sld [smem:$0x3F5B];
	_ =	sdelay $0x3  }
0x33: {  	p0 =	seq.s32 s10, $0x1;
	s10 =	sld [smem:$0x3F5D];
	_ =	sdelay $0x3  }
0x34: {  	[smem:$0x3F5D] =	sst s10  }
0x35: {  	s10 =	sld [smem:$0x3F5C];
	_ =	sdelay $0x3  }
0x36: {  	p1 =	seq.s32 s10, $0x1;
	s10 =	sld [smem:$0x3F5D];
	_ =	sdelay $0x3  }
0x37: {  	[smem:$0x3F5D] =	sst s10  }
0x38: {  	s10 =	sld [smem:$0x3F5E]  }
0x39: {  	_ = 	snop;
	(pc) =	sbr.ind lr, $3  }
0x3a: {  	_ = 	snop  }
0x3b: {  	_ = 	snop  }
0x3c: {  	p2 =	seq.s32 s10, $0x1;
	s10 =	sld [smem:$0x3F5D]  }
0x3d: {  	_ =	shalt  }
0x3e: {  	_ =	shalt  }
0x3f: {  	_ =	shalt  }
0x40: {  	_ =	shalt  }
0x41: {  	_ =	shalt  }
0x42: {  	_ =	shalt  }
0x43: {  	_ =	shalt  }
0x44: {  	_ =	shalt  }
0x45: {  	_ =	shalt  }
0x46: {  	_ =	shalt  }
0x47: {  	_ =	shalt  }
0x48: {  	_ =	shalt  }
0x49: {  	_ =	shalt  }
0x4a: {  	_ =	shalt  }
0x4b: {  	_ =	shalt  }
0x4c: {  	_ =	shalt  }
0x4d: {  	_ =	shalt  }
0x4e: {  	_ =	shalt  }
0x4f: {  	_ =	shalt  }
0x50: {  	_ =	shalt  }
0x51: {  	_ =	shalt  }
0x52: {  	_ =	shalt  }
0x53: {  	_ =	shalt  }
0x54: {  	_ =	shalt  }
0x55: {  	_ =	shalt  }
0x56: {  	_ =	shalt  }
0x57: {  	_ =	shalt  }
0x58: {  	_ =	shalt  }
0x59: {  	_ =	shalt  }
0x5a: {  	_ =	shalt  }
0x5b: {  	_ =	shalt  }
0x5c: {  	_ =	shalt  }
0x5d: {  	_ =	shalt  }
0x5e: {  	_ =	shalt  }
0x5f: {  	_ =	shalt  }
0x60: {  	_ =	shalt  }
0x61: {  	_ =	shalt  }
0x62: {  	_ =	shalt  }
0x63: {  	_ =	shalt  }
0x64: {  	_ =	shalt  }
0x65: {  	_ =	shalt  }
0x66: {  	_ =	shalt  }
0x67: {  	_ =	shalt  }
0x68: {  	_ =	shalt  }
0x69: {  	_ =	shalt  }
0x6a: {  	_ =	shalt  }
0x6b: {  	_ =	shalt  }
0x6c: {  	_ =	shalt  }
0x6d: {  	_ =	shalt  }
0x6e: {  	_ =	shalt  }
0x6f: {  	_ =	shalt  }
0x70: {  	_ =	shalt  }
0x71: {  	_ =	shalt  }
0x72: {  	_ =	shalt  }
0x73: {  	_ =	shalt  }
0x74: {  	_ =	shalt  }
0x75: {  	_ =	shalt  }
0x76: {  	_ =	shalt  }
0x77: {  	_ =	shalt  }
0x78: {  	_ =	shalt  }
0x79: {  	_ =	shalt  }
0x7a: {  	_ =	shalt  }
0x7b: {  	_ =	shalt  }
0x7c: {  	_ =	shalt  }
0x7d: {  	_ =	shalt  }
0x7e: {  	_ =	shalt  }
0x7f: {  	_ =	shalt  }
0x80: {  	_ =	shalt  }
0x81: {  	_ =	shalt  }
0x82: {  	_ =	shalt  }
0x83: {  	_ =	shalt  }
0x84: {  	_ =	shalt  }
0x85: {  	_ =	shalt  }
0x86: {  	_ =	shalt  }
0x87: {  	_ =	shalt  }
.Lfunc_end0:
.L_simem_size_0:
called_computation_lowered:
.L_overlay_start_0:
0x88: {  	s2 =	sld [smem:$0x3FD9]  }
0x89: {  	s3 =	sld [smem:$0x3FFE];
	_ =	sdelay $0x1  }
0x8a: {  	s1 =	srdreg.scid  }
0x8b: {  	s0 =	sand.u32 $0x1, s1  }
0x8c: {  	s16 =	sshll.u32 s0, $0xA;
	s2 =	sadd.s32 s3, s2  }
0x8d: {  	s2 =	sadd.s32 s2, s16  }
0x8e: {  	[smem:$0x3F69] =	sst s2  }
0x8f: {  	_ = 	snop  }
0x90: {  	(tm) =	ssettm $0x1  }
0x91: {  	s17 =	sld [smem:$0x3FFB];
	_ =	sdelay $0x3  }
0x92: {  	_ =	strace s17  }
0x93: {  	s2 =	sld [smem:$0x3FFC];
	_ =	sdelay $0x3  }
0x94: {  	_ =	strace s2  }
0x95: {  	s2 =	sld [smem:$0x3FFD];
	_ =	sdelay $0x3  }
0x96: {  	_ =	strace s2  }
0x97: {  	_ =	strace $0x8FFFFFFF  }
0x98: {  	s18 =	sld [smem:$0x3FDB];
	_ =	sdelay $0x1  }
0x99: {  	s19 =	simm.s32 $_scs_section_size  }
0x9a: {  	s4 =	simm.s32 $_size__tile_overlayer_lowered;
	s5 =	simm.s32 $_tile_overlayer_lowered  }
0x9b: {  	s22 =	simm.s32 $0x1BFF;
	s21 =	sshll.u32 s5, $0x1;
	s2 =	sadd.s32 s19, s18  }
0x9c: {  	s6 =	simm.s32 $0x0;
	s20 =	sshll.u32 s4, $0x1;
	s4 =	sadd.s32 s21, s2  }
0x9d: {  	[timem:s6], [sflag:s22] =	dma.local [hbm:s4], s20  }
0x9e: {  	_ =	swait.ge [sflag:s22], s20  }
0x9f: {  	s3 =	ssub.s32 $0x0, s20;
	[sflag:s22] =	ssyncset.done $0x0  }
0xa0: {  	[sflag:s22] =	ssyncadd.s32 s3;
	_ =	sdelay $0x1  }
0xa1: {  	s23 =	simm.s32 $0x1B8B  }
0xa2: {  	_ =	swait.ge [sflag:s23], $0x1  }
0xa3: {  	[sflag:s23] =	ssyncset.done $0x0  }
0xa4: {  	s25 =	simm.s32 $0x1B8E;
	s24 =	sld [smem:$0x3FFE];
	[sflag:s23] =	ssyncadd.s32 $0xFFFFFFFF  }
0xa5: {  	s26 =	simm.s32 $execute0_lowered;
	[smem:$0x3FD2] =	sst s25  }
0xa6: {  	s4 =	sshll.u32 s26, $0x1;
	_ =	strace $0x80000046;
	[dreg:$0x1] =	wrdreg $0xFFFFFFFF  }
0xa7: {  	s28 =	simm.s32 $_size_execute0_lowered;
	s2 =	sadd.s32 s2, s4;
	[dreg:$0x0] =	wrdreg $0x0  }
0xa8: {  	s4 =	sshll.u32 s28, $0x1;
	[dreg:$0x2] =	wrdreg s2  }
0xa9: {  	[dreg:$0x3] =	wrdreg s4  }
0xaa: {  	[dreg:$0x4] =	wrdreg $0xC0  }
0xab: {  	_ =	task [dreg:s6], $0x5FFFF  }
0xac: {  	[dreg:$0x1] =	wrdreg $0xFFFFFFFF  }
0xad: {  	[dreg:$0x0] =	wrdreg $0x60  }
0xae: {  	[dreg:$0x2] =	wrdreg s24  }
0xaf: {  	[dreg:$0x3] =	wrdreg $0x9  }
0xb0: {  	_ =	task.clear_ibuf [dreg:s6], $0x4FFFF;
	_ =	strace $0x90000046  }
0xb1: {  	s29 =	simm.s32 $0x9;
	_ =	strace $0x80000048  }
0xb2: {  	_ =	swait.ge [sflag:s29], $0x1  }
0xb3: {  	[sflag:s29] =	ssyncadd.s32 $0xFFFFFFFF  }
0xb4: {  	_ =	strace $0x90000048  }
0xb5: {  	_ =	sfence  }
0xb6: {  	s30 =	sld [smem:$0x0];
	_ =	sdelay $0x2  }
0xb7: {  	s31 =	sshll.u32 s1, $0xD;
	s1 =	sshrl.u32 s1, $0x2  }
0xb8: {  	s3 =	sand.u32 $0x4000, s31;
	s1 =	sadd.s32 s1, s30  }
0xb9: {  	s0 =	sor.u32 s3, s0;
	s1 =	sshll.u32 s1, $0x11  }
0xba: {  	s0 =	sor.u32 s1, s0  }
0xbb: {  	s0 =	sadd.s32 $0x8F2B, s0  }
0xbc: {  	[sflag:s0] =	ssyncadd.remote.s32 $0x1  }
0xbd: {  	_ =	sfence.sel $0xFFFF  }
0xbe: {  	[dreg:$0x0] =	wrdreg $0xFFFFFFFF;
	(pc) =	sbr.abs _section_cstart, $3  }
0xbf: {  	[dreg:$0x1] =	wrdreg $0xFFFFFFFF  }
0xc0: {  	_ =	task.clear_ibuf [dreg:s6], $0x2FFFF;
	_ =	strace $0x9FFFFFFF  }
0xc1: {  	(tm) =	ssettm $0x7FFFFFFF  }
tec
execute0_lowered:
.L_overlay_start_1:
0x0: {  	(tag) =	ssettag $0x1  }
0x1: {  	s1 =	srdreg.scid  }
0x2: {  	s0 =	stileid.u32;
	s4 =	rddreg [dreg:$0x0]  }
0x3: {  	s2 =	simm.s32 $0x0;
	s10 =	simm.s32 $0x7;
	s11 =	simm.s32 $0x8  }
0x4: {  	s12 =	simm.s32 $0x9;
	s13 =	simm.s32 $0xA;
	s14 =	simm.s32 $0x0  }
0x5: {  	s5 =	sand.u32 $0x1, s1;
	s3 =	sshll.u32 s0, $0x1;
	s7 =	smul.u32 $0x500000, s0  }
0x6: {  	s1 =	rddreg [dreg:$0x1];
	s3 =	sor.u32 s5, s3;
	s9 =	smul.u32 $0x280000, s5  }
0x7: {  	[smem:$0x7FF] =	sst s2;
	s8 =	ssub.s32 $0x2, s5;
	s6 =	smul.u32 $0xA00, s3  }
0x8: {  	_ =	strace $0x80000047;
	s3 =	sadd.s32 $0xD800, s4;
	s31 =	sshrl.u32 s8, $0x1  }
0x9: {  	s7 =	sadd.s32 s9, s7;
	s9 =	simm.s32 $0x6;
	s30 =	sadd.s32 s6, s4  }
0xa: {  	s4 =	sadd.s32 $0x83A00, s4;
	s6 =	ssub.s32 s8, s31;
	s7 =	sadd.s32 $0xFFFF4000, s7  }
0xb: {  	s8 =	simm.s32 $0xB;
	s5 =	sadd.s32 $0x5BA00, s30;
	s6 =	smax.u32 s6, $0x1  }
.LBB2_1:
0xc: {  	[tilespmem:s2], [sflag:$0xB] =	stream.linear.gather [hbm4b:s5+s2], $0x5000, $0x38;
	[tilespmem:$0x19000] =	vst v63  }
0xd: {  	_ =	swait.ge [sflag:s8], $0x5000  }
0xe: {  	s15 =	smov.u32 s7;
	[sflag:s8] =	ssyncset.done $0x0  }
0xf: {  	s16 =	simm.s32 $0x0;
	s17 =	simm.s32 $0x0;
	[sflag:s8] =	ssyncadd.s32 $0xFFFFB000  }
.LBB2_2:
0x10: {  	p0 =	sgt.u32 s17, $0x9F  }
0x11: {  	p1 =	slt.u32 @!p0 s17, $0x5  }
0x12: {  	p1 =	por p1, p0  }
0x13: {  	s18 =	sadd.s32 @!p1 $0xFFFFFFFB, s17  }
0x14: {  	s19 =	sand.u32 @!p1 $0xFF, s18  }
0x15: {  	s19 =	smul.u32 @!p1 $0xCD, s19;
	_ =	sdelay $0x1  }
0x16: {  	s20 =	smul.u32 @!p0 $0xCD, s17;
	s19 =	sshrl.u32 @!p1 s19, $0xA  }
0x17: {  	s19 =	smul.u32 @!p1 $0x5, s19  }
0x18: {  	s20 =	sshrl.u32 @!p0 s20, $0xA  }
0x19: {  	s18 =	ssub.s32 @!p1 s18, s19;
	s19 =	sand.u32 @!p0 $0x3F, s20  }
0x1a: {  	s18 =	sand.u32 @!p1 $0xFF, s18;
	s19 =	smul.u32 @!p0 $0x5, s19  }
0x1b: {  	s18 =	sadd.s32 @!p1 $0x6, s18  }
0x1c: {  	_ =	swait.ge @!p1 [sflag:s18], $0x4000;
	s19 =	ssub.s32 @!p0 s17, s19  }
0x1d: {  	[sflag:s18] =	ssyncset.done @!p1 $0x0;
	s19 =	sand.u32 @!p0 $0xFF, s19  }
0x1e: {  	s20 =	simm.s32 @!p0 $0x80;
	[sflag:s18] =	ssyncadd.s32 @!p1 $0xFFFFC000;
	s18 =	sshll.u32 @!p0 s19, $0xE  }
0x1f: {  	s19 =	sadd.s32 @!p0 $0x1, s19;
	p1 =	slt.u32 @!p0 s17, $0x3;
	s18 =	sadd.s32 @!p0 $0x5000, s18  }
0x20: {  	[tilespmem:s18], [sflag:s19] =	stream.indirect.gather @!p0 [hbm4b:s3+s20], $0x80, s16, s20, $0xb8;
	[tilespmem:$0x19000] =	vst v63  }
0x21: {  	p0 =	por p0, !p1  }
0x22: {  	s18 =	sadd.s32 @p0 $0xFFFFFFFD, s17  }
0x23: {  	s19 =	sand.u32 @p0 $0xFF, s18  }
0x24: {  	s19 =	smul.u32 @p0 $0xCD, s19;
	_ =	sdelay $0x1  }
0x25: {  	s19 =	sshrl.u32 @p0 s19, $0xA  }
0x26: {  	s19 =	smul.u32 @p0 $0x5, s19;
	_ =	sdelay $0x1  }
0x27: {  	s18 =	ssub.s32 @p0 s18, s19  }
0x28: {  	s18 =	sand.u32 @p0 $0xFF, s18  }
0x29: {  	s19 =	sadd.s32 @p0 $0x1, s18  }
0x2a: {  	_ =	swait.ge @p0 [sflag:s19], $0x4000  }
0x2b: {  	s20 =	sshrl.u32 @p0 s15, $0x3;
	[sflag:s19] =	ssyncset.done @p0 $0x0  }
0x2c: {  	s17 =	sadd.s32 $0x1, s17;
	[sflag:s19] =	ssyncadd.s32 @p0 $0xFFFFC000;
	s19 =	sshll.u32 @p0 s18, $0xE  }
0x2d: {  	s20 =	sadd.s32 @p0 s4, s20;
	s18 =	sadd.s32 @p0 $0x6, s18;
	s19 =	sadd.s32 @p0 $0x5000, s19  }
0x2e: {  	[hbm4b:s20+s2] =	stream.linear.scatter @p0 [tilespmem:s19], [sflag:s18], $0x4000, $0x38;
	[tilespmem:$0x19000] =	vst v63  }
0x2f: {  	p0 =	sne.s32 s17, $0xA3  }
.Ltmp0:
0x30: {  	_ = 	snop;
	(pc) =	sbr.rel @p0 .LBB2_2-.Ltmp0, $2  }
0x31: {  	_ =	sdelay $0x2  }
0x32: {  	s16 =	sadd.s32 $0x80, s16;
	s15 =	sadd.s32 $0x4000, s15  }
0x33: {  	_ =	swait.ge [sflag:s9], $0x4000  }
0x34: {  	[sflag:s9] =	ssyncset.done $0x0  }
0x35: {  	[sflag:s9] =	ssyncadd.s32 $0xFFFFC000  }
0x36: {  	_ =	swait.ge [sflag:s10], $0x4000  }
0x37: {  	[sflag:s10] =	ssyncset.done $0x0  }
0x38: {  	[sflag:s10] =	ssyncadd.s32 $0xFFFFC000  }
0x39: {  	_ =	swait.ge [sflag:s11], $0x4000  }
0x3a: {  	[sflag:s11] =	ssyncset.done $0x0  }
0x3b: {  	s14 =	sadd.s32 $0x1, s14;
	[sflag:s11] =	ssyncadd.s32 $0xFFFFC000  }
0x3c: {  	p0 =	sne.s32 s14, s6;
	_ =	swait.ge [sflag:s12], $0x4000  }
.Ltmp1:
0x3d: {  	[sflag:s12] =	ssyncset.done $0x0;
	(pc) =	sbr.rel @p0 .LBB2_1-.Ltmp1, $4  }
0x3e: {  	[sflag:s12] =	ssyncadd.s32 $0xFFFFC000  }
0x3f: {  	_ =	swait.ge [sflag:s13], $0x4000  }
0x40: {  	[sflag:s13] =	ssyncset.done $0x0  }
0x41: {  	[sflag:s13] =	ssyncadd.s32 $0xFFFFC000  }
0x42: {  	_ =	sfence.sel $0x180000  }
0x43: {  	[bflag:$0x0] =	sbarrier.arrive $0xFFFF  }
0x44: {  	p0 =	sne.s32 s0, $0x0;
	_ =	strace $0x90000047  }
0x45: {  	s0 =	sadd.s32 @!p0 $0x100000, s1;
	[bflag:$0x2] =	sbarrier.arrive $0xFFFF  }
0x46: {  	[sflag:s0] =	ssyncadd.tile.s32 @!p0 $0x1;
	_ =	shalt  }
.Lfunc_end2:
_tile_overlayer_lowered:
.L_overlay_start_2:
0x47: {  	(tag) =	ssettag $0x2  }
0x48: {  	s0 =	rddreg [dreg:$0x0];
	s2 =	stileid.u32  }
0x49: {  	s1 =	rddreg [dreg:$0x1];
	p0 =	sne.s32 s2, $0x0  }
0x4a: {  	s3 =	rddreg [dreg:$0x2];
	[bflag:$0x3] =	sbarrier.arrive $0xFFFF;
	s2 =	simm.s32 @!p0 $0x1C0B  }
0x4b: {  	[timem:s3], [sflag:s2] =	dma.local @!p0 [hbm:s0], s1  }
0x4c: {  	s0 =	simm.s32 @!p0 $0xB  }
0x4d: {  	_ =	swait.ge @!p0 [sflag:s0], s1  }
0x4e: {  	s1 =	ssub.s32 @!p0 $0x0, s1;
	[sflag:s0] =	ssyncset.done @!p0 $0x0  }
0x4f: {  	[sflag:s0] =	ssyncadd.s32 @!p0 s1  }
0x50: {  	[bflag:$0x3] =	sbarrier.arrive $0xFFFF  }
0x51: {  	_ =	shalt  }

// kernel: kernel.24.cloned.1.call-start
scs
__scs_entry_jumppad:
0x0: {  	(pc) =	sbr.rel $0x88, $3  }
0x1: {  	(tag) =	ssettag $0x0;
	lr =	simm.s32 $0x1  }
0x2: {  	[smem:$0x3F42] =	sst lr;
	_ =	strace $0xD0000000  }
0x3: {  	_ = 	snop  }
0x4: {  	_ = 	snop  }
0x5: {  	_ = 	snop  }
0x6: {  	_ = 	snop  }
0x7: {  	_ = 	snop  }
__scs_overlays_trampoline_lowered:
0x8: {  	[smem:$0x3F51] =	sst s0  }
0x9: {  	[smem:$0x3F52] =	sst s1  }
0xa: {  	[smem:$0x3F53] =	sst s2  }
0xb: {  	[smem:$0x3F54] =	sst s3  }
0xc: {  	[smem:$0x3F55] =	sst s4  }
0xd: {  	[smem:$0x3F56] =	sst s5  }
0xe: {  	[smem:$0x3F57] =	sst s6  }
0xf: {  	[smem:$0x3F58] =	sst s7  }
0x10: {  	[smem:$0x3F59] =	sst s8  }
0x11: {  	[smem:$0x3F5A] =	sst s9;
	s0 =	simm.s32 @!p0 $0x0  }
0x12: {  	s1 =	sld [smem:$0x3F40];
	s0 =	simm.s32 @p0 $0x1  }
0x13: {  	[smem:$0x3F5B] =	sst s0;
	s0 =	simm.s32 @!p1 $0x0  }
0x14: {  	s2 =	sld [smem:$0x3F3F];
	s0 =	simm.s32 @p1 $0x1  }
0x15: {  	[smem:$0x3F5C] =	sst s0;
	s0 =	simm.s32 @!p2 $0x0  }
0x16: {  	s3 =	sld [smem:$0x3FDB];
	s0 =	simm.s32 @p2 $0x1  }
0x17: {  	s4 =	simm.s32 $0x1BF5;
	[smem:$0x3F5E] =	sst s0  }
0x18: {  	s0 =	sld [smem:$0x3F41];
	_ =	swait.ge [sflag:s4], $0x0  }
0x19: {  	s7 =	sld [smem:$0x3F42]  }
0x1a: {  	s8 =	sadd.s32 $0xFFFFE003, lr  }
0x1b: {  	s9 =	sadd.s32 $0xFFFFFEF7, lr;
	s5 =	simm.s32 $0xFFFFFFFF;
	p2 =	slt.u32 s8, $0xFFFFF086  }
0x1c: {  	p1 =	slt.u32 s9, $0xF7A;
	s5 =	simm.s32 @!p2 $0x0  }
0x1d: {  	s5 =	simm.s32 @p1 $0x1;
	p0 =	seq.s32 s7, s2  }
0x1e: {  	s7 =	smul.u32 @!p0 $0xF7A, s2;
	p2 =	seq.s32 @!p0 s5, $0x0  }
0x1f: {  	s9 =	smul.u32 $0xF7A, s1;
	s8 =	simm.s32 @!p0 $0x1BF5;
	p2 =	por !p2, p0  }
0x20: {  	[sflag:s8] =	ssyncset.s32 @!p0 $0xFFFFF086;
	s6 =	sadd.s32 @!p0 s3, s7;
	s7 =	simm.s32 @!p0 $0x108  }
0x21: {  	s3 =	sadd.s32 s3, s9;
	s6 =	sadd.s32 @!p0 $0x88, s6;
	s7 =	simm.s32 @p2 $0x1082  }
0x22: {  	[simem:s7], [sflag:s8] =	dma.local @!p0 [hbm:s6], $0xF7A  }
0x23: {  	s9 =	sor.u32 $0xD0000000, s2;
	s6 =	simm.s32 $0x108;
	_ =	swait.ge @!p0 [sflag:s8], $0x0  }
0x24: {  	s3 =	sadd.s32 $0x88, s3;
	s6 =	simm.s32 @!p1 $0x1082;
	[sflag:s4] =	ssyncset.s32 $0xFFFFF086  }
0x25: {  	[simem:s6], [sflag:s4] =	dma.local [hbm:s3], $0xF7A  }
0x26: {  	[smem:$0x3F42] =	sst s1;
	(tag) =	ssettag s2;
	_ =	strace s9  }
0x27: {  	s1 =	sld [smem:$0x3F52]  }
0x28: {  	s2 =	sld [smem:$0x3F53]  }
0x29: {  	s4 =	sld [smem:$0x3F55]  }
0x2a: {  	p0 =	seq.s32 s5, $0x0;
	s5 =	sld [smem:$0x3F56]  }
0x2b: {  	s6 =	sld [smem:$0x3F57]  }
0x2c: {  	s7 =	sld [smem:$0x3F58]  }
0x2d: {  	s3 =	simm.s32 $0x108;
	s8 =	sld [smem:$0x3F59]  }
0x2e: {  	s3 =	simm.s32 @!p0 $0x1082;
	s9 =	sld [smem:$0x3F5A]  }
0x2f: {  	lr =	sadd.s32 s0, s3;
	s0 =	sld [smem:$0x3F51]  }
0x30: {  	s3 =	sld [smem:$0x3F54]  }
0x31: {  	[smem:$0x3F5D] =	sst s10  }
0x32: {  	s10 =	sld [smem:$0x3F5B];
	_ =	sdelay $0x3  }
0x33: {  	p0 =	seq.s32 s10, $0x1;
	s10 =	sld [smem:$0x3F5D];
	_ =	sdelay $0x3  }
0x34: {  	[smem:$0x3F5D] =	sst s10  }
0x35: {  	s10 =	sld [smem:$0x3F5C];
	_ =	sdelay $0x3  }
0x36: {  	p1 =	seq.s32 s10, $0x1;
	s10 =	sld [smem:$0x3F5D];
	_ =	sdelay $0x3  }
0x37: {  	[smem:$0x3F5D] =	sst s10  }
0x38: {  	s10 =	sld [smem:$0x3F5E]  }
0x39: {  	_ = 	snop;
	(pc) =	sbr.ind lr, $3  }
0x3a: {  	_ = 	snop  }
0x3b: {  	_ = 	snop  }
0x3c: {  	p2 =	seq.s32 s10, $0x1;
	s10 =	sld [smem:$0x3F5D]  }
0x3d: {  	_ =	shalt  }
0x3e: {  	_ =	shalt  }
0x3f: {  	_ =	shalt  }
0x40: {  	_ =	shalt  }
0x41: {  	_ =	shalt  }
0x42: {  	_ =	shalt  }
0x43: {  	_ =	shalt  }
0x44: {  	_ =	shalt  }
0x45: {  	_ =	shalt  }
0x46: {  	_ =	shalt  }
0x47: {  	_ =	shalt  }
0x48: {  	_ =	shalt  }
0x49: {  	_ =	shalt  }
0x4a: {  	_ =	shalt  }
0x4b: {  	_ =	shalt  }
0x4c: {  	_ =	shalt  }
0x4d: {  	_ =	shalt  }
0x4e: {  	_ =	shalt  }
0x4f: {  	_ =	shalt  }
0x50: {  	_ =	shalt  }
0x51: {  	_ =	shalt  }
0x52: {  	_ =	shalt  }
0x53: {  	_ =	shalt  }
0x54: {  	_ =	shalt  }
0x55: {  	_ =	shalt  }
0x56: {  	_ =	shalt  }
0x57: {  	_ =	shalt  }
0x58: {  	_ =	shalt  }
0x59: {  	_ =	shalt  }
0x5a: {  	_ =	shalt  }
0x5b: {  	_ =	shalt  }
0x5c: {  	_ =	shalt  }
0x5d: {  	_ =	shalt  }
0x5e: {  	_ =	shalt  }
0x5f: {  	_ =	shalt  }
0x60: {  	_ =	shalt  }
0x61: {  	_ =	shalt  }
0x62: {  	_ =	shalt  }
0x63: {  	_ =	shalt  }
0x64: {  	_ =	shalt  }
0x65: {  	_ =	shalt  }
0x66: {  	_ =	shalt  }
0x67: {  	_ =	shalt  }
0x68: {  	_ =	shalt  }
0x69: {  	_ =	shalt  }
0x6a: {  	_ =	shalt  }
0x6b: {  	_ =	shalt  }
0x6c: {  	_ =	shalt  }
0x6d: {  	_ =	shalt  }
0x6e: {  	_ =	shalt  }
0x6f: {  	_ =	shalt  }
0x70: {  	_ =	shalt  }
0x71: {  	_ =	shalt  }
0x72: {  	_ =	shalt  }
0x73: {  	_ =	shalt  }
0x74: {  	_ =	shalt  }
0x75: {  	_ =	shalt  }
0x76: {  	_ =	shalt  }
0x77: {  	_ =	shalt  }
0x78: {  	_ =	shalt  }
0x79: {  	_ =	shalt  }
0x7a: {  	_ =	shalt  }
0x7b: {  	_ =	shalt  }
0x7c: {  	_ =	shalt  }
0x7d: {  	_ =	shalt  }
0x7e: {  	_ =	shalt  }
0x7f: {  	_ =	shalt  }
0x80: {  	_ =	shalt  }
0x81: {  	_ =	shalt  }
0x82: {  	_ =	shalt  }
0x83: {  	_ =	shalt  }
0x84: {  	_ =	shalt  }
0x85: {  	_ =	shalt  }
0x86: {  	_ =	shalt  }
0x87: {  	_ =	shalt  }
.Lfunc_end0:
.L_simem_size_0:
called_computation.1_lowered:
.L_overlay_start_0:
0x88: {  	s2 =	sld [smem:$0x3FD9]  }
0x89: {  	s3 =	sld [smem:$0x3FFE];
	_ =	sdelay $0x1  }
0x8a: {  	s1 =	srdreg.scid  }
0x8b: {  	s0 =	sand.u32 $0x1, s1  }
0x8c: {  	s16 =	sshll.u32 s0, $0xA;
	s2 =	sadd.s32 s3, s2  }
0x8d: {  	s2 =	sadd.s32 s2, s16  }
0x8e: {  	[smem:$0x3F69] =	sst s2  }
0x8f: {  	_ = 	snop  }
0x90: {  	(tm) =	ssettm $0x1  }
0x91: {  	s17 =	sld [smem:$0x3FFB];
	_ =	sdelay $0x3  }
0x92: {  	_ =	strace s17  }
0x93: {  	s2 =	sld [smem:$0x3FFC];
	_ =	sdelay $0x3  }
0x94: {  	_ =	strace s2  }
0x95: {  	s2 =	sld [smem:$0x3FFD];
	_ =	sdelay $0x3  }
0x96: {  	_ =	strace s2  }
0x97: {  	_ =	strace $0x8FFFFFFF  }
0x98: {  	s18 =	sld [smem:$0x3FDB];
	_ =	sdelay $0x1  }
0x99: {  	s19 =	simm.s32 $_scs_section_size  }
0x9a: {  	s4 =	simm.s32 $_size__tile_overlayer_lowered;
	s5 =	simm.s32 $_tile_overlayer_lowered  }
0x9b: {  	s22 =	simm.s32 $0x1BFF;
	s21 =	sshll.u32 s5, $0x1;
	s2 =	sadd.s32 s19, s18  }
0x9c: {  	s6 =	simm.s32 $0x0;
	s20 =	sshll.u32 s4, $0x1;
	s4 =	sadd.s32 s21, s2  }
0x9d: {  	[timem:s6], [sflag:s22] =	dma.local [hbm:s4], s20  }
0x9e: {  	_ =	swait.ge [sflag:s22], s20  }
0x9f: {  	s3 =	ssub.s32 $0x0, s20;
	[sflag:s22] =	ssyncset.done $0x0  }
0xa0: {  	[sflag:s22] =	ssyncadd.s32 s3;
	_ =	sdelay $0x1  }
0xa1: {  	s23 =	simm.s32 $0x1B8B  }
0xa2: {  	_ =	swait.ge [sflag:s23], $0x1  }
0xa3: {  	[sflag:s23] =	ssyncset.done $0x0  }
0xa4: {  	s25 =	simm.s32 $0x1B8E;
	s24 =	sld [smem:$0x3FFE];
	[sflag:s23] =	ssyncadd.s32 $0xFFFFFFFF  }
0xa5: {  	s26 =	simm.s32 $execute0_lowered;
	[smem:$0x3FD2] =	sst s25  }
0xa6: {  	s4 =	sshll.u32 s26, $0x1;
	_ =	strace $0x80000049;
	[dreg:$0x1] =	wrdreg $0xFFFFFFFF  }
0xa7: {  	s28 =	simm.s32 $_size_execute0_lowered;
	s2 =	sadd.s32 s2, s4;
	[dreg:$0x0] =	wrdreg $0x0  }
0xa8: {  	s4 =	sshll.u32 s28, $0x1;
	[dreg:$0x2] =	wrdreg s2  }
0xa9: {  	[dreg:$0x3] =	wrdreg s4  }
0xaa: {  	[dreg:$0x4] =	wrdreg $0xC0  }
0xab: {  	_ =	task [dreg:s6], $0x5FFFF  }
0xac: {  	[dreg:$0x1] =	wrdreg $0xFFFFFFFF  }
0xad: {  	[dreg:$0x0] =	wrdreg $0x60  }
0xae: {  	[dreg:$0x2] =	wrdreg s24  }
0xaf: {  	[dreg:$0x3] =	wrdreg $0x91000  }
0xb0: {  	[dreg:$0x4] =	wrdreg $0x9  }
0xb1: {  	_ =	task.clear_ibuf [dreg:s6], $0x5FFFF;
	_ =	strace $0x90000049  }
0xb2: {  	s29 =	simm.s32 $0x9;
	_ =	strace $0x8000004B  }
0xb3: {  	_ =	swait.ge [sflag:s29], $0x1  }
0xb4: {  	[sflag:s29] =	ssyncadd.s32 $0xFFFFFFFF  }
0xb5: {  	_ =	strace $0x9000004B  }
0xb6: {  	_ =	sfence  }
0xb7: {  	s30 =	sld [smem:$0x0];
	_ =	sdelay $0x2  }
0xb8: {  	s31 =	sshll.u32 s1, $0xD;
	s1 =	sshrl.u32 s1, $0x2  }
0xb9: {  	s3 =	sand.u32 $0x4000, s31;
	s1 =	sadd.s32 s1, s30  }
0xba: {  	s0 =	sor.u32 s3, s0;
	s1 =	sshll.u32 s1, $0x11  }
0xbb: {  	s0 =	sor.u32 s1, s0  }
0xbc: {  	s0 =	sadd.s32 $0x8F2B, s0  }
0xbd: {  	[sflag:s0] =	ssyncadd.remote.s32 $0x1  }
0xbe: {  	_ =	sfence.sel $0xFFFF  }
0xbf: {  	[dreg:$0x0] =	wrdreg $0xFFFFFFFF;
	(pc) =	sbr.abs _section_cstart, $3  }
0xc0: {  	[dreg:$0x1] =	wrdreg $0xFFFFFFFF  }
0xc1: {  	_ =	task.clear_ibuf [dreg:s6], $0x2FFFF;
	_ =	strace $0x9FFFFFFF  }
0xc2: {  	(tm) =	ssettm $0x7FFFFFFF  }
0xc3: {  	_ =	shalt  }
tec
execute0_lowered:
.L_overlay_start_1:
0x0: {  	(tag) =	ssettag $0x1  }
0x1: {  	s0 =	rddreg [dreg:$0x0]  }
0x2: {  	s1 =	srdreg.scid;
	s9 =	stileid.u32  }
0x3: {  	s2 =	rddreg [dreg:$0x1];
	s5 =	smul.u32 $0x14000, s9  }
0x4: {  	s3 =	simm.s32 $0x0;
	s1 =	sand.u32 $0x1, s1;
	s7 =	smul.u32 $0x50000, s9  }
0x5: {  	[smem:$0x7FF] =	sst s3;
	s8 =	sadd.s32 $0x15C3A00, s0;
	s4 =	smul.u32 $0x140000, s1  }
0x6: {  	s9 =	smul.u32 $0x5000, s9;
	_ =	strace $0x8000004A;
	s23 =	ssub.s32 $0x2, s1  }
0x7: {  	s22 =	smul.u32 $0x50000, s1;
	s10 =	sshrl.u32 s23, $0x1;
	s4 =	sadd.s32 s5, s4  }
0x8: {  	s11 =	sshrl.u32 s7, $0x2;
	s24 =	ssub.s32 s23, s10;
	s6 =	sshrl.u32 s4, $0x3  }
0x9: {  	s4 =	sadd.s32 $0x6FA00, s0;
	s26 =	smax.u32 s24, $0x1;
	s0 =	sadd.s32 s6, s0  }
0xa: {  	s6 =	sadd.s32 s11, s2;
	[dreg:$0x4] =	wrdreg s26;
	s0 =	sadd.s32 $0x83A00, s0  }
0xb: {  	s5 =	sadd.s32 s9, s22;
	s9 =	sadd.s32 $0x1000, s6;
	[dreg:$0x3] =	wrdreg s0  }
0xc: {  	s11 =	sadd.s32 $0x2000, s6;
	[dreg:$0x5] =	wrdreg s9  }
0xd: {  	s12 =	sadd.s32 $0x3000, s6;
	[dreg:$0x6] =	wrdreg s11  }
0xe: {  	s13 =	sadd.s32 $0x4000, s6;
	[dreg:$0x7] =	wrdreg s12  }
0xf: {  	s14 =	sadd.s32 $0x5000, s6;
	[dreg:$0x8] =	wrdreg s13  }
0x10: {  	s15 =	sadd.s32 $0x6000, s6;
	[dreg:$0x9] =	wrdreg s14  }
0x11: {  	s18 =	smul.u32 $0x500000, s1;
	s16 =	sadd.s32 $0x7000, s6;
	[dreg:$0xa] =	wrdreg s15  }
0x12: {  	s25 =	sshll.u32 s5, $0x4;
	s17 =	sadd.s32 $0x8000, s6;
	[dreg:$0xb] =	wrdreg s16  }
0x13: {  	s10 =	sadd.s32 s8, s25;
	s19 =	sadd.s32 $0x9000, s6;
	[dreg:$0xc] =	wrdreg s17  }
0x14: {  	s25 =	sshrl.u32 s5, $0x3;
	s20 =	sadd.s32 $0xA000, s6;
	[dreg:$0xd] =	wrdreg s19  }
0x15: {  	s21 =	sadd.s32 $0xB000, s6;
	s22 =	sadd.s32 $0xC000, s6;
	[dreg:$0xe] =	wrdreg s20  }
0x16: {  	s23 =	sadd.s32 $0xD000, s6;
	s24 =	sadd.s32 $0xE000, s6;
	[dreg:$0xf] =	wrdreg s21  }
0x17: {  	s26 =	sadd.s32 $0xF000, s6;
	s28 =	sadd.s32 $0x10000, s6;
	[dreg:$0x10] =	wrdreg s22  }
0x18: {  	s29 =	sadd.s32 $0x11000, s6;
	s30 =	sadd.s32 $0x12000, s6;
	[dreg:$0x11] =	wrdreg s23  }
0x19: {  	s31 =	sadd.s32 $0x13000, s6;
	s1 =	sadd.s32 $0x800, s10;
	[dreg:$0x12] =	wrdreg s24  }
0x1a: {  	s0 =	sadd.s32 s18, s8;
	s24 =	sadd.s32 s4, s25;
	[dreg:$0x13] =	wrdreg s26  }
0x1b: {  	s26 =	smov.u32 s10;
	s8 =	simm.s32 $0x8100;
	s9 =	simm.s32 $0x7  }
0x1c: {  	s10 =	simm.s32 $0x80;
	s11 =	simm.s32 $0x1;
	s12 =	simm.s32 $0x3  }
0x1d: {  	s13 =	simm.s32 $0x5;
	s14 =	simm.s32 $0x6;
	s0 =	sadd.s32 s7, s0  }
0x1e: {  	v0 =	vimm.f32 $0.0e+00;
	s15 =	simm.s32 $0x0;
	s25 =	sadd.s32 $0x1000, s0;
	s0 =	sadd.s32 $0x10, s24  }
.LBB2_1:
0x1f: {  	s7 =	sand.u32 $0x3E00, s3  }
0x20: {  	s16 =	sand.u32 $0x70, s3;
	s17 =	sshrl.u32 s7, $0x2  }
0x21: {  	s7 =	simm.s32 $0x40;
	s17 =	sor.u32 s16, s17;
	s16 =	simm.s32 $0x0  }
.LBB2_2:
0x22: {  	p0 =	sne.s32 s7, $0x3FC0  }
0x23: {  	[tilespmem:s17+$0x8100] =	vst v0;
	s16 =	sadd.s32 $0x10, s16;
	s17 =	smov.u32 s7;
	s7 =	sadd.s32 $0x40, s7  }
.Ltmp0:
0x24: {  	(pc) =	sbr.rel @p0 .LBB2_2-.Ltmp0, $4  }
0x25: {  	_ = 	snop  }
0x26: {  	s17 =	sand.u32 $0x3E00, s17  }
0x27: {  	s18 =	sand.u32 $0x70, s16;
	s17 =	sshrl.u32 s17, $0x2  }
0x28: {  	s17 =	sor.u32 s18, s17  }
0x29: {  	[tilespmem:s17+$0x8100] =	vst v0  }
0x2a: {  	[spmem:s6] =	stream.linear.scatter [tilespmem:s8], [sflag:$0x7], $0x1000, $0x38;
	[tilespmem:$0x1D100] =	vst v63  }
0x2b: {  	_ =	swait.ge [sflag:s9], $0x1000  }
0x2c: {  	[sflag:s9] =	ssyncset.done $0x0  }
0x2d: {  	s7 =	rddreg [dreg:$0x5];
	[sflag:s9] =	ssyncadd.s32 $0xFFFFF000  }
0x2e: {  	[spmem:s7] =	stream.linear.scatter [tilespmem:s8], [sflag:$0x7], $0x1000, $0x38;
	[tilespmem:$0x1D100] =	vst v63  }
0x2f: {  	_ =	swait.ge [sflag:s9], $0x1000  }
0x30: {  	[sflag:s9] =	ssyncset.done $0x0  }
0x31: {  	s22 =	rddreg [dreg:$0x6];
	[sflag:s9] =	ssyncadd.s32 $0xFFFFF000  }
0x32: {  	[spmem:s22] =	stream.linear.scatter [tilespmem:s8], [sflag:$0x7], $0x1000, $0x38;
	[tilespmem:$0x1D100] =	vst v63  }
0x33: {  	_ =	swait.ge [sflag:s9], $0x1000  }
0x34: {  	[sflag:s9] =	ssyncset.done $0x0  }
0x35: {  	s23 =	rddreg [dreg:$0x7];
	[sflag:s9] =	ssyncadd.s32 $0xFFFFF000  }
0x36: {  	[spmem:s23] =	stream.linear.scatter [tilespmem:s8], [sflag:$0x7], $0x1000, $0x38;
	[tilespmem:$0x1D100] =	vst v63  }
0x37: {  	_ =	swait.ge [sflag:s9], $0x1000  }
0x38: {  	[sflag:s9] =	ssyncset.done $0x0  }
0x39: {  	s16 =	rddreg [dreg:$0x8];
	[sflag:s9] =	ssyncadd.s32 $0xFFFFF000  }
0x3a: {  	[spmem:s16] =	stream.linear.scatter [tilespmem:s8], [sflag:$0x7], $0x1000, $0x38;
	[tilespmem:$0x1D100] =	vst v63  }
0x3b: {  	_ =	swait.ge [sflag:s9], $0x1000  }
0x3c: {  	[sflag:s9] =	ssyncset.done $0x0  }
0x3d: {  	s17 =	rddreg [dreg:$0x9];
	[sflag:s9] =	ssyncadd.s32 $0xFFFFF000  }
0x3e: {  	[spmem:s17] =	stream.linear.scatter [tilespmem:s8], [sflag:$0x7], $0x1000, $0x38;
	[tilespmem:$0x1D100] =	vst v63  }
0x3f: {  	_ =	swait.ge [sflag:s9], $0x1000  }
0x40: {  	[sflag:s9] =	ssyncset.done $0x0  }
0x41: {  	s18 =	rddreg [dreg:$0xa];
	[sflag:s9] =	ssyncadd.s32 $0xFFFFF000  }
0x42: {  	[spmem:s18] =	stream.linear.scatter [tilespmem:s8], [sflag:$0x7], $0x1000, $0x38;
	[tilespmem:$0x1D100] =	vst v63  }
0x43: {  	_ =	swait.ge [sflag:s9], $0x1000  }
0x44: {  	[sflag:s9] =	ssyncset.done $0x0  }
0x45: {  	s19 =	rddreg [dreg:$0xb];
	[sflag:s9] =	ssyncadd.s32 $0xFFFFF000  }
0x46: {  	[spmem:s19] =	stream.linear.scatter [tilespmem:s8], [sflag:$0x7], $0x1000, $0x38;
	[tilespmem:$0x1D100] =	vst v63  }
0x47: {  	_ =	swait.ge [sflag:s9], $0x1000  }
0x48: {  	[sflag:s9] =	ssyncset.done $0x0  }
0x49: {  	s20 =	rddreg [dreg:$0xc];
	[sflag:s9] =	ssyncadd.s32 $0xFFFFF000  }
0x4a: {  	[spmem:s20] =	stream.linear.scatter [tilespmem:s8], [sflag:$0x7], $0x1000, $0x38;
	[tilespmem:$0x1D100] =	vst v63  }
0x4b: {  	_ =	swait.ge [sflag:s9], $0x1000  }
0x4c: {  	[sflag:s9] =	ssyncset.done $0x0  }
0x4d: {  	s21 =	rddreg [dreg:$0xd];
	[sflag:s9] =	ssyncadd.s32 $0xFFFFF000  }
0x4e: {  	[spmem:s21] =	stream.linear.scatter [tilespmem:s8], [sflag:$0x7], $0x1000, $0x38;
	[tilespmem:$0x1D100] =	vst v63  }
0x4f: {  	_ =	swait.ge [sflag:s9], $0x1000  }
0x50: {  	[sflag:s9] =	ssyncset.done $0x0  }
0x51: {  	s22 =	rddreg [dreg:$0xe];
	[sflag:s9] =	ssyncadd.s32 $0xFFFFF000  }
0x52: {  	[spmem:s22] =	stream.linear.scatter [tilespmem:s8], [sflag:$0x7], $0x1000, $0x38;
	[tilespmem:$0x1D100] =	vst v63  }
0x53: {  	_ =	swait.ge [sflag:s9], $0x1000  }
0x54: {  	[sflag:s9] =	ssyncset.done $0x0  }
0x55: {  	s23 =	rddreg [dreg:$0xf];
	[sflag:s9] =	ssyncadd.s32 $0xFFFFF000  }
0x56: {  	[spmem:s23] =	stream.linear.scatter [tilespmem:s8], [sflag:$0x7], $0x1000, $0x38;
	[tilespmem:$0x1D100] =	vst v63  }
0x57: {  	_ =	swait.ge [sflag:s9], $0x1000  }
0x58: {  	[sflag:s9] =	ssyncset.done $0x0  }
0x59: {  	s16 =	rddreg [dreg:$0x10];
	[sflag:s9] =	ssyncadd.s32 $0xFFFFF000  }
0x5a: {  	[spmem:s16] =	stream.linear.scatter [tilespmem:s8], [sflag:$0x7], $0x1000, $0x38;
	[tilespmem:$0x1D100] =	vst v63  }
0x5b: {  	_ =	swait.ge [sflag:s9], $0x1000  }
0x5c: {  	[sflag:s9] =	ssyncset.done $0x0  }
0x5d: {  	s17 =	rddreg [dreg:$0x11];
	[sflag:s9] =	ssyncadd.s32 $0xFFFFF000  }
0x5e: {  	[spmem:s17] =	stream.linear.scatter [tilespmem:s8], [sflag:$0x7], $0x1000, $0x38;
	[tilespmem:$0x1D100] =	vst v63  }
0x5f: {  	_ =	swait.ge [sflag:s9], $0x1000  }
0x60: {  	[sflag:s9] =	ssyncset.done $0x0  }
0x61: {  	s18 =	rddreg [dreg:$0x12];
	[sflag:s9] =	ssyncadd.s32 $0xFFFFF000  }
0x62: {  	[spmem:s18] =	stream.linear.scatter [tilespmem:s8], [sflag:$0x7], $0x1000, $0x38;
	[tilespmem:$0x1D100] =	vst v63  }
0x63: {  	_ =	swait.ge [sflag:s9], $0x1000  }
0x64: {  	[sflag:s9] =	ssyncset.done $0x0  }
0x65: {  	s19 =	rddreg [dreg:$0x13];
	[sflag:s9] =	ssyncadd.s32 $0xFFFFF000  }
0x66: {  	[spmem:s19] =	stream.linear.scatter [tilespmem:s8], [sflag:$0x7], $0x1000, $0x38;
	[tilespmem:$0x1D100] =	vst v63  }
0x67: {  	_ =	swait.ge [sflag:s9], $0x1000  }
0x68: {  	[sflag:s9] =	ssyncset.done $0x0  }
0x69: {  	[sflag:s9] =	ssyncadd.s32 $0xFFFFF000  }
0x6a: {  	[spmem:s28] =	stream.linear.scatter [tilespmem:s8], [sflag:$0x7], $0x1000, $0x38;
	[tilespmem:$0x1D100] =	vst v63  }
0x6b: {  	_ =	swait.ge [sflag:s9], $0x1000  }
0x6c: {  	[sflag:s9] =	ssyncset.done $0x0  }
0x6d: {  	[sflag:s9] =	ssyncadd.s32 $0xFFFFF000  }
0x6e: {  	[spmem:s29] =	stream.linear.scatter [tilespmem:s8], [sflag:$0x7], $0x1000, $0x38;
	[tilespmem:$0x1D100] =	vst v63  }
0x6f: {  	_ =	swait.ge [sflag:s9], $0x1000  }
0x70: {  	[sflag:s9] =	ssyncset.done $0x0  }
0x71: {  	[sflag:s9] =	ssyncadd.s32 $0xFFFFF000  }
0x72: {  	[spmem:s30] =	stream.linear.scatter [tilespmem:s8], [sflag:$0x7], $0x1000, $0x38;
	[tilespmem:$0x1D100] =	vst v63  }
0x73: {  	_ =	swait.ge [sflag:s9], $0x1000  }
0x74: {  	[sflag:s9] =	ssyncset.done $0x0  }
0x75: {  	[sflag:s9] =	ssyncadd.s32 $0xFFFFF000  }
0x76: {  	[spmem:s31] =	stream.linear.scatter [tilespmem:s8], [sflag:$0x7], $0x1000, $0x38;
	[tilespmem:$0x1D100] =	vst v63  }
0x77: {  	_ =	swait.ge [sflag:s9], $0x1000  }
0x78: {  	[sflag:s9] =	ssyncset.done $0x0  }
0x79: {  	[sflag:s9] =	ssyncadd.s32 $0xFFFFF000  }
0x7a: {  	[bflag:$0x0] =	sbarrier.arrive $0xFFFF  }
0x7b: {  	[tilespmem:s3], [sflag:$0x1] =	stream.linear.gather [hbm4b:s24+s3], $0x80, $0x38;
	[tilespmem:$0x1D100] =	vst v63  }
0x7c: {  	s7 =	simm.s32 $0x100  }
0x7d: {  	[tilespmem:s7], [sflag:$0x3] =	stream.linear.gather [hbm4b:s26+s3], $0x4000, $0x38;
	[tilespmem:$0x1D100] =	vst v63  }
0x7e: {  	_ = 	snop  }
0x7f: {  	[tilespmem:s10], [sflag:$0x2] =	stream.linear.gather [hbm4b:s0+s3], $0x80, $0x38;
	[tilespmem:$0x1D100] =	vst v63  }
0x80: {  	s16 =	simm.s32 $0x4100  }
0x81: {  	[tilespmem:s16], [sflag:$0x4] =	stream.linear.gather [hbm4b:s1+s3], $0x4000, $0x38;
	[tilespmem:$0x1D100] =	vst v63  }
0x82: {  	_ =	swait.ge [sflag:s11], $0x80  }
0x83: {  	p0 =	por $0x0, $0x0;
	[sflag:s11] =	ssyncset.done $0x0  }
0x84: {  	s17 =	sand.u32 @!p0 $0x7C00, s7;
	[sflag:s11] =	ssyncadd.s32 $0xFFFFFF80  }
0x85: {  	s17 =	sadd.s32 @!p0 s5, s17;
	s16 =	simm.s32 $0x2;
	_ =	swait.ge [sflag:s12], $0x4000  }
0x86: {  	s18 =	sand.u32 @!p0 $0x380, s7;
	s16 =	sand.u32 @!p0 $0x1, s16;
	[sflag:s12] =	ssyncset.done $0x0  }
0x87: {  	s17 =	sor.u32 @!p0 s18, s17;
	s19 =	sadd.s32 @!p0 $0x5, s16;
	[sflag:s12] =	ssyncadd.s32 $0xFFFFC000  }
0x88: {  	[spmem:s2] =	stream.indirect.scatter.add.f32 [tilespmem:s7], [sflag:$0x5], $0x80, s3, s10, $0xb8;
	[tilespmem:$0x1D100] =	vst v63  }
0x89: {  	s17 =	sshrl.u32 @!p0 s17, $0x3;
	_ =	swait.ge @!p0 [sflag:s19], $0x4000  }
0x8a: {  	s20 =	simm.s32 @!p0 $0x0;
	s17 =	sadd.s32 @!p0 s4, s17;
	[sflag:s19] =	ssyncset.done @!p0 $0x0  }
0x8b: {  	s18 =	sadd.s32 @!p0 $0x1, s16;
	[sflag:s19] =	ssyncadd.s32 @!p0 $0xFFFFC000;
	s19 =	sshll.u32 @!p0 s16, $0x7  }
0x8c: {  	[tilespmem:s19], [sflag:s18] =	stream.linear.gather @!p0 [hbm4b:s17+s20], $0x80, $0x38;
	[tilespmem:$0x1D100] =	vst v63  }
0x8d: {  	s22 =	sxor.u32 @!p0 $0x1, s16;
	s17 =	sshll.u32 @!p0 s16, $0xE  }
0x8e: {  	s22 =	simm.s32 @p0 $0x1;
	s16 =	sadd.s32 @!p0 $0x3, s16;
	s17 =	sor.u32 @!p0 $0x100, s17  }
0x8f: {  	[tilespmem:s17], [sflag:s16] =	stream.linear.gather @!p0 [hbm4b:s25+s20], $0x4000, $0x38;
	[tilespmem:$0x1D100] =	vst v63  }
0x90: {  	s20 =	sadd.s32 $0x1, s22  }
0x91: {  	s23 =	sshll.u32 s22, $0xE;
	_ =	swait.ge [sflag:s20], $0x80  }
0x92: {  	s21 =	sadd.s32 $0x3, s22;
	s18 =	sshll.u32 s22, $0x7;
	[sflag:s20] =	ssyncset.done $0x0  }
0x93: {  	s19 =	sor.u32 $0x100, s23;
	s16 =	simm.s32 $0x3;
	[sflag:s20] =	ssyncadd.s32 $0xFFFFFF80  }
0x94: {  	s17 =	sadd.s32 $0x800, s25;
	s20 =	sadd.s32 $0x5, s22;
	_ =	swait.ge [sflag:s21], $0x4000  }
.LBB2_4:
0x95: {  	[sflag:s21] =	ssyncset.done $0x0  }
0x96: {  	s7 =	sadd.s32 $0x80, s7;
	s22 =	smov.u32 s16;
	s16 =	sadd.s32 $0x1, s16  }
0x97: {  	p1 =	seq.s32 s22, $0xA0;
	p0 =	sne.s32 s16, $0xA1;
	[sflag:s21] =	ssyncadd.s32 $0xFFFFC000  }
0x98: {  	[spmem:s2] =	stream.indirect.scatter.add.f32 [tilespmem:s19], [sflag:s20], $0x80, s18, s10, $0xb8;
	[tilespmem:$0x1D100] =	vst v63  }
0x99: {  	s18 =	sand.u32 @!p1 $0x1, s22;
	s19 =	sand.u32 @!p1 $0x7C00, s7;
	s20 =	sand.u32 @!p1 $0x380, s7  }
0x9a: {  	s22 =	simm.s32 @!p1 $0x0;
	s21 =	sadd.s32 @!p1 $0x5, s18;
	s19 =	sadd.s32 @!p1 s5, s19  }
0x9b: {  	s19 =	sor.u32 @!p1 s20, s19;
	s20 =	sshll.u32 @!p1 s18, $0xE;
	_ =	swait.ge @!p1 [sflag:s21], $0x4000  }
0x9c: {  	s23 =	sadd.s32 @!p1 $0x1, s18;
	s19 =	sshrl.u32 @!p1 s19, $0x3;
	[sflag:s21] =	ssyncset.done @!p1 $0x0  }
0x9d: {  	s19 =	sadd.s32 @!p1 s4, s19;
	[sflag:s21] =	ssyncadd.s32 @!p1 $0xFFFFC000;
	s21 =	sshll.u32 @!p1 s18, $0x7  }
0x9e: {  	[tilespmem:s21], [sflag:s23] =	stream.linear.gather @!p1 [hbm4b:s19+s22], $0x80, $0x38;
	[tilespmem:$0x1D100] =	vst v63  }
0x9f: {  	s21 =	sxor.u32 @!p1 $0x1, s18  }
0xa0: {  	s19 =	sor.u32 @!p1 $0x100, s20;
	s20 =	sadd.s32 @!p1 $0x3, s18;
	s21 =	simm.s32 @p1 $0x1  }
0xa1: {  	s18 =	sshll.u32 s21, $0x7  }
0xa2: {  	[tilespmem:s19], [sflag:s20] =	stream.linear.gather @!p1 [hbm4b:s17+s22], $0x4000, $0x38;
	[tilespmem:$0x1D100] =	vst v63  }
.Ltmp1:
0xa3: {  	s22 =	sadd.s32 $0x1, s21;
	s19 =	sshll.u32 s21, $0xE;
	(pc) =	sbr.rel @p0 .LBB2_4-.Ltmp1, $4  }
0xa4: {  	s20 =	sadd.s32 $0x5, s21;
	s19 =	sor.u32 $0x100, s19;
	_ =	swait.ge [sflag:s22], $0x80  }
0xa5: {  	s21 =	sadd.s32 $0x3, s21;
	[sflag:s22] =	ssyncset.done $0x0  }
0xa6: {  	[sflag:s22] =	ssyncadd.s32 $0xFFFFFF80  }
0xa7: {  	s17 =	sadd.s32 $0x800, s17;
	_ =	swait.ge [sflag:s21], $0x4000  }
0xa8: {  	[sflag:s21] =	ssyncset.done $0x0  }
0xa9: {  	[sflag:s21] =	ssyncadd.s32 $0xFFFFC000  }
0xaa: {  	[spmem:s2] =	stream.indirect.scatter.add.f32 [tilespmem:s19], [sflag:s20], $0x80, s18, s10, $0xb8;
	[tilespmem:$0x1D100] =	vst v63  }
0xab: {  	_ =	swait.ge [sflag:s13], $0x4000  }
0xac: {  	[sflag:s13] =	ssyncset.done $0x0  }
0xad: {  	[sflag:s13] =	ssyncadd.s32 $0xFFFFC000  }
0xae: {  	_ =	swait.ge [sflag:s14], $0x4000  }
0xaf: {  	[sflag:s14] =	ssyncset.done $0x0  }
0xb0: {  	s7 =	stileid.u32;
	[sflag:s14] =	ssyncadd.s32 $0xFFFFC000  }
0xb1: {  	s7 =	sshll.u32 s7, $0x6;
	[bflag:$0x0] =	sbarrier.arrive $0xFFFF  }
0xb2: {  	s16 =	sshrl.u32 s6, $0x3;
	s7 =	sor.u32 $0x1C07, s7;
	s17 =	rddreg [dreg:$0x3]  }
0xb3: {  	[hbm:s17], [sflag:s7] =	dma.local [spmem:s16], $0x2800  }
0xb4: {  	_ =	swait.ge [sflag:s9], $0x2800  }
0xb5: {  	s15 =	sadd.s32 $0x1, s15;
	s23 =	rddreg [dreg:$0x4]  }
0xb6: {  	p0 =	sne.s32 s15, s23  }
.Ltmp2:
0xb7: {  	_ = 	snop;
	(pc) =	sbr.rel @p0 .LBB2_1-.Ltmp2, $3  }
0xb8: {  	_ =	sdelay $0x1  }
0xb9: {  	[sflag:s9] =	ssyncset.done $0x0  }
0xba: {  	[sflag:s9] =	ssyncadd.s32 $0xFFFFD800  }
0xbb: {  	_ =	sfence.sel $0x180000  }
0xbc: {  	[bflag:$0x0] =	sbarrier.arrive $0xFFFF  }
0xbd: {  	_ =	strace $0x9000004A  }
0xbe: {  	s0 =	stileid.u32;
	[bflag:$0x2] =	sbarrier.arrive $0xFFFF  }
0xbf: {  	p0 =	sne.s32 s0, $0x0;
	s0 =	rddreg [dreg:$0x2]  }
0xc0: {  	s0 =	sadd.s32 @!p0 $0x100000, s0  }
0xc1: {  	[sflag:s0] =	ssyncadd.tile.s32 @!p0 $0x1;
	_ =	shalt  }
.Lfunc_end2:
_tile_overlayer_lowered:
.L_overlay_start_2:
0xc2: {  	(tag) =	ssettag $0x2  }
0xc3: {  	s0 =	rddreg [dreg:$0x0];
	s2 =	stileid.u32  }
0xc4: {  	s1 =	rddreg [dreg:$0x1];
	p0 =	sne.s32 s2, $0x0  }
0xc5: {  	s3 =	rddreg [dreg:$0x2];
	[bflag:$0x3] =	sbarrier.arrive $0xFFFF;
	s2 =	simm.s32 @!p0 $0x1C07  }
0xc6: {  	[timem:s3], [sflag:s2] =	dma.local @!p0 [hbm:s0], s1  }
0xc7: {  	s0 =	simm.s32 @!p0 $0x7  }
0xc8: {  	_ =	swait.ge @!p0 [sflag:s0], s1  }
0xc9: {  	s1 =	ssub.s32 @!p0 $0x0, s1;
	[sflag:s0] =	ssyncset.done @!p0 $0x0  }
0xca: {  	[sflag:s0] =	ssyncadd.s32 @!p0 s1  }
0xcb: {  	[bflag:$0x3] =	sbarrier.arrive $0xFFFF  }
0xcc: {  	_ =	shalt  }

// kernel: kernel.27.cloned.1.call-start
scs
__scs_entry_jumppad:
0x0: {  	(pc) =	sbr.rel $0x88, $3  }
0x1: {  	(tag) =	ssettag $0x0;
	lr =	simm.s32 $0x1  }
0x2: {  	[smem:$0x3F42] =	sst lr;
	_ =	strace $0xD0000000  }
0x3: {  	_ = 	snop  }
0x4: {  	_ = 	snop  }
0x5: {  	_ = 	snop  }
0x6: {  	_ = 	snop  }
0x7: {  	_ = 	snop  }
__scs_overlays_trampoline_lowered:
0x8: {  	[smem:$0x3F51] =	sst s0  }
0x9: {  	[smem:$0x3F52] =	sst s1  }
0xa: {  	[smem:$0x3F53] =	sst s2  }
0xb: {  	[smem:$0x3F54] =	sst s3  }
0xc: {  	[smem:$0x3F55] =	sst s4  }
0xd: {  	[smem:$0x3F56] =	sst s5  }
0xe: {  	[smem:$0x3F57] =	sst s6  }
0xf: {  	[smem:$0x3F58] =	sst s7  }
0x10: {  	[smem:$0x3F59] =	sst s8  }
0x11: {  	[smem:$0x3F5A] =	sst s9;
	s0 =	simm.s32 @!p0 $0x0  }
0x12: {  	s1 =	sld [smem:$0x3F40];
	s0 =	simm.s32 @p0 $0x1  }
0x13: {  	[smem:$0x3F5B] =	sst s0;
	s0 =	simm.s32 @!p1 $0x0  }
0x14: {  	s2 =	sld [smem:$0x3F3F];
	s0 =	simm.s32 @p1 $0x1  }
0x15: {  	[smem:$0x3F5C] =	sst s0;
	s0 =	simm.s32 @!p2 $0x0  }
0x16: {  	s3 =	sld [smem:$0x3FDB];
	s0 =	simm.s32 @p2 $0x1  }
0x17: {  	s4 =	simm.s32 $0x1BF5;
	[smem:$0x3F5E] =	sst s0  }
0x18: {  	s0 =	sld [smem:$0x3F41];
	_ =	swait.ge [sflag:s4], $0x0  }
0x19: {  	s7 =	sld [smem:$0x3F42]  }
0x1a: {  	s8 =	sadd.s32 $0xFFFFE003, lr  }
0x1b: {  	s9 =	sadd.s32 $0xFFFFFEF7, lr;
	s5 =	simm.s32 $0xFFFFFFFF;
	p2 =	slt.u32 s8, $0xFFFFF086  }
0x1c: {  	p1 =	slt.u32 s9, $0xF7A;
	s5 =	simm.s32 @!p2 $0x0  }
0x1d: {  	s5 =	simm.s32 @p1 $0x1;
	p0 =	seq.s32 s7, s2  }
0x1e: {  	s7 =	smul.u32 @!p0 $0xF7A, s2;
	p2 =	seq.s32 @!p0 s5, $0x0  }
0x1f: {  	s9 =	smul.u32 $0xF7A, s1;
	s8 =	simm.s32 @!p0 $0x1BF5;
	p2 =	por !p2, p0  }
0x20: {  	[sflag:s8] =	ssyncset.s32 @!p0 $0xFFFFF086;
	s6 =	sadd.s32 @!p0 s3, s7;
	s7 =	simm.s32 @!p0 $0x108  }
0x21: {  	s3 =	sadd.s32 s3, s9;
	s6 =	sadd.s32 @!p0 $0x88, s6;
	s7 =	simm.s32 @p2 $0x1082  }
0x22: {  	[simem:s7], [sflag:s8] =	dma.local @!p0 [hbm:s6], $0xF7A  }
0x23: {  	s9 =	sor.u32 $0xD0000000, s2;
	s6 =	simm.s32 $0x108;
	_ =	swait.ge @!p0 [sflag:s8], $0x0  }
0x24: {  	s3 =	sadd.s32 $0x88, s3;
	s6 =	simm.s32 @!p1 $0x1082;
	[sflag:s4] =	ssyncset.s32 $0xFFFFF086  }
0x25: {  	[simem:s6], [sflag:s4] =	dma.local [hbm:s3], $0xF7A  }
0x26: {  	[smem:$0x3F42] =	sst s1;
	(tag) =	ssettag s2;
	_ =	strace s9  }
0x27: {  	s1 =	sld [smem:$0x3F52]  }
0x28: {  	s2 =	sld [smem:$0x3F53]  }
0x29: {  	s4 =	sld [smem:$0x3F55]  }
0x2a: {  	p0 =	seq.s32 s5, $0x0;
	s5 =	sld [smem:$0x3F56]  }
0x2b: {  	s6 =	sld [smem:$0x3F57]  }
0x2c: {  	s7 =	sld [smem:$0x3F58]  }
0x2d: {  	s3 =	simm.s32 $0x108;
	s8 =	sld [smem:$0x3F59]  }
0x2e: {  	s3 =	simm.s32 @!p0 $0x1082;
	s9 =	sld [smem:$0x3F5A]  }
0x2f: {  	lr =	sadd.s32 s0, s3;
	s0 =	sld [smem:$0x3F51]  }
0x30: {  	s3 =	sld [smem:$0x3F54]  }
0x31: {  	[smem:$0x3F5D] =	sst s10  }
0x32: {  	s10 =	sld [smem:$0x3F5B];
	_ =	sdelay $0x3  }
0x33: {  	p0 =	seq.s32 s10, $0x1;
	s10 =	sld [smem:$0x3F5D];
	_ =	sdelay $0x3  }
0x34: {  	[smem:$0x3F5D] =	sst s10  }
0x35: {  	s10 =	sld [smem:$0x3F5C];
	_ =	sdelay $0x3  }
0x36: {  	p1 =	seq.s32 s10, $0x1;
	s10 =	sld [smem:$0x3F5D];
	_ =	sdelay $0x3  }
0x37: {  	[smem:$0x3F5D] =	sst s10  }
0x38: {  	s10 =	sld [smem:$0x3F5E]  }
0x39: {  	_ = 	snop;
	(pc) =	sbr.ind lr, $3  }
0x3a: {  	_ = 	snop  }
0x3b: {  	_ = 	snop  }
0x3c: {  	p2 =	seq.s32 s10, $0x1;
	s10 =	sld [smem:$0x3F5D]  }
0x3d: {  	_ =	shalt  }
0x3e: {  	_ =	shalt  }
0x3f: {  	_ =	shalt  }
0x40: {  	_ =	shalt  }
0x41: {  	_ =	shalt  }
0x42: {  	_ =	shalt  }
0x43: {  	_ =	shalt  }
0x44: {  	_ =	shalt  }
0x45: {  	_ =	shalt  }
0x46: {  	_ =	shalt  }
0x47: {  	_ =	shalt  }
0x48: {  	_ =	shalt  }
0x49: {  	_ =	shalt  }
0x4a: {  	_ =	shalt  }
0x4b: {  	_ =	shalt  }
0x4c: {  	_ =	shalt  }
0x4d: {  	_ =	shalt  }
0x4e: {  	_ =	shalt  }
0x4f: {  	_ =	shalt  }
0x50: {  	_ =	shalt  }
0x51: {  	_ =	shalt  }
0x52: {  	_ =	shalt  }
0x53: {  	_ =	shalt  }
0x54: {  	_ =	shalt  }
0x55: {  	_ =	shalt  }
0x56: {  	_ =	shalt  }
0x57: {  	_ =	shalt  }
0x58: {  	_ =	shalt  }
0x59: {  	_ =	shalt  }
0x5a: {  	_ =	shalt  }
0x5b: {  	_ =	shalt  }
0x5c: {  	_ =	shalt  }
0x5d: {  	_ =	shalt  }
0x5e: {  	_ =	shalt  }
0x5f: {  	_ =	shalt  }
0x60: {  	_ =	shalt  }
0x61: {  	_ =	shalt  }
0x62: {  	_ =	shalt  }
0x63: {  	_ =	shalt  }
0x64: {  	_ =	shalt  }
0x65: {  	_ =	shalt  }
0x66: {  	_ =	shalt  }
0x67: {  	_ =	shalt  }
0x68: {  	_ =	shalt  }
0x69: {  	_ =	shalt  }
0x6a: {  	_ =	shalt  }
0x6b: {  	_ =	shalt  }
0x6c: {  	_ =	shalt  }
0x6d: {  	_ =	shalt  }
0x6e: {  	_ =	shalt  }
0x6f: {  	_ =	shalt  }
0x70: {  	_ =	shalt  }
0x71: {  	_ =	shalt  }
0x72: {  	_ =	shalt  }
0x73: {  	_ =	shalt  }
0x74: {  	_ =	shalt  }
0x75: {  	_ =	shalt  }
0x76: {  	_ =	shalt  }
0x77: {  	_ =	shalt  }
0x78: {  	_ =	shalt  }
0x79: {  	_ =	shalt  }
0x7a: {  	_ =	shalt  }
0x7b: {  	_ =	shalt  }
0x7c: {  	_ =	shalt  }
0x7d: {  	_ =	shalt  }
0x7e: {  	_ =	shalt  }
0x7f: {  	_ =	shalt  }
0x80: {  	_ =	shalt  }
0x81: {  	_ =	shalt  }
0x82: {  	_ =	shalt  }
0x83: {  	_ =	shalt  }
0x84: {  	_ =	shalt  }
0x85: {  	_ =	shalt  }
0x86: {  	_ =	shalt  }
0x87: {  	_ =	shalt  }
.Lfunc_end0:
.L_simem_size_0:
called_computation.2_lowered:
.L_overlay_start_0:
0x88: {  	s2 =	sld [smem:$0x3FD9]  }
0x89: {  	s3 =	sld [smem:$0x3FFE];
	_ =	sdelay $0x1  }
0x8a: {  	s1 =	srdreg.scid  }
0x8b: {  	s0 =	sand.u32 $0x1, s1  }
0x8c: {  	s16 =	sshll.u32 s0, $0xA;
	s2 =	sadd.s32 s3, s2  }
0x8d: {  	s2 =	sadd.s32 s2, s16  }
0x8e: {  	[smem:$0x3F69] =	sst s2  }
0x8f: {  	_ = 	snop  }
0x90: {  	(tm) =	ssettm $0x1  }
0x91: {  	s17 =	sld [smem:$0x3FFB];
	_ =	sdelay $0x3  }
0x92: {  	_ =	strace s17  }
0x93: {  	s2 =	sld [smem:$0x3FFC];
	_ =	sdelay $0x3  }
0x94: {  	_ =	strace s2  }
0x95: {  	s2 =	sld [smem:$0x3FFD];
	_ =	sdelay $0x3  }
0x96: {  	_ =	strace s2  }
0x97: {  	_ =	strace $0x8FFFFFFF  }
0x98: {  	s18 =	sld [smem:$0x3FDB];
	_ =	sdelay $0x1  }
0x99: {  	s19 =	simm.s32 $_scs_section_size  }
0x9a: {  	s4 =	simm.s32 $_size__tile_overlayer_lowered;
	s5 =	simm.s32 $_tile_overlayer_lowered  }
0x9b: {  	s22 =	simm.s32 $0x1BFF;
	s21 =	sshll.u32 s5, $0x1;
	s2 =	sadd.s32 s19, s18  }
0x9c: {  	s6 =	simm.s32 $0x0;
	s20 =	sshll.u32 s4, $0x1;
	s4 =	sadd.s32 s21, s2  }
0x9d: {  	[timem:s6], [sflag:s22] =	dma.local [hbm:s4], s20  }
0x9e: {  	_ =	swait.ge [sflag:s22], s20  }
0x9f: {  	s3 =	ssub.s32 $0x0, s20;
	[sflag:s22] =	ssyncset.done $0x0  }
0xa0: {  	[sflag:s22] =	ssyncadd.s32 s3;
	_ =	sdelay $0x1  }
0xa1: {  	s23 =	simm.s32 $0x1B8B  }
0xa2: {  	_ =	swait.ge [sflag:s23], $0x1  }
0xa3: {  	[sflag:s23] =	ssyncset.done $0x0  }
0xa4: {  	s25 =	simm.s32 $0x1B8E;
	s24 =	sld [smem:$0x3FFE];
	[sflag:s23] =	ssyncadd.s32 $0xFFFFFFFF  }
0xa5: {  	s26 =	simm.s32 $execute0_lowered;
	[smem:$0x3FD2] =	sst s25  }
0xa6: {  	s4 =	sshll.u32 s26, $0x1;
	_ =	strace $0x8000004C;
	[dreg:$0x1] =	wrdreg $0xFFFFFFFF  }
0xa7: {  	s28 =	simm.s32 $_size_execute0_lowered;
	s2 =	sadd.s32 s2, s4;
	[dreg:$0x0] =	wrdreg $0x0  }
0xa8: {  	s4 =	sshll.u32 s28, $0x1;
	[dreg:$0x2] =	wrdreg s2  }
0xa9: {  	[dreg:$0x3] =	wrdreg s4  }
0xaa: {  	[dreg:$0x4] =	wrdreg $0xC0  }
0xab: {  	_ =	task [dreg:s6], $0x5FFFF  }
0xac: {  	[dreg:$0x1] =	wrdreg $0xFFFFFFFF  }
0xad: {  	[dreg:$0x0] =	wrdreg $0x60  }
0xae: {  	[dreg:$0x2] =	wrdreg s24  }
0xaf: {  	[dreg:$0x3] =	wrdreg $0x9  }
0xb0: {  	_ =	task.clear_ibuf [dreg:s6], $0x4FFFF;
	_ =	strace $0x9000004C  }
0xb1: {  	s29 =	simm.s32 $0x9;
	_ =	strace $0x8000004E  }
0xb2: {  	_ =	swait.ge [sflag:s29], $0x1  }
0xb3: {  	[sflag:s29] =	ssyncadd.s32 $0xFFFFFFFF  }
0xb4: {  	_ =	strace $0x9000004E  }
0xb5: {  	_ =	sfence  }
0xb6: {  	s30 =	sld [smem:$0x0];
	_ =	sdelay $0x2  }
0xb7: {  	s31 =	sshll.u32 s1, $0xD;
	s1 =	sshrl.u32 s1, $0x2  }
0xb8: {  	s3 =	sand.u32 $0x4000, s31;
	s1 =	sadd.s32 s1, s30  }
0xb9: {  	s0 =	sor.u32 s3, s0;
	s1 =	sshll.u32 s1, $0x11  }
0xba: {  	s0 =	sor.u32 s1, s0  }
0xbb: {  	s0 =	sadd.s32 $0x8F2B, s0  }
0xbc: {  	[sflag:s0] =	ssyncadd.remote.s32 $0x1  }
0xbd: {  	_ =	sfence.sel $0xFFFF  }
0xbe: {  	[dreg:$0x0] =	wrdreg $0xFFFFFFFF;
	(pc) =	sbr.abs _section_cstart, $3  }
0xbf: {  	[dreg:$0x1] =	wrdreg $0xFFFFFFFF  }
0xc0: {  	_ =	task.clear_ibuf [dreg:s6], $0x2FFFF;
	_ =	strace $0x9FFFFFFF  }
0xc1: {  	(tm) =	ssettm $0x7FFFFFFF  }
tec
execute0_lowered:
.L_overlay_start_1:
0x0: {  	(tag) =	ssettag $0x1  }
0x1: {  	s1 =	srdreg.scid  }
0x2: {  	s0 =	stileid.u32;
	s4 =	rddreg [dreg:$0x0]  }
0x3: {  	s2 =	simm.s32 $0x0;
	s10 =	simm.s32 $0x7;
	s11 =	simm.s32 $0x8  }
0x4: {  	s12 =	simm.s32 $0x9;
	s13 =	simm.s32 $0xA;
	s14 =	simm.s32 $0x0  }
0x5: {  	s5 =	sand.u32 $0x1, s1;
	s3 =	sshll.u32 s0, $0x1;
	s7 =	smul.u32 $0x500000, s0  }
0x6: {  	s1 =	rddreg [dreg:$0x1];
	s3 =	sor.u32 s5, s3;
	s9 =	smul.u32 $0x280000, s5  }
0x7: {  	[smem:$0x7FF] =	sst s2;
	s8 =	ssub.s32 $0x2, s5;
	s6 =	smul.u32 $0xA00, s3  }
0x8: {  	_ =	strace $0x8000004D;
	s3 =	sadd.s32 $0xD800, s4;
	s31 =	sshrl.u32 s8, $0x1  }
0x9: {  	s7 =	sadd.s32 s9, s7;
	s9 =	simm.s32 $0x6;
	s30 =	sadd.s32 s6, s4  }
0xa: {  	s4 =	sadd.s32 $0x83A00, s4;
	s6 =	ssub.s32 s8, s31;
	s7 =	sadd.s32 $0xFFFF4000, s7  }
0xb: {  	s8 =	simm.s32 $0xB;
	s5 =	sadd.s32 $0x5BA00, s30;
	s6 =	smax.u32 s6, $0x1  }
.LBB2_1:
0xc: {  	[tilespmem:s2], [sflag:$0xB] =	stream.linear.gather [hbm4b:s5+s2], $0x5000, $0x38;
	[tilespmem:$0x19000] =	vst v63  }
0xd: {  	_ =	swait.ge [sflag:s8], $0x5000  }
0xe: {  	s15 =	smov.u32 s7;
	[sflag:s8] =	ssyncset.done $0x0  }
0xf: {  	s16 =	simm.s32 $0x0;
	s17 =	simm.s32 $0x0;
	[sflag:s8] =	ssyncadd.s32 $0xFFFFB000  }
.LBB2_2:
0x10: {  	p0 =	sgt.u32 s17, $0x9F  }
0x11: {  	p1 =	slt.u32 @!p0 s17, $0x5  }
0x12: {  	p1 =	por p1, p0  }
0x13: {  	s18 =	sadd.s32 @!p1 $0xFFFFFFFB, s17  }
0x14: {  	s19 =	sand.u32 @!p1 $0xFF, s18  }
0x15: {  	s19 =	smul.u32 @!p1 $0xCD, s19;
	_ =	sdelay $0x1  }
0x16: {  	s20 =	smul.u32 @!p0 $0xCD, s17;
	s19 =	sshrl.u32 @!p1 s19, $0xA  }
0x17: {  	s19 =	smul.u32 @!p1 $0x5, s19  }
0x18: {  	s20 =	sshrl.u32 @!p0 s20, $0xA  }
0x19: {  	s18 =	ssub.s32 @!p1 s18, s19;
	s19 =	sand.u32 @!p0 $0x3F, s20  }
0x1a: {  	s18 =	sand.u32 @!p1 $0xFF, s18;
	s19 =	smul.u32 @!p0 $0x5, s19  }
0x1b: {  	s18 =	sadd.s32 @!p1 $0x6, s18  }
0x1c: {  	_ =	swait.ge @!p1 [sflag:s18], $0x4000;
	s19 =	ssub.s32 @!p0 s17, s19  }
0x1d: {  	[sflag:s18] =	ssyncset.done @!p1 $0x0;
	s19 =	sand.u32 @!p0 $0xFF, s19  }
0x1e: {  	s20 =	simm.s32 @!p0 $0x80;
	[sflag:s18] =	ssyncadd.s32 @!p1 $0xFFFFC000;
	s18 =	sshll.u32 @!p0 s19, $0xE  }
0x1f: {  	s19 =	sadd.s32 @!p0 $0x1, s19;
	p1 =	slt.u32 @!p0 s17, $0x3;
	s18 =	sadd.s32 @!p0 $0x5000, s18  }
0x20: {  	[tilespmem:s18], [sflag:s19] =	stream.indirect.gather @!p0 [hbm4b:s3+s20], $0x80, s16, s20, $0xb8;
	[tilespmem:$0x19000] =	vst v63  }
0x21: {  	p0 =	por p0, !p1  }
0x22: {  	s18 =	sadd.s32 @p0 $0xFFFFFFFD, s17  }
0x23: {  	s19 =	sand.u32 @p0 $0xFF, s18  }
0x24: {  	s19 =	smul.u32 @p0 $0xCD, s19;
	_ =	sdelay $0x1  }
0x25: {  	s19 =	sshrl.u32 @p0 s19, $0xA  }
0x26: {  	s19 =	smul.u32 @p0 $0x5, s19;
	_ =	sdelay $0x1  }
0x27: {  	s18 =	ssub.s32 @p0 s18, s19  }
0x28: {  	s18 =	sand.u32 @p0 $0xFF, s18  }
0x29: {  	s19 =	sadd.s32 @p0 $0x1, s18  }
0x2a: {  	_ =	swait.ge @p0 [sflag:s19], $0x4000  }
0x2b: {  	s20 =	sshrl.u32 @p0 s15, $0x3;
	[sflag:s19] =	ssyncset.done @p0 $0x0  }
0x2c: {  	s17 =	sadd.s32 $0x1, s17;
	[sflag:s19] =	ssyncadd.s32 @p0 $0xFFFFC000;
	s19 =	sshll.u32 @p0 s18, $0xE  }
0x2d: {  	s20 =	sadd.s32 @p0 s4, s20;
	s18 =	sadd.s32 @p0 $0x6, s18;
	s19 =	sadd.s32 @p0 $0x5000, s19  }
0x2e: {  	[hbm4b:s20+s2] =	stream.linear.scatter @p0 [tilespmem:s19], [sflag:s18], $0x4000, $0x38;
	[tilespmem:$0x19000] =	vst v63  }
0x2f: {  	p0 =	sne.s32 s17, $0xA3  }
.Ltmp0:
0x30: {  	_ = 	snop;
	(pc) =	sbr.rel @p0 .LBB2_2-.Ltmp0, $2  }
0x31: {  	_ =	sdelay $0x2  }
0x32: {  	s16 =	sadd.s32 $0x80, s16;
	s15 =	sadd.s32 $0x4000, s15  }
0x33: {  	_ =	swait.ge [sflag:s9], $0x4000  }
0x34: {  	[sflag:s9] =	ssyncset.done $0x0  }
0x35: {  	[sflag:s9] =	ssyncadd.s32 $0xFFFFC000  }
0x36: {  	_ =	swait.ge [sflag:s10], $0x4000  }
0x37: {  	[sflag:s10] =	ssyncset.done $0x0  }
0x38: {  	[sflag:s10] =	ssyncadd.s32 $0xFFFFC000  }
0x39: {  	_ =	swait.ge [sflag:s11], $0x4000  }
0x3a: {  	[sflag:s11] =	ssyncset.done $0x0  }
0x3b: {  	s14 =	sadd.s32 $0x1, s14;
	[sflag:s11] =	ssyncadd.s32 $0xFFFFC000  }
0x3c: {  	p0 =	sne.s32 s14, s6;
	_ =	swait.ge [sflag:s12], $0x4000  }
.Ltmp1:
0x3d: {  	[sflag:s12] =	ssyncset.done $0x0;
	(pc) =	sbr.rel @p0 .LBB2_1-.Ltmp1, $4  }
0x3e: {  	[sflag:s12] =	ssyncadd.s32 $0xFFFFC000  }
0x3f: {  	_ =	swait.ge [sflag:s13], $0x4000  }
0x40: {  	[sflag:s13] =	ssyncset.done $0x0  }
0x41: {  	[sflag:s13] =	ssyncadd.s32 $0xFFFFC000  }
0x42: {  	_ =	sfence.sel $0x180000  }
0x43: {  	[bflag:$0x0] =	sbarrier.arrive $0xFFFF  }
0x44: {  	p0 =	sne.s32 s0, $0x0;
	_ =	strace $0x9000004D  }
0x45: {  	s0 =	sadd.s32 @!p0 $0x100000, s1;
	[bflag:$0x2] =	sbarrier.arrive $0xFFFF  }
0x46: {  	[sflag:s0] =	ssyncadd.tile.s32 @!p0 $0x1;
	_ =	shalt  }
.Lfunc_end2:
_tile_overlayer_lowered:
.L_overlay_start_2:
0x47: {  	(tag) =	ssettag $0x2  }
0x48: {  	s0 =	rddreg [dreg:$0x0];
	s2 =	stileid.u32  }
0x49: {  	s1 =	rddreg [dreg:$0x1];
	p0 =	sne.s32 s2, $0x0  }
0x4a: {  	s3 =	rddreg [dreg:$0x2];
	[bflag:$0x3] =	sbarrier.arrive $0xFFFF;
	s2 =	simm.s32 @!p0 $0x1C0B  }
0x4b: {  	[timem:s3], [sflag:s2] =	dma.local @!p0 [hbm:s0], s1  }
0x4c: {  	s0 =	simm.s32 @!p0 $0xB  }
0x4d: {  	_ =	swait.ge @!p0 [sflag:s0], s1  }
0x4e: {  	s1 =	ssub.s32 @!p0 $0x0, s1;
	[sflag:s0] =	ssyncset.done @!p0 $0x0  }
0x4f: {  	[sflag:s0] =	ssyncadd.s32 @!p0 s1  }
0x50: {  	[bflag:$0x3] =	sbarrier.arrive $0xFFFF  }
0x51: {  	_ =	shalt  }

// kernel: kernel.30.cloned.1.call-start
scs
__scs_entry_jumppad:
0x0: {  	(pc) =	sbr.rel $0x88, $3  }
0x1: {  	(tag) =	ssettag $0x0;
	lr =	simm.s32 $0x1  }
0x2: {  	[smem:$0x3F42] =	sst lr;
	_ =	strace $0xD0000000  }
0x3: {  	_ = 	snop  }
0x4: {  	_ = 	snop  }
0x5: {  	_ = 	snop  }
0x6: {  	_ = 	snop  }
0x7: {  	_ = 	snop  }
__scs_overlays_trampoline_lowered:
0x8: {  	[smem:$0x3F51] =	sst s0  }
0x9: {  	[smem:$0x3F52] =	sst s1  }
0xa: {  	[smem:$0x3F53] =	sst s2  }
0xb: {  	[smem:$0x3F54] =	sst s3  }
0xc: {  	[smem:$0x3F55] =	sst s4  }
0xd: {  	[smem:$0x3F56] =	sst s5  }
0xe: {  	[smem:$0x3F57] =	sst s6  }
0xf: {  	[smem:$0x3F58] =	sst s7  }
0x10: {  	[smem:$0x3F59] =	sst s8  }
0x11: {  	[smem:$0x3F5A] =	sst s9;
	s0 =	simm.s32 @!p0 $0x0  }
0x12: {  	s1 =	sld [smem:$0x3F40];
	s0 =	simm.s32 @p0 $0x1  }
0x13: {  	[smem:$0x3F5B] =	sst s0;
	s0 =	simm.s32 @!p1 $0x0  }
0x14: {  	s2 =	sld [smem:$0x3F3F];
	s0 =	simm.s32 @p1 $0x1  }
0x15: {  	[smem:$0x3F5C] =	sst s0;
	s0 =	simm.s32 @!p2 $0x0  }
0x16: {  	s3 =	sld [smem:$0x3FDB];
	s0 =	simm.s32 @p2 $0x1  }
0x17: {  	s4 =	simm.s32 $0x1BF5;
	[smem:$0x3F5E] =	sst s0  }
0x18: {  	s0 =	sld [smem:$0x3F41];
	_ =	swait.ge [sflag:s4], $0x0  }
0x19: {  	s7 =	sld [smem:$0x3F42]  }
0x1a: {  	s8 =	sadd.s32 $0xFFFFE003, lr  }
0x1b: {  	s9 =	sadd.s32 $0xFFFFFEF7, lr;
	s5 =	simm.s32 $0xFFFFFFFF;
	p2 =	slt.u32 s8, $0xFFFFF086  }
0x1c: {  	p1 =	slt.u32 s9, $0xF7A;
	s5 =	simm.s32 @!p2 $0x0  }
0x1d: {  	s5 =	simm.s32 @p1 $0x1;
	p0 =	seq.s32 s7, s2  }
0x1e: {  	s7 =	smul.u32 @!p0 $0xF7A, s2;
	p2 =	seq.s32 @!p0 s5, $0x0  }
0x1f: {  	s9 =	smul.u32 $0xF7A, s1;
	s8 =	simm.s32 @!p0 $0x1BF5;
	p2 =	por !p2, p0  }
0x20: {  	[sflag:s8] =	ssyncset.s32 @!p0 $0xFFFFF086;
	s6 =	sadd.s32 @!p0 s3, s7;
	s7 =	simm.s32 @!p0 $0x108  }
0x21: {  	s3 =	sadd.s32 s3, s9;
	s6 =	sadd.s32 @!p0 $0x88, s6;
	s7 =	simm.s32 @p2 $0x1082  }
0x22: {  	[simem:s7], [sflag:s8] =	dma.local @!p0 [hbm:s6], $0xF7A  }
0x23: {  	s9 =	sor.u32 $0xD0000000, s2;
	s6 =	simm.s32 $0x108;
	_ =	swait.ge @!p0 [sflag:s8], $0x0  }
0x24: {  	s3 =	sadd.s32 $0x88, s3;
	s6 =	simm.s32 @!p1 $0x1082;
	[sflag:s4] =	ssyncset.s32 $0xFFFFF086  }
0x25: {  	[simem:s6], [sflag:s4] =	dma.local [hbm:s3], $0xF7A  }
0x26: {  	[smem:$0x3F42] =	sst s1;
	(tag) =	ssettag s2;
	_ =	strace s9  }
0x27: {  	s1 =	sld [smem:$0x3F52]  }
0x28: {  	s2 =	sld [smem:$0x3F53]  }
0x29: {  	s4 =	sld [smem:$0x3F55]  }
0x2a: {  	p0 =	seq.s32 s5, $0x0;
	s5 =	sld [smem:$0x3F56]  }
0x2b: {  	s6 =	sld [smem:$0x3F57]  }
0x2c: {  	s7 =	sld [smem:$0x3F58]  }
0x2d: {  	s3 =	simm.s32 $0x108;
	s8 =	sld [smem:$0x3F59]  }
0x2e: {  	s3 =	simm.s32 @!p0 $0x1082;
	s9 =	sld [smem:$0x3F5A]  }
0x2f: {  	lr =	sadd.s32 s0, s3;
	s0 =	sld [smem:$0x3F51]  }
0x30: {  	s3 =	sld [smem:$0x3F54]  }
0x31: {  	[smem:$0x3F5D] =	sst s10  }
0x32: {  	s10 =	sld [smem:$0x3F5B];
	_ =	sdelay $0x3  }
0x33: {  	p0 =	seq.s32 s10, $0x1;
	s10 =	sld [smem:$0x3F5D];
	_ =	sdelay $0x3  }
0x34: {  	[smem:$0x3F5D] =	sst s10  }
0x35: {  	s10 =	sld [smem:$0x3F5C];
	_ =	sdelay $0x3  }
0x36: {  	p1 =	seq.s32 s10, $0x1;
	s10 =	sld [smem:$0x3F5D];
	_ =	sdelay $0x3  }
0x37: {  	[smem:$0x3F5D] =	sst s10  }
0x38: {  	s10 =	sld [smem:$0x3F5E]  }
0x39: {  	_ = 	snop;
	(pc) =	sbr.ind lr, $3  }
0x3a: {  	_ = 	snop  }
0x3b: {  	_ = 	snop  }
0x3c: {  	p2 =	seq.s32 s10, $0x1;
	s10 =	sld [smem:$0x3F5D]  }
0x3d: {  	_ =	shalt  }
0x3e: {  	_ =	shalt  }
0x3f: {  	_ =	shalt  }
0x40: {  	_ =	shalt  }
0x41: {  	_ =	shalt  }
0x42: {  	_ =	shalt  }
0x43: {  	_ =	shalt  }
0x44: {  	_ =	shalt  }
0x45: {  	_ =	shalt  }
0x46: {  	_ =	shalt  }
0x47: {  	_ =	shalt  }
0x48: {  	_ =	shalt  }
0x49: {  	_ =	shalt  }
0x4a: {  	_ =	shalt  }
0x4b: {  	_ =	shalt  }
0x4c: {  	_ =	shalt  }
0x4d: {  	_ =	shalt  }
0x4e: {  	_ =	shalt  }
0x4f: {  	_ =	shalt  }
0x50: {  	_ =	shalt  }
0x51: {  	_ =	shalt  }
0x52: {  	_ =	shalt  }
0x53: {  	_ =	shalt  }
0x54: {  	_ =	shalt  }
0x55: {  	_ =	shalt  }
0x56: {  	_ =	shalt  }
0x57: {  	_ =	shalt  }
0x58: {  	_ =	shalt  }
0x59: {  	_ =	shalt  }
0x5a: {  	_ =	shalt  }
0x5b: {  	_ =	shalt  }
0x5c: {  	_ =	shalt  }
0x5d: {  	_ =	shalt  }
0x5e: {  	_ =	shalt  }
0x5f: {  	_ =	shalt  }
0x60: {  	_ =	shalt  }
0x61: {  	_ =	shalt  }
0x62: {  	_ =	shalt  }
0x63: {  	_ =	shalt  }
0x64: {  	_ =	shalt  }
0x65: {  	_ =	shalt  }
0x66: {  	_ =	shalt  }
0x67: {  	_ =	shalt  }
0x68: {  	_ =	shalt  }
0x69: {  	_ =	shalt  }
0x6a: {  	_ =	shalt  }
0x6b: {  	_ =	shalt  }
0x6c: {  	_ =	shalt  }
0x6d: {  	_ =	shalt  }
0x6e: {  	_ =	shalt  }
0x6f: {  	_ =	shalt  }
0x70: {  	_ =	shalt  }
0x71: {  	_ =	shalt  }
0x72: {  	_ =	shalt  }
0x73: {  	_ =	shalt  }
0x74: {  	_ =	shalt  }
0x75: {  	_ =	shalt  }
0x76: {  	_ =	shalt  }
0x77: {  	_ =	shalt  }
0x78: {  	_ =	shalt  }
0x79: {  	_ =	shalt  }
0x7a: {  	_ =	shalt  }
0x7b: {  	_ =	shalt  }
0x7c: {  	_ =	shalt  }
0x7d: {  	_ =	shalt  }
0x7e: {  	_ =	shalt  }
0x7f: {  	_ =	shalt  }
0x80: {  	_ =	shalt  }
0x81: {  	_ =	shalt  }
0x82: {  	_ =	shalt  }
0x83: {  	_ =	shalt  }
0x84: {  	_ =	shalt  }
0x85: {  	_ =	shalt  }
0x86: {  	_ =	shalt  }
0x87: {  	_ =	shalt  }
.Lfunc_end0:
.L_simem_size_0:
called_computation.3_lowered:
.L_overlay_start_0:
0x88: {  	s2 =	sld [smem:$0x3FD9]  }
0x89: {  	s3 =	sld [smem:$0x3FFE];
	_ =	sdelay $0x1  }
0x8a: {  	s1 =	srdreg.scid  }
0x8b: {  	s0 =	sand.u32 $0x1, s1  }
0x8c: {  	s16 =	sshll.u32 s0, $0xA;
	s2 =	sadd.s32 s3, s2  }
0x8d: {  	s2 =	sadd.s32 s2, s16  }
0x8e: {  	[smem:$0x3F69] =	sst s2  }
0x8f: {  	_ = 	snop  }
0x90: {  	(tm) =	ssettm $0x1  }
0x91: {  	s17 =	sld [smem:$0x3FFB];
	_ =	sdelay $0x3  }
0x92: {  	_ =	strace s17  }
0x93: {  	s2 =	sld [smem:$0x3FFC];
	_ =	sdelay $0x3  }
0x94: {  	_ =	strace s2  }
0x95: {  	s2 =	sld [smem:$0x3FFD];
	_ =	sdelay $0x3  }
0x96: {  	_ =	strace s2  }
0x97: {  	_ =	strace $0x8FFFFFFF  }
0x98: {  	s18 =	sld [smem:$0x3FDB];
	_ =	sdelay $0x1  }
0x99: {  	s19 =	simm.s32 $_scs_section_size  }
0x9a: {  	s4 =	simm.s32 $_size__tile_overlayer_lowered;
	s5 =	simm.s32 $_tile_overlayer_lowered  }
0x9b: {  	s22 =	simm.s32 $0x1BFF;
	s21 =	sshll.u32 s5, $0x1;
	s2 =	sadd.s32 s19, s18  }
0x9c: {  	s6 =	simm.s32 $0x0;
	s20 =	sshll.u32 s4, $0x1;
	s4 =	sadd.s32 s21, s2  }
0x9d: {  	[timem:s6], [sflag:s22] =	dma.local [hbm:s4], s20  }
0x9e: {  	_ =	swait.ge [sflag:s22], s20  }
0x9f: {  	s3 =	ssub.s32 $0x0, s20;
	[sflag:s22] =	ssyncset.done $0x0  }
0xa0: {  	[sflag:s22] =	ssyncadd.s32 s3;
	_ =	sdelay $0x1  }
0xa1: {  	s23 =	simm.s32 $0x1B8B  }
0xa2: {  	_ =	swait.ge [sflag:s23], $0x1  }
0xa3: {  	[sflag:s23] =	ssyncset.done $0x0  }
0xa4: {  	s25 =	simm.s32 $0x1B8E;
	s24 =	sld [smem:$0x3FFE];
	[sflag:s23] =	ssyncadd.s32 $0xFFFFFFFF  }
0xa5: {  	s26 =	simm.s32 $execute0_lowered;
	[smem:$0x3FD2] =	sst s25  }
0xa6: {  	s4 =	sshll.u32 s26, $0x1;
	_ =	strace $0x8000004F;
	[dreg:$0x1] =	wrdreg $0xFFFFFFFF  }
0xa7: {  	s28 =	simm.s32 $_size_execute0_lowered;
	s2 =	sadd.s32 s2, s4;
	[dreg:$0x0] =	wrdreg $0x0  }
0xa8: {  	s4 =	sshll.u32 s28, $0x1;
	[dreg:$0x2] =	wrdreg s2  }
0xa9: {  	[dreg:$0x3] =	wrdreg s4  }
0xaa: {  	[dreg:$0x4] =	wrdreg $0xC0  }
0xab: {  	_ =	task [dreg:s6], $0x5FFFF  }
0xac: {  	[dreg:$0x1] =	wrdreg $0xFFFFFFFF  }
0xad: {  	[dreg:$0x0] =	wrdreg $0x60  }
0xae: {  	[dreg:$0x2] =	wrdreg s24  }
0xaf: {  	[dreg:$0x3] =	wrdreg $0x91000  }
0xb0: {  	[dreg:$0x4] =	wrdreg $0x9  }
0xb1: {  	_ =	task.clear_ibuf [dreg:s6], $0x5FFFF;
	_ =	strace $0x9000004F  }
0xb2: {  	s29 =	simm.s32 $0x9;
	_ =	strace $0x80000051  }
0xb3: {  	_ =	swait.ge [sflag:s29], $0x1  }
0xb4: {  	[sflag:s29] =	ssyncadd.s32 $0xFFFFFFFF  }
0xb5: {  	_ =	strace $0x90000051  }
0xb6: {  	_ =	sfence  }
0xb7: {  	s30 =	sld [smem:$0x0];
	_ =	sdelay $0x2  }
0xb8: {  	s31 =	sshll.u32 s1, $0xD;
	s1 =	sshrl.u32 s1, $0x2  }
0xb9: {  	s3 =	sand.u32 $0x4000, s31;
	s1 =	sadd.s32 s1, s30  }
0xba: {  	s0 =	sor.u32 s3, s0;
	s1 =	sshll.u32 s1, $0x11  }
0xbb: {  	s0 =	sor.u32 s1, s0  }
0xbc: {  	s0 =	sadd.s32 $0x8F2B, s0  }
0xbd: {  	[sflag:s0] =	ssyncadd.remote.s32 $0x1  }
0xbe: {  	_ =	sfence.sel $0xFFFF  }
0xbf: {  	[dreg:$0x0] =	wrdreg $0xFFFFFFFF;
	(pc) =	sbr.abs _section_cstart, $3  }
0xc0: {  	[dreg:$0x1] =	wrdreg $0xFFFFFFFF  }
0xc1: {  	_ =	task.clear_ibuf [dreg:s6], $0x2FFFF;
	_ =	strace $0x9FFFFFFF  }
0xc2: {  	(tm) =	ssettm $0x7FFFFFFF  }
0xc3: {  	_ =	shalt  }
tec
execute0_lowered:
.L_overlay_start_1:
0x0: {  	(tag) =	ssettag $0x1  }
0x1: {  	s0 =	rddreg [dreg:$0x0]  }
0x2: {  	s1 =	srdreg.scid;
	s9 =	stileid.u32  }
0x3: {  	s2 =	rddreg [dreg:$0x1];
	s5 =	smul.u32 $0x14000, s9  }
0x4: {  	s3 =	simm.s32 $0x0;
	s1 =	sand.u32 $0x1, s1;
	s7 =	smul.u32 $0x50000, s9  }
0x5: {  	[smem:$0x7FF] =	sst s3;
	s8 =	sadd.s32 $0x15C3A00, s0;
	s4 =	smul.u32 $0x140000, s1  }
0x6: {  	s9 =	smul.u32 $0x5000, s9;
	_ =	strace $0x80000050;
	s23 =	ssub.s32 $0x2, s1  }
0x7: {  	s22 =	smul.u32 $0x50000, s1;
	s10 =	sshrl.u32 s23, $0x1;
	s4 =	sadd.s32 s5, s4  }
0x8: {  	s11 =	sshrl.u32 s7, $0x2;
	s24 =	ssub.s32 s23, s10;
	s6 =	sshrl.u32 s4, $0x3  }
0x9: {  	s4 =	sadd.s32 $0x6FA00, s0;
	s26 =	smax.u32 s24, $0x1;
	s0 =	sadd.s32 s6, s0  }
0xa: {  	s6 =	sadd.s32 s11, s2;
	[dreg:$0x4] =	wrdreg s26;
	s0 =	sadd.s32 $0x83A00, s0  }
0xb: {  	s5 =	sadd.s32 s9, s22;
	s9 =	sadd.s32 $0x1000, s6;
	[dreg:$0x3] =	wrdreg s0  }
0xc: {  	s11 =	sadd.s32 $0x2000, s6;
	[dreg:$0x5] =	wrdreg s9  }
0xd: {  	s12 =	sadd.s32 $0x3000, s6;
	[dreg:$0x6] =	wrdreg s11  }
0xe: {  	s13 =	sadd.s32 $0x4000, s6;
	[dreg:$0x7] =	wrdreg s12  }
0xf: {  	s14 =	sadd.s32 $0x5000, s6;
	[dreg:$0x8] =	wrdreg s13  }
0x10: {  	s15 =	sadd.s32 $0x6000, s6;
	[dreg:$0x9] =	wrdreg s14  }
0x11: {  	s18 =	smul.u32 $0x500000, s1;
	s16 =	sadd.s32 $0x7000, s6;
	[dreg:$0xa] =	wrdreg s15  }
0x12: {  	s25 =	sshll.u32 s5, $0x4;
	s17 =	sadd.s32 $0x8000, s6;
	[dreg:$0xb] =	wrdreg s16  }
0x13: {  	s10 =	sadd.s32 s8, s25;
	s19 =	sadd.s32 $0x9000, s6;
	[dreg:$0xc] =	wrdreg s17  }
0x14: {  	s25 =	sshrl.u32 s5, $0x3;
	s20 =	sadd.s32 $0xA000, s6;
	[dreg:$0xd] =	wrdreg s19  }
0x15: {  	s21 =	sadd.s32 $0xB000, s6;
	s22 =	sadd.s32 $0xC000, s6;
	[dreg:$0xe] =	wrdreg s20  }
0x16: {  	s23 =	sadd.s32 $0xD000, s6;
	s24 =	sadd.s32 $0xE000, s6;
	[dreg:$0xf] =	wrdreg s21  }
0x17: {  	s26 =	sadd.s32 $0xF000, s6;
	s28 =	sadd.s32 $0x10000, s6;
	[dreg:$0x10] =	wrdreg s22  }
0x18: {  	s29 =	sadd.s32 $0x11000, s6;
	s30 =	sadd.s32 $0x12000, s6;
	[dreg:$0x11] =	wrdreg s23  }
0x19: {  	s31 =	sadd.s32 $0x13000, s6;
	s1 =	sadd.s32 $0x800, s10;
	[dreg:$0x12] =	wrdreg s24  }
0x1a: {  	s0 =	sadd.s32 s18, s8;
	s24 =	sadd.s32 s4, s25;
	[dreg:$0x13] =	wrdreg s26  }
0x1b: {  	s26 =	smov.u32 s10;
	s8 =	simm.s32 $0x8100;
	s9 =	simm.s32 $0x7  }
0x1c: {  	s10 =	simm.s32 $0x80;
	s11 =	simm.s32 $0x1;
	s12 =	simm.s32 $0x3  }
0x1d: {  	s13 =	simm.s32 $0x5;
	s14 =	simm.s32 $0x6;
	s0 =	sadd.s32 s7, s0  }
0x1e: {  	v0 =	vimm.f32 $0.0e+00;
	s15 =	simm.s32 $0x0;
	s25 =	sadd.s32 $0x1000, s0;
	s0 =	sadd.s32 $0x10, s24  }
.LBB2_1:
0x1f: {  	s7 =	sand.u32 $0x3E00, s3  }
0x20: {  	s16 =	sand.u32 $0x70, s3;
	s17 =	sshrl.u32 s7, $0x2  }
0x21: {  	s7 =	simm.s32 $0x40;
	s17 =	sor.u32 s16, s17;
	s16 =	simm.s32 $0x0  }
.LBB2_2:
0x22: {  	p0 =	sne.s32 s7, $0x3FC0  }
0x23: {  	[tilespmem:s17+$0x8100] =	vst v0;
	s16 =	sadd.s32 $0x10, s16;
	s17 =	smov.u32 s7;
	s7 =	sadd.s32 $0x40, s7  }
.Ltmp0:
0x24: {  	(pc) =	sbr.rel @p0 .LBB2_2-.Ltmp0, $4  }
0x25: {  	_ = 	snop  }
0x26: {  	s17 =	sand.u32 $0x3E00, s17  }
0x27: {  	s18 =	sand.u32 $0x70, s16;
	s17 =	sshrl.u32 s17, $0x2  }
0x28: {  	s17 =	sor.u32 s18, s17  }
0x29: {  	[tilespmem:s17+$0x8100] =	vst v0  }
0x2a: {  	[spmem:s6] =	stream.linear.scatter [tilespmem:s8], [sflag:$0x7], $0x1000, $0x38;
	[tilespmem:$0x1D100] =	vst v63  }
0x2b: {  	_ =	swait.ge [sflag:s9], $0x1000  }
0x2c: {  	[sflag:s9] =	ssyncset.done $0x0  }
0x2d: {  	s7 =	rddreg [dreg:$0x5];
	[sflag:s9] =	ssyncadd.s32 $0xFFFFF000  }
0x2e: {  	[spmem:s7] =	stream.linear.scatter [tilespmem:s8], [sflag:$0x7], $0x1000, $0x38;
	[tilespmem:$0x1D100] =	vst v63  }
0x2f: {  	_ =	swait.ge [sflag:s9], $0x1000  }
0x30: {  	[sflag:s9] =	ssyncset.done $0x0  }
0x31: {  	s22 =	rddreg [dreg:$0x6];
	[sflag:s9] =	ssyncadd.s32 $0xFFFFF000  }
0x32: {  	[spmem:s22] =	stream.linear.scatter [tilespmem:s8], [sflag:$0x7], $0x1000, $0x38;
	[tilespmem:$0x1D100] =	vst v63  }
0x33: {  	_ =	swait.ge [sflag:s9], $0x1000  }
0x34: {  	[sflag:s9] =	ssyncset.done $0x0  }
0x35: {  	s23 =	rddreg [dreg:$0x7];
	[sflag:s9] =	ssyncadd.s32 $0xFFFFF000  }
0x36: {  	[spmem:s23] =	stream.linear.scatter [tilespmem:s8], [sflag:$0x7], $0x1000, $0x38;
	[tilespmem:$0x1D100] =	vst v63  }
0x37: {  	_ =	swait.ge [sflag:s9], $0x1000  }
0x38: {  	[sflag:s9] =	ssyncset.done $0x0  }
0x39: {  	s16 =	rddreg [dreg:$0x8];
	[sflag:s9] =	ssyncadd.s32 $0xFFFFF000  }
0x3a: {  	[spmem:s16] =	stream.linear.scatter [tilespmem:s8], [sflag:$0x7], $0x1000, $0x38;
	[tilespmem:$0x1D100] =	vst v63  }
0x3b: {  	_ =	swait.ge [sflag:s9], $0x1000  }
0x3c: {  	[sflag:s9] =	ssyncset.done $0x0  }
0x3d: {  	s17 =	rddreg [dreg:$0x9];
	[sflag:s9] =	ssyncadd.s32 $0xFFFFF000  }
0x3e: {  	[spmem:s17] =	stream.linear.scatter [tilespmem:s8], [sflag:$0x7], $0x1000, $0x38;
	[tilespmem:$0x1D100] =	vst v63  }
0x3f: {  	_ =	swait.ge [sflag:s9], $0x1000  }
0x40: {  	[sflag:s9] =	ssyncset.done $0x0  }
0x41: {  	s18 =	rddreg [dreg:$0xa];
	[sflag:s9] =	ssyncadd.s32 $0xFFFFF000  }
0x42: {  	[spmem:s18] =	stream.linear.scatter [tilespmem:s8], [sflag:$0x7], $0x1000, $0x38;
	[tilespmem:$0x1D100] =	vst v63  }
0x43: {  	_ =	swait.ge [sflag:s9], $0x1000  }
0x44: {  	[sflag:s9] =	ssyncset.done $0x0  }
0x45: {  	s19 =	rddreg [dreg:$0xb];
	[sflag:s9] =	ssyncadd.s32 $0xFFFFF000  }
0x46: {  	[spmem:s19] =	stream.linear.scatter [tilespmem:s8], [sflag:$0x7], $0x1000, $0x38;
	[tilespmem:$0x1D100] =	vst v63  }
0x47: {  	_ =	swait.ge [sflag:s9], $0x1000  }
0x48: {  	[sflag:s9] =	ssyncset.done $0x0  }
0x49: {  	s20 =	rddreg [dreg:$0xc];
	[sflag:s9] =	ssyncadd.s32 $0xFFFFF000  }
0x4a: {  	[spmem:s20] =	stream.linear.scatter [tilespmem:s8], [sflag:$0x7], $0x1000, $0x38;
	[tilespmem:$0x1D100] =	vst v63  }
0x4b: {  	_ =	swait.ge [sflag:s9], $0x1000  }
0x4c: {  	[sflag:s9] =	ssyncset.done $0x0  }
0x4d: {  	s21 =	rddreg [dreg:$0xd];
	[sflag:s9] =	ssyncadd.s32 $0xFFFFF000  }
0x4e: {  	[spmem:s21] =	stream.linear.scatter [tilespmem:s8], [sflag:$0x7], $0x1000, $0x38;
	[tilespmem:$0x1D100] =	vst v63  }
0x4f: {  	_ =	swait.ge [sflag:s9], $0x1000  }
0x50: {  	[sflag:s9] =	ssyncset.done $0x0  }
0x51: {  	s22 =	rddreg [dreg:$0xe];
	[sflag:s9] =	ssyncadd.s32 $0xFFFFF000  }
0x52: {  	[spmem:s22] =	stream.linear.scatter [tilespmem:s8], [sflag:$0x7], $0x1000, $0x38;
	[tilespmem:$0x1D100] =	vst v63  }
0x53: {  	_ =	swait.ge [sflag:s9], $0x1000  }
0x54: {  	[sflag:s9] =	ssyncset.done $0x0  }
0x55: {  	s23 =	rddreg [dreg:$0xf];
	[sflag:s9] =	ssyncadd.s32 $0xFFFFF000  }
0x56: {  	[spmem:s23] =	stream.linear.scatter [tilespmem:s8], [sflag:$0x7], $0x1000, $0x38;
	[tilespmem:$0x1D100] =	vst v63  }
0x57: {  	_ =	swait.ge [sflag:s9], $0x1000  }
0x58: {  	[sflag:s9] =	ssyncset.done $0x0  }
0x59: {  	s16 =	rddreg [dreg:$0x10];
	[sflag:s9] =	ssyncadd.s32 $0xFFFFF000  }
0x5a: {  	[spmem:s16] =	stream.linear.scatter [tilespmem:s8], [sflag:$0x7], $0x1000, $0x38;
	[tilespmem:$0x1D100] =	vst v63  }
0x5b: {  	_ =	swait.ge [sflag:s9], $0x1000  }
0x5c: {  	[sflag:s9] =	ssyncset.done $0x0  }
0x5d: {  	s17 =	rddreg [dreg:$0x11];
	[sflag:s9] =	ssyncadd.s32 $0xFFFFF000  }
0x5e: {  	[spmem:s17] =	stream.linear.scatter [tilespmem:s8], [sflag:$0x7], $0x1000, $0x38;
	[tilespmem:$0x1D100] =	vst v63  }
0x5f: {  	_ =	swait.ge [sflag:s9], $0x1000  }
0x60: {  	[sflag:s9] =	ssyncset.done $0x0  }
0x61: {  	s18 =	rddreg [dreg:$0x12];
	[sflag:s9] =	ssyncadd.s32 $0xFFFFF000  }
0x62: {  	[spmem:s18] =	stream.linear.scatter [tilespmem:s8], [sflag:$0x7], $0x1000, $0x38;
	[tilespmem:$0x1D100] =	vst v63  }
0x63: {  	_ =	swait.ge [sflag:s9], $0x1000  }
0x64: {  	[sflag:s9] =	ssyncset.done $0x0  }
0x65: {  	s19 =	rddreg [dreg:$0x13];
	[sflag:s9] =	ssyncadd.s32 $0xFFFFF000  }
0x66: {  	[spmem:s19] =	stream.linear.scatter [tilespmem:s8], [sflag:$0x7], $0x1000, $0x38;
	[tilespmem:$0x1D100] =	vst v63  }
0x67: {  	_ =	swait.ge [sflag:s9], $0x1000  }
0x68: {  	[sflag:s9] =	ssyncset.done $0x0  }
0x69: {  	[sflag:s9] =	ssyncadd.s32 $0xFFFFF000  }
0x6a: {  	[spmem:s28] =	stream.linear.scatter [tilespmem:s8], [sflag:$0x7], $0x1000, $0x38;
	[tilespmem:$0x1D100] =	vst v63  }
0x6b: {  	_ =	swait.ge [sflag:s9], $0x1000  }
0x6c: {  	[sflag:s9] =	ssyncset.done $0x0  }
0x6d: {  	[sflag:s9] =	ssyncadd.s32 $0xFFFFF000  }
0x6e: {  	[spmem:s29] =	stream.linear.scatter [tilespmem:s8], [sflag:$0x7], $0x1000, $0x38;
	[tilespmem:$0x1D100] =	vst v63  }
0x6f: {  	_ =	swait.ge [sflag:s9], $0x1000  }
0x70: {  	[sflag:s9] =	ssyncset.done $0x0  }
0x71: {  	[sflag:s9] =	ssyncadd.s32 $0xFFFFF000  }
0x72: {  	[spmem:s30] =	stream.linear.scatter [tilespmem:s8], [sflag:$0x7], $0x1000, $0x38;
	[tilespmem:$0x1D100] =	vst v63  }
0x73: {  	_ =	swait.ge [sflag:s9], $0x1000  }
0x74: {  	[sflag:s9] =	ssyncset.done $0x0  }
0x75: {  	[sflag:s9] =	ssyncadd.s32 $0xFFFFF000  }
0x76: {  	[spmem:s31] =	stream.linear.scatter [tilespmem:s8], [sflag:$0x7], $0x1000, $0x38;
	[tilespmem:$0x1D100] =	vst v63  }
0x77: {  	_ =	swait.ge [sflag:s9], $0x1000  }
0x78: {  	[sflag:s9] =	ssyncset.done $0x0  }
0x79: {  	[sflag:s9] =	ssyncadd.s32 $0xFFFFF000  }
0x7a: {  	[bflag:$0x0] =	sbarrier.arrive $0xFFFF  }
0x7b: {  	[tilespmem:s3], [sflag:$0x1] =	stream.linear.gather [hbm4b:s24+s3], $0x80, $0x38;
	[tilespmem:$0x1D100] =	vst v63  }
0x7c: {  	s7 =	simm.s32 $0x100  }
0x7d: {  	[tilespmem:s7], [sflag:$0x3] =	stream.linear.gather [hbm4b:s26+s3], $0x4000, $0x38;
	[tilespmem:$0x1D100] =	vst v63  }
0x7e: {  	_ = 	snop  }
0x7f: {  	[tilespmem:s10], [sflag:$0x2] =	stream.linear.gather [hbm4b:s0+s3], $0x80, $0x38;
	[tilespmem:$0x1D100] =	vst v63  }
0x80: {  	s16 =	simm.s32 $0x4100  }
0x81: {  	[tilespmem:s16], [sflag:$0x4] =	stream.linear.gather [hbm4b:s1+s3], $0x4000, $0x38;
	[tilespmem:$0x1D100] =	vst v63  }
0x82: {  	_ =	swait.ge [sflag:s11], $0x80  }
0x83: {  	p0 =	por $0x0, $0x0;
	[sflag:s11] =	ssyncset.done $0x0  }
0x84: {  	s17 =	sand.u32 @!p0 $0x7C00, s7;
	[sflag:s11] =	ssyncadd.s32 $0xFFFFFF80  }
0x85: {  	s17 =	sadd.s32 @!p0 s5, s17;
	s16 =	simm.s32 $0x2;
	_ =	swait.ge [sflag:s12], $0x4000  }
0x86: {  	s18 =	sand.u32 @!p0 $0x380, s7;
	s16 =	sand.u32 @!p0 $0x1, s16;
	[sflag:s12] =	ssyncset.done $0x0  }
0x87: {  	s17 =	sor.u32 @!p0 s18, s17;
	s19 =	sadd.s32 @!p0 $0x5, s16;
	[sflag:s12] =	ssyncadd.s32 $0xFFFFC000  }
0x88: {  	[spmem:s2] =	stream.indirect.scatter.add.f32 [tilespmem:s7], [sflag:$0x5], $0x80, s3, s10, $0xb8;
	[tilespmem:$0x1D100] =	vst v63  }
0x89: {  	s17 =	sshrl.u32 @!p0 s17, $0x3;
	_ =	swait.ge @!p0 [sflag:s19], $0x4000  }
0x8a: {  	s20 =	simm.s32 @!p0 $0x0;
	s17 =	sadd.s32 @!p0 s4, s17;
	[sflag:s19] =	ssyncset.done @!p0 $0x0  }
0x8b: {  	s18 =	sadd.s32 @!p0 $0x1, s16;
	[sflag:s19] =	ssyncadd.s32 @!p0 $0xFFFFC000;
	s19 =	sshll.u32 @!p0 s16, $0x7  }
0x8c: {  	[tilespmem:s19], [sflag:s18] =	stream.linear.gather @!p0 [hbm4b:s17+s20], $0x80, $0x38;
	[tilespmem:$0x1D100] =	vst v63  }
0x8d: {  	s22 =	sxor.u32 @!p0 $0x1, s16;
	s17 =	sshll.u32 @!p0 s16, $0xE  }
0x8e: {  	s22 =	simm.s32 @p0 $0x1;
	s16 =	sadd.s32 @!p0 $0x3, s16;
	s17 =	sor.u32 @!p0 $0x100, s17  }
0x8f: {  	[tilespmem:s17], [sflag:s16] =	stream.linear.gather @!p0 [hbm4b:s25+s20], $0x4000, $0x38;
	[tilespmem:$0x1D100] =	vst v63  }
0x90: {  	s20 =	sadd.s32 $0x1, s22  }
0x91: {  	s23 =	sshll.u32 s22, $0xE;
	_ =	swait.ge [sflag:s20], $0x80  }
0x92: {  	s21 =	sadd.s32 $0x3, s22;
	s18 =	sshll.u32 s22, $0x7;
	[sflag:s20] =	ssyncset.done $0x0  }
0x93: {  	s19 =	sor.u32 $0x100, s23;
	s16 =	simm.s32 $0x3;
	[sflag:s20] =	ssyncadd.s32 $0xFFFFFF80  }
0x94: {  	s17 =	sadd.s32 $0x800, s25;
	s20 =	sadd.s32 $0x5, s22;
	_ =	swait.ge [sflag:s21], $0x4000  }
.LBB2_4:
0x95: {  	[sflag:s21] =	ssyncset.done $0x0  }
0x96: {  	s7 =	sadd.s32 $0x80, s7;
	s22 =	smov.u32 s16;
	s16 =	sadd.s32 $0x1, s16  }
0x97: {  	p1 =	seq.s32 s22, $0xA0;
	p0 =	sne.s32 s16, $0xA1;
	[sflag:s21] =	ssyncadd.s32 $0xFFFFC000  }
0x98: {  	[spmem:s2] =	stream.indirect.scatter.add.f32 [tilespmem:s19], [sflag:s20], $0x80, s18, s10, $0xb8;
	[tilespmem:$0x1D100] =	vst v63  }
0x99: {  	s18 =	sand.u32 @!p1 $0x1, s22;
	s19 =	sand.u32 @!p1 $0x7C00, s7;
	s20 =	sand.u32 @!p1 $0x380, s7  }
0x9a: {  	s22 =	simm.s32 @!p1 $0x0;
	s21 =	sadd.s32 @!p1 $0x5, s18;
	s19 =	sadd.s32 @!p1 s5, s19  }
0x9b: {  	s19 =	sor.u32 @!p1 s20, s19;
	s20 =	sshll.u32 @!p1 s18, $0xE;
	_ =	swait.ge @!p1 [sflag:s21], $0x4000  }
0x9c: {  	s23 =	sadd.s32 @!p1 $0x1, s18;
	s19 =	sshrl.u32 @!p1 s19, $0x3;
	[sflag:s21] =	ssyncset.done @!p1 $0x0  }
0x9d: {  	s19 =	sadd.s32 @!p1 s4, s19;
	[sflag:s21] =	ssyncadd.s32 @!p1 $0xFFFFC000;
	s21 =	sshll.u32 @!p1 s18, $0x7  }
0x9e: {  	[tilespmem:s21], [sflag:s23] =	stream.linear.gather @!p1 [hbm4b:s19+s22], $0x80, $0x38;
	[tilespmem:$0x1D100] =	vst v63  }
0x9f: {  	s21 =	sxor.u32 @!p1 $0x1, s18  }
0xa0: {  	s19 =	sor.u32 @!p1 $0x100, s20;
	s20 =	sadd.s32 @!p1 $0x3, s18;
	s21 =	simm.s32 @p1 $0x1  }
0xa1: {  	s18 =	sshll.u32 s21, $0x7  }
0xa2: {  	[tilespmem:s19], [sflag:s20] =	stream.linear.gather @!p1 [hbm4b:s17+s22], $0x4000, $0x38;
	[tilespmem:$0x1D100] =	vst v63  }
.Ltmp1:
0xa3: {  	s22 =	sadd.s32 $0x1, s21;
	s19 =	sshll.u32 s21, $0xE;
	(pc) =	sbr.rel @p0 .LBB2_4-.Ltmp1, $4  }
0xa4: {  	s20 =	sadd.s32 $0x5, s21;
	s19 =	sor.u32 $0x100, s19;
	_ =	swait.ge [sflag:s22], $0x80  }
0xa5: {  	s21 =	sadd.s32 $0x3, s21;
	[sflag:s22] =	ssyncset.done $0x0  }
0xa6: {  	[sflag:s22] =	ssyncadd.s32 $0xFFFFFF80  }
0xa7: {  	s17 =	sadd.s32 $0x800, s17;
	_ =	swait.ge [sflag:s21], $0x4000  }
0xa8: {  	[sflag:s21] =	ssyncset.done $0x0  }
0xa9: {  	[sflag:s21] =	ssyncadd.s32 $0xFFFFC000  }
0xaa: {  	[spmem:s2] =	stream.indirect.scatter.add.f32 [tilespmem:s19], [sflag:s20], $0x80, s18, s10, $0xb8;
	[tilespmem:$0x1D100] =	vst v63  }
0xab: {  	_ =	swait.ge [sflag:s13], $0x4000  }
0xac: {  	[sflag:s13] =	ssyncset.done $0x0  }
0xad: {  	[sflag:s13] =	ssyncadd.s32 $0xFFFFC000  }
0xae: {  	_ =	swait.ge [sflag:s14], $0x4000  }
0xaf: {  	[sflag:s14] =	ssyncset.done $0x0  }
0xb0: {  	s7 =	stileid.u32;
	[sflag:s14] =	ssyncadd.s32 $0xFFFFC000  }
0xb1: {  	s7 =	sshll.u32 s7, $0x6;
	[bflag:$0x0] =	sbarrier.arrive $0xFFFF  }
0xb2: {  	s16 =	sshrl.u32 s6, $0x3;
	s7 =	sor.u32 $0x1C07, s7;
	s17 =	rddreg [dreg:$0x3]  }
0xb3: {  	[hbm:s17], [sflag:s7] =	dma.local [spmem:s16], $0x2800  }
0xb4: {  	_ =	swait.ge [sflag:s9], $0x2800  }
0xb5: {  	s15 =	sadd.s32 $0x1, s15;
	s23 =	rddreg [dreg:$0x4]  }
0xb6: {  	p0 =	sne.s32 s15, s23  }
.Ltmp2:
0xb7: {  	_ = 	snop;
	(pc) =	sbr.rel @p0 .LBB2_1-.Ltmp2, $3  }
0xb8: {  	_ =	sdelay $0x1  }
0xb9: {  	[sflag:s9] =	ssyncset.done $0x0  }
0xba: {  	[sflag:s9] =	ssyncadd.s32 $0xFFFFD800  }
0xbb: {  	_ =	sfence.sel $0x180000  }
0xbc: {  	[bflag:$0x0] =	sbarrier.arrive $0xFFFF  }
0xbd: {  	_ =	strace $0x90000050  }
0xbe: {  	s0 =	stileid.u32;
	[bflag:$0x2] =	sbarrier.arrive $0xFFFF  }
0xbf: {  	p0 =	sne.s32 s0, $0x0;
	s0 =	rddreg [dreg:$0x2]  }
0xc0: {  	s0 =	sadd.s32 @!p0 $0x100000, s0  }
0xc1: {  	[sflag:s0] =	ssyncadd.tile.s32 @!p0 $0x1;
	_ =	shalt  }
.Lfunc_end2:
_tile_overlayer_lowered:
.L_overlay_start_2:
0xc2: {  	(tag) =	ssettag $0x2  }
0xc3: {  	s0 =	rddreg [dreg:$0x0];
	s2 =	stileid.u32  }
0xc4: {  	s1 =	rddreg [dreg:$0x1];
	p0 =	sne.s32 s2, $0x0  }
0xc5: {  	s3 =	rddreg [dreg:$0x2];
	[bflag:$0x3] =	sbarrier.arrive $0xFFFF;
	s2 =	simm.s32 @!p0 $0x1C07  }
0xc6: {  	[timem:s3], [sflag:s2] =	dma.local @!p0 [hbm:s0], s1  }
0xc7: {  	s0 =	simm.s32 @!p0 $0x7  }
0xc8: {  	_ =	swait.ge @!p0 [sflag:s0], s1  }
0xc9: {  	s1 =	ssub.s32 @!p0 $0x0, s1;
	[sflag:s0] =	ssyncset.done @!p0 $0x0  }
0xca: {  	[sflag:s0] =	ssyncadd.s32 @!p0 s1  }
0xcb: {  	[bflag:$0x3] =	sbarrier.arrive $0xFFFF  }
0xcc: {  	_ =	shalt  }

// kernel: kernel.33.cloned.1.call-start
scs
__scs_entry_jumppad:
0x0: {  	(pc) =	sbr.rel $0x88, $3  }
0x1: {  	(tag) =	ssettag $0x0;
	lr =	simm.s32 $0x1  }
0x2: {  	[smem:$0x3F42] =	sst lr;
	_ =	strace $0xD0000000  }
0x3: {  	_ = 	snop  }
0x4: {  	_ = 	snop  }
0x5: {  	_ = 	snop  }
0x6: {  	_ = 	snop  }
0x7: {  	_ = 	snop  }
__scs_overlays_trampoline_lowered:
0x8: {  	[smem:$0x3F51] =	sst s0  }
0x9: {  	[smem:$0x3F52] =	sst s1  }
0xa: {  	[smem:$0x3F53] =	sst s2  }
0xb: {  	[smem:$0x3F54] =	sst s3  }
0xc: {  	[smem:$0x3F55] =	sst s4  }
0xd: {  	[smem:$0x3F56] =	sst s5  }
0xe: {  	[smem:$0x3F57] =	sst s6  }
0xf: {  	[smem:$0x3F58] =	sst s7  }
0x10: {  	[smem:$0x3F59] =	sst s8  }
0x11: {  	[smem:$0x3F5A] =	sst s9;
	s0 =	simm.s32 @!p0 $0x0  }
0x12: {  	s1 =	sld [smem:$0x3F40];
	s0 =	simm.s32 @p0 $0x1  }
0x13: {  	[smem:$0x3F5B] =	sst s0;
	s0 =	simm.s32 @!p1 $0x0  }
0x14: {  	s2 =	sld [smem:$0x3F3F];
	s0 =	simm.s32 @p1 $0x1  }
0x15: {  	[smem:$0x3F5C] =	sst s0;
	s0 =	simm.s32 @!p2 $0x0  }
0x16: {  	s3 =	sld [smem:$0x3FDB];
	s0 =	simm.s32 @p2 $0x1  }
0x17: {  	s4 =	simm.s32 $0x1BF5;
	[smem:$0x3F5E] =	sst s0  }
0x18: {  	s0 =	sld [smem:$0x3F41];
	_ =	swait.ge [sflag:s4], $0x0  }
0x19: {  	s7 =	sld [smem:$0x3F42]  }
0x1a: {  	s8 =	sadd.s32 $0xFFFFE003, lr  }
0x1b: {  	s9 =	sadd.s32 $0xFFFFFEF7, lr;
	s5 =	simm.s32 $0xFFFFFFFF;
	p2 =	slt.u32 s8, $0xFFFFF086  }
0x1c: {  	p1 =	slt.u32 s9, $0xF7A;
	s5 =	simm.s32 @!p2 $0x0  }
0x1d: {  	s5 =	simm.s32 @p1 $0x1;
	p0 =	seq.s32 s7, s2  }
0x1e: {  	s7 =	smul.u32 @!p0 $0xF7A, s2;
	p2 =	seq.s32 @!p0 s5, $0x0  }
0x1f: {  	s9 =	smul.u32 $0xF7A, s1;
	s8 =	simm.s32 @!p0 $0x1BF5;
	p2 =	por !p2, p0  }
0x20: {  	[sflag:s8] =	ssyncset.s32 @!p0 $0xFFFFF086;
	s6 =	sadd.s32 @!p0 s3, s7;
	s7 =	simm.s32 @!p0 $0x108  }
0x21: {  	s3 =	sadd.s32 s3, s9;
	s6 =	sadd.s32 @!p0 $0x88, s6;
	s7 =	simm.s32 @p2 $0x1082  }
0x22: {  	[simem:s7], [sflag:s8] =	dma.local @!p0 [hbm:s6], $0xF7A  }
0x23: {  	s9 =	sor.u32 $0xD0000000, s2;
	s6 =	simm.s32 $0x108;
	_ =	swait.ge @!p0 [sflag:s8], $0x0  }
0x24: {  	s3 =	sadd.s32 $0x88, s3;
	s6 =	simm.s32 @!p1 $0x1082;
	[sflag:s4] =	ssyncset.s32 $0xFFFFF086  }
0x25: {  	[simem:s6], [sflag:s4] =	dma.local [hbm:s3], $0xF7A  }
0x26: {  	[smem:$0x3F42] =	sst s1;
	(tag) =	ssettag s2;
	_ =	strace s9  }
0x27: {  	s1 =	sld [smem:$0x3F52]  }
0x28: {  	s2 =	sld [smem:$0x3F53]  }
0x29: {  	s4 =	sld [smem:$0x3F55]  }
0x2a: {  	p0 =	seq.s32 s5, $0x0;
	s5 =	sld [smem:$0x3F56]  }
0x2b: {  	s6 =	sld [smem:$0x3F57]  }
0x2c: {  	s7 =	sld [smem:$0x3F58]  }
0x2d: {  	s3 =	simm.s32 $0x108;
	s8 =	sld [smem:$0x3F59]  }
0x2e: {  	s3 =	simm.s32 @!p0 $0x1082;
	s9 =	sld [smem:$0x3F5A]  }
0x2f: {  	lr =	sadd.s32 s0, s3;
	s0 =	sld [smem:$0x3F51]  }
0x30: {  	s3 =	sld [smem:$0x3F54]  }
0x31: {  	[smem:$0x3F5D] =	sst s10  }
0x32: {  	s10 =	sld [smem:$0x3F5B];
	_ =	sdelay $0x3  }
0x33: {  	p0 =	seq.s32 s10, $0x1;
	s10 =	sld [smem:$0x3F5D];
	_ =	sdelay $0x3  }
0x34: {  	[smem:$0x3F5D] =	sst s10  }
0x35: {  	s10 =	sld [smem:$0x3F5C];
	_ =	sdelay $0x3  }
0x36: {  	p1 =	seq.s32 s10, $0x1;
	s10 =	sld [smem:$0x3F5D];
	_ =	sdelay $0x3  }
0x37: {  	[smem:$0x3F5D] =	sst s10  }
0x38: {  	s10 =	sld [smem:$0x3F5E]  }
0x39: {  	_ = 	snop;
	(pc) =	sbr.ind lr, $3  }
0x3a: {  	_ = 	snop  }
0x3b: {  	_ = 	snop  }
0x3c: {  	p2 =	seq.s32 s10, $0x1;
	s10 =	sld [smem:$0x3F5D]  }
0x3d: {  	_ =	shalt  }
0x3e: {  	_ =	shalt  }
0x3f: {  	_ =	shalt  }
0x40: {  	_ =	shalt  }
0x41: {  	_ =	shalt  }
0x42: {  	_ =	shalt  }
0x43: {  	_ =	shalt  }
0x44: {  	_ =	shalt  }
0x45: {  	_ =	shalt  }
0x46: {  	_ =	shalt  }
0x47: {  	_ =	shalt  }
0x48: {  	_ =	shalt  }
0x49: {  	_ =	shalt  }
0x4a: {  	_ =	shalt  }
0x4b: {  	_ =	shalt  }
0x4c: {  	_ =	shalt  }
0x4d: {  	_ =	shalt  }
0x4e: {  	_ =	shalt  }
0x4f: {  	_ =	shalt  }
0x50: {  	_ =	shalt  }
0x51: {  	_ =	shalt  }
0x52: {  	_ =	shalt  }
0x53: {  	_ =	shalt  }
0x54: {  	_ =	shalt  }
0x55: {  	_ =	shalt  }
0x56: {  	_ =	shalt  }
0x57: {  	_ =	shalt  }
0x58: {  	_ =	shalt  }
0x59: {  	_ =	shalt  }
0x5a: {  	_ =	shalt  }
0x5b: {  	_ =	shalt  }
0x5c: {  	_ =	shalt  }
0x5d: {  	_ =	shalt  }
0x5e: {  	_ =	shalt  }
0x5f: {  	_ =	shalt  }
0x60: {  	_ =	shalt  }
0x61: {  	_ =	shalt  }
0x62: {  	_ =	shalt  }
0x63: {  	_ =	shalt  }
0x64: {  	_ =	shalt  }
0x65: {  	_ =	shalt  }
0x66: {  	_ =	shalt  }
0x67: {  	_ =	shalt  }
0x68: {  	_ =	shalt  }
0x69: {  	_ =	shalt  }
0x6a: {  	_ =	shalt  }
0x6b: {  	_ =	shalt  }
0x6c: {  	_ =	shalt  }
0x6d: {  	_ =	shalt  }
0x6e: {  	_ =	shalt  }
0x6f: {  	_ =	shalt  }
0x70: {  	_ =	shalt  }
0x71: {  	_ =	shalt  }
0x72: {  	_ =	shalt  }
0x73: {  	_ =	shalt  }
0x74: {  	_ =	shalt  }
0x75: {  	_ =	shalt  }
0x76: {  	_ =	shalt  }
0x77: {  	_ =	shalt  }
0x78: {  	_ =	shalt  }
0x79: {  	_ =	shalt  }
0x7a: {  	_ =	shalt  }
0x7b: {  	_ =	shalt  }
0x7c: {  	_ =	shalt  }
0x7d: {  	_ =	shalt  }
0x7e: {  	_ =	shalt  }
0x7f: {  	_ =	shalt  }
0x80: {  	_ =	shalt  }
0x81: {  	_ =	shalt  }
0x82: {  	_ =	shalt  }
0x83: {  	_ =	shalt  }
0x84: {  	_ =	shalt  }
0x85: {  	_ =	shalt  }
0x86: {  	_ =	shalt  }
0x87: {  	_ =	shalt  }
.Lfunc_end0:
.L_simem_size_0:
called_computation.4_lowered:
.L_overlay_start_0:
0x88: {  	s2 =	sld [smem:$0x3FD9]  }
0x89: {  	s3 =	sld [smem:$0x3FFE];
	_ =	sdelay $0x1  }
0x8a: {  	s1 =	srdreg.scid  }
0x8b: {  	s0 =	sand.u32 $0x1, s1  }
0x8c: {  	s16 =	sshll.u32 s0, $0xA;
	s2 =	sadd.s32 s3, s2  }
0x8d: {  	s2 =	sadd.s32 s2, s16  }
0x8e: {  	[smem:$0x3F69] =	sst s2  }
0x8f: {  	_ = 	snop  }
0x90: {  	(tm) =	ssettm $0x1  }
0x91: {  	s17 =	sld [smem:$0x3FFB];
	_ =	sdelay $0x3  }
0x92: {  	_ =	strace s17  }
0x93: {  	s2 =	sld [smem:$0x3FFC];
	_ =	sdelay $0x3  }
0x94: {  	_ =	strace s2  }
0x95: {  	s2 =	sld [smem:$0x3FFD];
	_ =	sdelay $0x3  }
0x96: {  	_ =	strace s2  }
0x97: {  	_ =	strace $0x8FFFFFFF  }
0x98: {  	s18 =	sld [smem:$0x3FDB];
	_ =	sdelay $0x1  }
0x99: {  	s19 =	simm.s32 $_scs_section_size  }
0x9a: {  	s4 =	simm.s32 $_size__tile_overlayer_lowered;
	s5 =	simm.s32 $_tile_overlayer_lowered  }
0x9b: {  	s22 =	simm.s32 $0x1BFF;
	s21 =	sshll.u32 s5, $0x1;
	s2 =	sadd.s32 s19, s18  }
0x9c: {  	s6 =	simm.s32 $0x0;
	s20 =	sshll.u32 s4, $0x1;
	s4 =	sadd.s32 s21, s2  }
0x9d: {  	[timem:s6], [sflag:s22] =	dma.local [hbm:s4], s20  }
0x9e: {  	_ =	swait.ge [sflag:s22], s20  }
0x9f: {  	s3 =	ssub.s32 $0x0, s20;
	[sflag:s22] =	ssyncset.done $0x0  }
0xa0: {  	[sflag:s22] =	ssyncadd.s32 s3;
	_ =	sdelay $0x1  }
0xa1: {  	s23 =	simm.s32 $0x1B8B  }
0xa2: {  	_ =	swait.ge [sflag:s23], $0x1  }
0xa3: {  	[sflag:s23] =	ssyncset.done $0x0  }
0xa4: {  	s25 =	simm.s32 $0x1B8E;
	s24 =	sld [smem:$0x3FFE];
	[sflag:s23] =	ssyncadd.s32 $0xFFFFFFFF  }
0xa5: {  	s26 =	simm.s32 $execute0_lowered;
	[smem:$0x3FD2] =	sst s25  }
0xa6: {  	s4 =	sshll.u32 s26, $0x1;
	_ =	strace $0x80000052;
	[dreg:$0x1] =	wrdreg $0xFFFFFFFF  }
0xa7: {  	s28 =	simm.s32 $_size_execute0_lowered;
	s2 =	sadd.s32 s2, s4;
	[dreg:$0x0] =	wrdreg $0x0  }
0xa8: {  	s4 =	sshll.u32 s28, $0x1;
	[dreg:$0x2] =	wrdreg s2  }
0xa9: {  	[dreg:$0x3] =	wrdreg s4  }
0xaa: {  	[dreg:$0x4] =	wrdreg $0xC0  }
0xab: {  	_ =	task [dreg:s6], $0x5FFFF  }
0xac: {  	[dreg:$0x1] =	wrdreg $0xFFFFFFFF  }
0xad: {  	[dreg:$0x0] =	wrdreg $0x60  }
0xae: {  	[dreg:$0x2] =	wrdreg s24  }
0xaf: {  	[dreg:$0x3] =	wrdreg $0x9  }
0xb0: {  	_ =	task.clear_ibuf [dreg:s6], $0x4FFFF;
	_ =	strace $0x90000052  }
0xb1: {  	s29 =	simm.s32 $0x9;
	_ =	strace $0x80000054  }
0xb2: {  	_ =	swait.ge [sflag:s29], $0x1  }
0xb3: {  	[sflag:s29] =	ssyncadd.s32 $0xFFFFFFFF  }
0xb4: {  	_ =	strace $0x90000054  }
0xb5: {  	_ =	sfence  }
0xb6: {  	s30 =	sld [smem:$0x0];
	_ =	sdelay $0x2  }
0xb7: {  	s31 =	sshll.u32 s1, $0xD;
	s1 =	sshrl.u32 s1, $0x2  }
0xb8: {  	s3 =	sand.u32 $0x4000, s31;
	s1 =	sadd.s32 s1, s30  }
0xb9: {  	s0 =	sor.u32 s3, s0;
	s1 =	sshll.u32 s1, $0x11  }
0xba: {  	s0 =	sor.u32 s1, s0  }
0xbb: {  	s0 =	sadd.s32 $0x8F2B, s0  }
0xbc: {  	[sflag:s0] =	ssyncadd.remote.s32 $0x1  }
0xbd: {  	_ =	sfence.sel $0xFFFF  }
0xbe: {  	[dreg:$0x0] =	wrdreg $0xFFFFFFFF;
	(pc) =	sbr.abs _section_cstart, $3  }
0xbf: {  	[dreg:$0x1] =	wrdreg $0xFFFFFFFF  }
0xc0: {  	_ =	task.clear_ibuf [dreg:s6], $0x2FFFF;
	_ =	strace $0x9FFFFFFF  }
0xc1: {  	(tm) =	ssettm $0x7FFFFFFF  }
tec
execute0_lowered:
.L_overlay_start_1:
0x0: {  	(tag) =	ssettag $0x1  }
0x1: {  	s1 =	srdreg.scid  }
0x2: {  	s0 =	stileid.u32;
	s4 =	rddreg [dreg:$0x0]  }
0x3: {  	s2 =	simm.s32 $0x0;
	s10 =	simm.s32 $0x7;
	s11 =	simm.s32 $0x8  }
0x4: {  	s12 =	simm.s32 $0x9;
	s13 =	simm.s32 $0xA;
	s14 =	simm.s32 $0x0  }
0x5: {  	s5 =	sand.u32 $0x1, s1;
	s3 =	sshll.u32 s0, $0x1;
	s7 =	smul.u32 $0x500000, s0  }
0x6: {  	s1 =	rddreg [dreg:$0x1];
	s3 =	sor.u32 s5, s3;
	s9 =	smul.u32 $0x280000, s5  }
0x7: {  	[smem:$0x7FF] =	sst s2;
	s8 =	ssub.s32 $0x2, s5;
	s6 =	smul.u32 $0xA00, s3  }
0x8: {  	_ =	strace $0x80000053;
	s3 =	sadd.s32 $0xD800, s4;
	s31 =	sshrl.u32 s8, $0x1  }
0x9: {  	s7 =	sadd.s32 s9, s7;
	s9 =	simm.s32 $0x6;
	s30 =	sadd.s32 s6, s4  }
0xa: {  	s4 =	sadd.s32 $0x83A00, s4;
	s6 =	ssub.s32 s8, s31;
	s7 =	sadd.s32 $0xFFFF4000, s7  }
0xb: {  	s8 =	simm.s32 $0xB;
	s5 =	sadd.s32 $0x5BA00, s30;
	s6 =	smax.u32 s6, $0x1  }
.LBB2_1:
0xc: {  	[tilespmem:s2], [sflag:$0xB] =	stream.linear.gather [hbm4b:s5+s2], $0x5000, $0x38;
	[tilespmem:$0x19000] =	vst v63  }
0xd: {  	_ =	swait.ge [sflag:s8], $0x5000  }
0xe: {  	s15 =	smov.u32 s7;
	[sflag:s8] =	ssyncset.done $0x0  }
0xf: {  	s16 =	simm.s32 $0x0;
	s17 =	simm.s32 $0x0;
	[sflag:s8] =	ssyncadd.s32 $0xFFFFB000  }
.LBB2_2:
0x10: {  	p0 =	sgt.u32 s17, $0x9F  }
0x11: {  	p1 =	slt.u32 @!p0 s17, $0x5  }
0x12: {  	p1 =	por p1, p0  }
0x13: {  	s18 =	sadd.s32 @!p1 $0xFFFFFFFB, s17  }
0x14: {  	s19 =	sand.u32 @!p1 $0xFF, s18  }
0x15: {  	s19 =	smul.u32 @!p1 $0xCD, s19;
	_ =	sdelay $0x1  }
0x16: {  	s20 =	smul.u32 @!p0 $0xCD, s17;
	s19 =	sshrl.u32 @!p1 s19, $0xA  }
0x17: {  	s19 =	smul.u32 @!p1 $0x5, s19  }
0x18: {  	s20 =	sshrl.u32 @!p0 s20, $0xA  }
0x19: {  	s18 =	ssub.s32 @!p1 s18, s19;
	s19 =	sand.u32 @!p0 $0x3F, s20  }
0x1a: {  	s18 =	sand.u32 @!p1 $0xFF, s18;
	s19 =	smul.u32 @!p0 $0x5, s19  }
0x1b: {  	s18 =	sadd.s32 @!p1 $0x6, s18  }
0x1c: {  	_ =	swait.ge @!p1 [sflag:s18], $0x4000;
	s19 =	ssub.s32 @!p0 s17, s19  }
0x1d: {  	[sflag:s18] =	ssyncset.done @!p1 $0x0;
	s19 =	sand.u32 @!p0 $0xFF, s19  }
0x1e: {  	s20 =	simm.s32 @!p0 $0x80;
	[sflag:s18] =	ssyncadd.s32 @!p1 $0xFFFFC000;
	s18 =	sshll.u32 @!p0 s19, $0xE  }
0x1f: {  	s19 =	sadd.s32 @!p0 $0x1, s19;
	p1 =	slt.u32 @!p0 s17, $0x3;
	s18 =	sadd.s32 @!p0 $0x5000, s18  }
0x20: {  	[tilespmem:s18], [sflag:s19] =	stream.indirect.gather @!p0 [hbm4b:s3+s20], $0x80, s16, s20, $0xb8;
	[tilespmem:$0x19000] =	vst v63  }
0x21: {  	p0 =	por p0, !p1  }
0x22: {  	s18 =	sadd.s32 @p0 $0xFFFFFFFD, s17  }
0x23: {  	s19 =	sand.u32 @p0 $0xFF, s18  }
0x24: {  	s19 =	smul.u32 @p0 $0xCD, s19;
	_ =	sdelay $0x1  }
0x25: {  	s19 =	sshrl.u32 @p0 s19, $0xA  }
0x26: {  	s19 =	smul.u32 @p0 $0x5, s19;
	_ =	sdelay $0x1  }
0x27: {  	s18 =	ssub.s32 @p0 s18, s19  }
0x28: {  	s18 =	sand.u32 @p0 $0xFF, s18  }
0x29: {  	s19 =	sadd.s32 @p0 $0x1, s18  }
0x2a: {  	_ =	swait.ge @p0 [sflag:s19], $0x4000  }
0x2b: {  	s20 =	sshrl.u32 @p0 s15, $0x3;
	[sflag:s19] =	ssyncset.done @p0 $0x0  }
0x2c: {  	s17 =	sadd.s32 $0x1, s17;
	[sflag:s19] =	ssyncadd.s32 @p0 $0xFFFFC000;
	s19 =	sshll.u32 @p0 s18, $0xE  }
0x2d: {  	s20 =	sadd.s32 @p0 s4, s20;
	s18 =	sadd.s32 @p0 $0x6, s18;
	s19 =	sadd.s32 @p0 $0x5000, s19  }
0x2e: {  	[hbm4b:s20+s2] =	stream.linear.scatter @p0 [tilespmem:s19], [sflag:s18], $0x4000, $0x38;
	[tilespmem:$0x19000] =	vst v63  }
0x2f: {  	p0 =	sne.s32 s17, $0xA3  }
.Ltmp0:
0x30: {  	_ = 	snop;
	(pc) =	sbr.rel @p0 .LBB2_2-.Ltmp0, $2  }
0x31: {  	_ =	sdelay $0x2  }
0x32: {  	s16 =	sadd.s32 $0x80, s16;
	s15 =	sadd.s32 $0x4000, s15  }
0x33: {  	_ =	swait.ge [sflag:s9], $0x4000  }
0x34: {  	[sflag:s9] =	ssyncset.done $0x0  }
0x35: {  	[sflag:s9] =	ssyncadd.s32 $0xFFFFC000  }
0x36: {  	_ =	swait.ge [sflag:s10], $0x4000  }
0x37: {  	[sflag:s10] =	ssyncset.done $0x0  }
0x38: {  	[sflag:s10] =	ssyncadd.s32 $0xFFFFC000  }
0x39: {  	_ =	swait.ge [sflag:s11], $0x4000  }
0x3a: {  	[sflag:s11] =	ssyncset.done $0x0  }
0x3b: {  	s14 =	sadd.s32 $0x1, s14;
	[sflag:s11] =	ssyncadd.s32 $0xFFFFC000  }
0x3c: {  	p0 =	sne.s32 s14, s6;
	_ =	swait.ge [sflag:s12], $0x4000  }
.Ltmp1:
0x3d: {  	[sflag:s12] =	ssyncset.done $0x0;
	(pc) =	sbr.rel @p0 .LBB2_1-.Ltmp1, $4  }
0x3e: {  	[sflag:s12] =	ssyncadd.s32 $0xFFFFC000  }
0x3f: {  	_ =	swait.ge [sflag:s13], $0x4000  }
0x40: {  	[sflag:s13] =	ssyncset.done $0x0  }
0x41: {  	[sflag:s13] =	ssyncadd.s32 $0xFFFFC000  }
0x42: {  	_ =	sfence.sel $0x180000  }
0x43: {  	[bflag:$0x0] =	sbarrier.arrive $0xFFFF  }
0x44: {  	p0 =	sne.s32 s0, $0x0;
	_ =	strace $0x90000053  }
0x45: {  	s0 =	sadd.s32 @!p0 $0x100000, s1;
	[bflag:$0x2] =	sbarrier.arrive $0xFFFF  }
0x46: {  	[sflag:s0] =	ssyncadd.tile.s32 @!p0 $0x1;
	_ =	shalt  }
.Lfunc_end2:
_tile_overlayer_lowered:
.L_overlay_start_2:
0x47: {  	(tag) =	ssettag $0x2  }
0x48: {  	s0 =	rddreg [dreg:$0x0];
	s2 =	stileid.u32  }
0x49: {  	s1 =	rddreg [dreg:$0x1];
	p0 =	sne.s32 s2, $0x0  }
0x4a: {  	s3 =	rddreg [dreg:$0x2];
	[bflag:$0x3] =	sbarrier.arrive $0xFFFF;
	s2 =	simm.s32 @!p0 $0x1C0B  }
0x4b: {  	[timem:s3], [sflag:s2] =	dma.local @!p0 [hbm:s0], s1  }
0x4c: {  	s0 =	simm.s32 @!p0 $0xB  }
0x4d: {  	_ =	swait.ge @!p0 [sflag:s0], s1  }
0x4e: {  	s1 =	ssub.s32 @!p0 $0x0, s1;
	[sflag:s0] =	ssyncset.done @!p0 $0x0  }
0x4f: {  	[sflag:s0] =	ssyncadd.s32 @!p0 s1  }
0x50: {  	[bflag:$0x3] =	sbarrier.arrive $0xFFFF  }
0x51: {  	_ =	shalt  }

// kernel: kernel.36.cloned.1.call-start
scs
__scs_entry_jumppad:
0x0: {  	(pc) =	sbr.rel $0x88, $3  }
0x1: {  	(tag) =	ssettag $0x0;
	lr =	simm.s32 $0x1  }
0x2: {  	[smem:$0x3F42] =	sst lr;
	_ =	strace $0xD0000000  }
0x3: {  	_ = 	snop  }
0x4: {  	_ = 	snop  }
0x5: {  	_ = 	snop  }
0x6: {  	_ = 	snop  }
0x7: {  	_ = 	snop  }
__scs_overlays_trampoline_lowered:
0x8: {  	[smem:$0x3F51] =	sst s0  }
0x9: {  	[smem:$0x3F52] =	sst s1  }
0xa: {  	[smem:$0x3F53] =	sst s2  }
0xb: {  	[smem:$0x3F54] =	sst s3  }
0xc: {  	[smem:$0x3F55] =	sst s4  }
0xd: {  	[smem:$0x3F56] =	sst s5  }
0xe: {  	[smem:$0x3F57] =	sst s6  }
0xf: {  	[smem:$0x3F58] =	sst s7  }
0x10: {  	[smem:$0x3F59] =	sst s8  }
0x11: {  	[smem:$0x3F5A] =	sst s9;
	s0 =	simm.s32 @!p0 $0x0  }
0x12: {  	s1 =	sld [smem:$0x3F40];
	s0 =	simm.s32 @p0 $0x1  }
0x13: {  	[smem:$0x3F5B] =	sst s0;
	s0 =	simm.s32 @!p1 $0x0  }
0x14: {  	s2 =	sld [smem:$0x3F3F];
	s0 =	simm.s32 @p1 $0x1  }
0x15: {  	[smem:$0x3F5C] =	sst s0;
	s0 =	simm.s32 @!p2 $0x0  }
0x16: {  	s3 =	sld [smem:$0x3FDB];
	s0 =	simm.s32 @p2 $0x1  }
0x17: {  	s4 =	simm.s32 $0x1BF5;
	[smem:$0x3F5E] =	sst s0  }
0x18: {  	s0 =	sld [smem:$0x3F41];
	_ =	swait.ge [sflag:s4], $0x0  }
0x19: {  	s7 =	sld [smem:$0x3F42]  }
0x1a: {  	s8 =	sadd.s32 $0xFFFFE003, lr  }
0x1b: {  	s9 =	sadd.s32 $0xFFFFFEF7, lr;
	s5 =	simm.s32 $0xFFFFFFFF;
	p2 =	slt.u32 s8, $0xFFFFF086  }
0x1c: {  	p1 =	slt.u32 s9, $0xF7A;
	s5 =	simm.s32 @!p2 $0x0  }
0x1d: {  	s5 =	simm.s32 @p1 $0x1;
	p0 =	seq.s32 s7, s2  }
0x1e: {  	s7 =	smul.u32 @!p0 $0xF7A, s2;
	p2 =	seq.s32 @!p0 s5, $0x0  }
0x1f: {  	s9 =	smul.u32 $0xF7A, s1;
	s8 =	simm.s32 @!p0 $0x1BF5;
	p2 =	por !p2, p0  }
0x20: {  	[sflag:s8] =	ssyncset.s32 @!p0 $0xFFFFF086;
	s6 =	sadd.s32 @!p0 s3, s7;
	s7 =	simm.s32 @!p0 $0x108  }
0x21: {  	s3 =	sadd.s32 s3, s9;
	s6 =	sadd.s32 @!p0 $0x88, s6;
	s7 =	simm.s32 @p2 $0x1082  }
0x22: {  	[simem:s7], [sflag:s8] =	dma.local @!p0 [hbm:s6], $0xF7A  }
0x23: {  	s9 =	sor.u32 $0xD0000000, s2;
	s6 =	simm.s32 $0x108;
	_ =	swait.ge @!p0 [sflag:s8], $0x0  }
0x24: {  	s3 =	sadd.s32 $0x88, s3;
	s6 =	simm.s32 @!p1 $0x1082;
	[sflag:s4] =	ssyncset.s32 $0xFFFFF086  }
0x25: {  	[simem:s6], [sflag:s4] =	dma.local [hbm:s3], $0xF7A  }
0x26: {  	[smem:$0x3F42] =	sst s1;
	(tag) =	ssettag s2;
	_ =	strace s9  }
0x27: {  	s1 =	sld [smem:$0x3F52]  }
0x28: {  	s2 =	sld [smem:$0x3F53]  }
0x29: {  	s4 =	sld [smem:$0x3F55]  }
0x2a: {  	p0 =	seq.s32 s5, $0x0;
	s5 =	sld [smem:$0x3F56]  }
0x2b: {  	s6 =	sld [smem:$0x3F57]  }
0x2c: {  	s7 =	sld [smem:$0x3F58]  }
0x2d: {  	s3 =	simm.s32 $0x108;
	s8 =	sld [smem:$0x3F59]  }
0x2e: {  	s3 =	simm.s32 @!p0 $0x1082;
	s9 =	sld [smem:$0x3F5A]  }
0x2f: {  	lr =	sadd.s32 s0, s3;
	s0 =	sld [smem:$0x3F51]  }
0x30: {  	s3 =	sld [smem:$0x3F54]  }
0x31: {  	[smem:$0x3F5D] =	sst s10  }
0x32: {  	s10 =	sld [smem:$0x3F5B];
	_ =	sdelay $0x3  }
0x33: {  	p0 =	seq.s32 s10, $0x1;
	s10 =	sld [smem:$0x3F5D];
	_ =	sdelay $0x3  }
0x34: {  	[smem:$0x3F5D] =	sst s10  }
0x35: {  	s10 =	sld [smem:$0x3F5C];
	_ =	sdelay $0x3  }
0x36: {  	p1 =	seq.s32 s10, $0x1;
	s10 =	sld [smem:$0x3F5D];
	_ =	sdelay $0x3  }
0x37: {  	[smem:$0x3F5D] =	sst s10  }
0x38: {  	s10 =	sld [smem:$0x3F5E]  }
0x39: {  	_ = 	snop;
	(pc) =	sbr.ind lr, $3  }
0x3a: {  	_ = 	snop  }
0x3b: {  	_ = 	snop  }
0x3c: {  	p2 =	seq.s32 s10, $0x1;
	s10 =	sld [smem:$0x3F5D]  }
0x3d: {  	_ =	shalt  }
0x3e: {  	_ =	shalt  }
0x3f: {  	_ =	shalt  }
0x40: {  	_ =	shalt  }
0x41: {  	_ =	shalt  }
0x42: {  	_ =	shalt  }
0x43: {  	_ =	shalt  }
0x44: {  	_ =	shalt  }
0x45: {  	_ =	shalt  }
0x46: {  	_ =	shalt  }
0x47: {  	_ =	shalt  }
0x48: {  	_ =	shalt  }
0x49: {  	_ =	shalt  }
0x4a: {  	_ =	shalt  }
0x4b: {  	_ =	shalt  }
0x4c: {  	_ =	shalt  }
0x4d: {  	_ =	shalt  }
0x4e: {  	_ =	shalt  }
0x4f: {  	_ =	shalt  }
0x50: {  	_ =	shalt  }
0x51: {  	_ =	shalt  }
0x52: {  	_ =	shalt  }
0x53: {  	_ =	shalt  }
0x54: {  	_ =	shalt  }
0x55: {  	_ =	shalt  }
0x56: {  	_ =	shalt  }
0x57: {  	_ =	shalt  }
0x58: {  	_ =	shalt  }
0x59: {  	_ =	shalt  }
0x5a: {  	_ =	shalt  }
0x5b: {  	_ =	shalt  }
0x5c: {  	_ =	shalt  }
0x5d: {  	_ =	shalt  }
0x5e: {  	_ =	shalt  }
0x5f: {  	_ =	shalt  }
0x60: {  	_ =	shalt  }
0x61: {  	_ =	shalt  }
0x62: {  	_ =	shalt  }
0x63: {  	_ =	shalt  }
0x64: {  	_ =	shalt  }
0x65: {  	_ =	shalt  }
0x66: {  	_ =	shalt  }
0x67: {  	_ =	shalt  }
0x68: {  	_ =	shalt  }
0x69: {  	_ =	shalt  }
0x6a: {  	_ =	shalt  }
0x6b: {  	_ =	shalt  }
0x6c: {  	_ =	shalt  }
0x6d: {  	_ =	shalt  }
0x6e: {  	_ =	shalt  }
0x6f: {  	_ =	shalt  }
0x70: {  	_ =	shalt  }
0x71: {  	_ =	shalt  }
0x72: {  	_ =	shalt  }
0x73: {  	_ =	shalt  }
0x74: {  	_ =	shalt  }
0x75: {  	_ =	shalt  }
0x76: {  	_ =	shalt  }
0x77: {  	_ =	shalt  }
0x78: {  	_ =	shalt  }
0x79: {  	_ =	shalt  }
0x7a: {  	_ =	shalt  }
0x7b: {  	_ =	shalt  }
0x7c: {  	_ =	shalt  }
0x7d: {  	_ =	shalt  }
0x7e: {  	_ =	shalt  }
0x7f: {  	_ =	shalt  }
0x80: {  	_ =	shalt  }
0x81: {  	_ =	shalt  }
0x82: {  	_ =	shalt  }
0x83: {  	_ =	shalt  }
0x84: {  	_ =	shalt  }
0x85: {  	_ =	shalt  }
0x86: {  	_ =	shalt  }
0x87: {  	_ =	shalt  }
.Lfunc_end0:
.L_simem_size_0:
called_computation.5_lowered:
.L_overlay_start_0:
0x88: {  	s2 =	sld [smem:$0x3FD9]  }
0x89: {  	s3 =	sld [smem:$0x3FFE];
	_ =	sdelay $0x1  }
0x8a: {  	s1 =	srdreg.scid  }
0x8b: {  	s0 =	sand.u32 $0x1, s1  }
0x8c: {  	s16 =	sshll.u32 s0, $0xA;
	s2 =	sadd.s32 s3, s2  }
0x8d: {  	s2 =	sadd.s32 s2, s16  }
0x8e: {  	[smem:$0x3F69] =	sst s2  }
0x8f: {  	_ = 	snop  }
0x90: {  	(tm) =	ssettm $0x1  }
0x91: {  	s17 =	sld [smem:$0x3FFB];
	_ =	sdelay $0x3  }
0x92: {  	_ =	strace s17  }
0x93: {  	s2 =	sld [smem:$0x3FFC];
	_ =	sdelay $0x3  }
0x94: {  	_ =	strace s2  }
0x95: {  	s2 =	sld [smem:$0x3FFD];
	_ =	sdelay $0x3  }
0x96: {  	_ =	strace s2  }
0x97: {  	_ =	strace $0x8FFFFFFF  }
0x98: {  	s18 =	sld [smem:$0x3FDB];
	_ =	sdelay $0x1  }
0x99: {  	s19 =	simm.s32 $_scs_section_size  }
0x9a: {  	s4 =	simm.s32 $_size__tile_overlayer_lowered;
	s5 =	simm.s32 $_tile_overlayer_lowered  }
0x9b: {  	s22 =	simm.s32 $0x1BFF;
	s21 =	sshll.u32 s5, $0x1;
	s2 =	sadd.s32 s19, s18  }
0x9c: {  	s6 =	simm.s32 $0x0;
	s20 =	sshll.u32 s4, $0x1;
	s4 =	sadd.s32 s21, s2  }
0x9d: {  	[timem:s6], [sflag:s22] =	dma.local [hbm:s4], s20  }
0x9e: {  	_ =	swait.ge [sflag:s22], s20  }
0x9f: {  	s3 =	ssub.s32 $0x0, s20;
	[sflag:s22] =	ssyncset.done $0x0  }
0xa0: {  	[sflag:s22] =	ssyncadd.s32 s3;
	_ =	sdelay $0x1  }
0xa1: {  	s23 =	simm.s32 $0x1B8B  }
0xa2: {  	_ =	swait.ge [sflag:s23], $0x1  }
0xa3: {  	[sflag:s23] =	ssyncset.done $0x0  }
0xa4: {  	s25 =	simm.s32 $0x1B8E;
	s24 =	sld [smem:$0x3FFE];
	[sflag:s23] =	ssyncadd.s32 $0xFFFFFFFF  }
0xa5: {  	s26 =	simm.s32 $execute0_lowered;
	[smem:$0x3FD2] =	sst s25  }
0xa6: {  	s4 =	sshll.u32 s26, $0x1;
	_ =	strace $0x80000055;
	[dreg:$0x1] =	wrdreg $0xFFFFFFFF  }
0xa7: {  	s28 =	simm.s32 $_size_execute0_lowered;
	s2 =	sadd.s32 s2, s4;
	[dreg:$0x0] =	wrdreg $0x0  }
0xa8: {  	s4 =	sshll.u32 s28, $0x1;
	[dreg:$0x2] =	wrdreg s2  }
0xa9: {  	[dreg:$0x3] =	wrdreg s4  }
0xaa: {  	[dreg:$0x4] =	wrdreg $0xC0  }
0xab: {  	_ =	task [dreg:s6], $0x5FFFF  }
0xac: {  	[dreg:$0x1] =	wrdreg $0xFFFFFFFF  }
0xad: {  	[dreg:$0x0] =	wrdreg $0x60  }
0xae: {  	[dreg:$0x2] =	wrdreg s24  }
0xaf: {  	[dreg:$0x3] =	wrdreg $0x91000  }
0xb0: {  	[dreg:$0x4] =	wrdreg $0x9  }
0xb1: {  	_ =	task.clear_ibuf [dreg:s6], $0x5FFFF;
	_ =	strace $0x90000055  }
0xb2: {  	s29 =	simm.s32 $0x9;
	_ =	strace $0x80000057  }
0xb3: {  	_ =	swait.ge [sflag:s29], $0x1  }
0xb4: {  	[sflag:s29] =	ssyncadd.s32 $0xFFFFFFFF  }
0xb5: {  	_ =	strace $0x90000057  }
0xb6: {  	_ =	sfence  }
0xb7: {  	s30 =	sld [smem:$0x0];
	_ =	sdelay $0x2  }
0xb8: {  	s31 =	sshll.u32 s1, $0xD;
	s1 =	sshrl.u32 s1, $0x2  }
0xb9: {  	s3 =	sand.u32 $0x4000, s31;
	s1 =	sadd.s32 s1, s30  }
0xba: {  	s0 =	sor.u32 s3, s0;
	s1 =	sshll.u32 s1, $0x11  }
0xbb: {  	s0 =	sor.u32 s1, s0  }
0xbc: {  	s0 =	sadd.s32 $0x8F2B, s0  }
0xbd: {  	[sflag:s0] =	ssyncadd.remote.s32 $0x1  }
0xbe: {  	_ =	sfence.sel $0xFFFF  }
0xbf: {  	[dreg:$0x0] =	wrdreg $0xFFFFFFFF;
	(pc) =	sbr.abs _section_cstart, $3  }
0xc0: {  	[dreg:$0x1] =	wrdreg $0xFFFFFFFF  }
0xc1: {  	_ =	task.clear_ibuf [dreg:s6], $0x2FFFF;
	_ =	strace $0x9FFFFFFF  }
0xc2: {  	(tm) =	ssettm $0x7FFFFFFF  }
0xc3: {  	_ =	shalt  }
tec
execute0_lowered:
.L_overlay_start_1:
0x0: {  	(tag) =	ssettag $0x1  }
0x1: {  	s0 =	rddreg [dreg:$0x0]  }
0x2: {  	s1 =	srdreg.scid;
	s9 =	stileid.u32  }
0x3: {  	s2 =	rddreg [dreg:$0x1];
	s5 =	smul.u32 $0x14000, s9  }
0x4: {  	s3 =	simm.s32 $0x0;
	s1 =	sand.u32 $0x1, s1;
	s7 =	smul.u32 $0x50000, s9  }
0x5: {  	[smem:$0x7FF] =	sst s3;
	s8 =	sadd.s32 $0x15C3A00, s0;
	s4 =	smul.u32 $0x140000, s1  }
0x6: {  	s9 =	smul.u32 $0x5000, s9;
	_ =	strace $0x80000056;
	s23 =	ssub.s32 $0x2, s1  }
0x7: {  	s22 =	smul.u32 $0x50000, s1;
	s10 =	sshrl.u32 s23, $0x1;
	s4 =	sadd.s32 s5, s4  }
0x8: {  	s11 =	sshrl.u32 s7, $0x2;
	s24 =	ssub.s32 s23, s10;
	s6 =	sshrl.u32 s4, $0x3  }
0x9: {  	s4 =	sadd.s32 $0x6FA00, s0;
	s26 =	smax.u32 s24, $0x1;
	s0 =	sadd.s32 s6, s0  }
0xa: {  	s6 =	sadd.s32 s11, s2;
	[dreg:$0x4] =	wrdreg s26;
	s0 =	sadd.s32 $0x83A00, s0  }
0xb: {  	s5 =	sadd.s32 s9, s22;
	s9 =	sadd.s32 $0x1000, s6;
	[dreg:$0x3] =	wrdreg s0  }
0xc: {  	s11 =	sadd.s32 $0x2000, s6;
	[dreg:$0x5] =	wrdreg s9  }
0xd: {  	s12 =	sadd.s32 $0x3000, s6;
	[dreg:$0x6] =	wrdreg s11  }
0xe: {  	s13 =	sadd.s32 $0x4000, s6;
	[dreg:$0x7] =	wrdreg s12  }
0xf: {  	s14 =	sadd.s32 $0x5000, s6;
	[dreg:$0x8] =	wrdreg s13  }
0x10: {  	s15 =	sadd.s32 $0x6000, s6;
	[dreg:$0x9] =	wrdreg s14  }
0x11: {  	s18 =	smul.u32 $0x500000, s1;
	s16 =	sadd.s32 $0x7000, s6;
	[dreg:$0xa] =	wrdreg s15  }
0x12: {  	s25 =	sshll.u32 s5, $0x4;
	s17 =	sadd.s32 $0x8000, s6;
	[dreg:$0xb] =	wrdreg s16  }
0x13: {  	s10 =	sadd.s32 s8, s25;
	s19 =	sadd.s32 $0x9000, s6;
	[dreg:$0xc] =	wrdreg s17  }
0x14: {  	s25 =	sshrl.u32 s5, $0x3;
	s20 =	sadd.s32 $0xA000, s6;
	[dreg:$0xd] =	wrdreg s19  }
0x15: {  	s21 =	sadd.s32 $0xB000, s6;
	s22 =	sadd.s32 $0xC000, s6;
	[dreg:$0xe] =	wrdreg s20  }
0x16: {  	s23 =	sadd.s32 $0xD000, s6;
	s24 =	sadd.s32 $0xE000, s6;
	[dreg:$0xf] =	wrdreg s21  }
0x17: {  	s26 =	sadd.s32 $0xF000, s6;
	s28 =	sadd.s32 $0x10000, s6;
	[dreg:$0x10] =	wrdreg s22  }
0x18: {  	s29 =	sadd.s32 $0x11000, s6;
	s30 =	sadd.s32 $0x12000, s6;
	[dreg:$0x11] =	wrdreg s23  }
0x19: {  	s31 =	sadd.s32 $0x13000, s6;
	s1 =	sadd.s32 $0x800, s10;
	[dreg:$0x12] =	wrdreg s24  }
0x1a: {  	s0 =	sadd.s32 s18, s8;
	s24 =	sadd.s32 s4, s25;
	[dreg:$0x13] =	wrdreg s26  }
0x1b: {  	s26 =	smov.u32 s10;
	s8 =	simm.s32 $0x8100;
	s9 =	simm.s32 $0x7  }
0x1c: {  	s10 =	simm.s32 $0x80;
	s11 =	simm.s32 $0x1;
	s12 =	simm.s32 $0x3  }
0x1d: {  	s13 =	simm.s32 $0x5;
	s14 =	simm.s32 $0x6;
	s0 =	sadd.s32 s7, s0  }
0x1e: {  	v0 =	vimm.f32 $0.0e+00;
	s15 =	simm.s32 $0x0;
	s25 =	sadd.s32 $0x1000, s0;
	s0 =	sadd.s32 $0x10, s24  }
.LBB2_1:
0x1f: {  	s7 =	sand.u32 $0x3E00, s3  }
0x20: {  	s16 =	sand.u32 $0x70, s3;
	s17 =	sshrl.u32 s7, $0x2  }
0x21: {  	s7 =	simm.s32 $0x40;
	s17 =	sor.u32 s16, s17;
	s16 =	simm.s32 $0x0  }
.LBB2_2:
0x22: {  	p0 =	sne.s32 s7, $0x3FC0  }
0x23: {  	[tilespmem:s17+$0x8100] =	vst v0;
	s16 =	sadd.s32 $0x10, s16;
	s17 =	smov.u32 s7;
	s7 =	sadd.s32 $0x40, s7  }
.Ltmp0:
0x24: {  	(pc) =	sbr.rel @p0 .LBB2_2-.Ltmp0, $4  }
0x25: {  	_ = 	snop  }
0x26: {  	s17 =	sand.u32 $0x3E00, s17  }
0x27: {  	s18 =	sand.u32 $0x70, s16;
	s17 =	sshrl.u32 s17, $0x2  }
0x28: {  	s17 =	sor.u32 s18, s17  }
0x29: {  	[tilespmem:s17+$0x8100] =	vst v0  }
0x2a: {  	[spmem:s6] =	stream.linear.scatter [tilespmem:s8], [sflag:$0x7], $0x1000, $0x38;
	[tilespmem:$0x1D100] =	vst v63  }
0x2b: {  	_ =	swait.ge [sflag:s9], $0x1000  }
0x2c: {  	[sflag:s9] =	ssyncset.done $0x0  }
0x2d: {  	s7 =	rddreg [dreg:$0x5];
	[sflag:s9] =	ssyncadd.s32 $0xFFFFF000  }
0x2e: {  	[spmem:s7] =	stream.linear.scatter [tilespmem:s8], [sflag:$0x7], $0x1000, $0x38;
	[tilespmem:$0x1D100] =	vst v63  }
0x2f: {  	_ =	swait.ge [sflag:s9], $0x1000  }
0x30: {  	[sflag:s9] =	ssyncset.done $0x0  }
0x31: {  	s22 =	rddreg [dreg:$0x6];
	[sflag:s9] =	ssyncadd.s32 $0xFFFFF000  }
0x32: {  	[spmem:s22] =	stream.linear.scatter [tilespmem:s8], [sflag:$0x7], $0x1000, $0x38;
	[tilespmem:$0x1D100] =	vst v63  }
0x33: {  	_ =	swait.ge [sflag:s9], $0x1000  }
0x34: {  	[sflag:s9] =	ssyncset.done $0x0  }
0x35: {  	s23 =	rddreg [dreg:$0x7];
	[sflag:s9] =	ssyncadd.s32 $0xFFFFF000  }
0x36: {  	[spmem:s23] =	stream.linear.scatter [tilespmem:s8], [sflag:$0x7], $0x1000, $0x38;
	[tilespmem:$0x1D100] =	vst v63  }
0x37: {  	_ =	swait.ge [sflag:s9], $0x1000  }
0x38: {  	[sflag:s9] =	ssyncset.done $0x0  }
0x39: {  	s16 =	rddreg [dreg:$0x8];
	[sflag:s9] =	ssyncadd.s32 $0xFFFFF000  }
0x3a: {  	[spmem:s16] =	stream.linear.scatter [tilespmem:s8], [sflag:$0x7], $0x1000, $0x38;
	[tilespmem:$0x1D100] =	vst v63  }
0x3b: {  	_ =	swait.ge [sflag:s9], $0x1000  }
0x3c: {  	[sflag:s9] =	ssyncset.done $0x0  }
0x3d: {  	s17 =	rddreg [dreg:$0x9];
	[sflag:s9] =	ssyncadd.s32 $0xFFFFF000  }
0x3e: {  	[spmem:s17] =	stream.linear.scatter [tilespmem:s8], [sflag:$0x7], $0x1000, $0x38;
	[tilespmem:$0x1D100] =	vst v63  }
0x3f: {  	_ =	swait.ge [sflag:s9], $0x1000  }
0x40: {  	[sflag:s9] =	ssyncset.done $0x0  }
0x41: {  	s18 =	rddreg [dreg:$0xa];
	[sflag:s9] =	ssyncadd.s32 $0xFFFFF000  }
0x42: {  	[spmem:s18] =	stream.linear.scatter [tilespmem:s8], [sflag:$0x7], $0x1000, $0x38;
	[tilespmem:$0x1D100] =	vst v63  }
0x43: {  	_ =	swait.ge [sflag:s9], $0x1000  }
0x44: {  	[sflag:s9] =	ssyncset.done $0x0  }
0x45: {  	s19 =	rddreg [dreg:$0xb];
	[sflag:s9] =	ssyncadd.s32 $0xFFFFF000  }
0x46: {  	[spmem:s19] =	stream.linear.scatter [tilespmem:s8], [sflag:$0x7], $0x1000, $0x38;
	[tilespmem:$0x1D100] =	vst v63  }
0x47: {  	_ =	swait.ge [sflag:s9], $0x1000  }
0x48: {  	[sflag:s9] =	ssyncset.done $0x0  }
0x49: {  	s20 =	rddreg [dreg:$0xc];
	[sflag:s9] =	ssyncadd.s32 $0xFFFFF000  }
0x4a: {  	[spmem:s20] =	stream.linear.scatter [tilespmem:s8], [sflag:$0x7], $0x1000, $0x38;
	[tilespmem:$0x1D100] =	vst v63  }
0x4b: {  	_ =	swait.ge [sflag:s9], $0x1000  }
0x4c: {  	[sflag:s9] =	ssyncset.done $0x0  }
0x4d: {  	s21 =	rddreg [dreg:$0xd];
	[sflag:s9] =	ssyncadd.s32 $0xFFFFF000  }
0x4e: {  	[spmem:s21] =	stream.linear.scatter [tilespmem:s8], [sflag:$0x7], $0x1000, $0x38;
	[tilespmem:$0x1D100] =	vst v63  }
0x4f: {  	_ =	swait.ge [sflag:s9], $0x1000  }
0x50: {  	[sflag:s9] =	ssyncset.done $0x0  }
0x51: {  	s22 =	rddreg [dreg:$0xe];
	[sflag:s9] =	ssyncadd.s32 $0xFFFFF000  }
0x52: {  	[spmem:s22] =	stream.linear.scatter [tilespmem:s8], [sflag:$0x7], $0x1000, $0x38;
	[tilespmem:$0x1D100] =	vst v63  }
0x53: {  	_ =	swait.ge [sflag:s9], $0x1000  }
0x54: {  	[sflag:s9] =	ssyncset.done $0x0  }
0x55: {  	s23 =	rddreg [dreg:$0xf];
	[sflag:s9] =	ssyncadd.s32 $0xFFFFF000  }
0x56: {  	[spmem:s23] =	stream.linear.scatter [tilespmem:s8], [sflag:$0x7], $0x1000, $0x38;
	[tilespmem:$0x1D100] =	vst v63  }
0x57: {  	_ =	swait.ge [sflag:s9], $0x1000  }
0x58: {  	[sflag:s9] =	ssyncset.done $0x0  }
0x59: {  	s16 =	rddreg [dreg:$0x10];
	[sflag:s9] =	ssyncadd.s32 $0xFFFFF000  }
0x5a: {  	[spmem:s16] =	stream.linear.scatter [tilespmem:s8], [sflag:$0x7], $0x1000, $0x38;
	[tilespmem:$0x1D100] =	vst v63  }
0x5b: {  	_ =	swait.ge [sflag:s9], $0x1000  }
0x5c: {  	[sflag:s9] =	ssyncset.done $0x0  }
0x5d: {  	s17 =	rddreg [dreg:$0x11];
	[sflag:s9] =	ssyncadd.s32 $0xFFFFF000  }
0x5e: {  	[spmem:s17] =	stream.linear.scatter [tilespmem:s8], [sflag:$0x7], $0x1000, $0x38;
	[tilespmem:$0x1D100] =	vst v63  }
0x5f: {  	_ =	swait.ge [sflag:s9], $0x1000  }
0x60: {  	[sflag:s9] =	ssyncset.done $0x0  }
0x61: {  	s18 =	rddreg [dreg:$0x12];
	[sflag:s9] =	ssyncadd.s32 $0xFFFFF000  }
0x62: {  	[spmem:s18] =	stream.linear.scatter [tilespmem:s8], [sflag:$0x7], $0x1000, $0x38;
	[tilespmem:$0x1D100] =	vst v63  }
0x63: {  	_ =	swait.ge [sflag:s9], $0x1000  }
0x64: {  	[sflag:s9] =	ssyncset.done $0x0  }
0x65: {  	s19 =	rddreg [dreg:$0x13];
	[sflag:s9] =	ssyncadd.s32 $0xFFFFF000  }
0x66: {  	[spmem:s19] =	stream.linear.scatter [tilespmem:s8], [sflag:$0x7], $0x1000, $0x38;
	[tilespmem:$0x1D100] =	vst v63  }
0x67: {  	_ =	swait.ge [sflag:s9], $0x1000  }
0x68: {  	[sflag:s9] =	ssyncset.done $0x0  }
0x69: {  	[sflag:s9] =	ssyncadd.s32 $0xFFFFF000  }
0x6a: {  	[spmem:s28] =	stream.linear.scatter [tilespmem:s8], [sflag:$0x7], $0x1000, $0x38;
	[tilespmem:$0x1D100] =	vst v63  }
0x6b: {  	_ =	swait.ge [sflag:s9], $0x1000  }
0x6c: {  	[sflag:s9] =	ssyncset.done $0x0  }
0x6d: {  	[sflag:s9] =	ssyncadd.s32 $0xFFFFF000  }
0x6e: {  	[spmem:s29] =	stream.linear.scatter [tilespmem:s8], [sflag:$0x7], $0x1000, $0x38;
	[tilespmem:$0x1D100] =	vst v63  }
0x6f: {  	_ =	swait.ge [sflag:s9], $0x1000  }
0x70: {  	[sflag:s9] =	ssyncset.done $0x0  }
0x71: {  	[sflag:s9] =	ssyncadd.s32 $0xFFFFF000  }
0x72: {  	[spmem:s30] =	stream.linear.scatter [tilespmem:s8], [sflag:$0x7], $0x1000, $0x38;
	[tilespmem:$0x1D100] =	vst v63  }
0x73: {  	_ =	swait.ge [sflag:s9], $0x1000  }
0x74: {  	[sflag:s9] =	ssyncset.done $0x0  }
0x75: {  	[sflag:s9] =	ssyncadd.s32 $0xFFFFF000  }
0x76: {  	[spmem:s31] =	stream.linear.scatter [tilespmem:s8], [sflag:$0x7], $0x1000, $0x38;
	[tilespmem:$0x1D100] =	vst v63  }
0x77: {  	_ =	swait.ge [sflag:s9], $0x1000  }
0x78: {  	[sflag:s9] =	ssyncset.done $0x0  }
0x79: {  	[sflag:s9] =	ssyncadd.s32 $0xFFFFF000  }
0x7a: {  	[bflag:$0x0] =	sbarrier.arrive $0xFFFF  }
0x7b: {  	[tilespmem:s3], [sflag:$0x1] =	stream.linear.gather [hbm4b:s24+s3], $0x80, $0x38;
	[tilespmem:$0x1D100] =	vst v63  }
0x7c: {  	s7 =	simm.s32 $0x100  }
0x7d: {  	[tilespmem:s7], [sflag:$0x3] =	stream.linear.gather [hbm4b:s26+s3], $0x4000, $0x38;
	[tilespmem:$0x1D100] =	vst v63  }
0x7e: {  	_ = 	snop  }
0x7f: {  	[tilespmem:s10], [sflag:$0x2] =	stream.linear.gather [hbm4b:s0+s3], $0x80, $0x38;
	[tilespmem:$0x1D100] =	vst v63  }
0x80: {  	s16 =	simm.s32 $0x4100  }
0x81: {  	[tilespmem:s16], [sflag:$0x4] =	stream.linear.gather [hbm4b:s1+s3], $0x4000, $0x38;
	[tilespmem:$0x1D100] =	vst v63  }
0x82: {  	_ =	swait.ge [sflag:s11], $0x80  }
0x83: {  	p0 =	por $0x0, $0x0;
	[sflag:s11] =	ssyncset.done $0x0  }
0x84: {  	s17 =	sand.u32 @!p0 $0x7C00, s7;
	[sflag:s11] =	ssyncadd.s32 $0xFFFFFF80  }
0x85: {  	s17 =	sadd.s32 @!p0 s5, s17;
	s16 =	simm.s32 $0x2;
	_ =	swait.ge [sflag:s12], $0x4000  }
0x86: {  	s18 =	sand.u32 @!p0 $0x380, s7;
	s16 =	sand.u32 @!p0 $0x1, s16;
	[sflag:s12] =	ssyncset.done $0x0  }
0x87: {  	s17 =	sor.u32 @!p0 s18, s17;
	s19 =	sadd.s32 @!p0 $0x5, s16;
	[sflag:s12] =	ssyncadd.s32 $0xFFFFC000  }
0x88: {  	[spmem:s2] =	stream.indirect.scatter.add.f32 [tilespmem:s7], [sflag:$0x5], $0x80, s3, s10, $0xb8;
	[tilespmem:$0x1D100] =	vst v63  }
0x89: {  	s17 =	sshrl.u32 @!p0 s17, $0x3;
	_ =	swait.ge @!p0 [sflag:s19], $0x4000  }
0x8a: {  	s20 =	simm.s32 @!p0 $0x0;
	s17 =	sadd.s32 @!p0 s4, s17;
	[sflag:s19] =	ssyncset.done @!p0 $0x0  }
0x8b: {  	s18 =	sadd.s32 @!p0 $0x1, s16;
	[sflag:s19] =	ssyncadd.s32 @!p0 $0xFFFFC000;
	s19 =	sshll.u32 @!p0 s16, $0x7  }
0x8c: {  	[tilespmem:s19], [sflag:s18] =	stream.linear.gather @!p0 [hbm4b:s17+s20], $0x80, $0x38;
	[tilespmem:$0x1D100] =	vst v63  }
0x8d: {  	s22 =	sxor.u32 @!p0 $0x1, s16;
	s17 =	sshll.u32 @!p0 s16, $0xE  }
0x8e: {  	s22 =	simm.s32 @p0 $0x1;
	s16 =	sadd.s32 @!p0 $0x3, s16;
	s17 =	sor.u32 @!p0 $0x100, s17  }
0x8f: {  	[tilespmem:s17], [sflag:s16] =	stream.linear.gather @!p0 [hbm4b:s25+s20], $0x4000, $0x38;
	[tilespmem:$0x1D100] =	vst v63  }
0x90: {  	s20 =	sadd.s32 $0x1, s22  }
0x91: {  	s23 =	sshll.u32 s22, $0xE;
	_ =	swait.ge [sflag:s20], $0x80  }
0x92: {  	s21 =	sadd.s32 $0x3, s22;
	s18 =	sshll.u32 s22, $0x7;
	[sflag:s20] =	ssyncset.done $0x0  }
0x93: {  	s19 =	sor.u32 $0x100, s23;
	s16 =	simm.s32 $0x3;
	[sflag:s20] =	ssyncadd.s32 $0xFFFFFF80  }
0x94: {  	s17 =	sadd.s32 $0x800, s25;
	s20 =	sadd.s32 $0x5, s22;
	_ =	swait.ge [sflag:s21], $0x4000  }
.LBB2_4:
0x95: {  	[sflag:s21] =	ssyncset.done $0x0  }
0x96: {  	s7 =	sadd.s32 $0x80, s7;
	s22 =	smov.u32 s16;
	s16 =	sadd.s32 $0x1, s16  }
0x97: {  	p1 =	seq.s32 s22, $0xA0;
	p0 =	sne.s32 s16, $0xA1;
	[sflag:s21] =	ssyncadd.s32 $0xFFFFC000  }
0x98: {  	[spmem:s2] =	stream.indirect.scatter.add.f32 [tilespmem:s19], [sflag:s20], $0x80, s18, s10, $0xb8;
	[tilespmem:$0x1D100] =	vst v63  }
0x99: {  	s18 =	sand.u32 @!p1 $0x1, s22;
	s19 =	sand.u32 @!p1 $0x7C00, s7;
	s20 =	sand.u32 @!p1 $0x380, s7  }
0x9a: {  	s22 =	simm.s32 @!p1 $0x0;
	s21 =	sadd.s32 @!p1 $0x5, s18;
	s19 =	sadd.s32 @!p1 s5, s19  }
0x9b: {  	s19 =	sor.u32 @!p1 s20, s19;
	s20 =	sshll.u32 @!p1 s18, $0xE;
	_ =	swait.ge @!p1 [sflag:s21], $0x4000  }
0x9c: {  	s23 =	sadd.s32 @!p1 $0x1, s18;
	s19 =	sshrl.u32 @!p1 s19, $0x3;
	[sflag:s21] =	ssyncset.done @!p1 $0x0  }
0x9d: {  	s19 =	sadd.s32 @!p1 s4, s19;
	[sflag:s21] =	ssyncadd.s32 @!p1 $0xFFFFC000;
	s21 =	sshll.u32 @!p1 s18, $0x7  }
0x9e: {  	[tilespmem:s21], [sflag:s23] =	stream.linear.gather @!p1 [hbm4b:s19+s22], $0x80, $0x38;
	[tilespmem:$0x1D100] =	vst v63  }
0x9f: {  	s21 =	sxor.u32 @!p1 $0x1, s18  }
0xa0: {  	s19 =	sor.u32 @!p1 $0x100, s20;
	s20 =	sadd.s32 @!p1 $0x3, s18;
	s21 =	simm.s32 @p1 $0x1  }
0xa1: {  	s18 =	sshll.u32 s21, $0x7  }
0xa2: {  	[tilespmem:s19], [sflag:s20] =	stream.linear.gather @!p1 [hbm4b:s17+s22], $0x4000, $0x38;
	[tilespmem:$0x1D100] =	vst v63  }
.Ltmp1:
0xa3: {  	s22 =	sadd.s32 $0x1, s21;
	s19 =	sshll.u32 s21, $0xE;
	(pc) =	sbr.rel @p0 .LBB2_4-.Ltmp1, $4  }
0xa4: {  	s20 =	sadd.s32 $0x5, s21;
	s19 =	sor.u32 $0x100, s19;
	_ =	swait.ge [sflag:s22], $0x80  }
0xa5: {  	s21 =	sadd.s32 $0x3, s21;
	[sflag:s22] =	ssyncset.done $0x0  }
0xa6: {  	[sflag:s22] =	ssyncadd.s32 $0xFFFFFF80  }
0xa7: {  	s17 =	sadd.s32 $0x800, s17;
	_ =	swait.ge [sflag:s21], $0x4000  }
0xa8: {  	[sflag:s21] =	ssyncset.done $0x0  }
0xa9: {  	[sflag:s21] =	ssyncadd.s32 $0xFFFFC000  }
0xaa: {  	[spmem:s2] =	stream.indirect.scatter.add.f32 [tilespmem:s19], [sflag:s20], $0x80, s18, s10, $0xb8;
	[tilespmem:$0x1D100] =	vst v63  }
0xab: {  	_ =	swait.ge [sflag:s13], $0x4000  }
0xac: {  	[sflag:s13] =	ssyncset.done $0x0  }
0xad: {  	[sflag:s13] =	ssyncadd.s32 $0xFFFFC000  }
0xae: {  	_ =	swait.ge [sflag:s14], $0x4000  }
0xaf: {  	[sflag:s14] =	ssyncset.done $0x0  }
0xb0: {  	s7 =	stileid.u32;
	[sflag:s14] =	ssyncadd.s32 $0xFFFFC000  }
0xb1: {  	s7 =	sshll.u32 s7, $0x6;
	[bflag:$0x0] =	sbarrier.arrive $0xFFFF  }
0xb2: {  	s16 =	sshrl.u32 s6, $0x3;
	s7 =	sor.u32 $0x1C07, s7;
	s17 =	rddreg [dreg:$0x3]  }
0xb3: {  	[hbm:s17], [sflag:s7] =	dma.local [spmem:s16], $0x2800  }
0xb4: {  	_ =	swait.ge [sflag:s9], $0x2800  }
0xb5: {  	s15 =	sadd.s32 $0x1, s15;
	s23 =	rddreg [dreg:$0x4]  }
0xb6: {  	p0 =	sne.s32 s15, s23  }
.Ltmp2:
0xb7: {  	_ = 	snop;
	(pc) =	sbr.rel @p0 .LBB2_1-.Ltmp2, $3  }
0xb8: {  	_ =	sdelay $0x1  }
0xb9: {  	[sflag:s9] =	ssyncset.done $0x0  }
0xba: {  	[sflag:s9] =	ssyncadd.s32 $0xFFFFD800  }
0xbb: {  	_ =	sfence.sel $0x180000  }
0xbc: {  	[bflag:$0x0] =	sbarrier.arrive $0xFFFF  }
0xbd: {  	_ =	strace $0x90000056  }
0xbe: {  	s0 =	stileid.u32;
	[bflag:$0x2] =	sbarrier.arrive $0xFFFF  }
0xbf: {  	p0 =	sne.s32 s0, $0x0;
	s0 =	rddreg [dreg:$0x2]  }
0xc0: {  	s0 =	sadd.s32 @!p0 $0x100000, s0  }
0xc1: {  	[sflag:s0] =	ssyncadd.tile.s32 @!p0 $0x1;
	_ =	shalt  }
.Lfunc_end2:
_tile_overlayer_lowered:
.L_overlay_start_2:
0xc2: {  	(tag) =	ssettag $0x2  }
0xc3: {  	s0 =	rddreg [dreg:$0x0];
	s2 =	stileid.u32  }
0xc4: {  	s1 =	rddreg [dreg:$0x1];
	p0 =	sne.s32 s2, $0x0  }
0xc5: {  	s3 =	rddreg [dreg:$0x2];
	[bflag:$0x3] =	sbarrier.arrive $0xFFFF;
	s2 =	simm.s32 @!p0 $0x1C07  }
0xc6: {  	[timem:s3], [sflag:s2] =	dma.local @!p0 [hbm:s0], s1  }
0xc7: {  	s0 =	simm.s32 @!p0 $0x7  }
0xc8: {  	_ =	swait.ge @!p0 [sflag:s0], s1  }
0xc9: {  	s1 =	ssub.s32 @!p0 $0x0, s1;
	[sflag:s0] =	ssyncset.done @!p0 $0x0  }
0xca: {  	[sflag:s0] =	ssyncadd.s32 @!p0 s1  }
0xcb: {  	[bflag:$0x3] =	sbarrier.arrive $0xFFFF  }
0xcc: {  	_ =	shalt  }

// kernel: kernel.39.cloned.1.call-start
scs
__scs_entry_jumppad:
0x0: {  	(pc) =	sbr.rel $0x88, $3  }
0x1: {  	(tag) =	ssettag $0x0;
	lr =	simm.s32 $0x1  }
0x2: {  	[smem:$0x3F42] =	sst lr;
	_ =	strace $0xD0000000  }
0x3: {  	_ = 	snop  }
0x4: {  	_ = 	snop  }
0x5: {  	_ = 	snop  }
0x6: {  	_ = 	snop  }
0x7: {  	_ = 	snop  }
__scs_overlays_trampoline_lowered:
0x8: {  	[smem:$0x3F51] =	sst s0  }
0x9: {  	[smem:$0x3F52] =	sst s1  }
0xa: {  	[smem:$0x3F53] =	sst s2  }
0xb: {  	[smem:$0x3F54] =	sst s3  }
0xc: {  	[smem:$0x3F55] =	sst s4  }
0xd: {  	[smem:$0x3F56] =	sst s5  }
0xe: {  	[smem:$0x3F57] =	sst s6  }
0xf: {  	[smem:$0x3F58] =	sst s7  }
0x10: {  	[smem:$0x3F59] =	sst s8  }
0x11: {  	[smem:$0x3F5A] =	sst s9;
	s0 =	simm.s32 @!p0 $0x0  }
0x12: {  	s1 =	sld [smem:$0x3F40];
	s0 =	simm.s32 @p0 $0x1  }
0x13: {  	[smem:$0x3F5B] =	sst s0;
	s0 =	simm.s32 @!p1 $0x0  }
0x14: {  	s2 =	sld [smem:$0x3F3F];
	s0 =	simm.s32 @p1 $0x1  }
0x15: {  	[smem:$0x3F5C] =	sst s0;
	s0 =	simm.s32 @!p2 $0x0  }
0x16: {  	s3 =	sld [smem:$0x3FDB];
	s0 =	simm.s32 @p2 $0x1  }
0x17: {  	s4 =	simm.s32 $0x1BF5;
	[smem:$0x3F5E] =	sst s0  }
0x18: {  	s0 =	sld [smem:$0x3F41];
	_ =	swait.ge [sflag:s4], $0x0  }
0x19: {  	s7 =	sld [smem:$0x3F42]  }
0x1a: {  	s8 =	sadd.s32 $0xFFFFE003, lr  }
0x1b: {  	s9 =	sadd.s32 $0xFFFFFEF7, lr;
	s5 =	simm.s32 $0xFFFFFFFF;
	p2 =	slt.u32 s8, $0xFFFFF086  }
0x1c: {  	p1 =	slt.u32 s9, $0xF7A;
	s5 =	simm.s32 @!p2 $0x0  }
0x1d: {  	s5 =	simm.s32 @p1 $0x1;
	p0 =	seq.s32 s7, s2  }
0x1e: {  	s7 =	smul.u32 @!p0 $0xF7A, s2;
	p2 =	seq.s32 @!p0 s5, $0x0  }
0x1f: {  	s9 =	smul.u32 $0xF7A, s1;
	s8 =	simm.s32 @!p0 $0x1BF5;
	p2 =	por !p2, p0  }
0x20: {  	[sflag:s8] =	ssyncset.s32 @!p0 $0xFFFFF086;
	s6 =	sadd.s32 @!p0 s3, s7;
	s7 =	simm.s32 @!p0 $0x108  }
0x21: {  	s3 =	sadd.s32 s3, s9;
	s6 =	sadd.s32 @!p0 $0x88, s6;
	s7 =	simm.s32 @p2 $0x1082  }
0x22: {  	[simem:s7], [sflag:s8] =	dma.local @!p0 [hbm:s6], $0xF7A  }
0x23: {  	s9 =	sor.u32 $0xD0000000, s2;
	s6 =	simm.s32 $0x108;
	_ =	swait.ge @!p0 [sflag:s8], $0x0  }
0x24: {  	s3 =	sadd.s32 $0x88, s3;
	s6 =	simm.s32 @!p1 $0x1082;
	[sflag:s4] =	ssyncset.s32 $0xFFFFF086  }
0x25: {  	[simem:s6], [sflag:s4] =	dma.local [hbm:s3], $0xF7A  }
0x26: {  	[smem:$0x3F42] =	sst s1;
	(tag) =	ssettag s2;
	_ =	strace s9  }
0x27: {  	s1 =	sld [smem:$0x3F52]  }
0x28: {  	s2 =	sld [smem:$0x3F53]  }
0x29: {  	s4 =	sld [smem:$0x3F55]  }
0x2a: {  	p0 =	seq.s32 s5, $0x0;
	s5 =	sld [smem:$0x3F56]  }
0x2b: {  	s6 =	sld [smem:$0x3F57]  }
0x2c: {  	s7 =	sld [smem:$0x3F58]  }
0x2d: {  	s3 =	simm.s32 $0x108;
	s8 =	sld [smem:$0x3F59]  }
0x2e: {  	s3 =	simm.s32 @!p0 $0x1082;
	s9 =	sld [smem:$0x3F5A]  }
0x2f: {  	lr =	sadd.s32 s0, s3;
	s0 =	sld [smem:$0x3F51]  }
0x30: {  	s3 =	sld [smem:$0x3F54]  }
0x31: {  	[smem:$0x3F5D] =	sst s10  }
0x32: {  	s10 =	sld [smem:$0x3F5B];
	_ =	sdelay $0x3  }
0x33: {  	p0 =	seq.s32 s10, $0x1;
	s10 =	sld [smem:$0x3F5D];
	_ =	sdelay $0x3  }
0x34: {  	[smem:$0x3F5D] =	sst s10  }
0x35: {  	s10 =	sld [smem:$0x3F5C];
	_ =	sdelay $0x3  }
0x36: {  	p1 =	seq.s32 s10, $0x1;
	s10 =	sld [smem:$0x3F5D];
	_ =	sdelay $0x3  }
0x37: {  	[smem:$0x3F5D] =	sst s10  }
0x38: {  	s10 =	sld [smem:$0x3F5E]  }
0x39: {  	_ = 	snop;
	(pc) =	sbr.ind lr, $3  }
0x3a: {  	_ = 	snop  }
0x3b: {  	_ = 	snop  }
0x3c: {  	p2 =	seq.s32 s10, $0x1;
	s10 =	sld [smem:$0x3F5D]  }
0x3d: {  	_ =	shalt  }
0x3e: {  	_ =	shalt  }
0x3f: {  	_ =	shalt  }
0x40: {  	_ =	shalt  }
0x41: {  	_ =	shalt  }
0x42: {  	_ =	shalt  }
0x43: {  	_ =	shalt  }
0x44: {  	_ =	shalt  }
0x45: {  	_ =	shalt  }
0x46: {  	_ =	shalt  }
0x47: {  	_ =	shalt  }
0x48: {  	_ =	shalt  }
0x49: {  	_ =	shalt  }
0x4a: {  	_ =	shalt  }
0x4b: {  	_ =	shalt  }
0x4c: {  	_ =	shalt  }
0x4d: {  	_ =	shalt  }
0x4e: {  	_ =	shalt  }
0x4f: {  	_ =	shalt  }
0x50: {  	_ =	shalt  }
0x51: {  	_ =	shalt  }
0x52: {  	_ =	shalt  }
0x53: {  	_ =	shalt  }
0x54: {  	_ =	shalt  }
0x55: {  	_ =	shalt  }
0x56: {  	_ =	shalt  }
0x57: {  	_ =	shalt  }
0x58: {  	_ =	shalt  }
0x59: {  	_ =	shalt  }
0x5a: {  	_ =	shalt  }
0x5b: {  	_ =	shalt  }
0x5c: {  	_ =	shalt  }
0x5d: {  	_ =	shalt  }
0x5e: {  	_ =	shalt  }
0x5f: {  	_ =	shalt  }
0x60: {  	_ =	shalt  }
0x61: {  	_ =	shalt  }
0x62: {  	_ =	shalt  }
0x63: {  	_ =	shalt  }
0x64: {  	_ =	shalt  }
0x65: {  	_ =	shalt  }
0x66: {  	_ =	shalt  }
0x67: {  	_ =	shalt  }
0x68: {  	_ =	shalt  }
0x69: {  	_ =	shalt  }
0x6a: {  	_ =	shalt  }
0x6b: {  	_ =	shalt  }
0x6c: {  	_ =	shalt  }
0x6d: {  	_ =	shalt  }
0x6e: {  	_ =	shalt  }
0x6f: {  	_ =	shalt  }
0x70: {  	_ =	shalt  }
0x71: {  	_ =	shalt  }
0x72: {  	_ =	shalt  }
0x73: {  	_ =	shalt  }
0x74: {  	_ =	shalt  }
0x75: {  	_ =	shalt  }
0x76: {  	_ =	shalt  }
0x77: {  	_ =	shalt  }
0x78: {  	_ =	shalt  }
0x79: {  	_ =	shalt  }
0x7a: {  	_ =	shalt  }
0x7b: {  	_ =	shalt  }
0x7c: {  	_ =	shalt  }
0x7d: {  	_ =	shalt  }
0x7e: {  	_ =	shalt  }
0x7f: {  	_ =	shalt  }
0x80: {  	_ =	shalt  }
0x81: {  	_ =	shalt  }
0x82: {  	_ =	shalt  }
0x83: {  	_ =	shalt  }
0x84: {  	_ =	shalt  }
0x85: {  	_ =	shalt  }
0x86: {  	_ =	shalt  }
0x87: {  	_ =	shalt  }
.Lfunc_end0:
.L_simem_size_0:
called_computation.6_lowered:
.L_overlay_start_0:
0x88: {  	s2 =	sld [smem:$0x3FD9]  }
0x89: {  	s3 =	sld [smem:$0x3FFE];
	_ =	sdelay $0x1  }
0x8a: {  	s1 =	srdreg.scid  }
0x8b: {  	s0 =	sand.u32 $0x1, s1  }
0x8c: {  	s16 =	sshll.u32 s0, $0xA;
	s2 =	sadd.s32 s3, s2  }
0x8d: {  	s2 =	sadd.s32 s2, s16  }
0x8e: {  	[smem:$0x3F69] =	sst s2  }
0x8f: {  	_ = 	snop  }
0x90: {  	(tm) =	ssettm $0x1  }
0x91: {  	s17 =	sld [smem:$0x3FFB];
	_ =	sdelay $0x3  }
0x92: {  	_ =	strace s17  }
0x93: {  	s2 =	sld [smem:$0x3FFC];
	_ =	sdelay $0x3  }
0x94: {  	_ =	strace s2  }
0x95: {  	s2 =	sld [smem:$0x3FFD];
	_ =	sdelay $0x3  }
0x96: {  	_ =	strace s2  }
0x97: {  	_ =	strace $0x8FFFFFFF  }
0x98: {  	s18 =	sld [smem:$0x3FDB];
	_ =	sdelay $0x1  }
0x99: {  	s19 =	simm.s32 $_scs_section_size  }
0x9a: {  	s4 =	simm.s32 $_size__tile_overlayer_lowered;
	s5 =	simm.s32 $_tile_overlayer_lowered  }
0x9b: {  	s22 =	simm.s32 $0x1BFF;
	s21 =	sshll.u32 s5, $0x1;
	s2 =	sadd.s32 s19, s18  }
0x9c: {  	s6 =	simm.s32 $0x0;
	s20 =	sshll.u32 s4, $0x1;
	s4 =	sadd.s32 s21, s2  }
0x9d: {  	[timem:s6], [sflag:s22] =	dma.local [hbm:s4], s20  }
0x9e: {  	_ =	swait.ge [sflag:s22], s20  }
0x9f: {  	s3 =	ssub.s32 $0x0, s20;
	[sflag:s22] =	ssyncset.done $0x0  }
0xa0: {  	[sflag:s22] =	ssyncadd.s32 s3;
	_ =	sdelay $0x1  }
0xa1: {  	s23 =	simm.s32 $0x1B8B  }
0xa2: {  	_ =	swait.ge [sflag:s23], $0x1  }
0xa3: {  	[sflag:s23] =	ssyncset.done $0x0  }
0xa4: {  	s25 =	simm.s32 $0x1B8E;
	s24 =	sld [smem:$0x3FFE];
	[sflag:s23] =	ssyncadd.s32 $0xFFFFFFFF  }
0xa5: {  	s26 =	simm.s32 $execute0_lowered;
	[smem:$0x3FD2] =	sst s25  }
0xa6: {  	s4 =	sshll.u32 s26, $0x1;
	_ =	strace $0x80000058;
	[dreg:$0x1] =	wrdreg $0xFFFFFFFF  }
0xa7: {  	s28 =	simm.s32 $_size_execute0_lowered;
	s2 =	sadd.s32 s2, s4;
	[dreg:$0x0] =	wrdreg $0x0  }
0xa8: {  	s4 =	sshll.u32 s28, $0x1;
	[dreg:$0x2] =	wrdreg s2  }
0xa9: {  	[dreg:$0x3] =	wrdreg s4  }
0xaa: {  	[dreg:$0x4] =	wrdreg $0xC0  }
0xab: {  	_ =	task [dreg:s6], $0x5FFFF  }
0xac: {  	[dreg:$0x1] =	wrdreg $0xFFFFFFFF  }
0xad: {  	[dreg:$0x0] =	wrdreg $0x60  }
0xae: {  	[dreg:$0x2] =	wrdreg s24  }
0xaf: {  	[dreg:$0x3] =	wrdreg $0x9  }
0xb0: {  	_ =	task.clear_ibuf [dreg:s6], $0x4FFFF;
	_ =	strace $0x90000058  }
0xb1: {  	s29 =	simm.s32 $0x9;
	_ =	strace $0x8000005A  }
0xb2: {  	_ =	swait.ge [sflag:s29], $0x1  }
0xb3: {  	[sflag:s29] =	ssyncadd.s32 $0xFFFFFFFF  }
0xb4: {  	_ =	strace $0x9000005A  }
0xb5: {  	_ =	sfence  }
0xb6: {  	s30 =	sld [smem:$0x0];
	_ =	sdelay $0x2  }
0xb7: {  	s31 =	sshll.u32 s1, $0xD;
	s1 =	sshrl.u32 s1, $0x2  }
0xb8: {  	s3 =	sand.u32 $0x4000, s31;
	s1 =	sadd.s32 s1, s30  }
0xb9: {  	s0 =	sor.u32 s3, s0;
	s1 =	sshll.u32 s1, $0x11  }
0xba: {  	s0 =	sor.u32 s1, s0  }
0xbb: {  	s0 =	sadd.s32 $0x8F2B, s0  }
0xbc: {  	[sflag:s0] =	ssyncadd.remote.s32 $0x1  }
0xbd: {  	_ =	sfence.sel $0xFFFF  }
0xbe: {  	[dreg:$0x0] =	wrdreg $0xFFFFFFFF;
	(pc) =	sbr.abs _section_cstart, $3  }
0xbf: {  	[dreg:$0x1] =	wrdreg $0xFFFFFFFF  }
0xc0: {  	_ =	task.clear_ibuf [dreg:s6], $0x2FFFF;
	_ =	strace $0x9FFFFFFF  }
0xc1: {  	(tm) =	ssettm $0x7FFFFFFF  }
tec
execute0_lowered:
.L_overlay_start_1:
0x0: {  	(tag) =	ssettag $0x1  }
0x1: {  	s1 =	srdreg.scid  }
0x2: {  	s0 =	stileid.u32;
	s4 =	rddreg [dreg:$0x0]  }
0x3: {  	s2 =	simm.s32 $0x0;
	s10 =	simm.s32 $0x7;
	s11 =	simm.s32 $0x8  }
0x4: {  	s12 =	simm.s32 $0x9;
	s13 =	simm.s32 $0xA;
	s14 =	simm.s32 $0x0  }
0x5: {  	s5 =	sand.u32 $0x1, s1;
	s3 =	sshll.u32 s0, $0x1;
	s7 =	smul.u32 $0x500000, s0  }
0x6: {  	s1 =	rddreg [dreg:$0x1];
	s3 =	sor.u32 s5, s3;
	s9 =	smul.u32 $0x280000, s5  }
0x7: {  	[smem:$0x7FF] =	sst s2;
	s8 =	ssub.s32 $0x2, s5;
	s6 =	smul.u32 $0xA00, s3  }
0x8: {  	_ =	strace $0x80000059;
	s3 =	sadd.s32 $0xD800, s4;
	s31 =	sshrl.u32 s8, $0x1  }
0x9: {  	s7 =	sadd.s32 s9, s7;
	s9 =	simm.s32 $0x6;
	s30 =	sadd.s32 s6, s4  }
0xa: {  	s4 =	sadd.s32 $0x83A00, s4;
	s6 =	ssub.s32 s8, s31;
	s7 =	sadd.s32 $0xFFFF4000, s7  }
0xb: {  	s8 =	simm.s32 $0xB;
	s5 =	sadd.s32 $0x5BA00, s30;
	s6 =	smax.u32 s6, $0x1  }
.LBB2_1:
0xc: {  	[tilespmem:s2], [sflag:$0xB] =	stream.linear.gather [hbm4b:s5+s2], $0x5000, $0x38;
	[tilespmem:$0x19000] =	vst v63  }
0xd: {  	_ =	swait.ge [sflag:s8], $0x5000  }
0xe: {  	s15 =	smov.u32 s7;
	[sflag:s8] =	ssyncset.done $0x0  }
0xf: {  	s16 =	simm.s32 $0x0;
	s17 =	simm.s32 $0x0;
	[sflag:s8] =	ssyncadd.s32 $0xFFFFB000  }
.LBB2_2:
0x10: {  	p0 =	sgt.u32 s17, $0x9F  }
0x11: {  	p1 =	slt.u32 @!p0 s17, $0x5  }
0x12: {  	p1 =	por p1, p0  }
0x13: {  	s18 =	sadd.s32 @!p1 $0xFFFFFFFB, s17  }
0x14: {  	s19 =	sand.u32 @!p1 $0xFF, s18  }
0x15: {  	s19 =	smul.u32 @!p1 $0xCD, s19;
	_ =	sdelay $0x1  }
0x16: {  	s20 =	smul.u32 @!p0 $0xCD, s17;
	s19 =	sshrl.u32 @!p1 s19, $0xA  }
0x17: {  	s19 =	smul.u32 @!p1 $0x5, s19  }
0x18: {  	s20 =	sshrl.u32 @!p0 s20, $0xA  }
0x19: {  	s18 =	ssub.s32 @!p1 s18, s19;
	s19 =	sand.u32 @!p0 $0x3F, s20  }
0x1a: {  	s18 =	sand.u32 @!p1 $0xFF, s18;
	s19 =	smul.u32 @!p0 $0x5, s19  }
0x1b: {  	s18 =	sadd.s32 @!p1 $0x6, s18  }
0x1c: {  	_ =	swait.ge @!p1 [sflag:s18], $0x4000;
	s19 =	ssub.s32 @!p0 s17, s19  }
0x1d: {  	[sflag:s18] =	ssyncset.done @!p1 $0x0;
	s19 =	sand.u32 @!p0 $0xFF, s19  }
0x1e: {  	s20 =	simm.s32 @!p0 $0x80;
	[sflag:s18] =	ssyncadd.s32 @!p1 $0xFFFFC000;
	s18 =	sshll.u32 @!p0 s19, $0xE  }
0x1f: {  	s19 =	sadd.s32 @!p0 $0x1, s19;
	p1 =	slt.u32 @!p0 s17, $0x3;
	s18 =	sadd.s32 @!p0 $0x5000, s18  }
0x20: {  	[tilespmem:s18], [sflag:s19] =	stream.indirect.gather @!p0 [hbm4b:s3+s20], $0x80, s16, s20, $0xb8;
	[tilespmem:$0x19000] =	vst v63  }
0x21: {  	p0 =	por p0, !p1  }
0x22: {  	s18 =	sadd.s32 @p0 $0xFFFFFFFD, s17  }
0x23: {  	s19 =	sand.u32 @p0 $0xFF, s18  }
0x24: {  	s19 =	smul.u32 @p0 $0xCD, s19;
	_ =	sdelay $0x1  }
0x25: {  	s19 =	sshrl.u32 @p0 s19, $0xA  }
0x26: {  	s19 =	smul.u32 @p0 $0x5, s19;
	_ =	sdelay $0x1  }
0x27: {  	s18 =	ssub.s32 @p0 s18, s19  }
0x28: {  	s18 =	sand.u32 @p0 $0xFF, s18  }
0x29: {  	s19 =	sadd.s32 @p0 $0x1, s18  }
0x2a: {  	_ =	swait.ge @p0 [sflag:s19], $0x4000  }
0x2b: {  	s20 =	sshrl.u32 @p0 s15, $0x3;
	[sflag:s19] =	ssyncset.done @p0 $0x0  }
0x2c: {  	s17 =	sadd.s32 $0x1, s17;
	[sflag:s19] =	ssyncadd.s32 @p0 $0xFFFFC000;
	s19 =	sshll.u32 @p0 s18, $0xE  }
0x2d: {  	s20 =	sadd.s32 @p0 s4, s20;
	s18 =	sadd.s32 @p0 $0x6, s18;
	s19 =	sadd.s32 @p0 $0x5000, s19  }
0x2e: {  	[hbm4b:s20+s2] =	stream.linear.scatter @p0 [tilespmem:s19], [sflag:s18], $0x4000, $0x38;
	[tilespmem:$0x19000] =	vst v63  }
0x2f: {  	p0 =	sne.s32 s17, $0xA3  }
.Ltmp0:
0x30: {  	_ = 	snop;
	(pc) =	sbr.rel @p0 .LBB2_2-.Ltmp0, $2  }
0x31: {  	_ =	sdelay $0x2  }
0x32: {  	s16 =	sadd.s32 $0x80, s16;
	s15 =	sadd.s32 $0x4000, s15  }
0x33: {  	_ =	swait.ge [sflag:s9], $0x4000  }
0x34: {  	[sflag:s9] =	ssyncset.done $0x0  }
0x35: {  	[sflag:s9] =	ssyncadd.s32 $0xFFFFC000  }
0x36: {  	_ =	swait.ge [sflag:s10], $0x4000  }
0x37: {  	[sflag:s10] =	ssyncset.done $0x0  }
0x38: {  	[sflag:s10] =	ssyncadd.s32 $0xFFFFC000  }
0x39: {  	_ =	swait.ge [sflag:s11], $0x4000  }
0x3a: {  	[sflag:s11] =	ssyncset.done $0x0  }
0x3b: {  	s14 =	sadd.s32 $0x1, s14;
	[sflag:s11] =	ssyncadd.s32 $0xFFFFC000  }
0x3c: {  	p0 =	sne.s32 s14, s6;
	_ =	swait.ge [sflag:s12], $0x4000  }
.Ltmp1:
0x3d: {  	[sflag:s12] =	ssyncset.done $0x0;
	(pc) =	sbr.rel @p0 .LBB2_1-.Ltmp1, $4  }
0x3e: {  	[sflag:s12] =	ssyncadd.s32 $0xFFFFC000  }
0x3f: {  	_ =	swait.ge [sflag:s13], $0x4000  }
0x40: {  	[sflag:s13] =	ssyncset.done $0x0  }
0x41: {  	[sflag:s13] =	ssyncadd.s32 $0xFFFFC000  }
0x42: {  	_ =	sfence.sel $0x180000  }
0x43: {  	[bflag:$0x0] =	sbarrier.arrive $0xFFFF  }
0x44: {  	p0 =	sne.s32 s0, $0x0;
	_ =	strace $0x90000059  }
0x45: {  	s0 =	sadd.s32 @!p0 $0x100000, s1;
	[bflag:$0x2] =	sbarrier.arrive $0xFFFF  }
0x46: {  	[sflag:s0] =	ssyncadd.tile.s32 @!p0 $0x1;
	_ =	shalt  }
.Lfunc_end2:
_tile_overlayer_lowered:
.L_overlay_start_2:
0x47: {  	(tag) =	ssettag $0x2  }
0x48: {  	s0 =	rddreg [dreg:$0x0];
	s2 =	stileid.u32  }
0x49: {  	s1 =	rddreg [dreg:$0x1];
	p0 =	sne.s32 s2, $0x0  }
0x4a: {  	s3 =	rddreg [dreg:$0x2];
	[bflag:$0x3] =	sbarrier.arrive $0xFFFF;
	s2 =	simm.s32 @!p0 $0x1C0B  }
0x4b: {  	[timem:s3], [sflag:s2] =	dma.local @!p0 [hbm:s0], s1  }
0x4c: {  	s0 =	simm.s32 @!p0 $0xB  }
0x4d: {  	_ =	swait.ge @!p0 [sflag:s0], s1  }
0x4e: {  	s1 =	ssub.s32 @!p0 $0x0, s1;
	[sflag:s0] =	ssyncset.done @!p0 $0x0  }
0x4f: {  	[sflag:s0] =	ssyncadd.s32 @!p0 s1  }
0x50: {  	[bflag:$0x3] =	sbarrier.arrive $0xFFFF  }
0x51: {  	_ =	shalt  }

// kernel: kernel.42.cloned.1.call-start
scs
__scs_entry_jumppad:
0x0: {  	(pc) =	sbr.rel $0x88, $3  }
0x1: {  	(tag) =	ssettag $0x0;
	lr =	simm.s32 $0x1  }
0x2: {  	[smem:$0x3F42] =	sst lr;
	_ =	strace $0xD0000000  }
0x3: {  	_ = 	snop  }
0x4: {  	_ = 	snop  }
0x5: {  	_ = 	snop  }
0x6: {  	_ = 	snop  }
0x7: {  	_ = 	snop  }
__scs_overlays_trampoline_lowered:
0x8: {  	[smem:$0x3F51] =	sst s0  }
0x9: {  	[smem:$0x3F52] =	sst s1  }
0xa: {  	[smem:$0x3F53] =	sst s2  }
0xb: {  	[smem:$0x3F54] =	sst s3  }
0xc: {  	[smem:$0x3F55] =	sst s4  }
0xd: {  	[smem:$0x3F56] =	sst s5  }
0xe: {  	[smem:$0x3F57] =	sst s6  }
0xf: {  	[smem:$0x3F58] =	sst s7  }
0x10: {  	[smem:$0x3F59] =	sst s8  }
0x11: {  	[smem:$0x3F5A] =	sst s9;
	s0 =	simm.s32 @!p0 $0x0  }
0x12: {  	s1 =	sld [smem:$0x3F40];
	s0 =	simm.s32 @p0 $0x1  }
0x13: {  	[smem:$0x3F5B] =	sst s0;
	s0 =	simm.s32 @!p1 $0x0  }
0x14: {  	s2 =	sld [smem:$0x3F3F];
	s0 =	simm.s32 @p1 $0x1  }
0x15: {  	[smem:$0x3F5C] =	sst s0;
	s0 =	simm.s32 @!p2 $0x0  }
0x16: {  	s3 =	sld [smem:$0x3FDB];
	s0 =	simm.s32 @p2 $0x1  }
0x17: {  	s4 =	simm.s32 $0x1BF5;
	[smem:$0x3F5E] =	sst s0  }
0x18: {  	s0 =	sld [smem:$0x3F41];
	_ =	swait.ge [sflag:s4], $0x0  }
0x19: {  	s7 =	sld [smem:$0x3F42]  }
0x1a: {  	s8 =	sadd.s32 $0xFFFFE003, lr  }
0x1b: {  	s9 =	sadd.s32 $0xFFFFFEF7, lr;
	s5 =	simm.s32 $0xFFFFFFFF;
	p2 =	slt.u32 s8, $0xFFFFF086  }
0x1c: {  	p1 =	slt.u32 s9, $0xF7A;
	s5 =	simm.s32 @!p2 $0x0  }
0x1d: {  	s5 =	simm.s32 @p1 $0x1;
	p0 =	seq.s32 s7, s2  }
0x1e: {  	s7 =	smul.u32 @!p0 $0xF7A, s2;
	p2 =	seq.s32 @!p0 s5, $0x0  }
0x1f: {  	s9 =	smul.u32 $0xF7A, s1;
	s8 =	simm.s32 @!p0 $0x1BF5;
	p2 =	por !p2, p0  }
0x20: {  	[sflag:s8] =	ssyncset.s32 @!p0 $0xFFFFF086;
	s6 =	sadd.s32 @!p0 s3, s7;
	s7 =	simm.s32 @!p0 $0x108  }
0x21: {  	s3 =	sadd.s32 s3, s9;
	s6 =	sadd.s32 @!p0 $0x88, s6;
	s7 =	simm.s32 @p2 $0x1082  }
0x22: {  	[simem:s7], [sflag:s8] =	dma.local @!p0 [hbm:s6], $0xF7A  }
0x23: {  	s9 =	sor.u32 $0xD0000000, s2;
	s6 =	simm.s32 $0x108;
	_ =	swait.ge @!p0 [sflag:s8], $0x0  }
0x24: {  	s3 =	sadd.s32 $0x88, s3;
	s6 =	simm.s32 @!p1 $0x1082;
	[sflag:s4] =	ssyncset.s32 $0xFFFFF086  }
0x25: {  	[simem:s6], [sflag:s4] =	dma.local [hbm:s3], $0xF7A  }
0x26: {  	[smem:$0x3F42] =	sst s1;
	(tag) =	ssettag s2;
	_ =	strace s9  }
0x27: {  	s1 =	sld [smem:$0x3F52]  }
0x28: {  	s2 =	sld [smem:$0x3F53]  }
0x29: {  	s4 =	sld [smem:$0x3F55]  }
0x2a: {  	p0 =	seq.s32 s5, $0x0;
	s5 =	sld [smem:$0x3F56]  }
0x2b: {  	s6 =	sld [smem:$0x3F57]  }
0x2c: {  	s7 =	sld [smem:$0x3F58]  }
0x2d: {  	s3 =	simm.s32 $0x108;
	s8 =	sld [smem:$0x3F59]  }
0x2e: {  	s3 =	simm.s32 @!p0 $0x1082;
	s9 =	sld [smem:$0x3F5A]  }
0x2f: {  	lr =	sadd.s32 s0, s3;
	s0 =	sld [smem:$0x3F51]  }
0x30: {  	s3 =	sld [smem:$0x3F54]  }
0x31: {  	[smem:$0x3F5D] =	sst s10  }
0x32: {  	s10 =	sld [smem:$0x3F5B];
	_ =	sdelay $0x3  }
0x33: {  	p0 =	seq.s32 s10, $0x1;
	s10 =	sld [smem:$0x3F5D];
	_ =	sdelay $0x3  }
0x34: {  	[smem:$0x3F5D] =	sst s10  }
0x35: {  	s10 =	sld [smem:$0x3F5C];
	_ =	sdelay $0x3  }
0x36: {  	p1 =	seq.s32 s10, $0x1;
	s10 =	sld [smem:$0x3F5D];
	_ =	sdelay $0x3  }
0x37: {  	[smem:$0x3F5D] =	sst s10  }
0x38: {  	s10 =	sld [smem:$0x3F5E]  }
0x39: {  	_ = 	snop;
	(pc) =	sbr.ind lr, $3  }
0x3a: {  	_ = 	snop  }
0x3b: {  	_ = 	snop  }
0x3c: {  	p2 =	seq.s32 s10, $0x1;
	s10 =	sld [smem:$0x3F5D]  }
0x3d: {  	_ =	shalt  }
0x3e: {  	_ =	shalt  }
0x3f: {  	_ =	shalt  }
0x40: {  	_ =	shalt  }
0x41: {  	_ =	shalt  }
0x42: {  	_ =	shalt  }
0x43: {  	_ =	shalt  }
0x44: {  	_ =	shalt  }
0x45: {  	_ =	shalt  }
0x46: {  	_ =	shalt  }
0x47: {  	_ =	shalt  }
0x48: {  	_ =	shalt  }
0x49: {  	_ =	shalt  }
0x4a: {  	_ =	shalt  }
0x4b: {  	_ =	shalt  }
0x4c: {  	_ =	shalt  }
0x4d: {  	_ =	shalt  }
0x4e: {  	_ =	shalt  }
0x4f: {  	_ =	shalt  }
0x50: {  	_ =	shalt  }
0x51: {  	_ =	shalt  }
0x52: {  	_ =	shalt  }
0x53: {  	_ =	shalt  }
0x54: {  	_ =	shalt  }
0x55: {  	_ =	shalt  }
0x56: {  	_ =	shalt  }
0x57: {  	_ =	shalt  }
0x58: {  	_ =	shalt  }
0x59: {  	_ =	shalt  }
0x5a: {  	_ =	shalt  }
0x5b: {  	_ =	shalt  }
0x5c: {  	_ =	shalt  }
0x5d: {  	_ =	shalt  }
0x5e: {  	_ =	shalt  }
0x5f: {  	_ =	shalt  }
0x60: {  	_ =	shalt  }
0x61: {  	_ =	shalt  }
0x62: {  	_ =	shalt  }
0x63: {  	_ =	shalt  }
0x64: {  	_ =	shalt  }
0x65: {  	_ =	shalt  }
0x66: {  	_ =	shalt  }
0x67: {  	_ =	shalt  }
0x68: {  	_ =	shalt  }
0x69: {  	_ =	shalt  }
0x6a: {  	_ =	shalt  }
0x6b: {  	_ =	shalt  }
0x6c: {  	_ =	shalt  }
0x6d: {  	_ =	shalt  }
0x6e: {  	_ =	shalt  }
0x6f: {  	_ =	shalt  }
0x70: {  	_ =	shalt  }
0x71: {  	_ =	shalt  }
0x72: {  	_ =	shalt  }
0x73: {  	_ =	shalt  }
0x74: {  	_ =	shalt  }
0x75: {  	_ =	shalt  }
0x76: {  	_ =	shalt  }
0x77: {  	_ =	shalt  }
0x78: {  	_ =	shalt  }
0x79: {  	_ =	shalt  }
0x7a: {  	_ =	shalt  }
0x7b: {  	_ =	shalt  }
0x7c: {  	_ =	shalt  }
0x7d: {  	_ =	shalt  }
0x7e: {  	_ =	shalt  }
0x7f: {  	_ =	shalt  }
0x80: {  	_ =	shalt  }
0x81: {  	_ =	shalt  }
0x82: {  	_ =	shalt  }
0x83: {  	_ =	shalt  }
0x84: {  	_ =	shalt  }
0x85: {  	_ =	shalt  }
0x86: {  	_ =	shalt  }
0x87: {  	_ =	shalt  }
.Lfunc_end0:
.L_simem_size_0:
called_computation.7_lowered:
.L_overlay_start_0:
0x88: {  	s2 =	sld [smem:$0x3FD9]  }
0x89: {  	s3 =	sld [smem:$0x3FFE];
	_ =	sdelay $0x1  }
0x8a: {  	s1 =	srdreg.scid  }
0x8b: {  	s0 =	sand.u32 $0x1, s1  }
0x8c: {  	s16 =	sshll.u32 s0, $0xA;
	s2 =	sadd.s32 s3, s2  }
0x8d: {  	s2 =	sadd.s32 s2, s16  }
0x8e: {  	[smem:$0x3F69] =	sst s2  }
0x8f: {  	_ = 	snop  }
0x90: {  	(tm) =	ssettm $0x1  }
0x91: {  	s17 =	sld [smem:$0x3FFB];
	_ =	sdelay $0x3  }
0x92: {  	_ =	strace s17  }
0x93: {  	s2 =	sld [smem:$0x3FFC];
	_ =	sdelay $0x3  }
0x94: {  	_ =	strace s2  }
0x95: {  	s2 =	sld [smem:$0x3FFD];
	_ =	sdelay $0x3  }
0x96: {  	_ =	strace s2  }
0x97: {  	_ =	strace $0x8FFFFFFF  }
0x98: {  	s18 =	sld [smem:$0x3FDB];
	_ =	sdelay $0x1  }
0x99: {  	s19 =	simm.s32 $_scs_section_size  }
0x9a: {  	s4 =	simm.s32 $_size__tile_overlayer_lowered;
	s5 =	simm.s32 $_tile_overlayer_lowered  }
0x9b: {  	s22 =	simm.s32 $0x1BFF;
	s21 =	sshll.u32 s5, $0x1;
	s2 =	sadd.s32 s19, s18  }
0x9c: {  	s6 =	simm.s32 $0x0;
	s20 =	sshll.u32 s4, $0x1;
	s4 =	sadd.s32 s21, s2  }
0x9d: {  	[timem:s6], [sflag:s22] =	dma.local [hbm:s4], s20  }
0x9e: {  	_ =	swait.ge [sflag:s22], s20  }
0x9f: {  	s3 =	ssub.s32 $0x0, s20;
	[sflag:s22] =	ssyncset.done $0x0  }
0xa0: {  	[sflag:s22] =	ssyncadd.s32 s3;
	_ =	sdelay $0x1  }
0xa1: {  	s23 =	simm.s32 $0x1B8B  }
0xa2: {  	_ =	swait.ge [sflag:s23], $0x1  }
0xa3: {  	[sflag:s23] =	ssyncset.done $0x0  }
0xa4: {  	s25 =	simm.s32 $0x1B8E;
	s24 =	sld [smem:$0x3FFE];
	[sflag:s23] =	ssyncadd.s32 $0xFFFFFFFF  }
0xa5: {  	s26 =	simm.s32 $execute0_lowered;
	[smem:$0x3FD2] =	sst s25  }
0xa6: {  	s4 =	sshll.u32 s26, $0x1;
	_ =	strace $0x8000005B;
	[dreg:$0x1] =	wrdreg $0xFFFFFFFF  }
0xa7: {  	s28 =	simm.s32 $_size_execute0_lowered;
	s2 =	sadd.s32 s2, s4;
	[dreg:$0x0] =	wrdreg $0x0  }
0xa8: {  	s4 =	sshll.u32 s28, $0x1;
	[dreg:$0x2] =	wrdreg s2  }
0xa9: {  	[dreg:$0x3] =	wrdreg s4  }
0xaa: {  	[dreg:$0x4] =	wrdreg $0xC0  }
0xab: {  	_ =	task [dreg:s6], $0x5FFFF  }
0xac: {  	[dreg:$0x1] =	wrdreg $0xFFFFFFFF  }
0xad: {  	[dreg:$0x0] =	wrdreg $0x60  }
0xae: {  	[dreg:$0x2] =	wrdreg s24  }
0xaf: {  	[dreg:$0x3] =	wrdreg $0x91000  }
0xb0: {  	[dreg:$0x4] =	wrdreg $0x9  }
0xb1: {  	_ =	task.clear_ibuf [dreg:s6], $0x5FFFF;
	_ =	strace $0x9000005B  }
0xb2: {  	s29 =	simm.s32 $0x9;
	_ =	strace $0x8000005D  }
0xb3: {  	_ =	swait.ge [sflag:s29], $0x1  }
0xb4: {  	[sflag:s29] =	ssyncadd.s32 $0xFFFFFFFF  }
0xb5: {  	_ =	strace $0x9000005D  }
0xb6: {  	_ =	sfence  }
0xb7: {  	s30 =	sld [smem:$0x0];
	_ =	sdelay $0x2  }
0xb8: {  	s31 =	sshll.u32 s1, $0xD;
	s1 =	sshrl.u32 s1, $0x2  }
0xb9: {  	s3 =	sand.u32 $0x4000, s31;
	s1 =	sadd.s32 s1, s30  }
0xba: {  	s0 =	sor.u32 s3, s0;
	s1 =	sshll.u32 s1, $0x11  }
0xbb: {  	s0 =	sor.u32 s1, s0  }
0xbc: {  	s0 =	sadd.s32 $0x8F2B, s0  }
0xbd: {  	[sflag:s0] =	ssyncadd.remote.s32 $0x1  }
0xbe: {  	_ =	sfence.sel $0xFFFF  }
0xbf: {  	[dreg:$0x0] =	wrdreg $0xFFFFFFFF;
	(pc) =	sbr.abs _section_cstart, $3  }
0xc0: {  	[dreg:$0x1] =	wrdreg $0xFFFFFFFF  }
0xc1: {  	_ =	task.clear_ibuf [dreg:s6], $0x2FFFF;
	_ =	strace $0x9FFFFFFF  }
0xc2: {  	(tm) =	ssettm $0x7FFFFFFF  }
0xc3: {  	_ =	shalt  }
tec
execute0_lowered:
.L_overlay_start_1:
0x0: {  	(tag) =	ssettag $0x1  }
0x1: {  	s0 =	rddreg [dreg:$0x0]  }
0x2: {  	s1 =	srdreg.scid;
	s9 =	stileid.u32  }
0x3: {  	s2 =	rddreg [dreg:$0x1];
	s5 =	smul.u32 $0x14000, s9  }
0x4: {  	s3 =	simm.s32 $0x0;
	s1 =	sand.u32 $0x1, s1;
	s7 =	smul.u32 $0x50000, s9  }
0x5: {  	[smem:$0x7FF] =	sst s3;
	s8 =	sadd.s32 $0x15C3A00, s0;
	s4 =	smul.u32 $0x140000, s1  }
0x6: {  	s9 =	smul.u32 $0x5000, s9;
	_ =	strace $0x8000005C;
	s23 =	ssub.s32 $0x2, s1  }
0x7: {  	s22 =	smul.u32 $0x50000, s1;
	s10 =	sshrl.u32 s23, $0x1;
	s4 =	sadd.s32 s5, s4  }
0x8: {  	s11 =	sshrl.u32 s7, $0x2;
	s24 =	ssub.s32 s23, s10;
	s6 =	sshrl.u32 s4, $0x3  }
0x9: {  	s4 =	sadd.s32 $0x6FA00, s0;
	s26 =	smax.u32 s24, $0x1;
	s0 =	sadd.s32 s6, s0  }
0xa: {  	s6 =	sadd.s32 s11, s2;
	[dreg:$0x4] =	wrdreg s26;
	s0 =	sadd.s32 $0x83A00, s0  }
0xb: {  	s5 =	sadd.s32 s9, s22;
	s9 =	sadd.s32 $0x1000, s6;
	[dreg:$0x3] =	wrdreg s0  }
0xc: {  	s11 =	sadd.s32 $0x2000, s6;
	[dreg:$0x5] =	wrdreg s9  }
0xd: {  	s12 =	sadd.s32 $0x3000, s6;
	[dreg:$0x6] =	wrdreg s11  }
0xe: {  	s13 =	sadd.s32 $0x4000, s6;
	[dreg:$0x7] =	wrdreg s12  }
0xf: {  	s14 =	sadd.s32 $0x5000, s6;
	[dreg:$0x8] =	wrdreg s13  }
0x10: {  	s15 =	sadd.s32 $0x6000, s6;
	[dreg:$0x9] =	wrdreg s14  }
0x11: {  	s18 =	smul.u32 $0x500000, s1;
	s16 =	sadd.s32 $0x7000, s6;
	[dreg:$0xa] =	wrdreg s15  }
0x12: {  	s25 =	sshll.u32 s5, $0x4;
	s17 =	sadd.s32 $0x8000, s6;
	[dreg:$0xb] =	wrdreg s16  }
0x13: {  	s10 =	sadd.s32 s8, s25;
	s19 =	sadd.s32 $0x9000, s6;
	[dreg:$0xc] =	wrdreg s17  }
0x14: {  	s25 =	sshrl.u32 s5, $0x3;
	s20 =	sadd.s32 $0xA000, s6;
	[dreg:$0xd] =	wrdreg s19  }
0x15: {  	s21 =	sadd.s32 $0xB000, s6;
	s22 =	sadd.s32 $0xC000, s6;
	[dreg:$0xe] =	wrdreg s20  }
0x16: {  	s23 =	sadd.s32 $0xD000, s6;
	s24 =	sadd.s32 $0xE000, s6;
	[dreg:$0xf] =	wrdreg s21  }
0x17: {  	s26 =	sadd.s32 $0xF000, s6;
	s28 =	sadd.s32 $0x10000, s6;
	[dreg:$0x10] =	wrdreg s22  }
0x18: {  	s29 =	sadd.s32 $0x11000, s6;
	s30 =	sadd.s32 $0x12000, s6;
	[dreg:$0x11] =	wrdreg s23  }
0x19: {  	s31 =	sadd.s32 $0x13000, s6;
	s1 =	sadd.s32 $0x800, s10;
	[dreg:$0x12] =	wrdreg s24  }
0x1a: {  	s0 =	sadd.s32 s18, s8;
	s24 =	sadd.s32 s4, s25;
	[dreg:$0x13] =	wrdreg s26  }
0x1b: {  	s26 =	smov.u32 s10;
	s8 =	simm.s32 $0x8100;
	s9 =	simm.s32 $0x7  }
0x1c: {  	s10 =	simm.s32 $0x80;
	s11 =	simm.s32 $0x1;
	s12 =	simm.s32 $0x3  }
0x1d: {  	s13 =	simm.s32 $0x5;
	s14 =	simm.s32 $0x6;
	s0 =	sadd.s32 s7, s0  }
0x1e: {  	v0 =	vimm.f32 $0.0e+00;
	s15 =	simm.s32 $0x0;
	s25 =	sadd.s32 $0x1000, s0;
	s0 =	sadd.s32 $0x10, s24  }
.LBB2_1:
0x1f: {  	s7 =	sand.u32 $0x3E00, s3  }
0x20: {  	s16 =	sand.u32 $0x70, s3;
	s17 =	sshrl.u32 s7, $0x2  }
0x21: {  	s7 =	simm.s32 $0x40;
	s17 =	sor.u32 s16, s17;
	s16 =	simm.s32 $0x0  }
.LBB2_2:
0x22: {  	p0 =	sne.s32 s7, $0x3FC0  }
0x23: {  	[tilespmem:s17+$0x8100] =	vst v0;
	s16 =	sadd.s32 $0x10, s16;
	s17 =	smov.u32 s7;
	s7 =	sadd.s32 $0x40, s7  }
.Ltmp0:
0x24: {  	(pc) =	sbr.rel @p0 .LBB2_2-.Ltmp0, $4  }
0x25: {  	_ = 	snop  }
0x26: {  	s17 =	sand.u32 $0x3E00, s17  }
0x27: {  	s18 =	sand.u32 $0x70, s16;
	s17 =	sshrl.u32 s17, $0x2  }
0x28: {  	s17 =	sor.u32 s18, s17  }
0x29: {  	[tilespmem:s17+$0x8100] =	vst v0  }
0x2a: {  	[spmem:s6] =	stream.linear.scatter [tilespmem:s8], [sflag:$0x7], $0x1000, $0x38;
	[tilespmem:$0x1D100] =	vst v63  }
0x2b: {  	_ =	swait.ge [sflag:s9], $0x1000  }
0x2c: {  	[sflag:s9] =	ssyncset.done $0x0  }
0x2d: {  	s7 =	rddreg [dreg:$0x5];
	[sflag:s9] =	ssyncadd.s32 $0xFFFFF000  }
0x2e: {  	[spmem:s7] =	stream.linear.scatter [tilespmem:s8], [sflag:$0x7], $0x1000, $0x38;
	[tilespmem:$0x1D100] =	vst v63  }
0x2f: {  	_ =	swait.ge [sflag:s9], $0x1000  }
0x30: {  	[sflag:s9] =	ssyncset.done $0x0  }
0x31: {  	s22 =	rddreg [dreg:$0x6];
	[sflag:s9] =	ssyncadd.s32 $0xFFFFF000  }
0x32: {  	[spmem:s22] =	stream.linear.scatter [tilespmem:s8], [sflag:$0x7], $0x1000, $0x38;
	[tilespmem:$0x1D100] =	vst v63  }
0x33: {  	_ =	swait.ge [sflag:s9], $0x1000  }
0x34: {  	[sflag:s9] =	ssyncset.done $0x0  }
0x35: {  	s23 =	rddreg [dreg:$0x7];
	[sflag:s9] =	ssyncadd.s32 $0xFFFFF000  }
0x36: {  	[spmem:s23] =	stream.linear.scatter [tilespmem:s8], [sflag:$0x7], $0x1000, $0x38;
	[tilespmem:$0x1D100] =	vst v63  }
0x37: {  	_ =	swait.ge [sflag:s9], $0x1000  }
0x38: {  	[sflag:s9] =	ssyncset.done $0x0  }
0x39: {  	s16 =	rddreg [dreg:$0x8];
	[sflag:s9] =	ssyncadd.s32 $0xFFFFF000  }
0x3a: {  	[spmem:s16] =	stream.linear.scatter [tilespmem:s8], [sflag:$0x7], $0x1000, $0x38;
	[tilespmem:$0x1D100] =	vst v63  }
0x3b: {  	_ =	swait.ge [sflag:s9], $0x1000  }
0x3c: {  	[sflag:s9] =	ssyncset.done $0x0  }
0x3d: {  	s17 =	rddreg [dreg:$0x9];
	[sflag:s9] =	ssyncadd.s32 $0xFFFFF000  }
0x3e: {  	[spmem:s17] =	stream.linear.scatter [tilespmem:s8], [sflag:$0x7], $0x1000, $0x38;
	[tilespmem:$0x1D100] =	vst v63  }
0x3f: {  	_ =	swait.ge [sflag:s9], $0x1000  }
0x40: {  	[sflag:s9] =	ssyncset.done $0x0  }
0x41: {  	s18 =	rddreg [dreg:$0xa];
	[sflag:s9] =	ssyncadd.s32 $0xFFFFF000  }
0x42: {  	[spmem:s18] =	stream.linear.scatter [tilespmem:s8], [sflag:$0x7], $0x1000, $0x38;
	[tilespmem:$0x1D100] =	vst v63  }
0x43: {  	_ =	swait.ge [sflag:s9], $0x1000  }
0x44: {  	[sflag:s9] =	ssyncset.done $0x0  }
0x45: {  	s19 =	rddreg [dreg:$0xb];
	[sflag:s9] =	ssyncadd.s32 $0xFFFFF000  }
0x46: {  	[spmem:s19] =	stream.linear.scatter [tilespmem:s8], [sflag:$0x7], $0x1000, $0x38;
	[tilespmem:$0x1D100] =	vst v63  }
0x47: {  	_ =	swait.ge [sflag:s9], $0x1000  }
0x48: {  	[sflag:s9] =	ssyncset.done $0x0  }
0x49: {  	s20 =	rddreg [dreg:$0xc];
	[sflag:s9] =	ssyncadd.s32 $0xFFFFF000  }
0x4a: {  	[spmem:s20] =	stream.linear.scatter [tilespmem:s8], [sflag:$0x7], $0x1000, $0x38;
	[tilespmem:$0x1D100] =	vst v63  }
0x4b: {  	_ =	swait.ge [sflag:s9], $0x1000  }
0x4c: {  	[sflag:s9] =	ssyncset.done $0x0  }
0x4d: {  	s21 =	rddreg [dreg:$0xd];
	[sflag:s9] =	ssyncadd.s32 $0xFFFFF000  }
0x4e: {  	[spmem:s21] =	stream.linear.scatter [tilespmem:s8], [sflag:$0x7], $0x1000, $0x38;
	[tilespmem:$0x1D100] =	vst v63  }
0x4f: {  	_ =	swait.ge [sflag:s9], $0x1000  }
0x50: {  	[sflag:s9] =	ssyncset.done $0x0  }
0x51: {  	s22 =	rddreg [dreg:$0xe];
	[sflag:s9] =	ssyncadd.s32 $0xFFFFF000  }
0x52: {  	[spmem:s22] =	stream.linear.scatter [tilespmem:s8], [sflag:$0x7], $0x1000, $0x38;
	[tilespmem:$0x1D100] =	vst v63  }
0x53: {  	_ =	swait.ge [sflag:s9], $0x1000  }
0x54: {  	[sflag:s9] =	ssyncset.done $0x0  }
0x55: {  	s23 =	rddreg [dreg:$0xf];
	[sflag:s9] =	ssyncadd.s32 $0xFFFFF000  }
0x56: {  	[spmem:s23] =	stream.linear.scatter [tilespmem:s8], [sflag:$0x7], $0x1000, $0x38;
	[tilespmem:$0x1D100] =	vst v63  }
0x57: {  	_ =	swait.ge [sflag:s9], $0x1000  }
0x58: {  	[sflag:s9] =	ssyncset.done $0x0  }
0x59: {  	s16 =	rddreg [dreg:$0x10];
	[sflag:s9] =	ssyncadd.s32 $0xFFFFF000  }
0x5a: {  	[spmem:s16] =	stream.linear.scatter [tilespmem:s8], [sflag:$0x7], $0x1000, $0x38;
	[tilespmem:$0x1D100] =	vst v63  }
0x5b: {  	_ =	swait.ge [sflag:s9], $0x1000  }
0x5c: {  	[sflag:s9] =	ssyncset.done $0x0  }
0x5d: {  	s17 =	rddreg [dreg:$0x11];
	[sflag:s9] =	ssyncadd.s32 $0xFFFFF000  }
0x5e: {  	[spmem:s17] =	stream.linear.scatter [tilespmem:s8], [sflag:$0x7], $0x1000, $0x38;
	[tilespmem:$0x1D100] =	vst v63  }
0x5f: {  	_ =	swait.ge [sflag:s9], $0x1000  }
0x60: {  	[sflag:s9] =	ssyncset.done $0x0  }
0x61: {  	s18 =	rddreg [dreg:$0x12];
	[sflag:s9] =	ssyncadd.s32 $0xFFFFF000  }
0x62: {  	[spmem:s18] =	stream.linear.scatter [tilespmem:s8], [sflag:$0x7], $0x1000, $0x38;
	[tilespmem:$0x1D100] =	vst v63  }
0x63: {  	_ =	swait.ge [sflag:s9], $0x1000  }
0x64: {  	[sflag:s9] =	ssyncset.done $0x0  }
0x65: {  	s19 =	rddreg [dreg:$0x13];
	[sflag:s9] =	ssyncadd.s32 $0xFFFFF000  }
0x66: {  	[spmem:s19] =	stream.linear.scatter [tilespmem:s8], [sflag:$0x7], $0x1000, $0x38;
	[tilespmem:$0x1D100] =	vst v63  }
0x67: {  	_ =	swait.ge [sflag:s9], $0x1000  }
0x68: {  	[sflag:s9] =	ssyncset.done $0x0  }
0x69: {  	[sflag:s9] =	ssyncadd.s32 $0xFFFFF000  }
0x6a: {  	[spmem:s28] =	stream.linear.scatter [tilespmem:s8], [sflag:$0x7], $0x1000, $0x38;
	[tilespmem:$0x1D100] =	vst v63  }
0x6b: {  	_ =	swait.ge [sflag:s9], $0x1000  }
0x6c: {  	[sflag:s9] =	ssyncset.done $0x0  }
0x6d: {  	[sflag:s9] =	ssyncadd.s32 $0xFFFFF000  }
0x6e: {  	[spmem:s29] =	stream.linear.scatter [tilespmem:s8], [sflag:$0x7], $0x1000, $0x38;
	[tilespmem:$0x1D100] =	vst v63  }
0x6f: {  	_ =	swait.ge [sflag:s9], $0x1000  }
0x70: {  	[sflag:s9] =	ssyncset.done $0x0  }
0x71: {  	[sflag:s9] =	ssyncadd.s32 $0xFFFFF000  }
0x72: {  	[spmem:s30] =	stream.linear.scatter [tilespmem:s8], [sflag:$0x7], $0x1000, $0x38;
	[tilespmem:$0x1D100] =	vst v63  }
0x73: {  	_ =	swait.ge [sflag:s9], $0x1000  }
0x74: {  	[sflag:s9] =	ssyncset.done $0x0  }
0x75: {  	[sflag:s9] =	ssyncadd.s32 $0xFFFFF000  }
0x76: {  	[spmem:s31] =	stream.linear.scatter [tilespmem:s8], [sflag:$0x7], $0x1000, $0x38;
	[tilespmem:$0x1D100] =	vst v63  }
0x77: {  	_ =	swait.ge [sflag:s9], $0x1000  }
0x78: {  	[sflag:s9] =	ssyncset.done $0x0  }
0x79: {  	[sflag:s9] =	ssyncadd.s32 $0xFFFFF000  }
0x7a: {  	[bflag:$0x0] =	sbarrier.arrive $0xFFFF  }
0x7b: {  	[tilespmem:s3], [sflag:$0x1] =	stream.linear.gather [hbm4b:s24+s3], $0x80, $0x38;
	[tilespmem:$0x1D100] =	vst v63  }
0x7c: {  	s7 =	simm.s32 $0x100  }
0x7d: {  	[tilespmem:s7], [sflag:$0x3] =	stream.linear.gather [hbm4b:s26+s3], $0x4000, $0x38;
	[tilespmem:$0x1D100] =	vst v63  }
0x7e: {  	_ = 	snop  }
0x7f: {  	[tilespmem:s10], [sflag:$0x2] =	stream.linear.gather [hbm4b:s0+s3], $0x80, $0x38;
	[tilespmem:$0x1D100] =	vst v63  }
0x80: {  	s16 =	simm.s32 $0x4100  }
0x81: {  	[tilespmem:s16], [sflag:$0x4] =	stream.linear.gather [hbm4b:s1+s3], $0x4000, $0x38;
	[tilespmem:$0x1D100] =	vst v63  }
0x82: {  	_ =	swait.ge [sflag:s11], $0x80  }
0x83: {  	p0 =	por $0x0, $0x0;
	[sflag:s11] =	ssyncset.done $0x0  }
0x84: {  	s17 =	sand.u32 @!p0 $0x7C00, s7;
	[sflag:s11] =	ssyncadd.s32 $0xFFFFFF80  }
0x85: {  	s17 =	sadd.s32 @!p0 s5, s17;
	s16 =	simm.s32 $0x2;
	_ =	swait.ge [sflag:s12], $0x4000  }
0x86: {  	s18 =	sand.u32 @!p0 $0x380, s7;
	s16 =	sand.u32 @!p0 $0x1, s16;
	[sflag:s12] =	ssyncset.done $0x0  }
0x87: {  	s17 =	sor.u32 @!p0 s18, s17;
	s19 =	sadd.s32 @!p0 $0x5, s16;
	[sflag:s12] =	ssyncadd.s32 $0xFFFFC000  }
0x88: {  	[spmem:s2] =	stream.indirect.scatter.add.f32 [tilespmem:s7], [sflag:$0x5], $0x80, s3, s10, $0xb8;
	[tilespmem:$0x1D100] =	vst v63  }
0x89: {  	s17 =	sshrl.u32 @!p0 s17, $0x3;
	_ =	swait.ge @!p0 [sflag:s19], $0x4000  }
0x8a: {  	s20 =	simm.s32 @!p0 $0x0;
	s17 =	sadd.s32 @!p0 s4, s17;
	[sflag:s19] =	ssyncset.done @!p0 $0x0  }
0x8b: {  	s18 =	sadd.s32 @!p0 $0x1, s16;
	[sflag:s19] =	ssyncadd.s32 @!p0 $0xFFFFC000;
	s19 =	sshll.u32 @!p0 s16, $0x7  }
0x8c: {  	[tilespmem:s19], [sflag:s18] =	stream.linear.gather @!p0 [hbm4b:s17+s20], $0x80, $0x38;
	[tilespmem:$0x1D100] =	vst v63  }
0x8d: {  	s22 =	sxor.u32 @!p0 $0x1, s16;
	s17 =	sshll.u32 @!p0 s16, $0xE  }
0x8e: {  	s22 =	simm.s32 @p0 $0x1;
	s16 =	sadd.s32 @!p0 $0x3, s16;
	s17 =	sor.u32 @!p0 $0x100, s17  }
0x8f: {  	[tilespmem:s17], [sflag:s16] =	stream.linear.gather @!p0 [hbm4b:s25+s20], $0x4000, $0x38;
	[tilespmem:$0x1D100] =	vst v63  }
0x90: {  	s20 =	sadd.s32 $0x1, s22  }
0x91: {  	s23 =	sshll.u32 s22, $0xE;
	_ =	swait.ge [sflag:s20], $0x80  }
0x92: {  	s21 =	sadd.s32 $0x3, s22;
	s18 =	sshll.u32 s22, $0x7;
	[sflag:s20] =	ssyncset.done $0x0  }
0x93: {  	s19 =	sor.u32 $0x100, s23;
	s16 =	simm.s32 $0x3;
	[sflag:s20] =	ssyncadd.s32 $0xFFFFFF80  }
0x94: {  	s17 =	sadd.s32 $0x800, s25;
	s20 =	sadd.s32 $0x5, s22;
	_ =	swait.ge [sflag:s21], $0x4000  }
.LBB2_4:
0x95: {  	[sflag:s21] =	ssyncset.done $0x0  }
0x96: {  	s7 =	sadd.s32 $0x80, s7;
	s22 =	smov.u32 s16;
	s16 =	sadd.s32 $0x1, s16  }
0x97: {  	p1 =	seq.s32 s22, $0xA0;
	p0 =	sne.s32 s16, $0xA1;
	[sflag:s21] =	ssyncadd.s32 $0xFFFFC000  }
0x98: {  	[spmem:s2] =	stream.indirect.scatter.add.f32 [tilespmem:s19], [sflag:s20], $0x80, s18, s10, $0xb8;
	[tilespmem:$0x1D100] =	vst v63  }
0x99: {  	s18 =	sand.u32 @!p1 $0x1, s22;
	s19 =	sand.u32 @!p1 $0x7C00, s7;
	s20 =	sand.u32 @!p1 $0x380, s7  }
0x9a: {  	s22 =	simm.s32 @!p1 $0x0;
	s21 =	sadd.s32 @!p1 $0x5, s18;
	s19 =	sadd.s32 @!p1 s5, s19  }
0x9b: {  	s19 =	sor.u32 @!p1 s20, s19;
	s20 =	sshll.u32 @!p1 s18, $0xE;
	_ =	swait.ge @!p1 [sflag:s21], $0x4000  }
0x9c: {  	s23 =	sadd.s32 @!p1 $0x1, s18;
	s19 =	sshrl.u32 @!p1 s19, $0x3;
	[sflag:s21] =	ssyncset.done @!p1 $0x0  }
0x9d: {  	s19 =	sadd.s32 @!p1 s4, s19;
	[sflag:s21] =	ssyncadd.s32 @!p1 $0xFFFFC000;
	s21 =	sshll.u32 @!p1 s18, $0x7  }
0x9e: {  	[tilespmem:s21], [sflag:s23] =	stream.linear.gather @!p1 [hbm4b:s19+s22], $0x80, $0x38;
	[tilespmem:$0x1D100] =	vst v63  }
0x9f: {  	s21 =	sxor.u32 @!p1 $0x1, s18  }
0xa0: {  	s19 =	sor.u32 @!p1 $0x100, s20;
	s20 =	sadd.s32 @!p1 $0x3, s18;
	s21 =	simm.s32 @p1 $0x1  }
0xa1: {  	s18 =	sshll.u32 s21, $0x7  }
0xa2: {  	[tilespmem:s19], [sflag:s20] =	stream.linear.gather @!p1 [hbm4b:s17+s22], $0x4000, $0x38;
	[tilespmem:$0x1D100] =	vst v63  }
.Ltmp1:
0xa3: {  	s22 =	sadd.s32 $0x1, s21;
	s19 =	sshll.u32 s21, $0xE;
	(pc) =	sbr.rel @p0 .LBB2_4-.Ltmp1, $4  }
0xa4: {  	s20 =	sadd.s32 $0x5, s21;
	s19 =	sor.u32 $0x100, s19;
	_ =	swait.ge [sflag:s22], $0x80  }
0xa5: {  	s21 =	sadd.s32 $0x3, s21;
	[sflag:s22] =	ssyncset.done $0x0  }
0xa6: {  	[sflag:s22] =	ssyncadd.s32 $0xFFFFFF80  }
0xa7: {  	s17 =	sadd.s32 $0x800, s17;
	_ =	swait.ge [sflag:s21], $0x4000  }
0xa8: {  	[sflag:s21] =	ssyncset.done $0x0  }
0xa9: {  	[sflag:s21] =	ssyncadd.s32 $0xFFFFC000  }
0xaa: {  	[spmem:s2] =	stream.indirect.scatter.add.f32 [tilespmem:s19], [sflag:s20], $0x80, s18, s10, $0xb8;
	[tilespmem:$0x1D100] =	vst v63  }
0xab: {  	_ =	swait.ge [sflag:s13], $0x4000  }
0xac: {  	[sflag:s13] =	ssyncset.done $0x0  }
0xad: {  	[sflag:s13] =	ssyncadd.s32 $0xFFFFC000  }
0xae: {  	_ =	swait.ge [sflag:s14], $0x4000  }
0xaf: {  	[sflag:s14] =	ssyncset.done $0x0  }
0xb0: {  	s7 =	stileid.u32;
	[sflag:s14] =	ssyncadd.s32 $0xFFFFC000  }
0xb1: {  	s7 =	sshll.u32 s7, $0x6;
	[bflag:$0x0] =	sbarrier.arrive $0xFFFF  }
0xb2: {  	s16 =	sshrl.u32 s6, $0x3;
	s7 =	sor.u32 $0x1C07, s7;
	s17 =	rddreg [dreg:$0x3]  }
0xb3: {  	[hbm:s17], [sflag:s7] =	dma.local [spmem:s16], $0x2800  }
0xb4: {  	_ =	swait.ge [sflag:s9], $0x2800  }
0xb5: {  	s15 =	sadd.s32 $0x1, s15;
	s23 =	rddreg [dreg:$0x4]  }
0xb6: {  	p0 =	sne.s32 s15, s23  }
.Ltmp2:
0xb7: {  	_ = 	snop;
	(pc) =	sbr.rel @p0 .LBB2_1-.Ltmp2, $3  }
0xb8: {  	_ =	sdelay $0x1  }
0xb9: {  	[sflag:s9] =	ssyncset.done $0x0  }
0xba: {  	[sflag:s9] =	ssyncadd.s32 $0xFFFFD800  }
0xbb: {  	_ =	sfence.sel $0x180000  }
0xbc: {  	[bflag:$0x0] =	sbarrier.arrive $0xFFFF  }
0xbd: {  	_ =	strace $0x9000005C  }
0xbe: {  	s0 =	stileid.u32;
	[bflag:$0x2] =	sbarrier.arrive $0xFFFF  }
0xbf: {  	p0 =	sne.s32 s0, $0x0;
	s0 =	rddreg [dreg:$0x2]  }
0xc0: {  	s0 =	sadd.s32 @!p0 $0x100000, s0  }
0xc1: {  	[sflag:s0] =	ssyncadd.tile.s32 @!p0 $0x1;
	_ =	shalt  }
.Lfunc_end2:
_tile_overlayer_lowered:
.L_overlay_start_2:
0xc2: {  	(tag) =	ssettag $0x2  }
0xc3: {  	s0 =	rddreg [dreg:$0x0];
	s2 =	stileid.u32  }
0xc4: {  	s1 =	rddreg [dreg:$0x1];
	p0 =	sne.s32 s2, $0x0  }
0xc5: {  	s3 =	rddreg [dreg:$0x2];
	[bflag:$0x3] =	sbarrier.arrive $0xFFFF;
	s2 =	simm.s32 @!p0 $0x1C07  }
0xc6: {  	[timem:s3], [sflag:s2] =	dma.local @!p0 [hbm:s0], s1  }
0xc7: {  	s0 =	simm.s32 @!p0 $0x7  }
0xc8: {  	_ =	swait.ge @!p0 [sflag:s0], s1  }
0xc9: {  	s1 =	ssub.s32 @!p0 $0x0, s1;
	[sflag:s0] =	ssyncset.done @!p0 $0x0  }
0xca: {  	[sflag:s0] =	ssyncadd.s32 @!p0 s1  }
0xcb: {  	[bflag:$0x3] =	sbarrier.arrive $0xFFFF  }
0xcc: {  	_ =	shalt  }

</sc_bundles>
